<compile_context>
chip_gen: v7x
topology: tpu7x:2x2x1
jax: 0.10.2.dev20260603
libtpu: 0.0.44.dev20260713+nightly
codegen_flags: <defaults>
</compile_context>

<pallas_src>
import functools

import jax
import jax.numpy as jnp
from jax import lax
from jax.experimental import pallas as pl
from jax.experimental.pallas import tpu as pltpu
from jax.experimental.pallas import tpu_sc as plsc

NNODE = 10000
DMODEL = 128
NCORE = 2
NSUB = 16
NTILE = NCORE * NSUB
CHUNK = 128
BLK = 16
NPAD = 10112
RPT = NPAD // NSUB
_mesh = plsc.VectorSubcoreMesh(core_axis_name="c", subcore_axis_name="s")


DEGW = 128


def _deg_kernel(nch):
    assert nch % BLK == 0

    @functools.partial(
        pl.kernel,
        out_type=jax.ShapeDtypeStruct((NCORE, NPAD, DEGW), jnp.float32),
        mesh=_mesh,
        scratch_types=[
            pltpu.VMEM((BLK, CHUNK), jnp.int32),
            pltpu.VMEM((CHUNK, DEGW), jnp.float32),
            pltpu.VMEM_SHARED((NPAD, DEGW), jnp.float32),
            pltpu.SemaphoreType.DMA,
        ],
    )
    def k(dst_hbm, ones_hbm, zeros_hbm, out_hbm, dstb, onesv, acc, sem):
        c = lax.axis_index("c")
        s = lax.axis_index("s")
        wid = c * NSUB + s
        r0 = s * RPT
        pltpu.sync_copy(zeros_hbm.at[pl.ds(r0, RPT)], acc.at[pl.ds(r0, RPT)])
        pltpu.sync_copy(ones_hbm, onesv)
        plsc.subcore_barrier()
        ch0 = wid * nch

        def blk_body(bi, carry):
            cb = pl.multiple_of(ch0 + bi * BLK, BLK)
            pltpu.sync_copy(dst_hbm.at[pl.ds(cb, BLK)], dstb)
            handles = [
                pltpu.async_copy(onesv, acc.at[dstb.at[j]], sem, add=True)
                for j in range(BLK)
            ]
            for h in handles:
                h.wait()
            return carry

        lax.fori_loop(0, nch // BLK, blk_body, 0)
        plsc.subcore_barrier()
        pltpu.sync_copy(acc.at[pl.ds(r0, RPT)], out_hbm.at[c, pl.ds(r0, RPT)])

    return k


def _tc_red(degp_ref, h_ref, dis_ref, g1_ref):
    deg = degp_ref[0, 0:NNODE, 0:1] + degp_ref[1, 0:NNODE, 0:1] + 1.0
    dis = lax.rsqrt(deg)
    dis_ref[...] = dis
    g1_ref[...] = dis * h_ref[...]


def _agg_kernel2(nch_a, nch_b):
    assert nch_a % BLK == 0 and nch_b % BLK == 0

    @functools.partial(
        pl.kernel,
        out_type=jax.ShapeDtypeStruct((NCORE, NPAD, DMODEL), jnp.float32),
        mesh=_mesh,
        scratch_types=[
            pltpu.VMEM((BLK, CHUNK), jnp.int32),
            pltpu.VMEM((BLK, CHUNK), jnp.int32),
            pltpu.VMEM((CHUNK, DMODEL), jnp.float32),
            pltpu.VMEM((CHUNK, DMODEL), jnp.float32),
            pltpu.VMEM_SHARED((NPAD, DMODEL), jnp.float32),
            pltpu.SemaphoreType.DMA,
            pltpu.SemaphoreType.DMA,
        ],
    )
    def k(g_hbm, src_hbm, dst_hbm, zeros_hbm, out_hbm,
          srcb, dstb, rows0, rows1, acc, sem0, sem1):
        c = lax.axis_index("c")
        s = lax.axis_index("s")
        wid = c * NSUB + s
        r0 = s * RPT
        pltpu.sync_copy(zeros_hbm.at[pl.ds(r0, RPT)], acc.at[pl.ds(r0, RPT)])
        plsc.subcore_barrier()
        ch0 = jnp.where(c == 0, s * nch_a, NSUB * nch_a + s * nch_b)
        n_my = jnp.where(c == 0, nch_a, nch_b)
        rows = (rows0, rows1)
        sems = (sem0, sem1)

        def blk_body(bi, carry):
            cb = pl.multiple_of(ch0 + bi * BLK, BLK)
            pltpu.sync_copy(src_hbm.at[pl.ds(cb, BLK)], srcb)
            pltpu.sync_copy(dst_hbm.at[pl.ds(cb, BLK)], dstb)
            handles = [None] * BLK
            handles[0] = pltpu.async_copy(g_hbm.at[srcb.at[0]], rows[0], sems[0])
            for j in range(BLK):
                b = j % 2
                if j + 1 < BLK:
                    handles[j + 1] = pltpu.async_copy(
                        g_hbm.at[srcb.at[j + 1]], rows[1 - b], sems[1 - b])
                handles[j].wait()
                pltpu.sync_copy(rows[b], acc.at[dstb.at[j]], add=True)
            return carry

        lax.fori_loop(0, n_my // BLK, blk_body, 0)
        plsc.subcore_barrier()
        pltpu.sync_copy(acc.at[pl.ds(r0, RPT)], out_hbm.at[c, pl.ds(r0, RPT)])

    return k


def _tc_mm(x_ref, w1_ref, h_ref):
    h_ref[...] = jnp.dot(x_ref[...], w1_ref[...],
                         preferred_element_type=jnp.float32)


def _tc_b(p_ref, g_ref, dis_ref, b1_ref, w2_ref, g2_ref):
    s = p_ref[0, 0:NNODE, :] + p_ref[1, 0:NNODE, :]
    dis = dis_ref[...]
    z = jnp.maximum(dis * (s + g_ref[...]) + b1_ref[...], 0.0)
    h2 = jnp.dot(z, w2_ref[...], preferred_element_type=jnp.float32)
    g2_ref[...] = dis * h2


def _tc_c(p_ref, g_ref, dis_ref, b2_ref, out_ref):
    s = p_ref[0, 0:NNODE, :] + p_ref[1, 0:NNODE, :]
    out_ref[...] = dis_ref[...] * (s + g_ref[...]) + b2_ref[...]


def kernel(x, edge_index, W1, b1, W2, b2):
    e = edge_index.shape[1]
    grain = NTILE * CHUNK
    nch = (e + grain - 1) // grain
    nch = ((nch + BLK - 1) // BLK) * BLK
    epad = nch * grain
    src = edge_index[0].astype(jnp.int32)
    dst = edge_index[1].astype(jnp.int32)
    pad = epad - e
    pad_idx = jnp.arange(pad, dtype=jnp.int32)
    src = jnp.concatenate([src, pad_idx % NNODE])
    dst = jnp.concatenate([dst, NNODE + pad_idx % (NPAD - NNODE)])
    src2d = src.reshape(NTILE * nch, CHUNK)
    dst2d = dst.reshape(NTILE * nch, CHUNK)

    zeros_acc = jnp.zeros((NPAD, DMODEL), jnp.float32)

    h1 = pl.pallas_call(
        _tc_mm,
        out_shape=jax.ShapeDtypeStruct((NNODE, DMODEL), jnp.float32),
    )(x, W1)

    degp = _deg_kernel(nch)(
        dst2d, jnp.ones((CHUNK, DEGW), jnp.float32),
        jnp.zeros((NPAD, DEGW), jnp.float32))

    dis, g1 = pl.pallas_call(
        _tc_red,
        out_shape=(
            jax.ShapeDtypeStruct((NNODE, 1), jnp.float32),
            jax.ShapeDtypeStruct((NNODE, DMODEL), jnp.float32),
        ),
    )(degp, h1)

    nch_a = nch
    nch_b = nch
    agg = _agg_kernel2(nch_a, nch_b)
    p1 = agg(g1, src2d, dst2d, zeros_acc)

    g2 = pl.pallas_call(
        _tc_b,
        out_shape=jax.ShapeDtypeStruct((NNODE, DMODEL), jnp.float32),
    )(p1, g1, dis, b1.reshape(1, DMODEL), W2)

    p2 = agg(g2, src2d, dst2d, zeros_acc)

    out = pl.pallas_call(
        _tc_c,
        out_shape=jax.ShapeDtypeStruct((NNODE, DMODEL), jnp.float32),
    )(p2, g2, dis, b2.reshape(1, DMODEL))

    return out

# --- scband reference (transcript-rebuilt; emitter-appended) ---
"""Pipeline reference for scband-gnnmodel-76785425318467 (READ-ONLY COPY).

The authoritative reference and input builder live on the scoring server;
editing this copy changes nothing except your own understanding.
"""

import jax, jax.numpy as jnp
import numpy as np

N = 10000
E = 320000
D_IN = 128
D_HID = 128
D_OUT = 128


def setup_inputs(seed: int = 0) -> dict:
    key = jax.random.key(seed)
    k1, k2, k3, k4, k5, k6 = jax.random.split(key, 6)
    x = jax.random.normal(k1, (N, D_IN), dtype=jnp.float32)
    edge_index = jax.random.randint(k2, (2, E), 0, N, dtype=jnp.int64)
    W1 = jax.random.normal(k3, (D_IN, D_HID), dtype=jnp.float32) * (1.0 / np.sqrt(D_IN))
    b1 = jnp.zeros((D_HID,), dtype=jnp.float32)
    W2 = jax.random.normal(k4, (D_HID, D_OUT), dtype=jnp.float32) * (1.0 / np.sqrt(D_HID))
    b2 = jnp.zeros((D_OUT,), dtype=jnp.float32)
    return {"x": x, "edge_index": edge_index, "W1": W1, "b1": b1, "W2": W2, "b2": b2}


def gcn_conv(x, edge_index, W, b):
    # Faithful GCNConv: add self-loops, symmetric normalization, linear transform, scatter-add aggregate, bias.
    n = x.shape[0]
    loop = jnp.arange(n, dtype=edge_index.dtype)
    src = jnp.concatenate([edge_index[0], loop])
    dst = jnp.concatenate([edge_index[1], loop])
    h = x @ W
    deg = jnp.zeros((n,), dtype=h.dtype).at[dst].add(1.0)
    deg_inv_sqrt = jnp.where(deg > 0, deg ** -0.5, 0.0)
    norm = deg_inv_sqrt[src] * deg_inv_sqrt[dst]
    msgs = h[src] * norm[:, None]
    out = jnp.zeros_like(h).at[dst].add(msgs)
    return out + b


def reference(x, edge_index, W1, b1, W2, b2):
    h = gcn_conv(x, edge_index, W1, b1)
    h = jax.nn.relu(h)
    out = gcn_conv(h, edge_index, W2, b2)
    return out

if __name__ == "__main__":
    import jax
    _d = setup_inputs()
    print(jax.jit(kernel)(*tuple(_d.values())))

</pallas_src>

<mosaic_0001>
#map = affine_map<(d0, d1) -> (0, 0)>
#map1 = affine_map<(d0, d1) -> (0, 0, 0)>
module attributes {stable_mosaic.version = 14 : i64} {
  func.func @k(%arg0: i32, %arg1: i32, %arg2: memref<10000x128xf32, #tpu.memory_space<hbm>>, %arg3: memref<2560x128xi32, #tpu.memory_space<hbm>>, %arg4: memref<2560x128xi32, #tpu.memory_space<hbm>>, %arg5: memref<10112x128xf32, #tpu.memory_space<hbm>>, %arg6: memref<2x10112x128xf32, #tpu.memory_space<hbm>>, %arg7: memref<16x128xi32, #tpu.memory_space<vmem>>, %arg8: memref<16x128xi32, #tpu.memory_space<vmem>>, %arg9: memref<128x128xf32, #tpu.memory_space<vmem>>, %arg10: memref<128x128xf32, #tpu.memory_space<vmem>>, %arg11: memref<10112x128xf32, #tpu.memory_space<vmem_shared>>, %arg12: memref<!tpu.dma_semaphore, #tpu.memory_space<semaphore_mem>>, %arg13: memref<!tpu.dma_semaphore, #tpu.memory_space<semaphore_mem>>) attributes {dimension_semantics = [#tpu.dimension_semantics<core_parallel>, #tpu.dimension_semantics<subcore_parallel>], iteration_bounds = array<i64: 2, 16>, scalar_prefetch = 0 : i64, scratch_operands = 7 : i64, tpu.core_type = #tpu.core_type<sc_vector_subcore>, window_params = [{transform_indices = #map}, {transform_indices = #map}, {transform_indices = #map}, {transform_indices = #map}, {transform_indices = #map1}]} {
    %mul3A = arith.constant 16 : i32
    %mul3A_0 = arith.muli %arg0, %mul3A : i32
    %add3A = arith.addi %mul3A_0, %arg1 : i32
    %mul3A_1 = arith.constant 632 : i32
    %mul3A_2 = arith.muli %arg1, %mul3A_1 : i32
    "tpu.region"() ({
      %run_scoped3A = tpu.sem_alloc : memref<!tpu.dma_semaphore, #tpu.memory_space<semaphore_mem>>
      %dma_start3A = arith.constant 0 : i32
      %dma_start3A_42 = tpu.memref_slice %arg11[%mul3A_2, %dma_start3A] : memref<10112x128xf32, #tpu.memory_space<vmem_shared>> -> memref<632x128xf32, #tpu.memory_space<vmem_shared>>
      %dma_start3A_43 = arith.constant 0 : i32
      %dma_start3A_44 = tpu.memref_slice %arg5[%mul3A_2, %dma_start3A_43] : memref<10112x128xf32, #tpu.memory_space<hbm>> -> memref<632x128xf32, #tpu.memory_space<hbm>>
      tpu.enqueue_dma source(%dma_start3A_44 : memref<632x128xf32, #tpu.memory_space<hbm>>) target(%dma_start3A_42 : memref<632x128xf32, #tpu.memory_space<vmem_shared>>) target_semaphore(%run_scoped3A : memref<!tpu.dma_semaphore, #tpu.memory_space<semaphore_mem>>)
      %dma_wait3A = arith.constant 0 : i32
      %dma_wait3A_45 = tpu.memref_slice %arg11[%mul3A_2, %dma_wait3A] : memref<10112x128xf32, #tpu.memory_space<vmem_shared>> -> memref<632x128xf32, #tpu.memory_space<vmem_shared>>
      %dma_wait3A_46 = arith.constant 0 : i32
      %dma_wait3A_47 = tpu.memref_slice %arg5[%mul3A_2, %dma_wait3A_46] : memref<10112x128xf32, #tpu.memory_space<hbm>> -> memref<632x128xf32, #tpu.memory_space<hbm>>
      tpu.wait_dma2 semaphore(%run_scoped3A : memref<!tpu.dma_semaphore, #tpu.memory_space<semaphore_mem>>) src(%dma_wait3A_47 : memref<632x128xf32, #tpu.memory_space<hbm>>) dst(%dma_wait3A_45 : memref<632x128xf32, #tpu.memory_space<vmem_shared>>)
      tpu.yield
    }) : () -> ()
    %barrier3A = arith.constant 0 : index
    tpu.barrier barrier_id(%barrier3A)
    %eq3A = arith.constant 0 : i32
    %eq3A_3 = arith.cmpi eq, %arg0, %eq3A : i32
    %mul3A_4 = arith.constant 80 : i32
    %mul3A_5 = arith.muli %arg1, %mul3A_4 : i32
    %mul3A_6 = arith.constant 80 : i32
    %mul3A_7 = arith.muli %arg1, %mul3A_6 : i32
    %add3A_8 = arith.constant 1280 : i32
    %add3A_9 = arith.addi %add3A_8, %mul3A_7 : i32
    %select_n3A = arith.select %eq3A_3, %mul3A_5, %add3A_9 : i32
    %eq3A_10 = arith.constant 0 : i32
    %eq3A_11 = arith.cmpi eq, %arg0, %eq3A_10 : i32
    %jit3A = arith.constant 80 : i32
    %jit3A_12 = arith.constant 80 : i32
    %select_n3A_13 = arith.select %eq3A_11, %jit3A, %jit3A_12 : i32
    %jit3A_14 = arith.constant 16 : i32
    %div3A = arith.divsi %select_n3A_13, %jit3A_14 : i32
    %sign3A = arith.constant 0 : i32
    %sign3A_15 = arith.cmpi sgt, %select_n3A_13, %sign3A : i32
    %sign3A_16 = arith.extui %sign3A_15 : i1 to i32
    %sign3A_17 = arith.constant 0 : i32
    %sign3A_18 = arith.cmpi slt, %select_n3A_13, %sign3A_17 : i32
    %sign3A_19 = arith.extui %sign3A_18 : i1 to i32
    %sign3A_20 = arith.subi %sign3A_16, %sign3A_19 : i32
    %sign3A_21 = arith.constant 0 : i32
    %sign3A_22 = arith.cmpi sgt, %jit3A_14, %sign3A_21 : i32
    %sign3A_23 = arith.extui %sign3A_22 : i1 to i32
    %sign3A_24 = arith.constant 0 : i32
    %sign3A_25 = arith.cmpi slt, %jit3A_14, %sign3A_24 : i32
    %sign3A_26 = arith.extui %sign3A_25 : i1 to i32
    %sign3A_27 = arith.subi %sign3A_23, %sign3A_26 : i32
    %ne3A = arith.cmpi ne, %sign3A_20, %sign3A_27 : i32
    %rem3A = arith.remsi %select_n3A_13, %jit3A_14 : i32
    %ne3A_28 = arith.constant 0 : i32
    %ne3A_29 = arith.cmpi ne, %rem3A, %ne3A_28 : i32
    %and3A = arith.andi %ne3A, %ne3A_29 : i1
    %sub3A = arith.constant 1 : i32
    %sub3A_30 = arith.subi %div3A, %sub3A : i32
    %select_n3A_31 = arith.select %and3A, %sub3A_30, %div3A : i32
    %while3A = arith.constant 0 : i32
    %while3A_32 = arith.constant 0 : i32
    %while3A_33 = arith.subi %select_n3A_31, %while3A_32 : i32
    %while3A_34 = arith.addi %while3A_32, %while3A_33 : i32
    %while3A_35 = arith.constant 1 : i32
    %while3A_36 = arith.divsi %while3A_33, %while3A_35 : i32
    %while3A_37 = arith.muli %while3A_36, %while3A_35 : i32
    %while3A_38 = arith.addi %while3A_32, %while3A_37 : i32
    %while3A_39 = arith.constant 1 : i32
    scf.for %while3A_42 = %while3A_32 to %while3A_38 step %while3A_39  : i32 {
      %mul3A_43 = arith.constant 16 : i32
      %mul3A_44 = arith.muli %while3A_42, %mul3A_43 : i32
      %add3A_45 = arith.addi %select_n3A, %mul3A_44 : i32
      %multiple_of3A = tpu.assume_multiple %add3A_45, 16 : i32
      "tpu.region"() ({
        %run_scoped3A_283 = tpu.sem_alloc : memref<!tpu.dma_semaphore, #tpu.memory_space<semaphore_mem>>
        %dma_start3A_284 = arith.constant 0 : i32
        %dma_start3A_285 = tpu.memref_slice %arg3[%multiple_of3A, %dma_start3A_284] : memref<2560x128xi32, #tpu.memory_space<hbm>> -> memref<16x128xi32, #tpu.memory_space<hbm>>
        %dma_start3A_286 = arith.constant 0 : i32
        %dma_start3A_287 = tpu.memref_slice %arg3[%multiple_of3A, %dma_start3A_286] : memref<2560x128xi32, #tpu.memory_space<hbm>> -> memref<16x128xi32, #tpu.memory_space<hbm>>
        tpu.enqueue_dma source(%dma_start3A_287 : memref<16x128xi32, #tpu.memory_space<hbm>>) target(%arg7 : memref<16x128xi32, #tpu.memory_space<vmem>>) target_semaphore(%run_scoped3A_283 : memref<!tpu.dma_semaphore, #tpu.memory_space<semaphore_mem>>)
        %dma_wait3A_288 = arith.constant 0 : i32
        %dma_wait3A_289 = tpu.memref_slice %arg3[%multiple_of3A, %dma_wait3A_288] : memref<2560x128xi32, #tpu.memory_space<hbm>> -> memref<16x128xi32, #tpu.memory_space<hbm>>
        %dma_wait3A_290 = arith.constant 0 : i32
        %dma_wait3A_291 = tpu.memref_slice %arg3[%multiple_of3A, %dma_wait3A_290] : memref<2560x128xi32, #tpu.memory_space<hbm>> -> memref<16x128xi32, #tpu.memory_space<hbm>>
        tpu.wait_dma2 semaphore(%run_scoped3A_283 : memref<!tpu.dma_semaphore, #tpu.memory_space<semaphore_mem>>) src(%dma_wait3A_291 : memref<16x128xi32, #tpu.memory_space<hbm>>) dst(%arg7 : memref<16x128xi32, #tpu.memory_space<vmem>>)
        tpu.yield
      }) : () -> ()
      "tpu.region"() ({
        %run_scoped3A_283 = tpu.sem_alloc : memref<!tpu.dma_semaphore, #tpu.memory_space<semaphore_mem>>
        %dma_start3A_284 = arith.constant 0 : i32
        %dma_start3A_285 = tpu.memref_slice %arg4[%multiple_of3A, %dma_start3A_284] : memref<2560x128xi32, #tpu.memory_space<hbm>> -> memref<16x128xi32, #tpu.memory_space<hbm>>
        %dma_start3A_286 = arith.constant 0 : i32
        %dma_start3A_287 = tpu.memref_slice %arg4[%multiple_of3A, %dma_start3A_286] : memref<2560x128xi32, #tpu.memory_space<hbm>> -> memref<16x128xi32, #tpu.memory_space<hbm>>
        tpu.enqueue_dma source(%dma_start3A_287 : memref<16x128xi32, #tpu.memory_space<hbm>>) target(%arg8 : memref<16x128xi32, #tpu.memory_space<vmem>>) target_semaphore(%run_scoped3A_283 : memref<!tpu.dma_semaphore, #tpu.memory_space<semaphore_mem>>)
        %dma_wait3A_288 = arith.constant 0 : i32
        %dma_wait3A_289 = tpu.memref_slice %arg4[%multiple_of3A, %dma_wait3A_288] : memref<2560x128xi32, #tpu.memory_space<hbm>> -> memref<16x128xi32, #tpu.memory_space<hbm>>
        %dma_wait3A_290 = arith.constant 0 : i32
        %dma_wait3A_291 = tpu.memref_slice %arg4[%multiple_of3A, %dma_wait3A_290] : memref<2560x128xi32, #tpu.memory_space<hbm>> -> memref<16x128xi32, #tpu.memory_space<hbm>>
        tpu.wait_dma2 semaphore(%run_scoped3A_283 : memref<!tpu.dma_semaphore, #tpu.memory_space<semaphore_mem>>) src(%dma_wait3A_291 : memref<16x128xi32, #tpu.memory_space<hbm>>) dst(%arg8 : memref<16x128xi32, #tpu.memory_space<vmem>>)
        tpu.yield
      }) : () -> ()
      %dma_start3A = arith.constant 0 : i32
      %dma_start3A_46 = arith.constant 0 : i32
      %dma_start3A_47 = tpu.memref_slice %arg7[%dma_start3A, %dma_start3A_46] : memref<16x128xi32, #tpu.memory_space<vmem>> -> memref<1x128xi32, #tpu.memory_space<vmem>>
      %dma_start3A_48 = tpu.memref_squeeze %dma_start3A_47 : memref<1x128xi32, #tpu.memory_space<vmem>> -> memref<128xi32, #tpu.memory_space<vmem>>
      %dma_start3A_49 = arith.constant 0 : i32
      %dma_start3A_50 = arith.constant 0 : i32
      %dma_start3A_51 = tpu.memref_slice %arg2[%dma_start3A_49, %dma_start3A_50] : memref<10000x128xf32, #tpu.memory_space<hbm>> -> memref<10000x128xf32, #tpu.memory_space<hbm>>
      tpu.enqueue_indirect_dma source(%dma_start3A_51 : memref<10000x128xf32, #tpu.memory_space<hbm>>) target(%arg9 : memref<128x128xf32, #tpu.memory_space<vmem>>) offsets(%dma_start3A_48 : memref<128xi32, #tpu.memory_space<vmem>>) semaphore(%arg12 : memref<!tpu.dma_semaphore, #tpu.memory_space<semaphore_mem>>)
      %dma_start3A_52 = arith.constant 1 : i32
      %dma_start3A_53 = arith.constant 0 : i32
      %dma_start3A_54 = tpu.memref_slice %arg7[%dma_start3A_52, %dma_start3A_53] : memref<16x128xi32, #tpu.memory_space<vmem>> -> memref<1x128xi32, #tpu.memory_space<vmem>>
      %dma_start3A_55 = tpu.memref_squeeze %dma_start3A_54 : memref<1x128xi32, #tpu.memory_space<vmem>> -> memref<128xi32, #tpu.memory_space<vmem>>
      %dma_start3A_56 = arith.constant 0 : i32
      %dma_start3A_57 = arith.constant 0 : i32
      %dma_start3A_58 = tpu.memref_slice %arg2[%dma_start3A_56, %dma_start3A_57] : memref<10000x128xf32, #tpu.memory_space<hbm>> -> memref<10000x128xf32, #tpu.memory_space<hbm>>
      tpu.enqueue_indirect_dma source(%dma_start3A_58 : memref<10000x128xf32, #tpu.memory_space<hbm>>) target(%arg10 : memref<128x128xf32, #tpu.memory_space<vmem>>) offsets(%dma_start3A_55 : memref<128xi32, #tpu.memory_space<vmem>>) semaphore(%arg13 : memref<!tpu.dma_semaphore, #tpu.memory_space<semaphore_mem>>)
      %dma_wait3A = arith.constant 0 : i32
      %dma_wait3A_59 = arith.constant 0 : i32
      %dma_wait3A_60 = tpu.memref_slice %arg7[%dma_wait3A, %dma_wait3A_59] : memref<16x128xi32, #tpu.memory_space<vmem>> -> memref<1x128xi32, #tpu.memory_space<vmem>>
      %dma_wait3A_61 = tpu.memref_squeeze %dma_wait3A_60 : memref<1x128xi32, #tpu.memory_space<vmem>> -> memref<128xi32, #tpu.memory_space<vmem>>
      %dma_wait3A_62 = arith.constant 0 : i32
      %dma_wait3A_63 = arith.constant 0 : i32
      %dma_wait3A_64 = tpu.memref_slice %arg2[%dma_wait3A_62, %dma_wait3A_63] : memref<10000x128xf32, #tpu.memory_space<hbm>> -> memref<10000x128xf32, #tpu.memory_space<hbm>>
      tpu.wait_indirect_dma semaphore(%arg12 : memref<!tpu.dma_semaphore, #tpu.memory_space<semaphore_mem>>) src(%dma_wait3A_64 : memref<10000x128xf32, #tpu.memory_space<hbm>>) dst(%arg9 : memref<128x128xf32, #tpu.memory_space<vmem>>)
      %run_scoped3A = arith.constant 0 : i32
      "tpu.region"() ({
        %run_scoped3A_283 = tpu.sem_alloc : memref<!tpu.dma_semaphore, #tpu.memory_space<semaphore_mem>>
        %dma_start3A_284 = arith.constant 0 : i32
        %dma_start3A_285 = tpu.memref_slice %arg8[%run_scoped3A, %dma_start3A_284] : memref<16x128xi32, #tpu.memory_space<vmem>> -> memref<1x128xi32, #tpu.memory_space<vmem>>
        %dma_start3A_286 = tpu.memref_squeeze %dma_start3A_285 : memref<1x128xi32, #tpu.memory_space<vmem>> -> memref<128xi32, #tpu.memory_space<vmem>>
        %dma_start3A_287 = arith.constant 0 : i32
        %dma_start3A_288 = arith.constant 0 : i32
        %dma_start3A_289 = tpu.memref_slice %arg11[%dma_start3A_287, %dma_start3A_288] : memref<10112x128xf32, #tpu.memory_space<vmem_shared>> -> memref<10112x128xf32, #tpu.memory_space<vmem_shared>>
        tpu.enqueue_indirect_dma source(%arg9 : memref<128x128xf32, #tpu.memory_space<vmem>>) target(%dma_start3A_289 : memref<10112x128xf32, #tpu.memory_space<vmem_shared>>) offsets(%dma_start3A_286 : memref<128xi32, #tpu.memory_space<vmem>>) semaphore(%run_scoped3A_283 : memref<!tpu.dma_semaphore, #tpu.memory_space<semaphore_mem>>) {add = true}
        %dma_wait3A_290 = arith.constant 0 : i32
        %dma_wait3A_291 = tpu.memref_slice %arg8[%run_scoped3A, %dma_wait3A_290] : memref<16x128xi32, #tpu.memory_space<vmem>> -> memref<1x128xi32, #tpu.memory_space<vmem>>
        %dma_wait3A_292 = tpu.memref_squeeze %dma_wait3A_291 : memref<1x128xi32, #tpu.memory_space<vmem>> -> memref<128xi32, #tpu.memory_space<vmem>>
        %dma_wait3A_293 = arith.constant 0 : i32
        %dma_wait3A_294 = arith.constant 0 : i32
        %dma_wait3A_295 = tpu.memref_slice %arg11[%dma_wait3A_293, %dma_wait3A_294] : memref<10112x128xf32, #tpu.memory_space<vmem_shared>> -> memref<10112x128xf32, #tpu.memory_space<vmem_shared>>
        tpu.wait_indirect_dma semaphore(%run_scoped3A_283 : memref<!tpu.dma_semaphore, #tpu.memory_space<semaphore_mem>>) src(%arg9 : memref<128x128xf32, #tpu.memory_space<vmem>>) dst(%dma_wait3A_295 : memref<10112x128xf32, #tpu.memory_space<vmem_shared>>)
        tpu.yield
      }) : () -> ()
      %dma_start3A_65 = arith.constant 2 : i32
      %dma_start3A_66 = arith.constant 0 : i32
      %dma_start3A_67 = tpu.memref_slice %arg7[%dma_start3A_65, %dma_start3A_66] : memref<16x128xi32, #tpu.memory_space<vmem>> -> memref<1x128xi32, #tpu.memory_space<vmem>>
      %dma_start3A_68 = tpu.memref_squeeze %dma_start3A_67 : memref<1x128xi32, #tpu.memory_space<vmem>> -> memref<128xi32, #tpu.memory_space<vmem>>
      %dma_start3A_69 = arith.constant 0 : i32
      %dma_start3A_70 = arith.constant 0 : i32
      %dma_start3A_71 = tpu.memref_slice %arg2[%dma_start3A_69, %dma_start3A_70] : memref<10000x128xf32, #tpu.memory_space<hbm>> -> memref<10000x128xf32, #tpu.memory_space<hbm>>
      tpu.enqueue_indirect_dma source(%dma_start3A_71 : memref<10000x128xf32, #tpu.memory_space<hbm>>) target(%arg9 : memref<128x128xf32, #tpu.memory_space<vmem>>) offsets(%dma_start3A_68 : memref<128xi32, #tpu.memory_space<vmem>>) semaphore(%arg12 : memref<!tpu.dma_semaphore, #tpu.memory_space<semaphore_mem>>)
      %dma_wait3A_72 = arith.constant 1 : i32
      %dma_wait3A_73 = arith.constant 0 : i32
      %dma_wait3A_74 = tpu.memref_slice %arg7[%dma_wait3A_72, %dma_wait3A_73] : memref<16x128xi32, #tpu.memory_space<vmem>> -> memref<1x128xi32, #tpu.memory_space<vmem>>
      %dma_wait3A_75 = tpu.memref_squeeze %dma_wait3A_74 : memref<1x128xi32, #tpu.memory_space<vmem>> -> memref<128xi32, #tpu.memory_space<vmem>>
      %dma_wait3A_76 = arith.constant 0 : i32
      %dma_wait3A_77 = arith.constant 0 : i32
      %dma_wait3A_78 = tpu.memref_slice %arg2[%dma_wait3A_76, %dma_wait3A_77] : memref<10000x128xf32, #tpu.memory_space<hbm>> -> memref<10000x128xf32, #tpu.memory_space<hbm>>
      tpu.wait_indirect_dma semaphore(%arg13 : memref<!tpu.dma_semaphore, #tpu.memory_space<semaphore_mem>>) src(%dma_wait3A_78 : memref<10000x128xf32, #tpu.memory_space<hbm>>) dst(%arg10 : memref<128x128xf32, #tpu.memory_space<vmem>>)
      %run_scoped3A_79 = arith.constant 1 : i32
      "tpu.region"() ({
        %run_scoped3A_283 = tpu.sem_alloc : memref<!tpu.dma_semaphore, #tpu.memory_space<semaphore_mem>>
        %dma_start3A_284 = arith.constant 0 : i32
        %dma_start3A_285 = tpu.memref_slice %arg8[%run_scoped3A_79, %dma_start3A_284] : memref<16x128xi32, #tpu.memory_space<vmem>> -> memref<1x128xi32, #tpu.memory_space<vmem>>
        %dma_start3A_286 = tpu.memref_squeeze %dma_start3A_285 : memref<1x128xi32, #tpu.memory_space<vmem>> -> memref<128xi32, #tpu.memory_space<vmem>>
        %dma_start3A_287 = arith.constant 0 : i32
        %dma_start3A_288 = arith.constant 0 : i32
        %dma_start3A_289 = tpu.memref_slice %arg11[%dma_start3A_287, %dma_start3A_288] : memref<10112x128xf32, #tpu.memory_space<vmem_shared>> -> memref<10112x128xf32, #tpu.memory_space<vmem_shared>>
        tpu.enqueue_indirect_dma source(%arg10 : memref<128x128xf32, #tpu.memory_space<vmem>>) target(%dma_start3A_289 : memref<10112x128xf32, #tpu.memory_space<vmem_shared>>) offsets(%dma_start3A_286 : memref<128xi32, #tpu.memory_space<vmem>>) semaphore(%run_scoped3A_283 : memref<!tpu.dma_semaphore, #tpu.memory_space<semaphore_mem>>) {add = true}
        %dma_wait3A_290 = arith.constant 0 : i32
        %dma_wait3A_291 = tpu.memref_slice %arg8[%run_scoped3A_79, %dma_wait3A_290] : memref<16x128xi32, #tpu.memory_space<vmem>> -> memref<1x128xi32, #tpu.memory_space<vmem>>
        %dma_wait3A_292 = tpu.memref_squeeze %dma_wait3A_291 : memref<1x128xi32, #tpu.memory_space<vmem>> -> memref<128xi32, #tpu.memory_space<vmem>>
        %dma_wait3A_293 = arith.constant 0 : i32
        %dma_wait3A_294 = arith.constant 0 : i32
        %dma_wait3A_295 = tpu.memref_slice %arg11[%dma_wait3A_293, %dma_wait3A_294] : memref<10112x128xf32, #tpu.memory_space<vmem_shared>> -> memref<10112x128xf32, #tpu.memory_space<vmem_shared>>
        tpu.wait_indirect_dma semaphore(%run_scoped3A_283 : memref<!tpu.dma_semaphore, #tpu.memory_space<semaphore_mem>>) src(%arg10 : memref<128x128xf32, #tpu.memory_space<vmem>>) dst(%dma_wait3A_295 : memref<10112x128xf32, #tpu.memory_space<vmem_shared>>)
        tpu.yield
      }) : () -> ()
      %dma_start3A_80 = arith.constant 3 : i32
      %dma_start3A_81 = arith.constant 0 : i32
      %dma_start3A_82 = tpu.memref_slice %arg7[%dma_start3A_80, %dma_start3A_81] : memref<16x128xi32, #tpu.memory_space<vmem>> -> memref<1x128xi32, #tpu.memory_space<vmem>>
      %dma_start3A_83 = tpu.memref_squeeze %dma_start3A_82 : memref<1x128xi32, #tpu.memory_space<vmem>> -> memref<128xi32, #tpu.memory_space<vmem>>
      %dma_start3A_84 = arith.constant 0 : i32
      %dma_start3A_85 = arith.constant 0 : i32
      %dma_start3A_86 = tpu.memref_slice %arg2[%dma_start3A_84, %dma_start3A_85] : memref<10000x128xf32, #tpu.memory_space<hbm>> -> memref<10000x128xf32, #tpu.memory_space<hbm>>
      tpu.enqueue_indirect_dma source(%dma_start3A_86 : memref<10000x128xf32, #tpu.memory_space<hbm>>) target(%arg10 : memref<128x128xf32, #tpu.memory_space<vmem>>) offsets(%dma_start3A_83 : memref<128xi32, #tpu.memory_space<vmem>>) semaphore(%arg13 : memref<!tpu.dma_semaphore, #tpu.memory_space<semaphore_mem>>)
      %dma_wait3A_87 = arith.constant 2 : i32
      %dma_wait3A_88 = arith.constant 0 : i32
      %dma_wait3A_89 = tpu.memref_slice %arg7[%dma_wait3A_87, %dma_wait3A_88] : memref<16x128xi32, #tpu.memory_space<vmem>> -> memref<1x128xi32, #tpu.memory_space<vmem>>
      %dma_wait3A_90 = tpu.memref_squeeze %dma_wait3A_89 : memref<1x128xi32, #tpu.memory_space<vmem>> -> memref<128xi32, #tpu.memory_space<vmem>>
      %dma_wait3A_91 = arith.constant 0 : i32
      %dma_wait3A_92 = arith.constant 0 : i32
      %dma_wait3A_93 = tpu.memref_slice %arg2[%dma_wait3A_91, %dma_wait3A_92] : memref<10000x128xf32, #tpu.memory_space<hbm>> -> memref<10000x128xf32, #tpu.memory_space<hbm>>
      tpu.wait_indirect_dma semaphore(%arg12 : memref<!tpu.dma_semaphore, #tpu.memory_space<semaphore_mem>>) src(%dma_wait3A_93 : memref<10000x128xf32, #tpu.memory_space<hbm>>) dst(%arg9 : memref<128x128xf32, #tpu.memory_space<vmem>>)
      %run_scoped3A_94 = arith.constant 2 : i32
      "tpu.region"() ({
        %run_scoped3A_283 = tpu.sem_alloc : memref<!tpu.dma_semaphore, #tpu.memory_space<semaphore_mem>>
        %dma_start3A_284 = arith.constant 0 : i32
        %dma_start3A_285 = tpu.memref_slice %arg8[%run_scoped3A_94, %dma_start3A_284] : memref<16x128xi32, #tpu.memory_space<vmem>> -> memref<1x128xi32, #tpu.memory_space<vmem>>
        %dma_start3A_286 = tpu.memref_squeeze %dma_start3A_285 : memref<1x128xi32, #tpu.memory_space<vmem>> -> memref<128xi32, #tpu.memory_space<vmem>>
        %dma_start3A_287 = arith.constant 0 : i32
        %dma_start3A_288 = arith.constant 0 : i32
        %dma_start3A_289 = tpu.memref_slice %arg11[%dma_start3A_287, %dma_start3A_288] : memref<10112x128xf32, #tpu.memory_space<vmem_shared>> -> memref<10112x128xf32, #tpu.memory_space<vmem_shared>>
        tpu.enqueue_indirect_dma source(%arg9 : memref<128x128xf32, #tpu.memory_space<vmem>>) target(%dma_start3A_289 : memref<10112x128xf32, #tpu.memory_space<vmem_shared>>) offsets(%dma_start3A_286 : memref<128xi32, #tpu.memory_space<vmem>>) semaphore(%run_scoped3A_283 : memref<!tpu.dma_semaphore, #tpu.memory_space<semaphore_mem>>) {add = true}
        %dma_wait3A_290 = arith.constant 0 : i32
        %dma_wait3A_291 = tpu.memref_slice %arg8[%run_scoped3A_94, %dma_wait3A_290] : memref<16x128xi32, #tpu.memory_space<vmem>> -> memref<1x128xi32, #tpu.memory_space<vmem>>
        %dma_wait3A_292 = tpu.memref_squeeze %dma_wait3A_291 : memref<1x128xi32, #tpu.memory_space<vmem>> -> memref<128xi32, #tpu.memory_space<vmem>>
        %dma_wait3A_293 = arith.constant 0 : i32
        %dma_wait3A_294 = arith.constant 0 : i32
        %dma_wait3A_295 = tpu.memref_slice %arg11[%dma_wait3A_293, %dma_wait3A_294] : memref<10112x128xf32, #tpu.memory_space<vmem_shared>> -> memref<10112x128xf32, #tpu.memory_space<vmem_shared>>
        tpu.wait_indirect_dma semaphore(%run_scoped3A_283 : memref<!tpu.dma_semaphore, #tpu.memory_space<semaphore_mem>>) src(%arg9 : memref<128x128xf32, #tpu.memory_space<vmem>>) dst(%dma_wait3A_295 : memref<10112x128xf32, #tpu.memory_space<vmem_shared>>)
        tpu.yield
      }) : () -> ()
      %dma_start3A_95 = arith.constant 4 : i32
      %dma_start3A_96 = arith.constant 0 : i32
      %dma_start3A_97 = tpu.memref_slice %arg7[%dma_start3A_95, %dma_start3A_96] : memref<16x128xi32, #tpu.memory_space<vmem>> -> memref<1x128xi32, #tpu.memory_space<vmem>>
      %dma_start3A_98 = tpu.memref_squeeze %dma_start3A_97 : memref<1x128xi32, #tpu.memory_space<vmem>> -> memref<128xi32, #tpu.memory_space<vmem>>
      %dma_start3A_99 = arith.constant 0 : i32
      %dma_start3A_100 = arith.constant 0 : i32
      %dma_start3A_101 = tpu.memref_slice %arg2[%dma_start3A_99, %dma_start3A_100] : memref<10000x128xf32, #tpu.memory_space<hbm>> -> memref<10000x128xf32, #tpu.memory_space<hbm>>
      tpu.enqueue_indirect_dma source(%dma_start3A_101 : memref<10000x128xf32, #tpu.memory_space<hbm>>) target(%arg9 : memref<128x128xf32, #tpu.memory_space<vmem>>) offsets(%dma_start3A_98 : memref<128xi32, #tpu.memory_space<vmem>>) semaphore(%arg12 : memref<!tpu.dma_semaphore, #tpu.memory_space<semaphore_mem>>)
      %dma_wait3A_102 = arith.constant 3 : i32
      %dma_wait3A_103 = arith.constant 0 : i32
      %dma_wait3A_104 = tpu.memref_slice %arg7[%dma_wait3A_102, %dma_wait3A_103] : memref<16x128xi32, #tpu.memory_space<vmem>> -> memref<1x128xi32, #tpu.memory_space<vmem>>
      %dma_wait3A_105 = tpu.memref_squeeze %dma_wait3A_104 : memref<1x128xi32, #tpu.memory_space<vmem>> -> memref<128xi32, #tpu.memory_space<vmem>>
      %dma_wait3A_106 = arith.constant 0 : i32
      %dma_wait3A_107 = arith.constant 0 : i32
      %dma_wait3A_108 = tpu.memref_slice %arg2[%dma_wait3A_106, %dma_wait3A_107] : memref<10000x128xf32, #tpu.memory_space<hbm>> -> memref<10000x128xf32, #tpu.memory_space<hbm>>
      tpu.wait_indirect_dma semaphore(%arg13 : memref<!tpu.dma_semaphore, #tpu.memory_space<semaphore_mem>>) src(%dma_wait3A_108 : memref<10000x128xf32, #tpu.memory_space<hbm>>) dst(%arg10 : memref<128x128xf32, #tpu.memory_space<vmem>>)
      %run_scoped3A_109 = arith.constant 3 : i32
      "tpu.region"() ({
        %run_scoped3A_283 = tpu.sem_alloc : memref<!tpu.dma_semaphore, #tpu.memory_space<semaphore_mem>>
        %dma_start3A_284 = arith.constant 0 : i32
        %dma_start3A_285 = tpu.memref_slice %arg8[%run_scoped3A_109, %dma_start3A_284] : memref<16x128xi32, #tpu.memory_space<vmem>> -> memref<1x128xi32, #tpu.memory_space<vmem>>
        %dma_start3A_286 = tpu.memref_squeeze %dma_start3A_285 : memref<1x128xi32, #tpu.memory_space<vmem>> -> memref<128xi32, #tpu.memory_space<vmem>>
        %dma_start3A_287 = arith.constant 0 : i32
        %dma_start3A_288 = arith.constant 0 : i32
        %dma_start3A_289 = tpu.memref_slice %arg11[%dma_start3A_287, %dma_start3A_288] : memref<10112x128xf32, #tpu.memory_space<vmem_shared>> -> memref<10112x128xf32, #tpu.memory_space<vmem_shared>>
        tpu.enqueue_indirect_dma source(%arg10 : memref<128x128xf32, #tpu.memory_space<vmem>>) target(%dma_start3A_289 : memref<10112x128xf32, #tpu.memory_space<vmem_shared>>) offsets(%dma_start3A_286 : memref<128xi32, #tpu.memory_space<vmem>>) semaphore(%run_scoped3A_283 : memref<!tpu.dma_semaphore, #tpu.memory_space<semaphore_mem>>) {add = true}
        %dma_wait3A_290 = arith.constant 0 : i32
        %dma_wait3A_291 = tpu.memref_slice %arg8[%run_scoped3A_109, %dma_wait3A_290] : memref<16x128xi32, #tpu.memory_space<vmem>> -> memref<1x128xi32, #tpu.memory_space<vmem>>
        %dma_wait3A_292 = tpu.memref_squeeze %dma_wait3A_291 : memref<1x128xi32, #tpu.memory_space<vmem>> -> memref<128xi32, #tpu.memory_space<vmem>>
        %dma_wait3A_293 = arith.constant 0 : i32
        %dma_wait3A_294 = arith.constant 0 : i32
        %dma_wait3A_295 = tpu.memref_slice %arg11[%dma_wait3A_293, %dma_wait3A_294] : memref<10112x128xf32, #tpu.memory_space<vmem_shared>> -> memref<10112x128xf32, #tpu.memory_space<vmem_shared>>
        tpu.wait_indirect_dma semaphore(%run_scoped3A_283 : memref<!tpu.dma_semaphore, #tpu.memory_space<semaphore_mem>>) src(%arg10 : memref<128x128xf32, #tpu.memory_space<vmem>>) dst(%dma_wait3A_295 : memref<10112x128xf32, #tpu.memory_space<vmem_shared>>)
        tpu.yield
      }) : () -> ()
      %dma_start3A_110 = arith.constant 5 : i32
      %dma_start3A_111 = arith.constant 0 : i32
      %dma_start3A_112 = tpu.memref_slice %arg7[%dma_start3A_110, %dma_start3A_111] : memref<16x128xi32, #tpu.memory_space<vmem>> -> memref<1x128xi32, #tpu.memory_space<vmem>>
      %dma_start3A_113 = tpu.memref_squeeze %dma_start3A_112 : memref<1x128xi32, #tpu.memory_space<vmem>> -> memref<128xi32, #tpu.memory_space<vmem>>
      %dma_start3A_114 = arith.constant 0 : i32
      %dma_start3A_115 = arith.constant 0 : i32
      %dma_start3A_116 = tpu.memref_slice %arg2[%dma_start3A_114, %dma_start3A_115] : memref<10000x128xf32, #tpu.memory_space<hbm>> -> memref<10000x128xf32, #tpu.memory_space<hbm>>
      tpu.enqueue_indirect_dma source(%dma_start3A_116 : memref<10000x128xf32, #tpu.memory_space<hbm>>) target(%arg10 : memref<128x128xf32, #tpu.memory_space<vmem>>) offsets(%dma_start3A_113 : memref<128xi32, #tpu.memory_space<vmem>>) semaphore(%arg13 : memref<!tpu.dma_semaphore, #tpu.memory_space<semaphore_mem>>)
      %dma_wait3A_117 = arith.constant 4 : i32
      %dma_wait3A_118 = arith.constant 0 : i32
      %dma_wait3A_119 = tpu.memref_slice %arg7[%dma_wait3A_117, %dma_wait3A_118] : memref<16x128xi32, #tpu.memory_space<vmem>> -> memref<1x128xi32, #tpu.memory_space<vmem>>
      %dma_wait3A_120 = tpu.memref_squeeze %dma_wait3A_119 : memref<1x128xi32, #tpu.memory_space<vmem>> -> memref<128xi32, #tpu.memory_space<vmem>>
      %dma_wait3A_121 = arith.constant 0 : i32
      %dma_wait3A_122 = arith.constant 0 : i32
      %dma_wait3A_123 = tpu.memref_slice %arg2[%dma_wait3A_121, %dma_wait3A_122] : memref<10000x128xf32, #tpu.memory_space<hbm>> -> memref<10000x128xf32, #tpu.memory_space<hbm>>
      tpu.wait_indirect_dma semaphore(%arg12 : memref<!tpu.dma_semaphore, #tpu.memory_space<semaphore_mem>>) src(%dma_wait3A_123 : memref<10000x128xf32, #tpu.memory_space<hbm>>) dst(%arg9 : memref<128x128xf32, #tpu.memory_space<vmem>>)
      %run_scoped3A_124 = arith.constant 4 : i32
      "tpu.region"() ({
        %run_scoped3A_283 = tpu.sem_alloc : memref<!tpu.dma_semaphore, #tpu.memory_space<semaphore_mem>>
        %dma_start3A_284 = arith.constant 0 : i32
        %dma_start3A_285 = tpu.memref_slice %arg8[%run_scoped3A_124, %dma_start3A_284] : memref<16x128xi32, #tpu.memory_space<vmem>> -> memref<1x128xi32, #tpu.memory_space<vmem>>
        %dma_start3A_286 = tpu.memref_squeeze %dma_start3A_285 : memref<1x128xi32, #tpu.memory_space<vmem>> -> memref<128xi32, #tpu.memory_space<vmem>>
        %dma_start3A_287 = arith.constant 0 : i32
        %dma_start3A_288 = arith.constant 0 : i32
        %dma_start3A_289 = tpu.memref_slice %arg11[%dma_start3A_287, %dma_start3A_288] : memref<10112x128xf32, #tpu.memory_space<vmem_shared>> -> memref<10112x128xf32, #tpu.memory_space<vmem_shared>>
        tpu.enqueue_indirect_dma source(%arg9 : memref<128x128xf32, #tpu.memory_space<vmem>>) target(%dma_start3A_289 : memref<10112x128xf32, #tpu.memory_space<vmem_shared>>) offsets(%dma_start3A_286 : memref<128xi32, #tpu.memory_space<vmem>>) semaphore(%run_scoped3A_283 : memref<!tpu.dma_semaphore, #tpu.memory_space<semaphore_mem>>) {add = true}
        %dma_wait3A_290 = arith.constant 0 : i32
        %dma_wait3A_291 = tpu.memref_slice %arg8[%run_scoped3A_124, %dma_wait3A_290] : memref<16x128xi32, #tpu.memory_space<vmem>> -> memref<1x128xi32, #tpu.memory_space<vmem>>
        %dma_wait3A_292 = tpu.memref_squeeze %dma_wait3A_291 : memref<1x128xi32, #tpu.memory_space<vmem>> -> memref<128xi32, #tpu.memory_space<vmem>>
        %dma_wait3A_293 = arith.constant 0 : i32
        %dma_wait3A_294 = arith.constant 0 : i32
        %dma_wait3A_295 = tpu.memref_slice %arg11[%dma_wait3A_293, %dma_wait3A_294] : memref<10112x128xf32, #tpu.memory_space<vmem_shared>> -> memref<10112x128xf32, #tpu.memory_space<vmem_shared>>
        tpu.wait_indirect_dma semaphore(%run_scoped3A_283 : memref<!tpu.dma_semaphore, #tpu.memory_space<semaphore_mem>>) src(%arg9 : memref<128x128xf32, #tpu.memory_space<vmem>>) dst(%dma_wait3A_295 : memref<10112x128xf32, #tpu.memory_space<vmem_shared>>)
        tpu.yield
      }) : () -> ()
      %dma_start3A_125 = arith.constant 6 : i32
      %dma_start3A_126 = arith.constant 0 : i32
      %dma_start3A_127 = tpu.memref_slice %arg7[%dma_start3A_125, %dma_start3A_126] : memref<16x128xi32, #tpu.memory_space<vmem>> -> memref<1x128xi32, #tpu.memory_space<vmem>>
      %dma_start3A_128 = tpu.memref_squeeze %dma_start3A_127 : memref<1x128xi32, #tpu.memory_space<vmem>> -> memref<128xi32, #tpu.memory_space<vmem>>
      %dma_start3A_129 = arith.constant 0 : i32
      %dma_start3A_130 = arith.constant 0 : i32
      %dma_start3A_131 = tpu.memref_slice %arg2[%dma_start3A_129, %dma_start3A_130] : memref<10000x128xf32, #tpu.memory_space<hbm>> -> memref<10000x128xf32, #tpu.memory_space<hbm>>
      tpu.enqueue_indirect_dma source(%dma_start3A_131 : memref<10000x128xf32, #tpu.memory_space<hbm>>) target(%arg9 : memref<128x128xf32, #tpu.memory_space<vmem>>) offsets(%dma_start3A_128 : memref<128xi32, #tpu.memory_space<vmem>>) semaphore(%arg12 : memref<!tpu.dma_semaphore, #tpu.memory_space<semaphore_mem>>)
      %dma_wait3A_132 = arith.constant 5 : i32
      %dma_wait3A_133 = arith.constant 0 : i32
      %dma_wait3A_134 = tpu.memref_slice %arg7[%dma_wait3A_132, %dma_wait3A_133] : memref<16x128xi32, #tpu.memory_space<vmem>> -> memref<1x128xi32, #tpu.memory_space<vmem>>
      %dma_wait3A_135 = tpu.memref_squeeze %dma_wait3A_134 : memref<1x128xi32, #tpu.memory_space<vmem>> -> memref<128xi32, #tpu.memory_space<vmem>>
      %dma_wait3A_136 = arith.constant 0 : i32
      %dma_wait3A_137 = arith.constant 0 : i32
      %dma_wait3A_138 = tpu.memref_slice %arg2[%dma_wait3A_136, %dma_wait3A_137] : memref<10000x128xf32, #tpu.memory_space<hbm>> -> memref<10000x128xf32, #tpu.memory_space<hbm>>
      tpu.wait_indirect_dma semaphore(%arg13 : memref<!tpu.dma_semaphore, #tpu.memory_space<semaphore_mem>>) src(%dma_wait3A_138 : memref<10000x128xf32, #tpu.memory_space<hbm>>) dst(%arg10 : memref<128x128xf32, #tpu.memory_space<vmem>>)
      %run_scoped3A_139 = arith.constant 5 : i32
      "tpu.region"() ({
        %run_scoped3A_283 = tpu.sem_alloc : memref<!tpu.dma_semaphore, #tpu.memory_space<semaphore_mem>>
        %dma_start3A_284 = arith.constant 0 : i32
        %dma_start3A_285 = tpu.memref_slice %arg8[%run_scoped3A_139, %dma_start3A_284] : memref<16x128xi32, #tpu.memory_space<vmem>> -> memref<1x128xi32, #tpu.memory_space<vmem>>
        %dma_start3A_286 = tpu.memref_squeeze %dma_start3A_285 : memref<1x128xi32, #tpu.memory_space<vmem>> -> memref<128xi32, #tpu.memory_space<vmem>>
        %dma_start3A_287 = arith.constant 0 : i32
        %dma_start3A_288 = arith.constant 0 : i32
        %dma_start3A_289 = tpu.memref_slice %arg11[%dma_start3A_287, %dma_start3A_288] : memref<10112x128xf32, #tpu.memory_space<vmem_shared>> -> memref<10112x128xf32, #tpu.memory_space<vmem_shared>>
        tpu.enqueue_indirect_dma source(%arg10 : memref<128x128xf32, #tpu.memory_space<vmem>>) target(%dma_start3A_289 : memref<10112x128xf32, #tpu.memory_space<vmem_shared>>) offsets(%dma_start3A_286 : memref<128xi32, #tpu.memory_space<vmem>>) semaphore(%run_scoped3A_283 : memref<!tpu.dma_semaphore, #tpu.memory_space<semaphore_mem>>) {add = true}
        %dma_wait3A_290 = arith.constant 0 : i32
        %dma_wait3A_291 = tpu.memref_slice %arg8[%run_scoped3A_139, %dma_wait3A_290] : memref<16x128xi32, #tpu.memory_space<vmem>> -> memref<1x128xi32, #tpu.memory_space<vmem>>
        %dma_wait3A_292 = tpu.memref_squeeze %dma_wait3A_291 : memref<1x128xi32, #tpu.memory_space<vmem>> -> memref<128xi32, #tpu.memory_space<vmem>>
        %dma_wait3A_293 = arith.constant 0 : i32
        %dma_wait3A_294 = arith.constant 0 : i32
        %dma_wait3A_295 = tpu.memref_slice %arg11[%dma_wait3A_293, %dma_wait3A_294] : memref<10112x128xf32, #tpu.memory_space<vmem_shared>> -> memref<10112x128xf32, #tpu.memory_space<vmem_shared>>
        tpu.wait_indirect_dma semaphore(%run_scoped3A_283 : memref<!tpu.dma_semaphore, #tpu.memory_space<semaphore_mem>>) src(%arg10 : memref<128x128xf32, #tpu.memory_space<vmem>>) dst(%dma_wait3A_295 : memref<10112x128xf32, #tpu.memory_space<vmem_shared>>)
        tpu.yield
      }) : () -> ()
      %dma_start3A_140 = arith.constant 7 : i32
      %dma_start3A_141 = arith.constant 0 : i32
      %dma_start3A_142 = tpu.memref_slice %arg7[%dma_start3A_140, %dma_start3A_141] : memref<16x128xi32, #tpu.memory_space<vmem>> -> memref<1x128xi32, #tpu.memory_space<vmem>>
      %dma_start3A_143 = tpu.memref_squeeze %dma_start3A_142 : memref<1x128xi32, #tpu.memory_space<vmem>> -> memref<128xi32, #tpu.memory_space<vmem>>
      %dma_start3A_144 = arith.constant 0 : i32
      %dma_start3A_145 = arith.constant 0 : i32
      %dma_start3A_146 = tpu.memref_slice %arg2[%dma_start3A_144, %dma_start3A_145] : memref<10000x128xf32, #tpu.memory_space<hbm>> -> memref<10000x128xf32, #tpu.memory_space<hbm>>
      tpu.enqueue_indirect_dma source(%dma_start3A_146 : memref<10000x128xf32, #tpu.memory_space<hbm>>) target(%arg10 : memref<128x128xf32, #tpu.memory_space<vmem>>) offsets(%dma_start3A_143 : memref<128xi32, #tpu.memory_space<vmem>>) semaphore(%arg13 : memref<!tpu.dma_semaphore, #tpu.memory_space<semaphore_mem>>)
      %dma_wait3A_147 = arith.constant 6 : i32
      %dma_wait3A_148 = arith.constant 0 : i32
      %dma_wait3A_149 = tpu.memref_slice %arg7[%dma_wait3A_147, %dma_wait3A_148] : memref<16x128xi32, #tpu.memory_space<vmem>> -> memref<1x128xi32, #tpu.memory_space<vmem>>
      %dma_wait3A_150 = tpu.memref_squeeze %dma_wait3A_149 : memref<1x128xi32, #tpu.memory_space<vmem>> -> memref<128xi32, #tpu.memory_space<vmem>>
      %dma_wait3A_151 = arith.constant 0 : i32
      %dma_wait3A_152 = arith.constant 0 : i32
      %dma_wait3A_153 = tpu.memref_slice %arg2[%dma_wait3A_151, %dma_wait3A_152] : memref<10000x128xf32, #tpu.memory_space<hbm>> -> memref<10000x128xf32, #tpu.memory_space<hbm>>
      tpu.wait_indirect_dma semaphore(%arg12 : memref<!tpu.dma_semaphore, #tpu.memory_space<semaphore_mem>>) src(%dma_wait3A_153 : memref<10000x128xf32, #tpu.memory_space<hbm>>) dst(%arg9 : memref<128x128xf32, #tpu.memory_space<vmem>>)
      %run_scoped3A_154 = arith.constant 6 : i32
      "tpu.region"() ({
        %run_scoped3A_283 = tpu.sem_alloc : memref<!tpu.dma_semaphore, #tpu.memory_space<semaphore_mem>>
        %dma_start3A_284 = arith.constant 0 : i32
        %dma_start3A_285 = tpu.memref_slice %arg8[%run_scoped3A_154, %dma_start3A_284] : memref<16x128xi32, #tpu.memory_space<vmem>> -> memref<1x128xi32, #tpu.memory_space<vmem>>
        %dma_start3A_286 = tpu.memref_squeeze %dma_start3A_285 : memref<1x128xi32, #tpu.memory_space<vmem>> -> memref<128xi32, #tpu.memory_space<vmem>>
        %dma_start3A_287 = arith.constant 0 : i32
        %dma_start3A_288 = arith.constant 0 : i32
        %dma_start3A_289 = tpu.memref_slice %arg11[%dma_start3A_287, %dma_start3A_288] : memref<10112x128xf32, #tpu.memory_space<vmem_shared>> -> memref<10112x128xf32, #tpu.memory_space<vmem_shared>>
        tpu.enqueue_indirect_dma source(%arg9 : memref<128x128xf32, #tpu.memory_space<vmem>>) target(%dma_start3A_289 : memref<10112x128xf32, #tpu.memory_space<vmem_shared>>) offsets(%dma_start3A_286 : memref<128xi32, #tpu.memory_space<vmem>>) semaphore(%run_scoped3A_283 : memref<!tpu.dma_semaphore, #tpu.memory_space<semaphore_mem>>) {add = true}
        %dma_wait3A_290 = arith.constant 0 : i32
        %dma_wait3A_291 = tpu.memref_slice %arg8[%run_scoped3A_154, %dma_wait3A_290] : memref<16x128xi32, #tpu.memory_space<vmem>> -> memref<1x128xi32, #tpu.memory_space<vmem>>
        %dma_wait3A_292 = tpu.memref_squeeze %dma_wait3A_291 : memref<1x128xi32, #tpu.memory_space<vmem>> -> memref<128xi32, #tpu.memory_space<vmem>>
        %dma_wait3A_293 = arith.constant 0 : i32
        %dma_wait3A_294 = arith.constant 0 : i32
        %dma_wait3A_295 = tpu.memref_slice %arg11[%dma_wait3A_293, %dma_wait3A_294] : memref<10112x128xf32, #tpu.memory_space<vmem_shared>> -> memref<10112x128xf32, #tpu.memory_space<vmem_shared>>
        tpu.wait_indirect_dma semaphore(%run_scoped3A_283 : memref<!tpu.dma_semaphore, #tpu.memory_space<semaphore_mem>>) src(%arg9 : memref<128x128xf32, #tpu.memory_space<vmem>>) dst(%dma_wait3A_295 : memref<10112x128xf32, #tpu.memory_space<vmem_shared>>)
        tpu.yield
      }) : () -> ()
      %dma_start3A_155 = arith.constant 8 : i32
      %dma_start3A_156 = arith.constant 0 : i32
      %dma_start3A_157 = tpu.memref_slice %arg7[%dma_start3A_155, %dma_start3A_156] : memref<16x128xi32, #tpu.memory_space<vmem>> -> memref<1x128xi32, #tpu.memory_space<vmem>>
      %dma_start3A_158 = tpu.memref_squeeze %dma_start3A_157 : memref<1x128xi32, #tpu.memory_space<vmem>> -> memref<128xi32, #tpu.memory_space<vmem>>
      %dma_start3A_159 = arith.constant 0 : i32
      %dma_start3A_160 = arith.constant 0 : i32
      %dma_start3A_161 = tpu.memref_slice %arg2[%dma_start3A_159, %dma_start3A_160] : memref<10000x128xf32, #tpu.memory_space<hbm>> -> memref<10000x128xf32, #tpu.memory_space<hbm>>
      tpu.enqueue_indirect_dma source(%dma_start3A_161 : memref<10000x128xf32, #tpu.memory_space<hbm>>) target(%arg9 : memref<128x128xf32, #tpu.memory_space<vmem>>) offsets(%dma_start3A_158 : memref<128xi32, #tpu.memory_space<vmem>>) semaphore(%arg12 : memref<!tpu.dma_semaphore, #tpu.memory_space<semaphore_mem>>)
      %dma_wait3A_162 = arith.constant 7 : i32
      %dma_wait3A_163 = arith.constant 0 : i32
      %dma_wait3A_164 = tpu.memref_slice %arg7[%dma_wait3A_162, %dma_wait3A_163] : memref<16x128xi32, #tpu.memory_space<vmem>> -> memref<1x128xi32, #tpu.memory_space<vmem>>
      %dma_wait3A_165 = tpu.memref_squeeze %dma_wait3A_164 : memref<1x128xi32, #tpu.memory_space<vmem>> -> memref<128xi32, #tpu.memory_space<vmem>>
      %dma_wait3A_166 = arith.constant 0 : i32
      %dma_wait3A_167 = arith.constant 0 : i32
      %dma_wait3A_168 = tpu.memref_slice %arg2[%dma_wait3A_166, %dma_wait3A_167] : memref<10000x128xf32, #tpu.memory_space<hbm>> -> memref<10000x128xf32, #tpu.memory_space<hbm>>
      tpu.wait_indirect_dma semaphore(%arg13 : memref<!tpu.dma_semaphore, #tpu.memory_space<semaphore_mem>>) src(%dma_wait3A_168 : memref<10000x128xf32, #tpu.memory_space<hbm>>) dst(%arg10 : memref<128x128xf32, #tpu.memory_space<vmem>>)
      %run_scoped3A_169 = arith.constant 7 : i32
      "tpu.region"() ({
        %run_scoped3A_283 = tpu.sem_alloc : memref<!tpu.dma_semaphore, #tpu.memory_space<semaphore_mem>>
        %dma_start3A_284 = arith.constant 0 : i32
        %dma_start3A_285 = tpu.memref_slice %arg8[%run_scoped3A_169, %dma_start3A_284] : memref<16x128xi32, #tpu.memory_space<vmem>> -> memref<1x128xi32, #tpu.memory_space<vmem>>
        %dma_start3A_286 = tpu.memref_squeeze %dma_start3A_285 : memref<1x128xi32, #tpu.memory_space<vmem>> -> memref<128xi32, #tpu.memory_space<vmem>>
        %dma_start3A_287 = arith.constant 0 : i32
        %dma_start3A_288 = arith.constant 0 : i32
        %dma_start3A_289 = tpu.memref_slice %arg11[%dma_start3A_287, %dma_start3A_288] : memref<10112x128xf32, #tpu.memory_space<vmem_shared>> -> memref<10112x128xf32, #tpu.memory_space<vmem_shared>>
        tpu.enqueue_indirect_dma source(%arg10 : memref<128x128xf32, #tpu.memory_space<vmem>>) target(%dma_start3A_289 : memref<10112x128xf32, #tpu.memory_space<vmem_shared>>) offsets(%dma_start3A_286 : memref<128xi32, #tpu.memory_space<vmem>>) semaphore(%run_scoped3A_283 : memref<!tpu.dma_semaphore, #tpu.memory_space<semaphore_mem>>) {add = true}
        %dma_wait3A_290 = arith.constant 0 : i32
        %dma_wait3A_291 = tpu.memref_slice %arg8[%run_scoped3A_169, %dma_wait3A_290] : memref<16x128xi32, #tpu.memory_space<vmem>> -> memref<1x128xi32, #tpu.memory_space<vmem>>
        %dma_wait3A_292 = tpu.memref_squeeze %dma_wait3A_291 : memref<1x128xi32, #tpu.memory_space<vmem>> -> memref<128xi32, #tpu.memory_space<vmem>>
        %dma_wait3A_293 = arith.constant 0 : i32
        %dma_wait3A_294 = arith.constant 0 : i32
        %dma_wait3A_295 = tpu.memref_slice %arg11[%dma_wait3A_293, %dma_wait3A_294] : memref<10112x128xf32, #tpu.memory_space<vmem_shared>> -> memref<10112x128xf32, #tpu.memory_space<vmem_shared>>
        tpu.wait_indirect_dma semaphore(%run_scoped3A_283 : memref<!tpu.dma_semaphore, #tpu.memory_space<semaphore_mem>>) src(%arg10 : memref<128x128xf32, #tpu.memory_space<vmem>>) dst(%dma_wait3A_295 : memref<10112x128xf32, #tpu.memory_space<vmem_shared>>)
        tpu.yield
      }) : () -> ()
      %dma_start3A_170 = arith.constant 9 : i32
      %dma_start3A_171 = arith.constant 0 : i32
      %dma_start3A_172 = tpu.memref_slice %arg7[%dma_start3A_170, %dma_start3A_171] : memref<16x128xi32, #tpu.memory_space<vmem>> -> memref<1x128xi32, #tpu.memory_space<vmem>>
      %dma_start3A_173 = tpu.memref_squeeze %dma_start3A_172 : memref<1x128xi32, #tpu.memory_space<vmem>> -> memref<128xi32, #tpu.memory_space<vmem>>
      %dma_start3A_174 = arith.constant 0 : i32
      %dma_start3A_175 = arith.constant 0 : i32
      %dma_start3A_176 = tpu.memref_slice %arg2[%dma_start3A_174, %dma_start3A_175] : memref<10000x128xf32, #tpu.memory_space<hbm>> -> memref<10000x128xf32, #tpu.memory_space<hbm>>
      tpu.enqueue_indirect_dma source(%dma_start3A_176 : memref<10000x128xf32, #tpu.memory_space<hbm>>) target(%arg10 : memref<128x128xf32, #tpu.memory_space<vmem>>) offsets(%dma_start3A_173 : memref<128xi32, #tpu.memory_space<vmem>>) semaphore(%arg13 : memref<!tpu.dma_semaphore, #tpu.memory_space<semaphore_mem>>)
      %dma_wait3A_177 = arith.constant 8 : i32
      %dma_wait3A_178 = arith.constant 0 : i32
      %dma_wait3A_179 = tpu.memref_slice %arg7[%dma_wait3A_177, %dma_wait3A_178] : memref<16x128xi32, #tpu.memory_space<vmem>> -> memref<1x128xi32, #tpu.memory_space<vmem>>
      %dma_wait3A_180 = tpu.memref_squeeze %dma_wait3A_179 : memref<1x128xi32, #tpu.memory_space<vmem>> -> memref<128xi32, #tpu.memory_space<vmem>>
      %dma_wait3A_181 = arith.constant 0 : i32
      %dma_wait3A_182 = arith.constant 0 : i32
      %dma_wait3A_183 = tpu.memref_slice %arg2[%dma_wait3A_181, %dma_wait3A_182] : memref<10000x128xf32, #tpu.memory_space<hbm>> -> memref<10000x128xf32, #tpu.memory_space<hbm>>
      tpu.wait_indirect_dma semaphore(%arg12 : memref<!tpu.dma_semaphore, #tpu.memory_space<semaphore_mem>>) src(%dma_wait3A_183 : memref<10000x128xf32, #tpu.memory_space<hbm>>) dst(%arg9 : memref<128x128xf32, #tpu.memory_space<vmem>>)
      %run_scoped3A_184 = arith.constant 8 : i32
      "tpu.region"() ({
        %run_scoped3A_283 = tpu.sem_alloc : memref<!tpu.dma_semaphore, #tpu.memory_space<semaphore_mem>>
        %dma_start3A_284 = arith.constant 0 : i32
        %dma_start3A_285 = tpu.memref_slice %arg8[%run_scoped3A_184, %dma_start3A_284] : memref<16x128xi32, #tpu.memory_space<vmem>> -> memref<1x128xi32, #tpu.memory_space<vmem>>
        %dma_start3A_286 = tpu.memref_squeeze %dma_start3A_285 : memref<1x128xi32, #tpu.memory_space<vmem>> -> memref<128xi32, #tpu.memory_space<vmem>>
        %dma_start3A_287 = arith.constant 0 : i32
        %dma_start3A_288 = arith.constant 0 : i32
        %dma_start3A_289 = tpu.memref_slice %arg11[%dma_start3A_287, %dma_start3A_288] : memref<10112x128xf32, #tpu.memory_space<vmem_shared>> -> memref<10112x128xf32, #tpu.memory_space<vmem_shared>>
        tpu.enqueue_indirect_dma source(%arg9 : memref<128x128xf32, #tpu.memory_space<vmem>>) target(%dma_start3A_289 : memref<10112x128xf32, #tpu.memory_space<vmem_shared>>) offsets(%dma_start3A_286 : memref<128xi32, #tpu.memory_space<vmem>>) semaphore(%run_scoped3A_283 : memref<!tpu.dma_semaphore, #tpu.memory_space<semaphore_mem>>) {add = true}
        %dma_wait3A_290 = arith.constant 0 : i32
        %dma_wait3A_291 = tpu.memref_slice %arg8[%run_scoped3A_184, %dma_wait3A_290] : memref<16x128xi32, #tpu.memory_space<vmem>> -> memref<1x128xi32, #tpu.memory_space<vmem>>
        %dma_wait3A_292 = tpu.memref_squeeze %dma_wait3A_291 : memref<1x128xi32, #tpu.memory_space<vmem>> -> memref<128xi32, #tpu.memory_space<vmem>>
        %dma_wait3A_293 = arith.constant 0 : i32
        %dma_wait3A_294 = arith.constant 0 : i32
        %dma_wait3A_295 = tpu.memref_slice %arg11[%dma_wait3A_293, %dma_wait3A_294] : memref<10112x128xf32, #tpu.memory_space<vmem_shared>> -> memref<10112x128xf32, #tpu.memory_space<vmem_shared>>
        tpu.wait_indirect_dma semaphore(%run_scoped3A_283 : memref<!tpu.dma_semaphore, #tpu.memory_space<semaphore_mem>>) src(%arg9 : memref<128x128xf32, #tpu.memory_space<vmem>>) dst(%dma_wait3A_295 : memref<10112x128xf32, #tpu.memory_space<vmem_shared>>)
        tpu.yield
      }) : () -> ()
      %dma_start3A_185 = arith.constant 10 : i32
      %dma_start3A_186 = arith.constant 0 : i32
      %dma_start3A_187 = tpu.memref_slice %arg7[%dma_start3A_185, %dma_start3A_186] : memref<16x128xi32, #tpu.memory_space<vmem>> -> memref<1x128xi32, #tpu.memory_space<vmem>>
      %dma_start3A_188 = tpu.memref_squeeze %dma_start3A_187 : memref<1x128xi32, #tpu.memory_space<vmem>> -> memref<128xi32, #tpu.memory_space<vmem>>
      %dma_start3A_189 = arith.constant 0 : i32
      %dma_start3A_190 = arith.constant 0 : i32
      %dma_start3A_191 = tpu.memref_slice %arg2[%dma_start3A_189, %dma_start3A_190] : memref<10000x128xf32, #tpu.memory_space<hbm>> -> memref<10000x128xf32, #tpu.memory_space<hbm>>
      tpu.enqueue_indirect_dma source(%dma_start3A_191 : memref<10000x128xf32, #tpu.memory_space<hbm>>) target(%arg9 : memref<128x128xf32, #tpu.memory_space<vmem>>) offsets(%dma_start3A_188 : memref<128xi32, #tpu.memory_space<vmem>>) semaphore(%arg12 : memref<!tpu.dma_semaphore, #tpu.memory_space<semaphore_mem>>)
      %dma_wait3A_192 = arith.constant 9 : i32
      %dma_wait3A_193 = arith.constant 0 : i32
      %dma_wait3A_194 = tpu.memref_slice %arg7[%dma_wait3A_192, %dma_wait3A_193] : memref<16x128xi32, #tpu.memory_space<vmem>> -> memref<1x128xi32, #tpu.memory_space<vmem>>
      %dma_wait3A_195 = tpu.memref_squeeze %dma_wait3A_194 : memref<1x128xi32, #tpu.memory_space<vmem>> -> memref<128xi32, #tpu.memory_space<vmem>>
      %dma_wait3A_196 = arith.constant 0 : i32
      %dma_wait3A_197 = arith.constant 0 : i32
      %dma_wait3A_198 = tpu.memref_slice %arg2[%dma_wait3A_196, %dma_wait3A_197] : memref<10000x128xf32, #tpu.memory_space<hbm>> -> memref<10000x128xf32, #tpu.memory_space<hbm>>
      tpu.wait_indirect_dma semaphore(%arg13 : memref<!tpu.dma_semaphore, #tpu.memory_space<semaphore_mem>>) src(%dma_wait3A_198 : memref<10000x128xf32, #tpu.memory_space<hbm>>) dst(%arg10 : memref<128x128xf32, #tpu.memory_space<vmem>>)
      %run_scoped3A_199 = arith.constant 9 : i32
      "tpu.region"() ({
        %run_scoped3A_283 = tpu.sem_alloc : memref<!tpu.dma_semaphore, #tpu.memory_space<semaphore_mem>>
        %dma_start3A_284 = arith.constant 0 : i32
        %dma_start3A_285 = tpu.memref_slice %arg8[%run_scoped3A_199, %dma_start3A_284] : memref<16x128xi32, #tpu.memory_space<vmem>> -> memref<1x128xi32, #tpu.memory_space<vmem>>
        %dma_start3A_286 = tpu.memref_squeeze %dma_start3A_285 : memref<1x128xi32, #tpu.memory_space<vmem>> -> memref<128xi32, #tpu.memory_space<vmem>>
        %dma_start3A_287 = arith.constant 0 : i32
        %dma_start3A_288 = arith.constant 0 : i32
        %dma_start3A_289 = tpu.memref_slice %arg11[%dma_start3A_287, %dma_start3A_288] : memref<10112x128xf32, #tpu.memory_space<vmem_shared>> -> memref<10112x128xf32, #tpu.memory_space<vmem_shared>>
        tpu.enqueue_indirect_dma source(%arg10 : memref<128x128xf32, #tpu.memory_space<vmem>>) target(%dma_start3A_289 : memref<10112x128xf32, #tpu.memory_space<vmem_shared>>) offsets(%dma_start3A_286 : memref<128xi32, #tpu.memory_space<vmem>>) semaphore(%run_scoped3A_283 : memref<!tpu.dma_semaphore, #tpu.memory_space<semaphore_mem>>) {add = true}
        %dma_wait3A_290 = arith.constant 0 : i32
        %dma_wait3A_291 = tpu.memref_slice %arg8[%run_scoped3A_199, %dma_wait3A_290] : memref<16x128xi32, #tpu.memory_space<vmem>> -> memref<1x128xi32, #tpu.memory_space<vmem>>
        %dma_wait3A_292 = tpu.memref_squeeze %dma_wait3A_291 : memref<1x128xi32, #tpu.memory_space<vmem>> -> memref<128xi32, #tpu.memory_space<vmem>>
        %dma_wait3A_293 = arith.constant 0 : i32
        %dma_wait3A_294 = arith.constant 0 : i32
        %dma_wait3A_295 = tpu.memref_slice %arg11[%dma_wait3A_293, %dma_wait3A_294] : memref<10112x128xf32, #tpu.memory_space<vmem_shared>> -> memref<10112x128xf32, #tpu.memory_space<vmem_shared>>
        tpu.wait_indirect_dma semaphore(%run_scoped3A_283 : memref<!tpu.dma_semaphore, #tpu.memory_space<semaphore_mem>>) src(%arg10 : memref<128x128xf32, #tpu.memory_space<vmem>>) dst(%dma_wait3A_295 : memref<10112x128xf32, #tpu.memory_space<vmem_shared>>)
        tpu.yield
      }) : () -> ()
      %dma_start3A_200 = arith.constant 11 : i32
      %dma_start3A_201 = arith.constant 0 : i32
      %dma_start3A_202 = tpu.memref_slice %arg7[%dma_start3A_200, %dma_start3A_201] : memref<16x128xi32, #tpu.memory_space<vmem>> -> memref<1x128xi32, #tpu.memory_space<vmem>>
      %dma_start3A_203 = tpu.memref_squeeze %dma_start3A_202 : memref<1x128xi32, #tpu.memory_space<vmem>> -> memref<128xi32, #tpu.memory_space<vmem>>
      %dma_start3A_204 = arith.constant 0 : i32
      %dma_start3A_205 = arith.constant 0 : i32
      %dma_start3A_206 = tpu.memref_slice %arg2[%dma_start3A_204, %dma_start3A_205] : memref<10000x128xf32, #tpu.memory_space<hbm>> -> memref<10000x128xf32, #tpu.memory_space<hbm>>
      tpu.enqueue_indirect_dma source(%dma_start3A_206 : memref<10000x128xf32, #tpu.memory_space<hbm>>) target(%arg10 : memref<128x128xf32, #tpu.memory_space<vmem>>) offsets(%dma_start3A_203 : memref<128xi32, #tpu.memory_space<vmem>>) semaphore(%arg13 : memref<!tpu.dma_semaphore, #tpu.memory_space<semaphore_mem>>)
      %dma_wait3A_207 = arith.constant 10 : i32
      %dma_wait3A_208 = arith.constant 0 : i32
      %dma_wait3A_209 = tpu.memref_slice %arg7[%dma_wait3A_207, %dma_wait3A_208] : memref<16x128xi32, #tpu.memory_space<vmem>> -> memref<1x128xi32, #tpu.memory_space<vmem>>
      %dma_wait3A_210 = tpu.memref_squeeze %dma_wait3A_209 : memref<1x128xi32, #tpu.memory_space<vmem>> -> memref<128xi32, #tpu.memory_space<vmem>>
      %dma_wait3A_211 = arith.constant 0 : i32
      %dma_wait3A_212 = arith.constant 0 : i32
      %dma_wait3A_213 = tpu.memref_slice %arg2[%dma_wait3A_211, %dma_wait3A_212] : memref<10000x128xf32, #tpu.memory_space<hbm>> -> memref<10000x128xf32, #tpu.memory_space<hbm>>
      tpu.wait_indirect_dma semaphore(%arg12 : memref<!tpu.dma_semaphore, #tpu.memory_space<semaphore_mem>>) src(%dma_wait3A_213 : memref<10000x128xf32, #tpu.memory_space<hbm>>) dst(%arg9 : memref<128x128xf32, #tpu.memory_space<vmem>>)
      %run_scoped3A_214 = arith.constant 10 : i32
      "tpu.region"() ({
        %run_scoped3A_283 = tpu.sem_alloc : memref<!tpu.dma_semaphore, #tpu.memory_space<semaphore_mem>>
        %dma_start3A_284 = arith.constant 0 : i32
        %dma_start3A_285 = tpu.memref_slice %arg8[%run_scoped3A_214, %dma_start3A_284] : memref<16x128xi32, #tpu.memory_space<vmem>> -> memref<1x128xi32, #tpu.memory_space<vmem>>
        %dma_start3A_286 = tpu.memref_squeeze %dma_start3A_285 : memref<1x128xi32, #tpu.memory_space<vmem>> -> memref<128xi32, #tpu.memory_space<vmem>>
        %dma_start3A_287 = arith.constant 0 : i32
        %dma_start3A_288 = arith.constant 0 : i32
        %dma_start3A_289 = tpu.memref_slice %arg11[%dma_start3A_287, %dma_start3A_288] : memref<10112x128xf32, #tpu.memory_space<vmem_shared>> -> memref<10112x128xf32, #tpu.memory_space<vmem_shared>>
        tpu.enqueue_indirect_dma source(%arg9 : memref<128x128xf32, #tpu.memory_space<vmem>>) target(%dma_start3A_289 : memref<10112x128xf32, #tpu.memory_space<vmem_shared>>) offsets(%dma_start3A_286 : memref<128xi32, #tpu.memory_space<vmem>>) semaphore(%run_scoped3A_283 : memref<!tpu.dma_semaphore, #tpu.memory_space<semaphore_mem>>) {add = true}
        %dma_wait3A_290 = arith.constant 0 : i32
        %dma_wait3A_291 = tpu.memref_slice %arg8[%run_scoped3A_214, %dma_wait3A_290] : memref<16x128xi32, #tpu.memory_space<vmem>> -> memref<1x128xi32, #tpu.memory_space<vmem>>
        %dma_wait3A_292 = tpu.memref_squeeze %dma_wait3A_291 : memref<1x128xi32, #tpu.memory_space<vmem>> -> memref<128xi32, #tpu.memory_space<vmem>>
        %dma_wait3A_293 = arith.constant 0 : i32
        %dma_wait3A_294 = arith.constant 0 : i32
        %dma_wait3A_295 = tpu.memref_slice %arg11[%dma_wait3A_293, %dma_wait3A_294] : memref<10112x128xf32, #tpu.memory_space<vmem_shared>> -> memref<10112x128xf32, #tpu.memory_space<vmem_shared>>
        tpu.wait_indirect_dma semaphore(%run_scoped3A_283 : memref<!tpu.dma_semaphore, #tpu.memory_space<semaphore_mem>>) src(%arg9 : memref<128x128xf32, #tpu.memory_space<vmem>>) dst(%dma_wait3A_295 : memref<10112x128xf32, #tpu.memory_space<vmem_shared>>)
        tpu.yield
      }) : () -> ()
      %dma_start3A_215 = arith.constant 12 : i32
      %dma_start3A_216 = arith.constant 0 : i32
      %dma_start3A_217 = tpu.memref_slice %arg7[%dma_start3A_215, %dma_start3A_216] : memref<16x128xi32, #tpu.memory_space<vmem>> -> memref<1x128xi32, #tpu.memory_space<vmem>>
      %dma_start3A_218 = tpu.memref_squeeze %dma_start3A_217 : memref<1x128xi32, #tpu.memory_space<vmem>> -> memref<128xi32, #tpu.memory_space<vmem>>
      %dma_start3A_219 = arith.constant 0 : i32
      %dma_start3A_220 = arith.constant 0 : i32
      %dma_start3A_221 = tpu.memref_slice %arg2[%dma_start3A_219, %dma_start3A_220] : memref<10000x128xf32, #tpu.memory_space<hbm>> -> memref<10000x128xf32, #tpu.memory_space<hbm>>
      tpu.enqueue_indirect_dma source(%dma_start3A_221 : memref<10000x128xf32, #tpu.memory_space<hbm>>) target(%arg9 : memref<128x128xf32, #tpu.memory_space<vmem>>) offsets(%dma_start3A_218 : memref<128xi32, #tpu.memory_space<vmem>>) semaphore(%arg12 : memref<!tpu.dma_semaphore, #tpu.memory_space<semaphore_mem>>)
      %dma_wait3A_222 = arith.constant 11 : i32
      %dma_wait3A_223 = arith.constant 0 : i32
      %dma_wait3A_224 = tpu.memref_slice %arg7[%dma_wait3A_222, %dma_wait3A_223] : memref<16x128xi32, #tpu.memory_space<vmem>> -> memref<1x128xi32, #tpu.memory_space<vmem>>
      %dma_wait3A_225 = tpu.memref_squeeze %dma_wait3A_224 : memref<1x128xi32, #tpu.memory_space<vmem>> -> memref<128xi32, #tpu.memory_space<vmem>>
      %dma_wait3A_226 = arith.constant 0 : i32
      %dma_wait3A_227 = arith.constant 0 : i32
      %dma_wait3A_228 = tpu.memref_slice %arg2[%dma_wait3A_226, %dma_wait3A_227] : memref<10000x128xf32, #tpu.memory_space<hbm>> -> memref<10000x128xf32, #tpu.memory_space<hbm>>
      tpu.wait_indirect_dma semaphore(%arg13 : memref<!tpu.dma_semaphore, #tpu.memory_space<semaphore_mem>>) src(%dma_wait3A_228 : memref<10000x128xf32, #tpu.memory_space<hbm>>) dst(%arg10 : memref<128x128xf32, #tpu.memory_space<vmem>>)
      %run_scoped3A_229 = arith.constant 11 : i32
      "tpu.region"() ({
        %run_scoped3A_283 = tpu.sem_alloc : memref<!tpu.dma_semaphore, #tpu.memory_space<semaphore_mem>>
        %dma_start3A_284 = arith.constant 0 : i32
        %dma_start3A_285 = tpu.memref_slice %arg8[%run_scoped3A_229, %dma_start3A_284] : memref<16x128xi32, #tpu.memory_space<vmem>> -> memref<1x128xi32, #tpu.memory_space<vmem>>
        %dma_start3A_286 = tpu.memref_squeeze %dma_start3A_285 : memref<1x128xi32, #tpu.memory_space<vmem>> -> memref<128xi32, #tpu.memory_space<vmem>>
        %dma_start3A_287 = arith.constant 0 : i32
        %dma_start3A_288 = arith.constant 0 : i32
        %dma_start3A_289 = tpu.memref_slice %arg11[%dma_start3A_287, %dma_start3A_288] : memref<10112x128xf32, #tpu.memory_space<vmem_shared>> -> memref<10112x128xf32, #tpu.memory_space<vmem_shared>>
        tpu.enqueue_indirect_dma source(%arg10 : memref<128x128xf32, #tpu.memory_space<vmem>>) target(%dma_start3A_289 : memref<10112x128xf32, #tpu.memory_space<vmem_shared>>) offsets(%dma_start3A_286 : memref<128xi32, #tpu.memory_space<vmem>>) semaphore(%run_scoped3A_283 : memref<!tpu.dma_semaphore, #tpu.memory_space<semaphore_mem>>) {add = true}
        %dma_wait3A_290 = arith.constant 0 : i32
        %dma_wait3A_291 = tpu.memref_slice %arg8[%run_scoped3A_229, %dma_wait3A_290] : memref<16x128xi32, #tpu.memory_space<vmem>> -> memref<1x128xi32, #tpu.memory_space<vmem>>
        %dma_wait3A_292 = tpu.memref_squeeze %dma_wait3A_291 : memref<1x128xi32, #tpu.memory_space<vmem>> -> memref<128xi32, #tpu.memory_space<vmem>>
        %dma_wait3A_293 = arith.constant 0 : i32
        %dma_wait3A_294 = arith.constant 0 : i32
        %dma_wait3A_295 = tpu.memref_slice %arg11[%dma_wait3A_293, %dma_wait3A_294] : memref<10112x128xf32, #tpu.memory_space<vmem_shared>> -> memref<10112x128xf32, #tpu.memory_space<vmem_shared>>
        tpu.wait_indirect_dma semaphore(%run_scoped3A_283 : memref<!tpu.dma_semaphore, #tpu.memory_space<semaphore_mem>>) src(%arg10 : memref<128x128xf32, #tpu.memory_space<vmem>>) dst(%dma_wait3A_295 : memref<10112x128xf32, #tpu.memory_space<vmem_shared>>)
        tpu.yield
      }) : () -> ()
      %dma_start3A_230 = arith.constant 13 : i32
      %dma_start3A_231 = arith.constant 0 : i32
      %dma_start3A_232 = tpu.memref_slice %arg7[%dma_start3A_230, %dma_start3A_231] : memref<16x128xi32, #tpu.memory_space<vmem>> -> memref<1x128xi32, #tpu.memory_space<vmem>>
      %dma_start3A_233 = tpu.memref_squeeze %dma_start3A_232 : memref<1x128xi32, #tpu.memory_space<vmem>> -> memref<128xi32, #tpu.memory_space<vmem>>
      %dma_start3A_234 = arith.constant 0 : i32
      %dma_start3A_235 = arith.constant 0 : i32
      %dma_start3A_236 = tpu.memref_slice %arg2[%dma_start3A_234, %dma_start3A_235] : memref<10000x128xf32, #tpu.memory_space<hbm>> -> memref<10000x128xf32, #tpu.memory_space<hbm>>
      tpu.enqueue_indirect_dma source(%dma_start3A_236 : memref<10000x128xf32, #tpu.memory_space<hbm>>) target(%arg10 : memref<128x128xf32, #tpu.memory_space<vmem>>) offsets(%dma_start3A_233 : memref<128xi32, #tpu.memory_space<vmem>>) semaphore(%arg13 : memref<!tpu.dma_semaphore, #tpu.memory_space<semaphore_mem>>)
      %dma_wait3A_237 = arith.constant 12 : i32
      %dma_wait3A_238 = arith.constant 0 : i32
      %dma_wait3A_239 = tpu.memref_slice %arg7[%dma_wait3A_237, %dma_wait3A_238] : memref<16x128xi32, #tpu.memory_space<vmem>> -> memref<1x128xi32, #tpu.memory_space<vmem>>
      %dma_wait3A_240 = tpu.memref_squeeze %dma_wait3A_239 : memref<1x128xi32, #tpu.memory_space<vmem>> -> memref<128xi32, #tpu.memory_space<vmem>>
      %dma_wait3A_241 = arith.constant 0 : i32
      %dma_wait3A_242 = arith.constant 0 : i32
      %dma_wait3A_243 = tpu.memref_slice %arg2[%dma_wait3A_241, %dma_wait3A_242] : memref<10000x128xf32, #tpu.memory_space<hbm>> -> memref<10000x128xf32, #tpu.memory_space<hbm>>
      tpu.wait_indirect_dma semaphore(%arg12 : memref<!tpu.dma_semaphore, #tpu.memory_space<semaphore_mem>>) src(%dma_wait3A_243 : memref<10000x128xf32, #tpu.memory_space<hbm>>) dst(%arg9 : memref<128x128xf32, #tpu.memory_space<vmem>>)
      %run_scoped3A_244 = arith.constant 12 : i32
      "tpu.region"() ({
        %run_scoped3A_283 = tpu.sem_alloc : memref<!tpu.dma_semaphore, #tpu.memory_space<semaphore_mem>>
        %dma_start3A_284 = arith.constant 0 : i32
        %dma_start3A_285 = tpu.memref_slice %arg8[%run_scoped3A_244, %dma_start3A_284] : memref<16x128xi32, #tpu.memory_space<vmem>> -> memref<1x128xi32, #tpu.memory_space<vmem>>
        %dma_start3A_286 = tpu.memref_squeeze %dma_start3A_285 : memref<1x128xi32, #tpu.memory_space<vmem>> -> memref<128xi32, #tpu.memory_space<vmem>>
        %dma_start3A_287 = arith.constant 0 : i32
        %dma_start3A_288 = arith.constant 0 : i32
        %dma_start3A_289 = tpu.memref_slice %arg11[%dma_start3A_287, %dma_start3A_288] : memref<10112x128xf32, #tpu.memory_space<vmem_shared>> -> memref<10112x128xf32, #tpu.memory_space<vmem_shared>>
        tpu.enqueue_indirect_dma source(%arg9 : memref<128x128xf32, #tpu.memory_space<vmem>>) target(%dma_start3A_289 : memref<10112x128xf32, #tpu.memory_space<vmem_shared>>) offsets(%dma_start3A_286 : memref<128xi32, #tpu.memory_space<vmem>>) semaphore(%run_scoped3A_283 : memref<!tpu.dma_semaphore, #tpu.memory_space<semaphore_mem>>) {add = true}
        %dma_wait3A_290 = arith.constant 0 : i32
        %dma_wait3A_291 = tpu.memref_slice %arg8[%run_scoped3A_244, %dma_wait3A_290] : memref<16x128xi32, #tpu.memory_space<vmem>> -> memref<1x128xi32, #tpu.memory_space<vmem>>
        %dma_wait3A_292 = tpu.memref_squeeze %dma_wait3A_291 : memref<1x128xi32, #tpu.memory_space<vmem>> -> memref<128xi32, #tpu.memory_space<vmem>>
        %dma_wait3A_293 = arith.constant 0 : i32
        %dma_wait3A_294 = arith.constant 0 : i32
        %dma_wait3A_295 = tpu.memref_slice %arg11[%dma_wait3A_293, %dma_wait3A_294] : memref<10112x128xf32, #tpu.memory_space<vmem_shared>> -> memref<10112x128xf32, #tpu.memory_space<vmem_shared>>
        tpu.wait_indirect_dma semaphore(%run_scoped3A_283 : memref<!tpu.dma_semaphore, #tpu.memory_space<semaphore_mem>>) src(%arg9 : memref<128x128xf32, #tpu.memory_space<vmem>>) dst(%dma_wait3A_295 : memref<10112x128xf32, #tpu.memory_space<vmem_shared>>)
        tpu.yield
      }) : () -> ()
      %dma_start3A_245 = arith.constant 14 : i32
      %dma_start3A_246 = arith.constant 0 : i32
      %dma_start3A_247 = tpu.memref_slice %arg7[%dma_start3A_245, %dma_start3A_246] : memref<16x128xi32, #tpu.memory_space<vmem>> -> memref<1x128xi32, #tpu.memory_space<vmem>>
      %dma_start3A_248 = tpu.memref_squeeze %dma_start3A_247 : memref<1x128xi32, #tpu.memory_space<vmem>> -> memref<128xi32, #tpu.memory_space<vmem>>
      %dma_start3A_249 = arith.constant 0 : i32
      %dma_start3A_250 = arith.constant 0 : i32
      %dma_start3A_251 = tpu.memref_slice %arg2[%dma_start3A_249, %dma_start3A_250] : memref<10000x128xf32, #tpu.memory_space<hbm>> -> memref<10000x128xf32, #tpu.memory_space<hbm>>
      tpu.enqueue_indirect_dma source(%dma_start3A_251 : memref<10000x128xf32, #tpu.memory_space<hbm>>) target(%arg9 : memref<128x128xf32, #tpu.memory_space<vmem>>) offsets(%dma_start3A_248 : memref<128xi32, #tpu.memory_space<vmem>>) semaphore(%arg12 : memref<!tpu.dma_semaphore, #tpu.memory_space<semaphore_mem>>)
      %dma_wait3A_252 = arith.constant 13 : i32
      %dma_wait3A_253 = arith.constant 0 : i32
      %dma_wait3A_254 = tpu.memref_slice %arg7[%dma_wait3A_252, %dma_wait3A_253] : memref<16x128xi32, #tpu.memory_space<vmem>> -> memref<1x128xi32, #tpu.memory_space<vmem>>
      %dma_wait3A_255 = tpu.memref_squeeze %dma_wait3A_254 : memref<1x128xi32, #tpu.memory_space<vmem>> -> memref<128xi32, #tpu.memory_space<vmem>>
      %dma_wait3A_256 = arith.constant 0 : i32
      %dma_wait3A_257 = arith.constant 0 : i32
      %dma_wait3A_258 = tpu.memref_slice %arg2[%dma_wait3A_256, %dma_wait3A_257] : memref<10000x128xf32, #tpu.memory_space<hbm>> -> memref<10000x128xf32, #tpu.memory_space<hbm>>
      tpu.wait_indirect_dma semaphore(%arg13 : memref<!tpu.dma_semaphore, #tpu.memory_space<semaphore_mem>>) src(%dma_wait3A_258 : memref<10000x128xf32, #tpu.memory_space<hbm>>) dst(%arg10 : memref<128x128xf32, #tpu.memory_space<vmem>>)
      %run_scoped3A_259 = arith.constant 13 : i32
      "tpu.region"() ({
        %run_scoped3A_283 = tpu.sem_alloc : memref<!tpu.dma_semaphore, #tpu.memory_space<semaphore_mem>>
        %dma_start3A_284 = arith.constant 0 : i32
        %dma_start3A_285 = tpu.memref_slice %arg8[%run_scoped3A_259, %dma_start3A_284] : memref<16x128xi32, #tpu.memory_space<vmem>> -> memref<1x128xi32, #tpu.memory_space<vmem>>
        %dma_start3A_286 = tpu.memref_squeeze %dma_start3A_285 : memref<1x128xi32, #tpu.memory_space<vmem>> -> memref<128xi32, #tpu.memory_space<vmem>>
        %dma_start3A_287 = arith.constant 0 : i32
        %dma_start3A_288 = arith.constant 0 : i32
        %dma_start3A_289 = tpu.memref_slice %arg11[%dma_start3A_287, %dma_start3A_288] : memref<10112x128xf32, #tpu.memory_space<vmem_shared>> -> memref<10112x128xf32, #tpu.memory_space<vmem_shared>>
        tpu.enqueue_indirect_dma source(%arg10 : memref<128x128xf32, #tpu.memory_space<vmem>>) target(%dma_start3A_289 : memref<10112x128xf32, #tpu.memory_space<vmem_shared>>) offsets(%dma_start3A_286 : memref<128xi32, #tpu.memory_space<vmem>>) semaphore(%run_scoped3A_283 : memref<!tpu.dma_semaphore, #tpu.memory_space<semaphore_mem>>) {add = true}
        %dma_wait3A_290 = arith.constant 0 : i32
        %dma_wait3A_291 = tpu.memref_slice %arg8[%run_scoped3A_259, %dma_wait3A_290] : memref<16x128xi32, #tpu.memory_space<vmem>> -> memref<1x128xi32, #tpu.memory_space<vmem>>
        %dma_wait3A_292 = tpu.memref_squeeze %dma_wait3A_291 : memref<1x128xi32, #tpu.memory_space<vmem>> -> memref<128xi32, #tpu.memory_space<vmem>>
        %dma_wait3A_293 = arith.constant 0 : i32
        %dma_wait3A_294 = arith.constant 0 : i32
        %dma_wait3A_295 = tpu.memref_slice %arg11[%dma_wait3A_293, %dma_wait3A_294] : memref<10112x128xf32, #tpu.memory_space<vmem_shared>> -> memref<10112x128xf32, #tpu.memory_space<vmem_shared>>
        tpu.wait_indirect_dma semaphore(%run_scoped3A_283 : memref<!tpu.dma_semaphore, #tpu.memory_space<semaphore_mem>>) src(%arg10 : memref<128x128xf32, #tpu.memory_space<vmem>>) dst(%dma_wait3A_295 : memref<10112x128xf32, #tpu.memory_space<vmem_shared>>)
        tpu.yield
      }) : () -> ()
      %dma_start3A_260 = arith.constant 15 : i32
      %dma_start3A_261 = arith.constant 0 : i32
      %dma_start3A_262 = tpu.memref_slice %arg7[%dma_start3A_260, %dma_start3A_261] : memref<16x128xi32, #tpu.memory_space<vmem>> -> memref<1x128xi32, #tpu.memory_space<vmem>>
      %dma_start3A_263 = tpu.memref_squeeze %dma_start3A_262 : memref<1x128xi32, #tpu.memory_space<vmem>> -> memref<128xi32, #tpu.memory_space<vmem>>
      %dma_start3A_264 = arith.constant 0 : i32
      %dma_start3A_265 = arith.constant 0 : i32
      %dma_start3A_266 = tpu.memref_slice %arg2[%dma_start3A_264, %dma_start3A_265] : memref<10000x128xf32, #tpu.memory_space<hbm>> -> memref<10000x128xf32, #tpu.memory_space<hbm>>
      tpu.enqueue_indirect_dma source(%dma_start3A_266 : memref<10000x128xf32, #tpu.memory_space<hbm>>) target(%arg10 : memref<128x128xf32, #tpu.memory_space<vmem>>) offsets(%dma_start3A_263 : memref<128xi32, #tpu.memory_space<vmem>>) semaphore(%arg13 : memref<!tpu.dma_semaphore, #tpu.memory_space<semaphore_mem>>)
      %dma_wait3A_267 = arith.constant 14 : i32
      %dma_wait3A_268 = arith.constant 0 : i32
      %dma_wait3A_269 = tpu.memref_slice %arg7[%dma_wait3A_267, %dma_wait3A_268] : memref<16x128xi32, #tpu.memory_space<vmem>> -> memref<1x128xi32, #tpu.memory_space<vmem>>
      %dma_wait3A_270 = tpu.memref_squeeze %dma_wait3A_269 : memref<1x128xi32, #tpu.memory_space<vmem>> -> memref<128xi32, #tpu.memory_space<vmem>>
      %dma_wait3A_271 = arith.constant 0 : i32
      %dma_wait3A_272 = arith.constant 0 : i32
      %dma_wait3A_273 = tpu.memref_slice %arg2[%dma_wait3A_271, %dma_wait3A_272] : memref<10000x128xf32, #tpu.memory_space<hbm>> -> memref<10000x128xf32, #tpu.memory_space<hbm>>
      tpu.wait_indirect_dma semaphore(%arg12 : memref<!tpu.dma_semaphore, #tpu.memory_space<semaphore_mem>>) src(%dma_wait3A_273 : memref<10000x128xf32, #tpu.memory_space<hbm>>) dst(%arg9 : memref<128x128xf32, #tpu.memory_space<vmem>>)
      %run_scoped3A_274 = arith.constant 14 : i32
      "tpu.region"() ({
        %run_scoped3A_283 = tpu.sem_alloc : memref<!tpu.dma_semaphore, #tpu.memory_space<semaphore_mem>>
        %dma_start3A_284 = arith.constant 0 : i32
        %dma_start3A_285 = tpu.memref_slice %arg8[%run_scoped3A_274, %dma_start3A_284] : memref<16x128xi32, #tpu.memory_space<vmem>> -> memref<1x128xi32, #tpu.memory_space<vmem>>
        %dma_start3A_286 = tpu.memref_squeeze %dma_start3A_285 : memref<1x128xi32, #tpu.memory_space<vmem>> -> memref<128xi32, #tpu.memory_space<vmem>>
        %dma_start3A_287 = arith.constant 0 : i32
        %dma_start3A_288 = arith.constant 0 : i32
        %dma_start3A_289 = tpu.memref_slice %arg11[%dma_start3A_287, %dma_start3A_288] : memref<10112x128xf32, #tpu.memory_space<vmem_shared>> -> memref<10112x128xf32, #tpu.memory_space<vmem_shared>>
        tpu.enqueue_indirect_dma source(%arg9 : memref<128x128xf32, #tpu.memory_space<vmem>>) target(%dma_start3A_289 : memref<10112x128xf32, #tpu.memory_space<vmem_shared>>) offsets(%dma_start3A_286 : memref<128xi32, #tpu.memory_space<vmem>>) semaphore(%run_scoped3A_283 : memref<!tpu.dma_semaphore, #tpu.memory_space<semaphore_mem>>) {add = true}
        %dma_wait3A_290 = arith.constant 0 : i32
        %dma_wait3A_291 = tpu.memref_slice %arg8[%run_scoped3A_274, %dma_wait3A_290] : memref<16x128xi32, #tpu.memory_space<vmem>> -> memref<1x128xi32, #tpu.memory_space<vmem>>
        %dma_wait3A_292 = tpu.memref_squeeze %dma_wait3A_291 : memref<1x128xi32, #tpu.memory_space<vmem>> -> memref<128xi32, #tpu.memory_space<vmem>>
        %dma_wait3A_293 = arith.constant 0 : i32
        %dma_wait3A_294 = arith.constant 0 : i32
        %dma_wait3A_295 = tpu.memref_slice %arg11[%dma_wait3A_293, %dma_wait3A_294] : memref<10112x128xf32, #tpu.memory_space<vmem_shared>> -> memref<10112x128xf32, #tpu.memory_space<vmem_shared>>
        tpu.wait_indirect_dma semaphore(%run_scoped3A_283 : memref<!tpu.dma_semaphore, #tpu.memory_space<semaphore_mem>>) src(%arg9 : memref<128x128xf32, #tpu.memory_space<vmem>>) dst(%dma_wait3A_295 : memref<10112x128xf32, #tpu.memory_space<vmem_shared>>)
        tpu.yield
      }) : () -> ()
      %dma_wait3A_275 = arith.constant 15 : i32
      %dma_wait3A_276 = arith.constant 0 : i32
      %dma_wait3A_277 = tpu.memref_slice %arg7[%dma_wait3A_275, %dma_wait3A_276] : memref<16x128xi32, #tpu.memory_space<vmem>> -> memref<1x128xi32, #tpu.memory_space<vmem>>
      %dma_wait3A_278 = tpu.memref_squeeze %dma_wait3A_277 : memref<1x128xi32, #tpu.memory_space<vmem>> -> memref<128xi32, #tpu.memory_space<vmem>>
      %dma_wait3A_279 = arith.constant 0 : i32
      %dma_wait3A_280 = arith.constant 0 : i32
      %dma_wait3A_281 = tpu.memref_slice %arg2[%dma_wait3A_279, %dma_wait3A_280] : memref<10000x128xf32, #tpu.memory_space<hbm>> -> memref<10000x128xf32, #tpu.memory_space<hbm>>
      tpu.wait_indirect_dma semaphore(%arg13 : memref<!tpu.dma_semaphore, #tpu.memory_space<semaphore_mem>>) src(%dma_wait3A_281 : memref<10000x128xf32, #tpu.memory_space<hbm>>) dst(%arg10 : memref<128x128xf32, #tpu.memory_space<vmem>>)
      %run_scoped3A_282 = arith.constant 15 : i32
      "tpu.region"() ({
        %run_scoped3A_283 = tpu.sem_alloc : memref<!tpu.dma_semaphore, #tpu.memory_space<semaphore_mem>>
        %dma_start3A_284 = arith.constant 0 : i32
        %dma_start3A_285 = tpu.memref_slice %arg8[%run_scoped3A_282, %dma_start3A_284] : memref<16x128xi32, #tpu.memory_space<vmem>> -> memref<1x128xi32, #tpu.memory_space<vmem>>
        %dma_start3A_286 = tpu.memref_squeeze %dma_start3A_285 : memref<1x128xi32, #tpu.memory_space<vmem>> -> memref<128xi32, #tpu.memory_space<vmem>>
        %dma_start3A_287 = arith.constant 0 : i32
        %dma_start3A_288 = arith.constant 0 : i32
        %dma_start3A_289 = tpu.memref_slice %arg11[%dma_start3A_287, %dma_start3A_288] : memref<10112x128xf32, #tpu.memory_space<vmem_shared>> -> memref<10112x128xf32, #tpu.memory_space<vmem_shared>>
        tpu.enqueue_indirect_dma source(%arg10 : memref<128x128xf32, #tpu.memory_space<vmem>>) target(%dma_start3A_289 : memref<10112x128xf32, #tpu.memory_space<vmem_shared>>) offsets(%dma_start3A_286 : memref<128xi32, #tpu.memory_space<vmem>>) semaphore(%run_scoped3A_283 : memref<!tpu.dma_semaphore, #tpu.memory_space<semaphore_mem>>) {add = true}
        %dma_wait3A_290 = arith.constant 0 : i32
        %dma_wait3A_291 = tpu.memref_slice %arg8[%run_scoped3A_282, %dma_wait3A_290] : memref<16x128xi32, #tpu.memory_space<vmem>> -> memref<1x128xi32, #tpu.memory_space<vmem>>
        %dma_wait3A_292 = tpu.memref_squeeze %dma_wait3A_291 : memref<1x128xi32, #tpu.memory_space<vmem>> -> memref<128xi32, #tpu.memory_space<vmem>>
        %dma_wait3A_293 = arith.constant 0 : i32
        %dma_wait3A_294 = arith.constant 0 : i32
        %dma_wait3A_295 = tpu.memref_slice %arg11[%dma_wait3A_293, %dma_wait3A_294] : memref<10112x128xf32, #tpu.memory_space<vmem_shared>> -> memref<10112x128xf32, #tpu.memory_space<vmem_shared>>
        tpu.wait_indirect_dma semaphore(%run_scoped3A_283 : memref<!tpu.dma_semaphore, #tpu.memory_space<semaphore_mem>>) src(%arg10 : memref<128x128xf32, #tpu.memory_space<vmem>>) dst(%dma_wait3A_295 : memref<10112x128xf32, #tpu.memory_space<vmem_shared>>)
        tpu.yield
      }) : () -> ()
    }
    %while3A_40 = arith.constant 1 : i32
    scf.for %while3A_42 = %while3A_38 to %while3A_34 step %while3A_40  : i32 {
      %mul3A_43 = arith.constant 16 : i32
      %mul3A_44 = arith.muli %while3A_42, %mul3A_43 : i32
      %add3A_45 = arith.addi %select_n3A, %mul3A_44 : i32
      %multiple_of3A = tpu.assume_multiple %add3A_45, 16 : i32
      "tpu.region"() ({
        %run_scoped3A_283 = tpu.sem_alloc : memref<!tpu.dma_semaphore, #tpu.memory_space<semaphore_mem>>
        %dma_start3A_284 = arith.constant 0 : i32
        %dma_start3A_285 = tpu.memref_slice %arg3[%multiple_of3A, %dma_start3A_284] : memref<2560x128xi32, #tpu.memory_space<hbm>> -> memref<16x128xi32, #tpu.memory_space<hbm>>
        %dma_start3A_286 = arith.constant 0 : i32
        %dma_start3A_287 = tpu.memref_slice %arg3[%multiple_of3A, %dma_start3A_286] : memref<2560x128xi32, #tpu.memory_space<hbm>> -> memref<16x128xi32, #tpu.memory_space<hbm>>
        tpu.enqueue_dma source(%dma_start3A_287 : memref<16x128xi32, #tpu.memory_space<hbm>>) target(%arg7 : memref<16x128xi32, #tpu.memory_space<vmem>>) target_semaphore(%run_scoped3A_283 : memref<!tpu.dma_semaphore, #tpu.memory_space<semaphore_mem>>)
        %dma_wait3A_288 = arith.constant 0 : i32
        %dma_wait3A_289 = tpu.memref_slice %arg3[%multiple_of3A, %dma_wait3A_288] : memref<2560x128xi32, #tpu.memory_space<hbm>> -> memref<16x128xi32, #tpu.memory_space<hbm>>
        %dma_wait3A_290 = arith.constant 0 : i32
        %dma_wait3A_291 = tpu.memref_slice %arg3[%multiple_of3A, %dma_wait3A_290] : memref<2560x128xi32, #tpu.memory_space<hbm>> -> memref<16x128xi32, #tpu.memory_space<hbm>>
        tpu.wait_dma2 semaphore(%run_scoped3A_283 : memref<!tpu.dma_semaphore, #tpu.memory_space<semaphore_mem>>) src(%dma_wait3A_291 : memref<16x128xi32, #tpu.memory_space<hbm>>) dst(%arg7 : memref<16x128xi32, #tpu.memory_space<vmem>>)
        tpu.yield
      }) : () -> ()
      "tpu.region"() ({
        %run_scoped3A_283 = tpu.sem_alloc : memref<!tpu.dma_semaphore, #tpu.memory_space<semaphore_mem>>
        %dma_start3A_284 = arith.constant 0 : i32
        %dma_start3A_285 = tpu.memref_slice %arg4[%multiple_of3A, %dma_start3A_284] : memref<2560x128xi32, #tpu.memory_space<hbm>> -> memref<16x128xi32, #tpu.memory_space<hbm>>
        %dma_start3A_286 = arith.constant 0 : i32
        %dma_start3A_287 = tpu.memref_slice %arg4[%multiple_of3A, %dma_start3A_286] : memref<2560x128xi32, #tpu.memory_space<hbm>> -> memref<16x128xi32, #tpu.memory_space<hbm>>
        tpu.enqueue_dma source(%dma_start3A_287 : memref<16x128xi32, #tpu.memory_space<hbm>>) target(%arg8 : memref<16x128xi32, #tpu.memory_space<vmem>>) target_semaphore(%run_scoped3A_283 : memref<!tpu.dma_semaphore, #tpu.memory_space<semaphore_mem>>)
        %dma_wait3A_288 = arith.constant 0 : i32
        %dma_wait3A_289 = tpu.memref_slice %arg4[%multiple_of3A, %dma_wait3A_288] : memref<2560x128xi32, #tpu.memory_space<hbm>> -> memref<16x128xi32, #tpu.memory_space<hbm>>
        %dma_wait3A_290 = arith.constant 0 : i32
        %dma_wait3A_291 = tpu.memref_slice %arg4[%multiple_of3A, %dma_wait3A_290] : memref<2560x128xi32, #tpu.memory_space<hbm>> -> memref<16x128xi32, #tpu.memory_space<hbm>>
        tpu.wait_dma2 semaphore(%run_scoped3A_283 : memref<!tpu.dma_semaphore, #tpu.memory_space<semaphore_mem>>) src(%dma_wait3A_291 : memref<16x128xi32, #tpu.memory_space<hbm>>) dst(%arg8 : memref<16x128xi32, #tpu.memory_space<vmem>>)
        tpu.yield
      }) : () -> ()
      %dma_start3A = arith.constant 0 : i32
      %dma_start3A_46 = arith.constant 0 : i32
      %dma_start3A_47 = tpu.memref_slice %arg7[%dma_start3A, %dma_start3A_46] : memref<16x128xi32, #tpu.memory_space<vmem>> -> memref<1x128xi32, #tpu.memory_space<vmem>>
      %dma_start3A_48 = tpu.memref_squeeze %dma_start3A_47 : memref<1x128xi32, #tpu.memory_space<vmem>> -> memref<128xi32, #tpu.memory_space<vmem>>
      %dma_start3A_49 = arith.constant 0 : i32
      %dma_start3A_50 = arith.constant 0 : i32
      %dma_start3A_51 = tpu.memref_slice %arg2[%dma_start3A_49, %dma_start3A_50] : memref<10000x128xf32, #tpu.memory_space<hbm>> -> memref<10000x128xf32, #tpu.memory_space<hbm>>
      tpu.enqueue_indirect_dma source(%dma_start3A_51 : memref<10000x128xf32, #tpu.memory_space<hbm>>) target(%arg9 : memref<128x128xf32, #tpu.memory_space<vmem>>) offsets(%dma_start3A_48 : memref<128xi32, #tpu.memory_space<vmem>>) semaphore(%arg12 : memref<!tpu.dma_semaphore, #tpu.memory_space<semaphore_mem>>)
      %dma_start3A_52 = arith.constant 1 : i32
      %dma_start3A_53 = arith.constant 0 : i32
      %dma_start3A_54 = tpu.memref_slice %arg7[%dma_start3A_52, %dma_start3A_53] : memref<16x128xi32, #tpu.memory_space<vmem>> -> memref<1x128xi32, #tpu.memory_space<vmem>>
      %dma_start3A_55 = tpu.memref_squeeze %dma_start3A_54 : memref<1x128xi32, #tpu.memory_space<vmem>> -> memref<128xi32, #tpu.memory_space<vmem>>
      %dma_start3A_56 = arith.constant 0 : i32
      %dma_start3A_57 = arith.constant 0 : i32
      %dma_start3A_58 = tpu.memref_slice %arg2[%dma_start3A_56, %dma_start3A_57] : memref<10000x128xf32, #tpu.memory_space<hbm>> -> memref<10000x128xf32, #tpu.memory_space<hbm>>
      tpu.enqueue_indirect_dma source(%dma_start3A_58 : memref<10000x128xf32, #tpu.memory_space<hbm>>) target(%arg10 : memref<128x128xf32, #tpu.memory_space<vmem>>) offsets(%dma_start3A_55 : memref<128xi32, #tpu.memory_space<vmem>>) semaphore(%arg13 : memref<!tpu.dma_semaphore, #tpu.memory_space<semaphore_mem>>)
      %dma_wait3A = arith.constant 0 : i32
      %dma_wait3A_59 = arith.constant 0 : i32
      %dma_wait3A_60 = tpu.memref_slice %arg7[%dma_wait3A, %dma_wait3A_59] : memref<16x128xi32, #tpu.memory_space<vmem>> -> memref<1x128xi32, #tpu.memory_space<vmem>>
      %dma_wait3A_61 = tpu.memref_squeeze %dma_wait3A_60 : memref<1x128xi32, #tpu.memory_space<vmem>> -> memref<128xi32, #tpu.memory_space<vmem>>
      %dma_wait3A_62 = arith.constant 0 : i32
      %dma_wait3A_63 = arith.constant 0 : i32
      %dma_wait3A_64 = tpu.memref_slice %arg2[%dma_wait3A_62, %dma_wait3A_63] : memref<10000x128xf32, #tpu.memory_space<hbm>> -> memref<10000x128xf32, #tpu.memory_space<hbm>>
      tpu.wait_indirect_dma semaphore(%arg12 : memref<!tpu.dma_semaphore, #tpu.memory_space<semaphore_mem>>) src(%dma_wait3A_64 : memref<10000x128xf32, #tpu.memory_space<hbm>>) dst(%arg9 : memref<128x128xf32, #tpu.memory_space<vmem>>)
      %run_scoped3A = arith.constant 0 : i32
      "tpu.region"() ({
        %run_scoped3A_283 = tpu.sem_alloc : memref<!tpu.dma_semaphore, #tpu.memory_space<semaphore_mem>>
        %dma_start3A_284 = arith.constant 0 : i32
        %dma_start3A_285 = tpu.memref_slice %arg8[%run_scoped3A, %dma_start3A_284] : memref<16x128xi32, #tpu.memory_space<vmem>> -> memref<1x128xi32, #tpu.memory_space<vmem>>
        %dma_start3A_286 = tpu.memref_squeeze %dma_start3A_285 : memref<1x128xi32, #tpu.memory_space<vmem>> -> memref<128xi32, #tpu.memory_space<vmem>>
        %dma_start3A_287 = arith.constant 0 : i32
        %dma_start3A_288 = arith.constant 0 : i32
        %dma_start3A_289 = tpu.memref_slice %arg11[%dma_start3A_287, %dma_start3A_288] : memref<10112x128xf32, #tpu.memory_space<vmem_shared>> -> memref<10112x128xf32, #tpu.memory_space<vmem_shared>>
        tpu.enqueue_indirect_dma source(%arg9 : memref<128x128xf32, #tpu.memory_space<vmem>>) target(%dma_start3A_289 : memref<10112x128xf32, #tpu.memory_space<vmem_shared>>) offsets(%dma_start3A_286 : memref<128xi32, #tpu.memory_space<vmem>>) semaphore(%run_scoped3A_283 : memref<!tpu.dma_semaphore, #tpu.memory_space<semaphore_mem>>) {add = true}
        %dma_wait3A_290 = arith.constant 0 : i32
        %dma_wait3A_291 = tpu.memref_slice %arg8[%run_scoped3A, %dma_wait3A_290] : memref<16x128xi32, #tpu.memory_space<vmem>> -> memref<1x128xi32, #tpu.memory_space<vmem>>
        %dma_wait3A_292 = tpu.memref_squeeze %dma_wait3A_291 : memref<1x128xi32, #tpu.memory_space<vmem>> -> memref<128xi32, #tpu.memory_space<vmem>>
        %dma_wait3A_293 = arith.constant 0 : i32
        %dma_wait3A_294 = arith.constant 0 : i32
        %dma_wait3A_295 = tpu.memref_slice %arg11[%dma_wait3A_293, %dma_wait3A_294] : memref<10112x128xf32, #tpu.memory_space<vmem_shared>> -> memref<10112x128xf32, #tpu.memory_space<vmem_shared>>
        tpu.wait_indirect_dma semaphore(%run_scoped3A_283 : memref<!tpu.dma_semaphore, #tpu.memory_space<semaphore_mem>>) src(%arg9 : memref<128x128xf32, #tpu.memory_space<vmem>>) dst(%dma_wait3A_295 : memref<10112x128xf32, #tpu.memory_space<vmem_shared>>)
        tpu.yield
      }) : () -> ()
      %dma_start3A_65 = arith.constant 2 : i32
      %dma_start3A_66 = arith.constant 0 : i32
      %dma_start3A_67 = tpu.memref_slice %arg7[%dma_start3A_65, %dma_start3A_66] : memref<16x128xi32, #tpu.memory_space<vmem>> -> memref<1x128xi32, #tpu.memory_space<vmem>>
      %dma_start3A_68 = tpu.memref_squeeze %dma_start3A_67 : memref<1x128xi32, #tpu.memory_space<vmem>> -> memref<128xi32, #tpu.memory_space<vmem>>
      %dma_start3A_69 = arith.constant 0 : i32
      %dma_start3A_70 = arith.constant 0 : i32
      %dma_start3A_71 = tpu.memref_slice %arg2[%dma_start3A_69, %dma_start3A_70] : memref<10000x128xf32, #tpu.memory_space<hbm>> -> memref<10000x128xf32, #tpu.memory_space<hbm>>
      tpu.enqueue_indirect_dma source(%dma_start3A_71 : memref<10000x128xf32, #tpu.memory_space<hbm>>) target(%arg9 : memref<128x128xf32, #tpu.memory_space<vmem>>) offsets(%dma_start3A_68 : memref<128xi32, #tpu.memory_space<vmem>>) semaphore(%arg12 : memref<!tpu.dma_semaphore, #tpu.memory_space<semaphore_mem>>)
      %dma_wait3A_72 = arith.constant 1 : i32
      %dma_wait3A_73 = arith.constant 0 : i32
      %dma_wait3A_74 = tpu.memref_slice %arg7[%dma_wait3A_72, %dma_wait3A_73] : memref<16x128xi32, #tpu.memory_space<vmem>> -> memref<1x128xi32, #tpu.memory_space<vmem>>
      %dma_wait3A_75 = tpu.memref_squeeze %dma_wait3A_74 : memref<1x128xi32, #tpu.memory_space<vmem>> -> memref<128xi32, #tpu.memory_space<vmem>>
      %dma_wait3A_76 = arith.constant 0 : i32
      %dma_wait3A_77 = arith.constant 0 : i32
      %dma_wait3A_78 = tpu.memref_slice %arg2[%dma_wait3A_76, %dma_wait3A_77] : memref<10000x128xf32, #tpu.memory_space<hbm>> -> memref<10000x128xf32, #tpu.memory_space<hbm>>
      tpu.wait_indirect_dma semaphore(%arg13 : memref<!tpu.dma_semaphore, #tpu.memory_space<semaphore_mem>>) src(%dma_wait3A_78 : memref<10000x128xf32, #tpu.memory_space<hbm>>) dst(%arg10 : memref<128x128xf32, #tpu.memory_space<vmem>>)
      %run_scoped3A_79 = arith.constant 1 : i32
      "tpu.region"() ({
        %run_scoped3A_283 = tpu.sem_alloc : memref<!tpu.dma_semaphore, #tpu.memory_space<semaphore_mem>>
        %dma_start3A_284 = arith.constant 0 : i32
        %dma_start3A_285 = tpu.memref_slice %arg8[%run_scoped3A_79, %dma_start3A_284] : memref<16x128xi32, #tpu.memory_space<vmem>> -> memref<1x128xi32, #tpu.memory_space<vmem>>
        %dma_start3A_286 = tpu.memref_squeeze %dma_start3A_285 : memref<1x128xi32, #tpu.memory_space<vmem>> -> memref<128xi32, #tpu.memory_space<vmem>>
        %dma_start3A_287 = arith.constant 0 : i32
        %dma_start3A_288 = arith.constant 0 : i32
        %dma_start3A_289 = tpu.memref_slice %arg11[%dma_start3A_287, %dma_start3A_288] : memref<10112x128xf32, #tpu.memory_space<vmem_shared>> -> memref<10112x128xf32, #tpu.memory_space<vmem_shared>>
        tpu.enqueue_indirect_dma source(%arg10 : memref<128x128xf32, #tpu.memory_space<vmem>>) target(%dma_start3A_289 : memref<10112x128xf32, #tpu.memory_space<vmem_shared>>) offsets(%dma_start3A_286 : memref<128xi32, #tpu.memory_space<vmem>>) semaphore(%run_scoped3A_283 : memref<!tpu.dma_semaphore, #tpu.memory_space<semaphore_mem>>) {add = true}
        %dma_wait3A_290 = arith.constant 0 : i32
        %dma_wait3A_291 = tpu.memref_slice %arg8[%run_scoped3A_79, %dma_wait3A_290] : memref<16x128xi32, #tpu.memory_space<vmem>> -> memref<1x128xi32, #tpu.memory_space<vmem>>
        %dma_wait3A_292 = tpu.memref_squeeze %dma_wait3A_291 : memref<1x128xi32, #tpu.memory_space<vmem>> -> memref<128xi32, #tpu.memory_space<vmem>>
        %dma_wait3A_293 = arith.constant 0 : i32
        %dma_wait3A_294 = arith.constant 0 : i32
        %dma_wait3A_295 = tpu.memref_slice %arg11[%dma_wait3A_293, %dma_wait3A_294] : memref<10112x128xf32, #tpu.memory_space<vmem_shared>> -> memref<10112x128xf32, #tpu.memory_space<vmem_shared>>
        tpu.wait_indirect_dma semaphore(%run_scoped3A_283 : memref<!tpu.dma_semaphore, #tpu.memory_space<semaphore_mem>>) src(%arg10 : memref<128x128xf32, #tpu.memory_space<vmem>>) dst(%dma_wait3A_295 : memref<10112x128xf32, #tpu.memory_space<vmem_shared>>)
        tpu.yield
      }) : () -> ()
      %dma_start3A_80 = arith.constant 3 : i32
      %dma_start3A_81 = arith.constant 0 : i32
      %dma_start3A_82 = tpu.memref_slice %arg7[%dma_start3A_80, %dma_start3A_81] : memref<16x128xi32, #tpu.memory_space<vmem>> -> memref<1x128xi32, #tpu.memory_space<vmem>>
      %dma_start3A_83 = tpu.memref_squeeze %dma_start3A_82 : memref<1x128xi32, #tpu.memory_space<vmem>> -> memref<128xi32, #tpu.memory_space<vmem>>
      %dma_start3A_84 = arith.constant 0 : i32
      %dma_start3A_85 = arith.constant 0 : i32
      %dma_start3A_86 = tpu.memref_slice %arg2[%dma_start3A_84, %dma_start3A_85] : memref<10000x128xf32, #tpu.memory_space<hbm>> -> memref<10000x128xf32, #tpu.memory_space<hbm>>
      tpu.enqueue_indirect_dma source(%dma_start3A_86 : memref<10000x128xf32, #tpu.memory_space<hbm>>) target(%arg10 : memref<128x128xf32, #tpu.memory_space<vmem>>) offsets(%dma_start3A_83 : memref<128xi32, #tpu.memory_space<vmem>>) semaphore(%arg13 : memref<!tpu.dma_semaphore, #tpu.memory_space<semaphore_mem>>)
      %dma_wait3A_87 = arith.constant 2 : i32
      %dma_wait3A_88 = arith.constant 0 : i32
      %dma_wait3A_89 = tpu.memref_slice %arg7[%dma_wait3A_87, %dma_wait3A_88] : memref<16x128xi32, #tpu.memory_space<vmem>> -> memref<1x128xi32, #tpu.memory_space<vmem>>
      %dma_wait3A_90 = tpu.memref_squeeze %dma_wait3A_89 : memref<1x128xi32, #tpu.memory_space<vmem>> -> memref<128xi32, #tpu.memory_space<vmem>>
      %dma_wait3A_91 = arith.constant 0 : i32
      %dma_wait3A_92 = arith.constant 0 : i32
      %dma_wait3A_93 = tpu.memref_slice %arg2[%dma_wait3A_91, %dma_wait3A_92] : memref<10000x128xf32, #tpu.memory_space<hbm>> -> memref<10000x128xf32, #tpu.memory_space<hbm>>
      tpu.wait_indirect_dma semaphore(%arg12 : memref<!tpu.dma_semaphore, #tpu.memory_space<semaphore_mem>>) src(%dma_wait3A_93 : memref<10000x128xf32, #tpu.memory_space<hbm>>) dst(%arg9 : memref<128x128xf32, #tpu.memory_space<vmem>>)
      %run_scoped3A_94 = arith.constant 2 : i32
      "tpu.region"() ({
        %run_scoped3A_283 = tpu.sem_alloc : memref<!tpu.dma_semaphore, #tpu.memory_space<semaphore_mem>>
        %dma_start3A_284 = arith.constant 0 : i32
        %dma_start3A_285 = tpu.memref_slice %arg8[%run_scoped3A_94, %dma_start3A_284] : memref<16x128xi32, #tpu.memory_space<vmem>> -> memref<1x128xi32, #tpu.memory_space<vmem>>
        %dma_start3A_286 = tpu.memref_squeeze %dma_start3A_285 : memref<1x128xi32, #tpu.memory_space<vmem>> -> memref<128xi32, #tpu.memory_space<vmem>>
        %dma_start3A_287 = arith.constant 0 : i32
        %dma_start3A_288 = arith.constant 0 : i32
        %dma_start3A_289 = tpu.memref_slice %arg11[%dma_start3A_287, %dma_start3A_288] : memref<10112x128xf32, #tpu.memory_space<vmem_shared>> -> memref<10112x128xf32, #tpu.memory_space<vmem_shared>>
        tpu.enqueue_indirect_dma source(%arg9 : memref<128x128xf32, #tpu.memory_space<vmem>>) target(%dma_start3A_289 : memref<10112x128xf32, #tpu.memory_space<vmem_shared>>) offsets(%dma_start3A_286 : memref<128xi32, #tpu.memory_space<vmem>>) semaphore(%run_scoped3A_283 : memref<!tpu.dma_semaphore, #tpu.memory_space<semaphore_mem>>) {add = true}
        %dma_wait3A_290 = arith.constant 0 : i32
        %dma_wait3A_291 = tpu.memref_slice %arg8[%run_scoped3A_94, %dma_wait3A_290] : memref<16x128xi32, #tpu.memory_space<vmem>> -> memref<1x128xi32, #tpu.memory_space<vmem>>
        %dma_wait3A_292 = tpu.memref_squeeze %dma_wait3A_291 : memref<1x128xi32, #tpu.memory_space<vmem>> -> memref<128xi32, #tpu.memory_space<vmem>>
        %dma_wait3A_293 = arith.constant 0 : i32
        %dma_wait3A_294 = arith.constant 0 : i32
        %dma_wait3A_295 = tpu.memref_slice %arg11[%dma_wait3A_293, %dma_wait3A_294] : memref<10112x128xf32, #tpu.memory_space<vmem_shared>> -> memref<10112x128xf32, #tpu.memory_space<vmem_shared>>
        tpu.wait_indirect_dma semaphore(%run_scoped3A_283 : memref<!tpu.dma_semaphore, #tpu.memory_space<semaphore_mem>>) src(%arg9 : memref<128x128xf32, #tpu.memory_space<vmem>>) dst(%dma_wait3A_295 : memref<10112x128xf32, #tpu.memory_space<vmem_shared>>)
        tpu.yield
      }) : () -> ()
      %dma_start3A_95 = arith.constant 4 : i32
      %dma_start3A_96 = arith.constant 0 : i32
      %dma_start3A_97 = tpu.memref_slice %arg7[%dma_start3A_95, %dma_start3A_96] : memref<16x128xi32, #tpu.memory_space<vmem>> -> memref<1x128xi32, #tpu.memory_space<vmem>>
      %dma_start3A_98 = tpu.memref_squeeze %dma_start3A_97 : memref<1x128xi32, #tpu.memory_space<vmem>> -> memref<128xi32, #tpu.memory_space<vmem>>
      %dma_start3A_99 = arith.constant 0 : i32
      %dma_start3A_100 = arith.constant 0 : i32
      %dma_start3A_101 = tpu.memref_slice %arg2[%dma_start3A_99, %dma_start3A_100] : memref<10000x128xf32, #tpu.memory_space<hbm>> -> memref<10000x128xf32, #tpu.memory_space<hbm>>
      tpu.enqueue_indirect_dma source(%dma_start3A_101 : memref<10000x128xf32, #tpu.memory_space<hbm>>) target(%arg9 : memref<128x128xf32, #tpu.memory_space<vmem>>) offsets(%dma_start3A_98 : memref<128xi32, #tpu.memory_space<vmem>>) semaphore(%arg12 : memref<!tpu.dma_semaphore, #tpu.memory_space<semaphore_mem>>)
      %dma_wait3A_102 = arith.constant 3 : i32
      %dma_wait3A_103 = arith.constant 0 : i32
      %dma_wait3A_104 = tpu.memref_slice %arg7[%dma_wait3A_102, %dma_wait3A_103] : memref<16x128xi32, #tpu.memory_space<vmem>> -> memref<1x128xi32, #tpu.memory_space<vmem>>
      %dma_wait3A_105 = tpu.memref_squeeze %dma_wait3A_104 : memref<1x128xi32, #tpu.memory_space<vmem>> -> memref<128xi32, #tpu.memory_space<vmem>>
      %dma_wait3A_106 = arith.constant 0 : i32
      %dma_wait3A_107 = arith.constant 0 : i32
      %dma_wait3A_108 = tpu.memref_slice %arg2[%dma_wait3A_106, %dma_wait3A_107] : memref<10000x128xf32, #tpu.memory_space<hbm>> -> memref<10000x128xf32, #tpu.memory_space<hbm>>
      tpu.wait_indirect_dma semaphore(%arg13 : memref<!tpu.dma_semaphore, #tpu.memory_space<semaphore_mem>>) src(%dma_wait3A_108 : memref<10000x128xf32, #tpu.memory_space<hbm>>) dst(%arg10 : memref<128x128xf32, #tpu.memory_space<vmem>>)
      %run_scoped3A_109 = arith.constant 3 : i32
      "tpu.region"() ({
        %run_scoped3A_283 = tpu.sem_alloc : memref<!tpu.dma_semaphore, #tpu.memory_space<semaphore_mem>>
        %dma_start3A_284 = arith.constant 0 : i32
        %dma_start3A_285 = tpu.memref_slice %arg8[%run_scoped3A_109, %dma_start3A_284] : memref<16x128xi32, #tpu.memory_space<vmem>> -> memref<1x128xi32, #tpu.memory_space<vmem>>
        %dma_start3A_286 = tpu.memref_squeeze %dma_start3A_285 : memref<1x128xi32, #tpu.memory_space<vmem>> -> memref<128xi32, #tpu.memory_space<vmem>>
        %dma_start3A_287 = arith.constant 0 : i32
        %dma_start3A_288 = arith.constant 0 : i32
        %dma_start3A_289 = tpu.memref_slice %arg11[%dma_start3A_287, %dma_start3A_288] : memref<10112x128xf32, #tpu.memory_space<vmem_shared>> -> memref<10112x128xf32, #tpu.memory_space<vmem_shared>>
        tpu.enqueue_indirect_dma source(%arg10 : memref<128x128xf32, #tpu.memory_space<vmem>>) target(%dma_start3A_289 : memref<10112x128xf32, #tpu.memory_space<vmem_shared>>) offsets(%dma_start3A_286 : memref<128xi32, #tpu.memory_space<vmem>>) semaphore(%run_scoped3A_283 : memref<!tpu.dma_semaphore, #tpu.memory_space<semaphore_mem>>) {add = true}
        %dma_wait3A_290 = arith.constant 0 : i32
        %dma_wait3A_291 = tpu.memref_slice %arg8[%run_scoped3A_109, %dma_wait3A_290] : memref<16x128xi32, #tpu.memory_space<vmem>> -> memref<1x128xi32, #tpu.memory_space<vmem>>
        %dma_wait3A_292 = tpu.memref_squeeze %dma_wait3A_291 : memref<1x128xi32, #tpu.memory_space<vmem>> -> memref<128xi32, #tpu.memory_space<vmem>>
        %dma_wait3A_293 = arith.constant 0 : i32
        %dma_wait3A_294 = arith.constant 0 : i32
        %dma_wait3A_295 = tpu.memref_slice %arg11[%dma_wait3A_293, %dma_wait3A_294] : memref<10112x128xf32, #tpu.memory_space<vmem_shared>> -> memref<10112x128xf32, #tpu.memory_space<vmem_shared>>
        tpu.wait_indirect_dma semaphore(%run_scoped3A_283 : memref<!tpu.dma_semaphore, #tpu.memory_space<semaphore_mem>>) src(%arg10 : memref<128x128xf32, #tpu.memory_space<vmem>>) dst(%dma_wait3A_295 : memref<10112x128xf32, #tpu.memory_space<vmem_shared>>)
        tpu.yield
      }) : () -> ()
      %dma_start3A_110 = arith.constant 5 : i32
      %dma_start3A_111 = arith.constant 0 : i32
      %dma_start3A_112 = tpu.memref_slice %arg7[%dma_start3A_110, %dma_start3A_111] : memref<16x128xi32, #tpu.memory_space<vmem>> -> memref<1x128xi32, #tpu.memory_space<vmem>>
      %dma_start3A_113 = tpu.memref_squeeze %dma_start3A_112 : memref<1x128xi32, #tpu.memory_space<vmem>> -> memref<128xi32, #tpu.memory_space<vmem>>
      %dma_start3A_114 = arith.constant 0 : i32
      %dma_start3A_115 = arith.constant 0 : i32
      %dma_start3A_116 = tpu.memref_slice %arg2[%dma_start3A_114, %dma_start3A_115] : memref<10000x128xf32, #tpu.memory_space<hbm>> -> memref<10000x128xf32, #tpu.memory_space<hbm>>
      tpu.enqueue_indirect_dma source(%dma_start3A_116 : memref<10000x128xf32, #tpu.memory_space<hbm>>) target(%arg10 : memref<128x128xf32, #tpu.memory_space<vmem>>) offsets(%dma_start3A_113 : memref<128xi32, #tpu.memory_space<vmem>>) semaphore(%arg13 : memref<!tpu.dma_semaphore, #tpu.memory_space<semaphore_mem>>)
      %dma_wait3A_117 = arith.constant 4 : i32
      %dma_wait3A_118 = arith.constant 0 : i32
      %dma_wait3A_119 = tpu.memref_slice %arg7[%dma_wait3A_117, %dma_wait3A_118] : memref<16x128xi32, #tpu.memory_space<vmem>> -> memref<1x128xi32, #tpu.memory_space<vmem>>
      %dma_wait3A_120 = tpu.memref_squeeze %dma_wait3A_119 : memref<1x128xi32, #tpu.memory_space<vmem>> -> memref<128xi32, #tpu.memory_space<vmem>>
      %dma_wait3A_121 = arith.constant 0 : i32
      %dma_wait3A_122 = arith.constant 0 : i32
      %dma_wait3A_123 = tpu.memref_slice %arg2[%dma_wait3A_121, %dma_wait3A_122] : memref<10000x128xf32, #tpu.memory_space<hbm>> -> memref<10000x128xf32, #tpu.memory_space<hbm>>
      tpu.wait_indirect_dma semaphore(%arg12 : memref<!tpu.dma_semaphore, #tpu.memory_space<semaphore_mem>>) src(%dma_wait3A_123 : memref<10000x128xf32, #tpu.memory_space<hbm>>) dst(%arg9 : memref<128x128xf32, #tpu.memory_space<vmem>>)
      %run_scoped3A_124 = arith.constant 4 : i32
      "tpu.region"() ({
        %run_scoped3A_283 = tpu.sem_alloc : memref<!tpu.dma_semaphore, #tpu.memory_space<semaphore_mem>>
        %dma_start3A_284 = arith.constant 0 : i32
        %dma_start3A_285 = tpu.memref_slice %arg8[%run_scoped3A_124, %dma_start3A_284] : memref<16x128xi32, #tpu.memory_space<vmem>> -> memref<1x128xi32, #tpu.memory_space<vmem>>
        %dma_start3A_286 = tpu.memref_squeeze %dma_start3A_285 : memref<1x128xi32, #tpu.memory_space<vmem>> -> memref<128xi32, #tpu.memory_space<vmem>>
        %dma_start3A_287 = arith.constant 0 : i32
        %dma_start3A_288 = arith.constant 0 : i32
        %dma_start3A_289 = tpu.memref_slice %arg11[%dma_start3A_287, %dma_start3A_288] : memref<10112x128xf32, #tpu.memory_space<vmem_shared>> -> memref<10112x128xf32, #tpu.memory_space<vmem_shared>>
        tpu.enqueue_indirect_dma source(%arg9 : memref<128x128xf32, #tpu.memory_space<vmem>>) target(%dma_start3A_289 : memref<10112x128xf32, #tpu.memory_space<vmem_shared>>) offsets(%dma_start3A_286 : memref<128xi32, #tpu.memory_space<vmem>>) semaphore(%run_scoped3A_283 : memref<!tpu.dma_semaphore, #tpu.memory_space<semaphore_mem>>) {add = true}
        %dma_wait3A_290 = arith.constant 0 : i32
        %dma_wait3A_291 = tpu.memref_slice %arg8[%run_scoped3A_124, %dma_wait3A_290] : memref<16x128xi32, #tpu.memory_space<vmem>> -> memref<1x128xi32, #tpu.memory_space<vmem>>
        %dma_wait3A_292 = tpu.memref_squeeze %dma_wait3A_291 : memref<1x128xi32, #tpu.memory_space<vmem>> -> memref<128xi32, #tpu.memory_space<vmem>>
        %dma_wait3A_293 = arith.constant 0 : i32
        %dma_wait3A_294 = arith.constant 0 : i32
        %dma_wait3A_295 = tpu.memref_slice %arg11[%dma_wait3A_293, %dma_wait3A_294] : memref<10112x128xf32, #tpu.memory_space<vmem_shared>> -> memref<10112x128xf32, #tpu.memory_space<vmem_shared>>
        tpu.wait_indirect_dma semaphore(%run_scoped3A_283 : memref<!tpu.dma_semaphore, #tpu.memory_space<semaphore_mem>>) src(%arg9 : memref<128x128xf32, #tpu.memory_space<vmem>>) dst(%dma_wait3A_295 : memref<10112x128xf32, #tpu.memory_space<vmem_shared>>)
        tpu.yield
      }) : () -> ()
      %dma_start3A_125 = arith.constant 6 : i32
      %dma_start3A_126 = arith.constant 0 : i32
      %dma_start3A_127 = tpu.memref_slice %arg7[%dma_start3A_125, %dma_start3A_126] : memref<16x128xi32, #tpu.memory_space<vmem>> -> memref<1x128xi32, #tpu.memory_space<vmem>>
      %dma_start3A_128 = tpu.memref_squeeze %dma_start3A_127 : memref<1x128xi32, #tpu.memory_space<vmem>> -> memref<128xi32, #tpu.memory_space<vmem>>
      %dma_start3A_129 = arith.constant 0 : i32
      %dma_start3A_130 = arith.constant 0 : i32
      %dma_start3A_131 = tpu.memref_slice %arg2[%dma_start3A_129, %dma_start3A_130] : memref<10000x128xf32, #tpu.memory_space<hbm>> -> memref<10000x128xf32, #tpu.memory_space<hbm>>
      tpu.enqueue_indirect_dma source(%dma_start3A_131 : memref<10000x128xf32, #tpu.memory_space<hbm>>) target(%arg9 : memref<128x128xf32, #tpu.memory_space<vmem>>) offsets(%dma_start3A_128 : memref<128xi32, #tpu.memory_space<vmem>>) semaphore(%arg12 : memref<!tpu.dma_semaphore, #tpu.memory_space<semaphore_mem>>)
      %dma_wait3A_132 = arith.constant 5 : i32
      %dma_wait3A_133 = arith.constant 0 : i32
      %dma_wait3A_134 = tpu.memref_slice %arg7[%dma_wait3A_132, %dma_wait3A_133] : memref<16x128xi32, #tpu.memory_space<vmem>> -> memref<1x128xi32, #tpu.memory_space<vmem>>
      %dma_wait3A_135 = tpu.memref_squeeze %dma_wait3A_134 : memref<1x128xi32, #tpu.memory_space<vmem>> -> memref<128xi32, #tpu.memory_space<vmem>>
      %dma_wait3A_136 = arith.constant 0 : i32
      %dma_wait3A_137 = arith.constant 0 : i32
      %dma_wait3A_138 = tpu.memref_slice %arg2[%dma_wait3A_136, %dma_wait3A_137] : memref<10000x128xf32, #tpu.memory_space<hbm>> -> memref<10000x128xf32, #tpu.memory_space<hbm>>
      tpu.wait_indirect_dma semaphore(%arg13 : memref<!tpu.dma_semaphore, #tpu.memory_space<semaphore_mem>>) src(%dma_wait3A_138 : memref<10000x128xf32, #tpu.memory_space<hbm>>) dst(%arg10 : memref<128x128xf32, #tpu.memory_space<vmem>>)
      %run_scoped3A_139 = arith.constant 5 : i32
      "tpu.region"() ({
        %run_scoped3A_283 = tpu.sem_alloc : memref<!tpu.dma_semaphore, #tpu.memory_space<semaphore_mem>>
        %dma_start3A_284 = arith.constant 0 : i32
        %dma_start3A_285 = tpu.memref_slice %arg8[%run_scoped3A_139, %dma_start3A_284] : memref<16x128xi32, #tpu.memory_space<vmem>> -> memref<1x128xi32, #tpu.memory_space<vmem>>
        %dma_start3A_286 = tpu.memref_squeeze %dma_start3A_285 : memref<1x128xi32, #tpu.memory_space<vmem>> -> memref<128xi32, #tpu.memory_space<vmem>>
        %dma_start3A_287 = arith.constant 0 : i32
        %dma_start3A_288 = arith.constant 0 : i32
        %dma_start3A_289 = tpu.memref_slice %arg11[%dma_start3A_287, %dma_start3A_288] : memref<10112x128xf32, #tpu.memory_space<vmem_shared>> -> memref<10112x128xf32, #tpu.memory_space<vmem_shared>>
        tpu.enqueue_indirect_dma source(%arg10 : memref<128x128xf32, #tpu.memory_space<vmem>>) target(%dma_start3A_289 : memref<10112x128xf32, #tpu.memory_space<vmem_shared>>) offsets(%dma_start3A_286 : memref<128xi32, #tpu.memory_space<vmem>>) semaphore(%run_scoped3A_283 : memref<!tpu.dma_semaphore, #tpu.memory_space<semaphore_mem>>) {add = true}
        %dma_wait3A_290 = arith.constant 0 : i32
        %dma_wait3A_291 = tpu.memref_slice %arg8[%run_scoped3A_139, %dma_wait3A_290] : memref<16x128xi32, #tpu.memory_space<vmem>> -> memref<1x128xi32, #tpu.memory_space<vmem>>
        %dma_wait3A_292 = tpu.memref_squeeze %dma_wait3A_291 : memref<1x128xi32, #tpu.memory_space<vmem>> -> memref<128xi32, #tpu.memory_space<vmem>>
        %dma_wait3A_293 = arith.constant 0 : i32
        %dma_wait3A_294 = arith.constant 0 : i32
        %dma_wait3A_295 = tpu.memref_slice %arg11[%dma_wait3A_293, %dma_wait3A_294] : memref<10112x128xf32, #tpu.memory_space<vmem_shared>> -> memref<10112x128xf32, #tpu.memory_space<vmem_shared>>
        tpu.wait_indirect_dma semaphore(%run_scoped3A_283 : memref<!tpu.dma_semaphore, #tpu.memory_space<semaphore_mem>>) src(%arg10 : memref<128x128xf32, #tpu.memory_space<vmem>>) dst(%dma_wait3A_295 : memref<10112x128xf32, #tpu.memory_space<vmem_shared>>)
        tpu.yield
      }) : () -> ()
      %dma_start3A_140 = arith.constant 7 : i32
      %dma_start3A_141 = arith.constant 0 : i32
      %dma_start3A_142 = tpu.memref_slice %arg7[%dma_start3A_140, %dma_start3A_141] : memref<16x128xi32, #tpu.memory_space<vmem>> -> memref<1x128xi32, #tpu.memory_space<vmem>>
      %dma_start3A_143 = tpu.memref_squeeze %dma_start3A_142 : memref<1x128xi32, #tpu.memory_space<vmem>> -> memref<128xi32, #tpu.memory_space<vmem>>
      %dma_start3A_144 = arith.constant 0 : i32
      %dma_start3A_145 = arith.constant 0 : i32
      %dma_start3A_146 = tpu.memref_slice %arg2[%dma_start3A_144, %dma_start3A_145] : memref<10000x128xf32, #tpu.memory_space<hbm>> -> memref<10000x128xf32, #tpu.memory_space<hbm>>
      tpu.enqueue_indirect_dma source(%dma_start3A_146 : memref<10000x128xf32, #tpu.memory_space<hbm>>) target(%arg10 : memref<128x128xf32, #tpu.memory_space<vmem>>) offsets(%dma_start3A_143 : memref<128xi32, #tpu.memory_space<vmem>>) semaphore(%arg13 : memref<!tpu.dma_semaphore, #tpu.memory_space<semaphore_mem>>)
      %dma_wait3A_147 = arith.constant 6 : i32
      %dma_wait3A_148 = arith.constant 0 : i32
      %dma_wait3A_149 = tpu.memref_slice %arg7[%dma_wait3A_147, %dma_wait3A_148] : memref<16x128xi32, #tpu.memory_space<vmem>> -> memref<1x128xi32, #tpu.memory_space<vmem>>
      %dma_wait3A_150 = tpu.memref_squeeze %dma_wait3A_149 : memref<1x128xi32, #tpu.memory_space<vmem>> -> memref<128xi32, #tpu.memory_space<vmem>>
      %dma_wait3A_151 = arith.constant 0 : i32
      %dma_wait3A_152 = arith.constant 0 : i32
      %dma_wait3A_153 = tpu.memref_slice %arg2[%dma_wait3A_151, %dma_wait3A_152] : memref<10000x128xf32, #tpu.memory_space<hbm>> -> memref<10000x128xf32, #tpu.memory_space<hbm>>
      tpu.wait_indirect_dma semaphore(%arg12 : memref<!tpu.dma_semaphore, #tpu.memory_space<semaphore_mem>>) src(%dma_wait3A_153 : memref<10000x128xf32, #tpu.memory_space<hbm>>) dst(%arg9 : memref<128x128xf32, #tpu.memory_space<vmem>>)
      %run_scoped3A_154 = arith.constant 6 : i32
      "tpu.region"() ({
        %run_scoped3A_283 = tpu.sem_alloc : memref<!tpu.dma_semaphore, #tpu.memory_space<semaphore_mem>>
        %dma_start3A_284 = arith.constant 0 : i32
        %dma_start3A_285 = tpu.memref_slice %arg8[%run_scoped3A_154, %dma_start3A_284] : memref<16x128xi32, #tpu.memory_space<vmem>> -> memref<1x128xi32, #tpu.memory_space<vmem>>
        %dma_start3A_286 = tpu.memref_squeeze %dma_start3A_285 : memref<1x128xi32, #tpu.memory_space<vmem>> -> memref<128xi32, #tpu.memory_space<vmem>>
        %dma_start3A_287 = arith.constant 0 : i32
        %dma_start3A_288 = arith.constant 0 : i32
        %dma_start3A_289 = tpu.memref_slice %arg11[%dma_start3A_287, %dma_start3A_288] : memref<10112x128xf32, #tpu.memory_space<vmem_shared>> -> memref<10112x128xf32, #tpu.memory_space<vmem_shared>>
        tpu.enqueue_indirect_dma source(%arg9 : memref<128x128xf32, #tpu.memory_space<vmem>>) target(%dma_start3A_289 : memref<10112x128xf32, #tpu.memory_space<vmem_shared>>) offsets(%dma_start3A_286 : memref<128xi32, #tpu.memory_space<vmem>>) semaphore(%run_scoped3A_283 : memref<!tpu.dma_semaphore, #tpu.memory_space<semaphore_mem>>) {add = true}
        %dma_wait3A_290 = arith.constant 0 : i32
        %dma_wait3A_291 = tpu.memref_slice %arg8[%run_scoped3A_154, %dma_wait3A_290] : memref<16x128xi32, #tpu.memory_space<vmem>> -> memref<1x128xi32, #tpu.memory_space<vmem>>
        %dma_wait3A_292 = tpu.memref_squeeze %dma_wait3A_291 : memref<1x128xi32, #tpu.memory_space<vmem>> -> memref<128xi32, #tpu.memory_space<vmem>>
        %dma_wait3A_293 = arith.constant 0 : i32
        %dma_wait3A_294 = arith.constant 0 : i32
        %dma_wait3A_295 = tpu.memref_slice %arg11[%dma_wait3A_293, %dma_wait3A_294] : memref<10112x128xf32, #tpu.memory_space<vmem_shared>> -> memref<10112x128xf32, #tpu.memory_space<vmem_shared>>
        tpu.wait_indirect_dma semaphore(%run_scoped3A_283 : memref<!tpu.dma_semaphore, #tpu.memory_space<semaphore_mem>>) src(%arg9 : memref<128x128xf32, #tpu.memory_space<vmem>>) dst(%dma_wait3A_295 : memref<10112x128xf32, #tpu.memory_space<vmem_shared>>)
        tpu.yield
      }) : () -> ()
      %dma_start3A_155 = arith.constant 8 : i32
      %dma_start3A_156 = arith.constant 0 : i32
      %dma_start3A_157 = tpu.memref_slice %arg7[%dma_start3A_155, %dma_start3A_156] : memref<16x128xi32, #tpu.memory_space<vmem>> -> memref<1x128xi32, #tpu.memory_space<vmem>>
      %dma_start3A_158 = tpu.memref_squeeze %dma_start3A_157 : memref<1x128xi32, #tpu.memory_space<vmem>> -> memref<128xi32, #tpu.memory_space<vmem>>
      %dma_start3A_159 = arith.constant 0 : i32
      %dma_start3A_160 = arith.constant 0 : i32
      %dma_start3A_161 = tpu.memref_slice %arg2[%dma_start3A_159, %dma_start3A_160] : memref<10000x128xf32, #tpu.memory_space<hbm>> -> memref<10000x128xf32, #tpu.memory_space<hbm>>
      tpu.enqueue_indirect_dma source(%dma_start3A_161 : memref<10000x128xf32, #tpu.memory_space<hbm>>) target(%arg9 : memref<128x128xf32, #tpu.memory_space<vmem>>) offsets(%dma_start3A_158 : memref<128xi32, #tpu.memory_space<vmem>>) semaphore(%arg12 : memref<!tpu.dma_semaphore, #tpu.memory_space<semaphore_mem>>)
      %dma_wait3A_162 = arith.constant 7 : i32
      %dma_wait3A_163 = arith.constant 0 : i32
      %dma_wait3A_164 = tpu.memref_slice %arg7[%dma_wait3A_162, %dma_wait3A_163] : memref<16x128xi32, #tpu.memory_space<vmem>> -> memref<1x128xi32, #tpu.memory_space<vmem>>
      %dma_wait3A_165 = tpu.memref_squeeze %dma_wait3A_164 : memref<1x128xi32, #tpu.memory_space<vmem>> -> memref<128xi32, #tpu.memory_space<vmem>>
      %dma_wait3A_166 = arith.constant 0 : i32
      %dma_wait3A_167 = arith.constant 0 : i32
      %dma_wait3A_168 = tpu.memref_slice %arg2[%dma_wait3A_166, %dma_wait3A_167] : memref<10000x128xf32, #tpu.memory_space<hbm>> -> memref<10000x128xf32, #tpu.memory_space<hbm>>
      tpu.wait_indirect_dma semaphore(%arg13 : memref<!tpu.dma_semaphore, #tpu.memory_space<semaphore_mem>>) src(%dma_wait3A_168 : memref<10000x128xf32, #tpu.memory_space<hbm>>) dst(%arg10 : memref<128x128xf32, #tpu.memory_space<vmem>>)
      %run_scoped3A_169 = arith.constant 7 : i32
      "tpu.region"() ({
        %run_scoped3A_283 = tpu.sem_alloc : memref<!tpu.dma_semaphore, #tpu.memory_space<semaphore_mem>>
        %dma_start3A_284 = arith.constant 0 : i32
        %dma_start3A_285 = tpu.memref_slice %arg8[%run_scoped3A_169, %dma_start3A_284] : memref<16x128xi32, #tpu.memory_space<vmem>> -> memref<1x128xi32, #tpu.memory_space<vmem>>
        %dma_start3A_286 = tpu.memref_squeeze %dma_start3A_285 : memref<1x128xi32, #tpu.memory_space<vmem>> -> memref<128xi32, #tpu.memory_space<vmem>>
        %dma_start3A_287 = arith.constant 0 : i32
        %dma_start3A_288 = arith.constant 0 : i32
        %dma_start3A_289 = tpu.memref_slice %arg11[%dma_start3A_287, %dma_start3A_288] : memref<10112x128xf32, #tpu.memory_space<vmem_shared>> -> memref<10112x128xf32, #tpu.memory_space<vmem_shared>>
        tpu.enqueue_indirect_dma source(%arg10 : memref<128x128xf32, #tpu.memory_space<vmem>>) target(%dma_start3A_289 : memref<10112x128xf32, #tpu.memory_space<vmem_shared>>) offsets(%dma_start3A_286 : memref<128xi32, #tpu.memory_space<vmem>>) semaphore(%run_scoped3A_283 : memref<!tpu.dma_semaphore, #tpu.memory_space<semaphore_mem>>) {add = true}
        %dma_wait3A_290 = arith.constant 0 : i32
        %dma_wait3A_291 = tpu.memref_slice %arg8[%run_scoped3A_169, %dma_wait3A_290] : memref<16x128xi32, #tpu.memory_space<vmem>> -> memref<1x128xi32, #tpu.memory_space<vmem>>
        %dma_wait3A_292 = tpu.memref_squeeze %dma_wait3A_291 : memref<1x128xi32, #tpu.memory_space<vmem>> -> memref<128xi32, #tpu.memory_space<vmem>>
        %dma_wait3A_293 = arith.constant 0 : i32
        %dma_wait3A_294 = arith.constant 0 : i32
        %dma_wait3A_295 = tpu.memref_slice %arg11[%dma_wait3A_293, %dma_wait3A_294] : memref<10112x128xf32, #tpu.memory_space<vmem_shared>> -> memref<10112x128xf32, #tpu.memory_space<vmem_shared>>
        tpu.wait_indirect_dma semaphore(%run_scoped3A_283 : memref<!tpu.dma_semaphore, #tpu.memory_space<semaphore_mem>>) src(%arg10 : memref<128x128xf32, #tpu.memory_space<vmem>>) dst(%dma_wait3A_295 : memref<10112x128xf32, #tpu.memory_space<vmem_shared>>)
        tpu.yield
      }) : () -> ()
      %dma_start3A_170 = arith.constant 9 : i32
      %dma_start3A_171 = arith.constant 0 : i32
      %dma_start3A_172 = tpu.memref_slice %arg7[%dma_start3A_170, %dma_start3A_171] : memref<16x128xi32, #tpu.memory_space<vmem>> -> memref<1x128xi32, #tpu.memory_space<vmem>>
      %dma_start3A_173 = tpu.memref_squeeze %dma_start3A_172 : memref<1x128xi32, #tpu.memory_space<vmem>> -> memref<128xi32, #tpu.memory_space<vmem>>
      %dma_start3A_174 = arith.constant 0 : i32
      %dma_start3A_175 = arith.constant 0 : i32
      %dma_start3A_176 = tpu.memref_slice %arg2[%dma_start3A_174, %dma_start3A_175] : memref<10000x128xf32, #tpu.memory_space<hbm>> -> memref<10000x128xf32, #tpu.memory_space<hbm>>
      tpu.enqueue_indirect_dma source(%dma_start3A_176 : memref<10000x128xf32, #tpu.memory_space<hbm>>) target(%arg10 : memref<128x128xf32, #tpu.memory_space<vmem>>) offsets(%dma_start3A_173 : memref<128xi32, #tpu.memory_space<vmem>>) semaphore(%arg13 : memref<!tpu.dma_semaphore, #tpu.memory_space<semaphore_mem>>)
      %dma_wait3A_177 = arith.constant 8 : i32
      %dma_wait3A_178 = arith.constant 0 : i32
      %dma_wait3A_179 = tpu.memref_slice %arg7[%dma_wait3A_177, %dma_wait3A_178] : memref<16x128xi32, #tpu.memory_space<vmem>> -> memref<1x128xi32, #tpu.memory_space<vmem>>
      %dma_wait3A_180 = tpu.memref_squeeze %dma_wait3A_179 : memref<1x128xi32, #tpu.memory_space<vmem>> -> memref<128xi32, #tpu.memory_space<vmem>>
      %dma_wait3A_181 = arith.constant 0 : i32
      %dma_wait3A_182 = arith.constant 0 : i32
      %dma_wait3A_183 = tpu.memref_slice %arg2[%dma_wait3A_181, %dma_wait3A_182] : memref<10000x128xf32, #tpu.memory_space<hbm>> -> memref<10000x128xf32, #tpu.memory_space<hbm>>
      tpu.wait_indirect_dma semaphore(%arg12 : memref<!tpu.dma_semaphore, #tpu.memory_space<semaphore_mem>>) src(%dma_wait3A_183 : memref<10000x128xf32, #tpu.memory_space<hbm>>) dst(%arg9 : memref<128x128xf32, #tpu.memory_space<vmem>>)
      %run_scoped3A_184 = arith.constant 8 : i32
      "tpu.region"() ({
        %run_scoped3A_283 = tpu.sem_alloc : memref<!tpu.dma_semaphore, #tpu.memory_space<semaphore_mem>>
        %dma_start3A_284 = arith.constant 0 : i32
        %dma_start3A_285 = tpu.memref_slice %arg8[%run_scoped3A_184, %dma_start3A_284] : memref<16x128xi32, #tpu.memory_space<vmem>> -> memref<1x128xi32, #tpu.memory_space<vmem>>
        %dma_start3A_286 = tpu.memref_squeeze %dma_start3A_285 : memref<1x128xi32, #tpu.memory_space<vmem>> -> memref<128xi32, #tpu.memory_space<vmem>>
        %dma_start3A_287 = arith.constant 0 : i32
        %dma_start3A_288 = arith.constant 0 : i32
        %dma_start3A_289 = tpu.memref_slice %arg11[%dma_start3A_287, %dma_start3A_288] : memref<10112x128xf32, #tpu.memory_space<vmem_shared>> -> memref<10112x128xf32, #tpu.memory_space<vmem_shared>>
        tpu.enqueue_indirect_dma source(%arg9 : memref<128x128xf32, #tpu.memory_space<vmem>>) target(%dma_start3A_289 : memref<10112x128xf32, #tpu.memory_space<vmem_shared>>) offsets(%dma_start3A_286 : memref<128xi32, #tpu.memory_space<vmem>>) semaphore(%run_scoped3A_283 : memref<!tpu.dma_semaphore, #tpu.memory_space<semaphore_mem>>) {add = true}
        %dma_wait3A_290 = arith.constant 0 : i32
        %dma_wait3A_291 = tpu.memref_slice %arg8[%run_scoped3A_184, %dma_wait3A_290] : memref<16x128xi32, #tpu.memory_space<vmem>> -> memref<1x128xi32, #tpu.memory_space<vmem>>
        %dma_wait3A_292 = tpu.memref_squeeze %dma_wait3A_291 : memref<1x128xi32, #tpu.memory_space<vmem>> -> memref<128xi32, #tpu.memory_space<vmem>>
        %dma_wait3A_293 = arith.constant 0 : i32
        %dma_wait3A_294 = arith.constant 0 : i32
        %dma_wait3A_295 = tpu.memref_slice %arg11[%dma_wait3A_293, %dma_wait3A_294] : memref<10112x128xf32, #tpu.memory_space<vmem_shared>> -> memref<10112x128xf32, #tpu.memory_space<vmem_shared>>
        tpu.wait_indirect_dma semaphore(%run_scoped3A_283 : memref<!tpu.dma_semaphore, #tpu.memory_space<semaphore_mem>>) src(%arg9 : memref<128x128xf32, #tpu.memory_space<vmem>>) dst(%dma_wait3A_295 : memref<10112x128xf32, #tpu.memory_space<vmem_shared>>)
        tpu.yield
      }) : () -> ()
      %dma_start3A_185 = arith.constant 10 : i32
      %dma_start3A_186 = arith.constant 0 : i32
      %dma_start3A_187 = tpu.memref_slice %arg7[%dma_start3A_185, %dma_start3A_186] : memref<16x128xi32, #tpu.memory_space<vmem>> -> memref<1x128xi32, #tpu.memory_space<vmem>>
      %dma_start3A_188 = tpu.memref_squeeze %dma_start3A_187 : memref<1x128xi32, #tpu.memory_space<vmem>> -> memref<128xi32, #tpu.memory_space<vmem>>
      %dma_start3A_189 = arith.constant 0 : i32
      %dma_start3A_190 = arith.constant 0 : i32
      %dma_start3A_191 = tpu.memref_slice %arg2[%dma_start3A_189, %dma_start3A_190] : memref<10000x128xf32, #tpu.memory_space<hbm>> -> memref<10000x128xf32, #tpu.memory_space<hbm>>
      tpu.enqueue_indirect_dma source(%dma_start3A_191 : memref<10000x128xf32, #tpu.memory_space<hbm>>) target(%arg9 : memref<128x128xf32, #tpu.memory_space<vmem>>) offsets(%dma_start3A_188 : memref<128xi32, #tpu.memory_space<vmem>>) semaphore(%arg12 : memref<!tpu.dma_semaphore, #tpu.memory_space<semaphore_mem>>)
      %dma_wait3A_192 = arith.constant 9 : i32
      %dma_wait3A_193 = arith.constant 0 : i32
      %dma_wait3A_194 = tpu.memref_slice %arg7[%dma_wait3A_192, %dma_wait3A_193] : memref<16x128xi32, #tpu.memory_space<vmem>> -> memref<1x128xi32, #tpu.memory_space<vmem>>
      %dma_wait3A_195 = tpu.memref_squeeze %dma_wait3A_194 : memref<1x128xi32, #tpu.memory_space<vmem>> -> memref<128xi32, #tpu.memory_space<vmem>>
      %dma_wait3A_196 = arith.constant 0 : i32
      %dma_wait3A_197 = arith.constant 0 : i32
      %dma_wait3A_198 = tpu.memref_slice %arg2[%dma_wait3A_196, %dma_wait3A_197] : memref<10000x128xf32, #tpu.memory_space<hbm>> -> memref<10000x128xf32, #tpu.memory_space<hbm>>
      tpu.wait_indirect_dma semaphore(%arg13 : memref<!tpu.dma_semaphore, #tpu.memory_space<semaphore_mem>>) src(%dma_wait3A_198 : memref<10000x128xf32, #tpu.memory_space<hbm>>) dst(%arg10 : memref<128x128xf32, #tpu.memory_space<vmem>>)
      %run_scoped3A_199 = arith.constant 9 : i32
      "tpu.region"() ({
        %run_scoped3A_283 = tpu.sem_alloc : memref<!tpu.dma_semaphore, #tpu.memory_space<semaphore_mem>>
        %dma_start3A_284 = arith.constant 0 : i32
        %dma_start3A_285 = tpu.memref_slice %arg8[%run_scoped3A_199, %dma_start3A_284] : memref<16x128xi32, #tpu.memory_space<vmem>> -> memref<1x128xi32, #tpu.memory_space<vmem>>
        %dma_start3A_286 = tpu.memref_squeeze %dma_start3A_285 : memref<1x128xi32, #tpu.memory_space<vmem>> -> memref<128xi32, #tpu.memory_space<vmem>>
        %dma_start3A_287 = arith.constant 0 : i32
        %dma_start3A_288 = arith.constant 0 : i32
        %dma_start3A_289 = tpu.memref_slice %arg11[%dma_start3A_287, %dma_start3A_288] : memref<10112x128xf32, #tpu.memory_space<vmem_shared>> -> memref<10112x128xf32, #tpu.memory_space<vmem_shared>>
        tpu.enqueue_indirect_dma source(%arg10 : memref<128x128xf32, #tpu.memory_space<vmem>>) target(%dma_start3A_289 : memref<10112x128xf32, #tpu.memory_space<vmem_shared>>) offsets(%dma_start3A_286 : memref<128xi32, #tpu.memory_space<vmem>>) semaphore(%run_scoped3A_283 : memref<!tpu.dma_semaphore, #tpu.memory_space<semaphore_mem>>) {add = true}
        %dma_wait3A_290 = arith.constant 0 : i32
        %dma_wait3A_291 = tpu.memref_slice %arg8[%run_scoped3A_199, %dma_wait3A_290] : memref<16x128xi32, #tpu.memory_space<vmem>> -> memref<1x128xi32, #tpu.memory_space<vmem>>
        %dma_wait3A_292 = tpu.memref_squeeze %dma_wait3A_291 : memref<1x128xi32, #tpu.memory_space<vmem>> -> memref<128xi32, #tpu.memory_space<vmem>>
        %dma_wait3A_293 = arith.constant 0 : i32
        %dma_wait3A_294 = arith.constant 0 : i32
        %dma_wait3A_295 = tpu.memref_slice %arg11[%dma_wait3A_293, %dma_wait3A_294] : memref<10112x128xf32, #tpu.memory_space<vmem_shared>> -> memref<10112x128xf32, #tpu.memory_space<vmem_shared>>
        tpu.wait_indirect_dma semaphore(%run_scoped3A_283 : memref<!tpu.dma_semaphore, #tpu.memory_space<semaphore_mem>>) src(%arg10 : memref<128x128xf32, #tpu.memory_space<vmem>>) dst(%dma_wait3A_295 : memref<10112x128xf32, #tpu.memory_space<vmem_shared>>)
        tpu.yield
      }) : () -> ()
      %dma_start3A_200 = arith.constant 11 : i32
      %dma_start3A_201 = arith.constant 0 : i32
      %dma_start3A_202 = tpu.memref_slice %arg7[%dma_start3A_200, %dma_start3A_201] : memref<16x128xi32, #tpu.memory_space<vmem>> -> memref<1x128xi32, #tpu.memory_space<vmem>>
      %dma_start3A_203 = tpu.memref_squeeze %dma_start3A_202 : memref<1x128xi32, #tpu.memory_space<vmem>> -> memref<128xi32, #tpu.memory_space<vmem>>
      %dma_start3A_204 = arith.constant 0 : i32
      %dma_start3A_205 = arith.constant 0 : i32
      %dma_start3A_206 = tpu.memref_slice %arg2[%dma_start3A_204, %dma_start3A_205] : memref<10000x128xf32, #tpu.memory_space<hbm>> -> memref<10000x128xf32, #tpu.memory_space<hbm>>
      tpu.enqueue_indirect_dma source(%dma_start3A_206 : memref<10000x128xf32, #tpu.memory_space<hbm>>) target(%arg10 : memref<128x128xf32, #tpu.memory_space<vmem>>) offsets(%dma_start3A_203 : memref<128xi32, #tpu.memory_space<vmem>>) semaphore(%arg13 : memref<!tpu.dma_semaphore, #tpu.memory_space<semaphore_mem>>)
      %dma_wait3A_207 = arith.constant 10 : i32
      %dma_wait3A_208 = arith.constant 0 : i32
      %dma_wait3A_209 = tpu.memref_slice %arg7[%dma_wait3A_207, %dma_wait3A_208] : memref<16x128xi32, #tpu.memory_space<vmem>> -> memref<1x128xi32, #tpu.memory_space<vmem>>
      %dma_wait3A_210 = tpu.memref_squeeze %dma_wait3A_209 : memref<1x128xi32, #tpu.memory_space<vmem>> -> memref<128xi32, #tpu.memory_space<vmem>>
      %dma_wait3A_211 = arith.constant 0 : i32
      %dma_wait3A_212 = arith.constant 0 : i32
      %dma_wait3A_213 = tpu.memref_slice %arg2[%dma_wait3A_211, %dma_wait3A_212] : memref<10000x128xf32, #tpu.memory_space<hbm>> -> memref<10000x128xf32, #tpu.memory_space<hbm>>
      tpu.wait_indirect_dma semaphore(%arg12 : memref<!tpu.dma_semaphore, #tpu.memory_space<semaphore_mem>>) src(%dma_wait3A_213 : memref<10000x128xf32, #tpu.memory_space<hbm>>) dst(%arg9 : memref<128x128xf32, #tpu.memory_space<vmem>>)
      %run_scoped3A_214 = arith.constant 10 : i32
      "tpu.region"() ({
        %run_scoped3A_283 = tpu.sem_alloc : memref<!tpu.dma_semaphore, #tpu.memory_space<semaphore_mem>>
        %dma_start3A_284 = arith.constant 0 : i32
        %dma_start3A_285 = tpu.memref_slice %arg8[%run_scoped3A_214, %dma_start3A_284] : memref<16x128xi32, #tpu.memory_space<vmem>> -> memref<1x128xi32, #tpu.memory_space<vmem>>
        %dma_start3A_286 = tpu.memref_squeeze %dma_start3A_285 : memref<1x128xi32, #tpu.memory_space<vmem>> -> memref<128xi32, #tpu.memory_space<vmem>>
        %dma_start3A_287 = arith.constant 0 : i32
        %dma_start3A_288 = arith.constant 0 : i32
        %dma_start3A_289 = tpu.memref_slice %arg11[%dma_start3A_287, %dma_start3A_288] : memref<10112x128xf32, #tpu.memory_space<vmem_shared>> -> memref<10112x128xf32, #tpu.memory_space<vmem_shared>>
        tpu.enqueue_indirect_dma source(%arg9 : memref<128x128xf32, #tpu.memory_space<vmem>>) target(%dma_start3A_289 : memref<10112x128xf32, #tpu.memory_space<vmem_shared>>) offsets(%dma_start3A_286 : memref<128xi32, #tpu.memory_space<vmem>>) semaphore(%run_scoped3A_283 : memref<!tpu.dma_semaphore, #tpu.memory_space<semaphore_mem>>) {add = true}
        %dma_wait3A_290 = arith.constant 0 : i32
        %dma_wait3A_291 = tpu.memref_slice %arg8[%run_scoped3A_214, %dma_wait3A_290] : memref<16x128xi32, #tpu.memory_space<vmem>> -> memref<1x128xi32, #tpu.memory_space<vmem>>
        %dma_wait3A_292 = tpu.memref_squeeze %dma_wait3A_291 : memref<1x128xi32, #tpu.memory_space<vmem>> -> memref<128xi32, #tpu.memory_space<vmem>>
        %dma_wait3A_293 = arith.constant 0 : i32
        %dma_wait3A_294 = arith.constant 0 : i32
        %dma_wait3A_295 = tpu.memref_slice %arg11[%dma_wait3A_293, %dma_wait3A_294] : memref<10112x128xf32, #tpu.memory_space<vmem_shared>> -> memref<10112x128xf32, #tpu.memory_space<vmem_shared>>
        tpu.wait_indirect_dma semaphore(%run_scoped3A_283 : memref<!tpu.dma_semaphore, #tpu.memory_space<semaphore_mem>>) src(%arg9 : memref<128x128xf32, #tpu.memory_space<vmem>>) dst(%dma_wait3A_295 : memref<10112x128xf32, #tpu.memory_space<vmem_shared>>)
        tpu.yield
      }) : () -> ()
      %dma_start3A_215 = arith.constant 12 : i32
      %dma_start3A_216 = arith.constant 0 : i32
      %dma_start3A_217 = tpu.memref_slice %arg7[%dma_start3A_215, %dma_start3A_216] : memref<16x128xi32, #tpu.memory_space<vmem>> -> memref<1x128xi32, #tpu.memory_space<vmem>>
      %dma_start3A_218 = tpu.memref_squeeze %dma_start3A_217 : memref<1x128xi32, #tpu.memory_space<vmem>> -> memref<128xi32, #tpu.memory_space<vmem>>
      %dma_start3A_219 = arith.constant 0 : i32
      %dma_start3A_220 = arith.constant 0 : i32
      %dma_start3A_221 = tpu.memref_slice %arg2[%dma_start3A_219, %dma_start3A_220] : memref<10000x128xf32, #tpu.memory_space<hbm>> -> memref<10000x128xf32, #tpu.memory_space<hbm>>
      tpu.enqueue_indirect_dma source(%dma_start3A_221 : memref<10000x128xf32, #tpu.memory_space<hbm>>) target(%arg9 : memref<128x128xf32, #tpu.memory_space<vmem>>) offsets(%dma_start3A_218 : memref<128xi32, #tpu.memory_space<vmem>>) semaphore(%arg12 : memref<!tpu.dma_semaphore, #tpu.memory_space<semaphore_mem>>)
      %dma_wait3A_222 = arith.constant 11 : i32
      %dma_wait3A_223 = arith.constant 0 : i32
      %dma_wait3A_224 = tpu.memref_slice %arg7[%dma_wait3A_222, %dma_wait3A_223] : memref<16x128xi32, #tpu.memory_space<vmem>> -> memref<1x128xi32, #tpu.memory_space<vmem>>
      %dma_wait3A_225 = tpu.memref_squeeze %dma_wait3A_224 : memref<1x128xi32, #tpu.memory_space<vmem>> -> memref<128xi32, #tpu.memory_space<vmem>>
      %dma_wait3A_226 = arith.constant 0 : i32
      %dma_wait3A_227 = arith.constant 0 : i32
      %dma_wait3A_228 = tpu.memref_slice %arg2[%dma_wait3A_226, %dma_wait3A_227] : memref<10000x128xf32, #tpu.memory_space<hbm>> -> memref<10000x128xf32, #tpu.memory_space<hbm>>
      tpu.wait_indirect_dma semaphore(%arg13 : memref<!tpu.dma_semaphore, #tpu.memory_space<semaphore_mem>>) src(%dma_wait3A_228 : memref<10000x128xf32, #tpu.memory_space<hbm>>) dst(%arg10 : memref<128x128xf32, #tpu.memory_space<vmem>>)
      %run_scoped3A_229 = arith.constant 11 : i32
      "tpu.region"() ({
        %run_scoped3A_283 = tpu.sem_alloc : memref<!tpu.dma_semaphore, #tpu.memory_space<semaphore_mem>>
        %dma_start3A_284 = arith.constant 0 : i32
        %dma_start3A_285 = tpu.memref_slice %arg8[%run_scoped3A_229, %dma_start3A_284] : memref<16x128xi32, #tpu.memory_space<vmem>> -> memref<1x128xi32, #tpu.memory_space<vmem>>
        %dma_start3A_286 = tpu.memref_squeeze %dma_start3A_285 : memref<1x128xi32, #tpu.memory_space<vmem>> -> memref<128xi32, #tpu.memory_space<vmem>>
        %dma_start3A_287 = arith.constant 0 : i32
        %dma_start3A_288 = arith.constant 0 : i32
        %dma_start3A_289 = tpu.memref_slice %arg11[%dma_start3A_287, %dma_start3A_288] : memref<10112x128xf32, #tpu.memory_space<vmem_shared>> -> memref<10112x128xf32, #tpu.memory_space<vmem_shared>>
        tpu.enqueue_indirect_dma source(%arg10 : memref<128x128xf32, #tpu.memory_space<vmem>>) target(%dma_start3A_289 : memref<10112x128xf32, #tpu.memory_space<vmem_shared>>) offsets(%dma_start3A_286 : memref<128xi32, #tpu.memory_space<vmem>>) semaphore(%run_scoped3A_283 : memref<!tpu.dma_semaphore, #tpu.memory_space<semaphore_mem>>) {add = true}
        %dma_wait3A_290 = arith.constant 0 : i32
        %dma_wait3A_291 = tpu.memref_slice %arg8[%run_scoped3A_229, %dma_wait3A_290] : memref<16x128xi32, #tpu.memory_space<vmem>> -> memref<1x128xi32, #tpu.memory_space<vmem>>
        %dma_wait3A_292 = tpu.memref_squeeze %dma_wait3A_291 : memref<1x128xi32, #tpu.memory_space<vmem>> -> memref<128xi32, #tpu.memory_space<vmem>>
        %dma_wait3A_293 = arith.constant 0 : i32
        %dma_wait3A_294 = arith.constant 0 : i32
        %dma_wait3A_295 = tpu.memref_slice %arg11[%dma_wait3A_293, %dma_wait3A_294] : memref<10112x128xf32, #tpu.memory_space<vmem_shared>> -> memref<10112x128xf32, #tpu.memory_space<vmem_shared>>
        tpu.wait_indirect_dma semaphore(%run_scoped3A_283 : memref<!tpu.dma_semaphore, #tpu.memory_space<semaphore_mem>>) src(%arg10 : memref<128x128xf32, #tpu.memory_space<vmem>>) dst(%dma_wait3A_295 : memref<10112x128xf32, #tpu.memory_space<vmem_shared>>)
        tpu.yield
      }) : () -> ()
      %dma_start3A_230 = arith.constant 13 : i32
      %dma_start3A_231 = arith.constant 0 : i32
      %dma_start3A_232 = tpu.memref_slice %arg7[%dma_start3A_230, %dma_start3A_231] : memref<16x128xi32, #tpu.memory_space<vmem>> -> memref<1x128xi32, #tpu.memory_space<vmem>>
      %dma_start3A_233 = tpu.memref_squeeze %dma_start3A_232 : memref<1x128xi32, #tpu.memory_space<vmem>> -> memref<128xi32, #tpu.memory_space<vmem>>
      %dma_start3A_234 = arith.constant 0 : i32
      %dma_start3A_235 = arith.constant 0 : i32
      %dma_start3A_236 = tpu.memref_slice %arg2[%dma_start3A_234, %dma_start3A_235] : memref<10000x128xf32, #tpu.memory_space<hbm>> -> memref<10000x128xf32, #tpu.memory_space<hbm>>
      tpu.enqueue_indirect_dma source(%dma_start3A_236 : memref<10000x128xf32, #tpu.memory_space<hbm>>) target(%arg10 : memref<128x128xf32, #tpu.memory_space<vmem>>) offsets(%dma_start3A_233 : memref<128xi32, #tpu.memory_space<vmem>>) semaphore(%arg13 : memref<!tpu.dma_semaphore, #tpu.memory_space<semaphore_mem>>)
      %dma_wait3A_237 = arith.constant 12 : i32
      %dma_wait3A_238 = arith.constant 0 : i32
      %dma_wait3A_239 = tpu.memref_slice %arg7[%dma_wait3A_237, %dma_wait3A_238] : memref<16x128xi32, #tpu.memory_space<vmem>> -> memref<1x128xi32, #tpu.memory_space<vmem>>
      %dma_wait3A_240 = tpu.memref_squeeze %dma_wait3A_239 : memref<1x128xi32, #tpu.memory_space<vmem>> -> memref<128xi32, #tpu.memory_space<vmem>>
      %dma_wait3A_241 = arith.constant 0 : i32
      %dma_wait3A_242 = arith.constant 0 : i32
      %dma_wait3A_243 = tpu.memref_slice %arg2[%dma_wait3A_241, %dma_wait3A_242] : memref<10000x128xf32, #tpu.memory_space<hbm>> -> memref<10000x128xf32, #tpu.memory_space<hbm>>
      tpu.wait_indirect_dma semaphore(%arg12 : memref<!tpu.dma_semaphore, #tpu.memory_space<semaphore_mem>>) src(%dma_wait3A_243 : memref<10000x128xf32, #tpu.memory_space<hbm>>) dst(%arg9 : memref<128x128xf32, #tpu.memory_space<vmem>>)
      %run_scoped3A_244 = arith.constant 12 : i32
      "tpu.region"() ({
        %run_scoped3A_283 = tpu.sem_alloc : memref<!tpu.dma_semaphore, #tpu.memory_space<semaphore_mem>>
        %dma_start3A_284 = arith.constant 0 : i32
        %dma_start3A_285 = tpu.memref_slice %arg8[%run_scoped3A_244, %dma_start3A_284] : memref<16x128xi32, #tpu.memory_space<vmem>> -> memref<1x128xi32, #tpu.memory_space<vmem>>
        %dma_start3A_286 = tpu.memref_squeeze %dma_start3A_285 : memref<1x128xi32, #tpu.memory_space<vmem>> -> memref<128xi32, #tpu.memory_space<vmem>>
        %dma_start3A_287 = arith.constant 0 : i32
        %dma_start3A_288 = arith.constant 0 : i32
        %dma_start3A_289 = tpu.memref_slice %arg11[%dma_start3A_287, %dma_start3A_288] : memref<10112x128xf32, #tpu.memory_space<vmem_shared>> -> memref<10112x128xf32, #tpu.memory_space<vmem_shared>>
        tpu.enqueue_indirect_dma source(%arg9 : memref<128x128xf32, #tpu.memory_space<vmem>>) target(%dma_start3A_289 : memref<10112x128xf32, #tpu.memory_space<vmem_shared>>) offsets(%dma_start3A_286 : memref<128xi32, #tpu.memory_space<vmem>>) semaphore(%run_scoped3A_283 : memref<!tpu.dma_semaphore, #tpu.memory_space<semaphore_mem>>) {add = true}
        %dma_wait3A_290 = arith.constant 0 : i32
        %dma_wait3A_291 = tpu.memref_slice %arg8[%run_scoped3A_244, %dma_wait3A_290] : memref<16x128xi32, #tpu.memory_space<vmem>> -> memref<1x128xi32, #tpu.memory_space<vmem>>
        %dma_wait3A_292 = tpu.memref_squeeze %dma_wait3A_291 : memref<1x128xi32, #tpu.memory_space<vmem>> -> memref<128xi32, #tpu.memory_space<vmem>>
        %dma_wait3A_293 = arith.constant 0 : i32
        %dma_wait3A_294 = arith.constant 0 : i32
        %dma_wait3A_295 = tpu.memref_slice %arg11[%dma_wait3A_293, %dma_wait3A_294] : memref<10112x128xf32, #tpu.memory_space<vmem_shared>> -> memref<10112x128xf32, #tpu.memory_space<vmem_shared>>
        tpu.wait_indirect_dma semaphore(%run_scoped3A_283 : memref<!tpu.dma_semaphore, #tpu.memory_space<semaphore_mem>>) src(%arg9 : memref<128x128xf32, #tpu.memory_space<vmem>>) dst(%dma_wait3A_295 : memref<10112x128xf32, #tpu.memory_space<vmem_shared>>)
        tpu.yield
      }) : () -> ()
      %dma_start3A_245 = arith.constant 14 : i32
      %dma_start3A_246 = arith.constant 0 : i32
      %dma_start3A_247 = tpu.memref_slice %arg7[%dma_start3A_245, %dma_start3A_246] : memref<16x128xi32, #tpu.memory_space<vmem>> -> memref<1x128xi32, #tpu.memory_space<vmem>>
      %dma_start3A_248 = tpu.memref_squeeze %dma_start3A_247 : memref<1x128xi32, #tpu.memory_space<vmem>> -> memref<128xi32, #tpu.memory_space<vmem>>
      %dma_start3A_249 = arith.constant 0 : i32
      %dma_start3A_250 = arith.constant 0 : i32
      %dma_start3A_251 = tpu.memref_slice %arg2[%dma_start3A_249, %dma_start3A_250] : memref<10000x128xf32, #tpu.memory_space<hbm>> -> memref<10000x128xf32, #tpu.memory_space<hbm>>
      tpu.enqueue_indirect_dma source(%dma_start3A_251 : memref<10000x128xf32, #tpu.memory_space<hbm>>) target(%arg9 : memref<128x128xf32, #tpu.memory_space<vmem>>) offsets(%dma_start3A_248 : memref<128xi32, #tpu.memory_space<vmem>>) semaphore(%arg12 : memref<!tpu.dma_semaphore, #tpu.memory_space<semaphore_mem>>)
      %dma_wait3A_252 = arith.constant 13 : i32
      %dma_wait3A_253 = arith.constant 0 : i32
      %dma_wait3A_254 = tpu.memref_slice %arg7[%dma_wait3A_252, %dma_wait3A_253] : memref<16x128xi32, #tpu.memory_space<vmem>> -> memref<1x128xi32, #tpu.memory_space<vmem>>
      %dma_wait3A_255 = tpu.memref_squeeze %dma_wait3A_254 : memref<1x128xi32, #tpu.memory_space<vmem>> -> memref<128xi32, #tpu.memory_space<vmem>>
      %dma_wait3A_256 = arith.constant 0 : i32
      %dma_wait3A_257 = arith.constant 0 : i32
      %dma_wait3A_258 = tpu.memref_slice %arg2[%dma_wait3A_256, %dma_wait3A_257] : memref<10000x128xf32, #tpu.memory_space<hbm>> -> memref<10000x128xf32, #tpu.memory_space<hbm>>
      tpu.wait_indirect_dma semaphore(%arg13 : memref<!tpu.dma_semaphore, #tpu.memory_space<semaphore_mem>>) src(%dma_wait3A_258 : memref<10000x128xf32, #tpu.memory_space<hbm>>) dst(%arg10 : memref<128x128xf32, #tpu.memory_space<vmem>>)
      %run_scoped3A_259 = arith.constant 13 : i32
      "tpu.region"() ({
        %run_scoped3A_283 = tpu.sem_alloc : memref<!tpu.dma_semaphore, #tpu.memory_space<semaphore_mem>>
        %dma_start3A_284 = arith.constant 0 : i32
        %dma_start3A_285 = tpu.memref_slice %arg8[%run_scoped3A_259, %dma_start3A_284] : memref<16x128xi32, #tpu.memory_space<vmem>> -> memref<1x128xi32, #tpu.memory_space<vmem>>
        %dma_start3A_286 = tpu.memref_squeeze %dma_start3A_285 : memref<1x128xi32, #tpu.memory_space<vmem>> -> memref<128xi32, #tpu.memory_space<vmem>>
        %dma_start3A_287 = arith.constant 0 : i32
        %dma_start3A_288 = arith.constant 0 : i32
        %dma_start3A_289 = tpu.memref_slice %arg11[%dma_start3A_287, %dma_start3A_288] : memref<10112x128xf32, #tpu.memory_space<vmem_shared>> -> memref<10112x128xf32, #tpu.memory_space<vmem_shared>>
        tpu.enqueue_indirect_dma source(%arg10 : memref<128x128xf32, #tpu.memory_space<vmem>>) target(%dma_start3A_289 : memref<10112x128xf32, #tpu.memory_space<vmem_shared>>) offsets(%dma_start3A_286 : memref<128xi32, #tpu.memory_space<vmem>>) semaphore(%run_scoped3A_283 : memref<!tpu.dma_semaphore, #tpu.memory_space<semaphore_mem>>) {add = true}
        %dma_wait3A_290 = arith.constant 0 : i32
        %dma_wait3A_291 = tpu.memref_slice %arg8[%run_scoped3A_259, %dma_wait3A_290] : memref<16x128xi32, #tpu.memory_space<vmem>> -> memref<1x128xi32, #tpu.memory_space<vmem>>
        %dma_wait3A_292 = tpu.memref_squeeze %dma_wait3A_291 : memref<1x128xi32, #tpu.memory_space<vmem>> -> memref<128xi32, #tpu.memory_space<vmem>>
        %dma_wait3A_293 = arith.constant 0 : i32
        %dma_wait3A_294 = arith.constant 0 : i32
        %dma_wait3A_295 = tpu.memref_slice %arg11[%dma_wait3A_293, %dma_wait3A_294] : memref<10112x128xf32, #tpu.memory_space<vmem_shared>> -> memref<10112x128xf32, #tpu.memory_space<vmem_shared>>
        tpu.wait_indirect_dma semaphore(%run_scoped3A_283 : memref<!tpu.dma_semaphore, #tpu.memory_space<semaphore_mem>>) src(%arg10 : memref<128x128xf32, #tpu.memory_space<vmem>>) dst(%dma_wait3A_295 : memref<10112x128xf32, #tpu.memory_space<vmem_shared>>)
        tpu.yield
      }) : () -> ()
      %dma_start3A_260 = arith.constant 15 : i32
      %dma_start3A_261 = arith.constant 0 : i32
      %dma_start3A_262 = tpu.memref_slice %arg7[%dma_start3A_260, %dma_start3A_261] : memref<16x128xi32, #tpu.memory_space<vmem>> -> memref<1x128xi32, #tpu.memory_space<vmem>>
      %dma_start3A_263 = tpu.memref_squeeze %dma_start3A_262 : memref<1x128xi32, #tpu.memory_space<vmem>> -> memref<128xi32, #tpu.memory_space<vmem>>
      %dma_start3A_264 = arith.constant 0 : i32
      %dma_start3A_265 = arith.constant 0 : i32
      %dma_start3A_266 = tpu.memref_slice %arg2[%dma_start3A_264, %dma_start3A_265] : memref<10000x128xf32, #tpu.memory_space<hbm>> -> memref<10000x128xf32, #tpu.memory_space<hbm>>
      tpu.enqueue_indirect_dma source(%dma_start3A_266 : memref<10000x128xf32, #tpu.memory_space<hbm>>) target(%arg10 : memref<128x128xf32, #tpu.memory_space<vmem>>) offsets(%dma_start3A_263 : memref<128xi32, #tpu.memory_space<vmem>>) semaphore(%arg13 : memref<!tpu.dma_semaphore, #tpu.memory_space<semaphore_mem>>)
      %dma_wait3A_267 = arith.constant 14 : i32
      %dma_wait3A_268 = arith.constant 0 : i32
      %dma_wait3A_269 = tpu.memref_slice %arg7[%dma_wait3A_267, %dma_wait3A_268] : memref<16x128xi32, #tpu.memory_space<vmem>> -> memref<1x128xi32, #tpu.memory_space<vmem>>
      %dma_wait3A_270 = tpu.memref_squeeze %dma_wait3A_269 : memref<1x128xi32, #tpu.memory_space<vmem>> -> memref<128xi32, #tpu.memory_space<vmem>>
      %dma_wait3A_271 = arith.constant 0 : i32
      %dma_wait3A_272 = arith.constant 0 : i32
      %dma_wait3A_273 = tpu.memref_slice %arg2[%dma_wait3A_271, %dma_wait3A_272] : memref<10000x128xf32, #tpu.memory_space<hbm>> -> memref<10000x128xf32, #tpu.memory_space<hbm>>
      tpu.wait_indirect_dma semaphore(%arg12 : memref<!tpu.dma_semaphore, #tpu.memory_space<semaphore_mem>>) src(%dma_wait3A_273 : memref<10000x128xf32, #tpu.memory_space<hbm>>) dst(%arg9 : memref<128x128xf32, #tpu.memory_space<vmem>>)
      %run_scoped3A_274 = arith.constant 14 : i32
      "tpu.region"() ({
        %run_scoped3A_283 = tpu.sem_alloc : memref<!tpu.dma_semaphore, #tpu.memory_space<semaphore_mem>>
        %dma_start3A_284 = arith.constant 0 : i32
        %dma_start3A_285 = tpu.memref_slice %arg8[%run_scoped3A_274, %dma_start3A_284] : memref<16x128xi32, #tpu.memory_space<vmem>> -> memref<1x128xi32, #tpu.memory_space<vmem>>
        %dma_start3A_286 = tpu.memref_squeeze %dma_start3A_285 : memref<1x128xi32, #tpu.memory_space<vmem>> -> memref<128xi32, #tpu.memory_space<vmem>>
        %dma_start3A_287 = arith.constant 0 : i32
        %dma_start3A_288 = arith.constant 0 : i32
        %dma_start3A_289 = tpu.memref_slice %arg11[%dma_start3A_287, %dma_start3A_288] : memref<10112x128xf32, #tpu.memory_space<vmem_shared>> -> memref<10112x128xf32, #tpu.memory_space<vmem_shared>>
        tpu.enqueue_indirect_dma source(%arg9 : memref<128x128xf32, #tpu.memory_space<vmem>>) target(%dma_start3A_289 : memref<10112x128xf32, #tpu.memory_space<vmem_shared>>) offsets(%dma_start3A_286 : memref<128xi32, #tpu.memory_space<vmem>>) semaphore(%run_scoped3A_283 : memref<!tpu.dma_semaphore, #tpu.memory_space<semaphore_mem>>) {add = true}
        %dma_wait3A_290 = arith.constant 0 : i32
        %dma_wait3A_291 = tpu.memref_slice %arg8[%run_scoped3A_274, %dma_wait3A_290] : memref<16x128xi32, #tpu.memory_space<vmem>> -> memref<1x128xi32, #tpu.memory_space<vmem>>
        %dma_wait3A_292 = tpu.memref_squeeze %dma_wait3A_291 : memref<1x128xi32, #tpu.memory_space<vmem>> -> memref<128xi32, #tpu.memory_space<vmem>>
        %dma_wait3A_293 = arith.constant 0 : i32
        %dma_wait3A_294 = arith.constant 0 : i32
        %dma_wait3A_295 = tpu.memref_slice %arg11[%dma_wait3A_293, %dma_wait3A_294] : memref<10112x128xf32, #tpu.memory_space<vmem_shared>> -> memref<10112x128xf32, #tpu.memory_space<vmem_shared>>
        tpu.wait_indirect_dma semaphore(%run_scoped3A_283 : memref<!tpu.dma_semaphore, #tpu.memory_space<semaphore_mem>>) src(%arg9 : memref<128x128xf32, #tpu.memory_space<vmem>>) dst(%dma_wait3A_295 : memref<10112x128xf32, #tpu.memory_space<vmem_shared>>)
        tpu.yield
      }) : () -> ()
      %dma_wait3A_275 = arith.constant 15 : i32
      %dma_wait3A_276 = arith.constant 0 : i32
      %dma_wait3A_277 = tpu.memref_slice %arg7[%dma_wait3A_275, %dma_wait3A_276] : memref<16x128xi32, #tpu.memory_space<vmem>> -> memref<1x128xi32, #tpu.memory_space<vmem>>
      %dma_wait3A_278 = tpu.memref_squeeze %dma_wait3A_277 : memref<1x128xi32, #tpu.memory_space<vmem>> -> memref<128xi32, #tpu.memory_space<vmem>>
      %dma_wait3A_279 = arith.constant 0 : i32
      %dma_wait3A_280 = arith.constant 0 : i32
      %dma_wait3A_281 = tpu.memref_slice %arg2[%dma_wait3A_279, %dma_wait3A_280] : memref<10000x128xf32, #tpu.memory_space<hbm>> -> memref<10000x128xf32, #tpu.memory_space<hbm>>
      tpu.wait_indirect_dma semaphore(%arg13 : memref<!tpu.dma_semaphore, #tpu.memory_space<semaphore_mem>>) src(%dma_wait3A_281 : memref<10000x128xf32, #tpu.memory_space<hbm>>) dst(%arg10 : memref<128x128xf32, #tpu.memory_space<vmem>>)
      %run_scoped3A_282 = arith.constant 15 : i32
      "tpu.region"() ({
        %run_scoped3A_283 = tpu.sem_alloc : memref<!tpu.dma_semaphore, #tpu.memory_space<semaphore_mem>>
        %dma_start3A_284 = arith.constant 0 : i32
        %dma_start3A_285 = tpu.memref_slice %arg8[%run_scoped3A_282, %dma_start3A_284] : memref<16x128xi32, #tpu.memory_space<vmem>> -> memref<1x128xi32, #tpu.memory_space<vmem>>
        %dma_start3A_286 = tpu.memref_squeeze %dma_start3A_285 : memref<1x128xi32, #tpu.memory_space<vmem>> -> memref<128xi32, #tpu.memory_space<vmem>>
        %dma_start3A_287 = arith.constant 0 : i32
        %dma_start3A_288 = arith.constant 0 : i32
        %dma_start3A_289 = tpu.memref_slice %arg11[%dma_start3A_287, %dma_start3A_288] : memref<10112x128xf32, #tpu.memory_space<vmem_shared>> -> memref<10112x128xf32, #tpu.memory_space<vmem_shared>>
        tpu.enqueue_indirect_dma source(%arg10 : memref<128x128xf32, #tpu.memory_space<vmem>>) target(%dma_start3A_289 : memref<10112x128xf32, #tpu.memory_space<vmem_shared>>) offsets(%dma_start3A_286 : memref<128xi32, #tpu.memory_space<vmem>>) semaphore(%run_scoped3A_283 : memref<!tpu.dma_semaphore, #tpu.memory_space<semaphore_mem>>) {add = true}
        %dma_wait3A_290 = arith.constant 0 : i32
        %dma_wait3A_291 = tpu.memref_slice %arg8[%run_scoped3A_282, %dma_wait3A_290] : memref<16x128xi32, #tpu.memory_space<vmem>> -> memref<1x128xi32, #tpu.memory_space<vmem>>
        %dma_wait3A_292 = tpu.memref_squeeze %dma_wait3A_291 : memref<1x128xi32, #tpu.memory_space<vmem>> -> memref<128xi32, #tpu.memory_space<vmem>>
        %dma_wait3A_293 = arith.constant 0 : i32
        %dma_wait3A_294 = arith.constant 0 : i32
        %dma_wait3A_295 = tpu.memref_slice %arg11[%dma_wait3A_293, %dma_wait3A_294] : memref<10112x128xf32, #tpu.memory_space<vmem_shared>> -> memref<10112x128xf32, #tpu.memory_space<vmem_shared>>
        tpu.wait_indirect_dma semaphore(%run_scoped3A_283 : memref<!tpu.dma_semaphore, #tpu.memory_space<semaphore_mem>>) src(%arg10 : memref<128x128xf32, #tpu.memory_space<vmem>>) dst(%dma_wait3A_295 : memref<10112x128xf32, #tpu.memory_space<vmem_shared>>)
        tpu.yield
      }) : () -> ()
    }
    %barrier3A_41 = arith.constant 0 : index
    tpu.barrier barrier_id(%barrier3A_41)
    "tpu.region"() ({
      %run_scoped3A = tpu.sem_alloc : memref<!tpu.dma_semaphore, #tpu.memory_space<semaphore_mem>>
      %dma_start3A = arith.constant 0 : i32
      %dma_start3A_42 = tpu.memref_slice %arg6[%arg0, %mul3A_2, %dma_start3A] : memref<2x10112x128xf32, #tpu.memory_space<hbm>> -> memref<1x632x128xf32, #tpu.memory_space<hbm>>
      %dma_start3A_43 = tpu.memref_squeeze %dma_start3A_42 : memref<1x632x128xf32, #tpu.memory_space<hbm>> -> memref<632x128xf32, #tpu.memory_space<hbm>>
      %dma_start3A_44 = arith.constant 0 : i32
      %dma_start3A_45 = tpu.memref_slice %arg11[%mul3A_2, %dma_start3A_44] : memref<10112x128xf32, #tpu.memory_space<vmem_shared>> -> memref<632x128xf32, #tpu.memory_space<vmem_shared>>
      tpu.enqueue_dma source(%dma_start3A_45 : memref<632x128xf32, #tpu.memory_space<vmem_shared>>) target(%dma_start3A_43 : memref<632x128xf32, #tpu.memory_space<hbm>>) target_semaphore(%run_scoped3A : memref<!tpu.dma_semaphore, #tpu.memory_space<semaphore_mem>>)
      %dma_wait3A = arith.constant 0 : i32
      %dma_wait3A_46 = tpu.memref_slice %arg6[%arg0, %mul3A_2, %dma_wait3A] : memref<2x10112x128xf32, #tpu.memory_space<hbm>> -> memref<1x632x128xf32, #tpu.memory_space<hbm>>
      %dma_wait3A_47 = tpu.memref_squeeze %dma_wait3A_46 : memref<1x632x128xf32, #tpu.memory_space<hbm>> -> memref<632x128xf32, #tpu.memory_space<hbm>>
      %dma_wait3A_48 = arith.constant 0 : i32
      %dma_wait3A_49 = tpu.memref_slice %arg11[%mul3A_2, %dma_wait3A_48] : memref<10112x128xf32, #tpu.memory_space<vmem_shared>> -> memref<632x128xf32, #tpu.memory_space<vmem_shared>>
      tpu.wait_dma2 semaphore(%run_scoped3A : memref<!tpu.dma_semaphore, #tpu.memory_space<semaphore_mem>>) src(%dma_wait3A_49 : memref<632x128xf32, #tpu.memory_space<vmem_shared>>) dst(%dma_wait3A_47 : memref<632x128xf32, #tpu.memory_space<hbm>>)
      tpu.yield
    }) : () -> ()
    return
  }
}

#map = affine_map<(d0, d1) -> (0, 0)>
#map1 = affine_map<(d0, d1) -> (0, 0, 0)>
module attributes {stable_mosaic.version = 14 : i64} {
  func.func @k(%arg0: i32, %arg1: i32, %arg2: memref<2560x128xi32, #tpu.memory_space<hbm>>, %arg3: memref<128x128xf32, #tpu.memory_space<hbm>>, %arg4: memref<10112x128xf32, #tpu.memory_space<hbm>>, %arg5: memref<2x10112x128xf32, #tpu.memory_space<hbm>>, %arg6: memref<16x128xi32, #tpu.memory_space<vmem>>, %arg7: memref<128x128xf32, #tpu.memory_space<vmem>>, %arg8: memref<10112x128xf32, #tpu.memory_space<vmem_shared>>, %arg9: memref<!tpu.dma_semaphore, #tpu.memory_space<semaphore_mem>>) attributes {dimension_semantics = [#tpu.dimension_semantics<core_parallel>, #tpu.dimension_semantics<subcore_parallel>], iteration_bounds = array<i64: 2, 16>, scalar_prefetch = 0 : i64, scratch_operands = 4 : i64, tpu.core_type = #tpu.core_type<sc_vector_subcore>, window_params = [{transform_indices = #map}, {transform_indices = #map}, {transform_indices = #map}, {transform_indices = #map1}]} {
    %mul3A = arith.constant 16 : i32
    %mul3A_0 = arith.muli %arg0, %mul3A : i32
    %add3A = arith.addi %mul3A_0, %arg1 : i32
    %mul3A_1 = arith.constant 632 : i32
    %mul3A_2 = arith.muli %arg1, %mul3A_1 : i32
    "tpu.region"() ({
      %run_scoped3A = tpu.sem_alloc : memref<!tpu.dma_semaphore, #tpu.memory_space<semaphore_mem>>
      %dma_start3A = arith.constant 0 : i32
      %dma_start3A_11 = tpu.memref_slice %arg8[%mul3A_2, %dma_start3A] : memref<10112x128xf32, #tpu.memory_space<vmem_shared>> -> memref<632x128xf32, #tpu.memory_space<vmem_shared>>
      %dma_start3A_12 = arith.constant 0 : i32
      %dma_start3A_13 = tpu.memref_slice %arg4[%mul3A_2, %dma_start3A_12] : memref<10112x128xf32, #tpu.memory_space<hbm>> -> memref<632x128xf32, #tpu.memory_space<hbm>>
      tpu.enqueue_dma source(%dma_start3A_13 : memref<632x128xf32, #tpu.memory_space<hbm>>) target(%dma_start3A_11 : memref<632x128xf32, #tpu.memory_space<vmem_shared>>) target_semaphore(%run_scoped3A : memref<!tpu.dma_semaphore, #tpu.memory_space<semaphore_mem>>)
      %dma_wait3A = arith.constant 0 : i32
      %dma_wait3A_14 = tpu.memref_slice %arg8[%mul3A_2, %dma_wait3A] : memref<10112x128xf32, #tpu.memory_space<vmem_shared>> -> memref<632x128xf32, #tpu.memory_space<vmem_shared>>
      %dma_wait3A_15 = arith.constant 0 : i32
      %dma_wait3A_16 = tpu.memref_slice %arg4[%mul3A_2, %dma_wait3A_15] : memref<10112x128xf32, #tpu.memory_space<hbm>> -> memref<632x128xf32, #tpu.memory_space<hbm>>
      tpu.wait_dma2 semaphore(%run_scoped3A : memref<!tpu.dma_semaphore, #tpu.memory_space<semaphore_mem>>) src(%dma_wait3A_16 : memref<632x128xf32, #tpu.memory_space<hbm>>) dst(%dma_wait3A_14 : memref<632x128xf32, #tpu.memory_space<vmem_shared>>)
      tpu.yield
    }) : () -> ()
    "tpu.region"() ({
      %run_scoped3A = tpu.sem_alloc : memref<!tpu.dma_semaphore, #tpu.memory_space<semaphore_mem>>
      tpu.enqueue_dma source(%arg3 : memref<128x128xf32, #tpu.memory_space<hbm>>) target(%arg7 : memref<128x128xf32, #tpu.memory_space<vmem>>) target_semaphore(%run_scoped3A : memref<!tpu.dma_semaphore, #tpu.memory_space<semaphore_mem>>)
      tpu.wait_dma2 semaphore(%run_scoped3A : memref<!tpu.dma_semaphore, #tpu.memory_space<semaphore_mem>>) src(%arg3 : memref<128x128xf32, #tpu.memory_space<hbm>>) dst(%arg7 : memref<128x128xf32, #tpu.memory_space<vmem>>)
      tpu.yield
    }) : () -> ()
    %barrier3A = arith.constant 0 : index
    tpu.barrier barrier_id(%barrier3A)
    %mul3A_3 = arith.constant 80 : i32
    %mul3A_4 = arith.muli %add3A, %mul3A_3 : i32
    %scan3A = arith.constant 0 : i32
    %scan3A_5 = arith.constant 0 : i32
    %scan3A_6 = arith.constant 5 : i32
    %scan3A_7 = arith.addi %scan3A_5, %scan3A_6 : i32
    %scan3A_8 = arith.constant 1 : i32
    scf.for %scan3A_11 = %scan3A_5 to %scan3A_7 step %scan3A_8  : i32 {
      %mul3A_12 = arith.constant 16 : i32
      %mul3A_13 = arith.muli %scan3A_11, %mul3A_12 : i32
      %add3A_14 = arith.addi %mul3A_4, %mul3A_13 : i32
      %multiple_of3A = tpu.assume_multiple %add3A_14, 16 : i32
      "tpu.region"() ({
        %run_scoped3A = tpu.sem_alloc : memref<!tpu.dma_semaphore, #tpu.memory_space<semaphore_mem>>
        %dma_start3A_237 = arith.constant 0 : i32
        %dma_start3A_238 = tpu.memref_slice %arg2[%multiple_of3A, %dma_start3A_237] : memref<2560x128xi32, #tpu.memory_space<hbm>> -> memref<16x128xi32, #tpu.memory_space<hbm>>
        %dma_start3A_239 = arith.constant 0 : i32
        %dma_start3A_240 = tpu.memref_slice %arg2[%multiple_of3A, %dma_start3A_239] : memref<2560x128xi32, #tpu.memory_space<hbm>> -> memref<16x128xi32, #tpu.memory_space<hbm>>
        tpu.enqueue_dma source(%dma_start3A_240 : memref<16x128xi32, #tpu.memory_space<hbm>>) target(%arg6 : memref<16x128xi32, #tpu.memory_space<vmem>>) target_semaphore(%run_scoped3A : memref<!tpu.dma_semaphore, #tpu.memory_space<semaphore_mem>>)
        %dma_wait3A_241 = arith.constant 0 : i32
        %dma_wait3A_242 = tpu.memref_slice %arg2[%multiple_of3A, %dma_wait3A_241] : memref<2560x128xi32, #tpu.memory_space<hbm>> -> memref<16x128xi32, #tpu.memory_space<hbm>>
        %dma_wait3A_243 = arith.constant 0 : i32
        %dma_wait3A_244 = tpu.memref_slice %arg2[%multiple_of3A, %dma_wait3A_243] : memref<2560x128xi32, #tpu.memory_space<hbm>> -> memref<16x128xi32, #tpu.memory_space<hbm>>
        tpu.wait_dma2 semaphore(%run_scoped3A : memref<!tpu.dma_semaphore, #tpu.memory_space<semaphore_mem>>) src(%dma_wait3A_244 : memref<16x128xi32, #tpu.memory_space<hbm>>) dst(%arg6 : memref<16x128xi32, #tpu.memory_space<vmem>>)
        tpu.yield
      }) : () -> ()
      %dma_start3A = arith.constant 0 : i32
      %dma_start3A_15 = arith.constant 0 : i32
      %dma_start3A_16 = tpu.memref_slice %arg6[%dma_start3A, %dma_start3A_15] : memref<16x128xi32, #tpu.memory_space<vmem>> -> memref<1x128xi32, #tpu.memory_space<vmem>>
      %dma_start3A_17 = tpu.memref_squeeze %dma_start3A_16 : memref<1x128xi32, #tpu.memory_space<vmem>> -> memref<128xi32, #tpu.memory_space<vmem>>
      %dma_start3A_18 = arith.constant 0 : i32
      %dma_start3A_19 = arith.constant 0 : i32
      %dma_start3A_20 = tpu.memref_slice %arg8[%dma_start3A_18, %dma_start3A_19] : memref<10112x128xf32, #tpu.memory_space<vmem_shared>> -> memref<10112x128xf32, #tpu.memory_space<vmem_shared>>
      tpu.enqueue_indirect_dma source(%arg7 : memref<128x128xf32, #tpu.memory_space<vmem>>) target(%dma_start3A_20 : memref<10112x128xf32, #tpu.memory_space<vmem_shared>>) offsets(%dma_start3A_17 : memref<128xi32, #tpu.memory_space<vmem>>) semaphore(%arg9 : memref<!tpu.dma_semaphore, #tpu.memory_space<semaphore_mem>>) {add = true}
      %dma_start3A_21 = arith.constant 1 : i32
      %dma_start3A_22 = arith.constant 0 : i32
      %dma_start3A_23 = tpu.memref_slice %arg6[%dma_start3A_21, %dma_start3A_22] : memref<16x128xi32, #tpu.memory_space<vmem>> -> memref<1x128xi32, #tpu.memory_space<vmem>>
      %dma_start3A_24 = tpu.memref_squeeze %dma_start3A_23 : memref<1x128xi32, #tpu.memory_space<vmem>> -> memref<128xi32, #tpu.memory_space<vmem>>
      %dma_start3A_25 = arith.constant 0 : i32
      %dma_start3A_26 = arith.constant 0 : i32
      %dma_start3A_27 = tpu.memref_slice %arg8[%dma_start3A_25, %dma_start3A_26] : memref<10112x128xf32, #tpu.memory_space<vmem_shared>> -> memref<10112x128xf32, #tpu.memory_space<vmem_shared>>
      tpu.enqueue_indirect_dma source(%arg7 : memref<128x128xf32, #tpu.memory_space<vmem>>) target(%dma_start3A_27 : memref<10112x128xf32, #tpu.memory_space<vmem_shared>>) offsets(%dma_start3A_24 : memref<128xi32, #tpu.memory_space<vmem>>) semaphore(%arg9 : memref<!tpu.dma_semaphore, #tpu.memory_space<semaphore_mem>>) {add = true}
      %dma_start3A_28 = arith.constant 2 : i32
      %dma_start3A_29 = arith.constant 0 : i32
      %dma_start3A_30 = tpu.memref_slice %arg6[%dma_start3A_28, %dma_start3A_29] : memref<16x128xi32, #tpu.memory_space<vmem>> -> memref<1x128xi32, #tpu.memory_space<vmem>>
      %dma_start3A_31 = tpu.memref_squeeze %dma_start3A_30 : memref<1x128xi32, #tpu.memory_space<vmem>> -> memref<128xi32, #tpu.memory_space<vmem>>
      %dma_start3A_32 = arith.constant 0 : i32
      %dma_start3A_33 = arith.constant 0 : i32
      %dma_start3A_34 = tpu.memref_slice %arg8[%dma_start3A_32, %dma_start3A_33] : memref<10112x128xf32, #tpu.memory_space<vmem_shared>> -> memref<10112x128xf32, #tpu.memory_space<vmem_shared>>
      tpu.enqueue_indirect_dma source(%arg7 : memref<128x128xf32, #tpu.memory_space<vmem>>) target(%dma_start3A_34 : memref<10112x128xf32, #tpu.memory_space<vmem_shared>>) offsets(%dma_start3A_31 : memref<128xi32, #tpu.memory_space<vmem>>) semaphore(%arg9 : memref<!tpu.dma_semaphore, #tpu.memory_space<semaphore_mem>>) {add = true}
      %dma_start3A_35 = arith.constant 3 : i32
      %dma_start3A_36 = arith.constant 0 : i32
      %dma_start3A_37 = tpu.memref_slice %arg6[%dma_start3A_35, %dma_start3A_36] : memref<16x128xi32, #tpu.memory_space<vmem>> -> memref<1x128xi32, #tpu.memory_space<vmem>>
      %dma_start3A_38 = tpu.memref_squeeze %dma_start3A_37 : memref<1x128xi32, #tpu.memory_space<vmem>> -> memref<128xi32, #tpu.memory_space<vmem>>
      %dma_start3A_39 = arith.constant 0 : i32
      %dma_start3A_40 = arith.constant 0 : i32
      %dma_start3A_41 = tpu.memref_slice %arg8[%dma_start3A_39, %dma_start3A_40] : memref<10112x128xf32, #tpu.memory_space<vmem_shared>> -> memref<10112x128xf32, #tpu.memory_space<vmem_shared>>
      tpu.enqueue_indirect_dma source(%arg7 : memref<128x128xf32, #tpu.memory_space<vmem>>) target(%dma_start3A_41 : memref<10112x128xf32, #tpu.memory_space<vmem_shared>>) offsets(%dma_start3A_38 : memref<128xi32, #tpu.memory_space<vmem>>) semaphore(%arg9 : memref<!tpu.dma_semaphore, #tpu.memory_space<semaphore_mem>>) {add = true}
      %dma_start3A_42 = arith.constant 4 : i32
      %dma_start3A_43 = arith.constant 0 : i32
      %dma_start3A_44 = tpu.memref_slice %arg6[%dma_start3A_42, %dma_start3A_43] : memref<16x128xi32, #tpu.memory_space<vmem>> -> memref<1x128xi32, #tpu.memory_space<vmem>>
      %dma_start3A_45 = tpu.memref_squeeze %dma_start3A_44 : memref<1x128xi32, #tpu.memory_space<vmem>> -> memref<128xi32, #tpu.memory_space<vmem>>
      %dma_start3A_46 = arith.constant 0 : i32
      %dma_start3A_47 = arith.constant 0 : i32
      %dma_start3A_48 = tpu.memref_slice %arg8[%dma_start3A_46, %dma_start3A_47] : memref<10112x128xf32, #tpu.memory_space<vmem_shared>> -> memref<10112x128xf32, #tpu.memory_space<vmem_shared>>
      tpu.enqueue_indirect_dma source(%arg7 : memref<128x128xf32, #tpu.memory_space<vmem>>) target(%dma_start3A_48 : memref<10112x128xf32, #tpu.memory_space<vmem_shared>>) offsets(%dma_start3A_45 : memref<128xi32, #tpu.memory_space<vmem>>) semaphore(%arg9 : memref<!tpu.dma_semaphore, #tpu.memory_space<semaphore_mem>>) {add = true}
      %dma_start3A_49 = arith.constant 5 : i32
      %dma_start3A_50 = arith.constant 0 : i32
      %dma_start3A_51 = tpu.memref_slice %arg6[%dma_start3A_49, %dma_start3A_50] : memref<16x128xi32, #tpu.memory_space<vmem>> -> memref<1x128xi32, #tpu.memory_space<vmem>>
      %dma_start3A_52 = tpu.memref_squeeze %dma_start3A_51 : memref<1x128xi32, #tpu.memory_space<vmem>> -> memref<128xi32, #tpu.memory_space<vmem>>
      %dma_start3A_53 = arith.constant 0 : i32
      %dma_start3A_54 = arith.constant 0 : i32
      %dma_start3A_55 = tpu.memref_slice %arg8[%dma_start3A_53, %dma_start3A_54] : memref<10112x128xf32, #tpu.memory_space<vmem_shared>> -> memref<10112x128xf32, #tpu.memory_space<vmem_shared>>
      tpu.enqueue_indirect_dma source(%arg7 : memref<128x128xf32, #tpu.memory_space<vmem>>) target(%dma_start3A_55 : memref<10112x128xf32, #tpu.memory_space<vmem_shared>>) offsets(%dma_start3A_52 : memref<128xi32, #tpu.memory_space<vmem>>) semaphore(%arg9 : memref<!tpu.dma_semaphore, #tpu.memory_space<semaphore_mem>>) {add = true}
      %dma_start3A_56 = arith.constant 6 : i32
      %dma_start3A_57 = arith.constant 0 : i32
      %dma_start3A_58 = tpu.memref_slice %arg6[%dma_start3A_56, %dma_start3A_57] : memref<16x128xi32, #tpu.memory_space<vmem>> -> memref<1x128xi32, #tpu.memory_space<vmem>>
      %dma_start3A_59 = tpu.memref_squeeze %dma_start3A_58 : memref<1x128xi32, #tpu.memory_space<vmem>> -> memref<128xi32, #tpu.memory_space<vmem>>
      %dma_start3A_60 = arith.constant 0 : i32
      %dma_start3A_61 = arith.constant 0 : i32
      %dma_start3A_62 = tpu.memref_slice %arg8[%dma_start3A_60, %dma_start3A_61] : memref<10112x128xf32, #tpu.memory_space<vmem_shared>> -> memref<10112x128xf32, #tpu.memory_space<vmem_shared>>
      tpu.enqueue_indirect_dma source(%arg7 : memref<128x128xf32, #tpu.memory_space<vmem>>) target(%dma_start3A_62 : memref<10112x128xf32, #tpu.memory_space<vmem_shared>>) offsets(%dma_start3A_59 : memref<128xi32, #tpu.memory_space<vmem>>) semaphore(%arg9 : memref<!tpu.dma_semaphore, #tpu.memory_space<semaphore_mem>>) {add = true}
      %dma_start3A_63 = arith.constant 7 : i32
      %dma_start3A_64 = arith.constant 0 : i32
      %dma_start3A_65 = tpu.memref_slice %arg6[%dma_start3A_63, %dma_start3A_64] : memref<16x128xi32, #tpu.memory_space<vmem>> -> memref<1x128xi32, #tpu.memory_space<vmem>>
      %dma_start3A_66 = tpu.memref_squeeze %dma_start3A_65 : memref<1x128xi32, #tpu.memory_space<vmem>> -> memref<128xi32, #tpu.memory_space<vmem>>
      %dma_start3A_67 = arith.constant 0 : i32
      %dma_start3A_68 = arith.constant 0 : i32
      %dma_start3A_69 = tpu.memref_slice %arg8[%dma_start3A_67, %dma_start3A_68] : memref<10112x128xf32, #tpu.memory_space<vmem_shared>> -> memref<10112x128xf32, #tpu.memory_space<vmem_shared>>
      tpu.enqueue_indirect_dma source(%arg7 : memref<128x128xf32, #tpu.memory_space<vmem>>) target(%dma_start3A_69 : memref<10112x128xf32, #tpu.memory_space<vmem_shared>>) offsets(%dma_start3A_66 : memref<128xi32, #tpu.memory_space<vmem>>) semaphore(%arg9 : memref<!tpu.dma_semaphore, #tpu.memory_space<semaphore_mem>>) {add = true}
      %dma_start3A_70 = arith.constant 8 : i32
      %dma_start3A_71 = arith.constant 0 : i32
      %dma_start3A_72 = tpu.memref_slice %arg6[%dma_start3A_70, %dma_start3A_71] : memref<16x128xi32, #tpu.memory_space<vmem>> -> memref<1x128xi32, #tpu.memory_space<vmem>>
      %dma_start3A_73 = tpu.memref_squeeze %dma_start3A_72 : memref<1x128xi32, #tpu.memory_space<vmem>> -> memref<128xi32, #tpu.memory_space<vmem>>
      %dma_start3A_74 = arith.constant 0 : i32
      %dma_start3A_75 = arith.constant 0 : i32
      %dma_start3A_76 = tpu.memref_slice %arg8[%dma_start3A_74, %dma_start3A_75] : memref<10112x128xf32, #tpu.memory_space<vmem_shared>> -> memref<10112x128xf32, #tpu.memory_space<vmem_shared>>
      tpu.enqueue_indirect_dma source(%arg7 : memref<128x128xf32, #tpu.memory_space<vmem>>) target(%dma_start3A_76 : memref<10112x128xf32, #tpu.memory_space<vmem_shared>>) offsets(%dma_start3A_73 : memref<128xi32, #tpu.memory_space<vmem>>) semaphore(%arg9 : memref<!tpu.dma_semaphore, #tpu.memory_space<semaphore_mem>>) {add = true}
      %dma_start3A_77 = arith.constant 9 : i32
      %dma_start3A_78 = arith.constant 0 : i32
      %dma_start3A_79 = tpu.memref_slice %arg6[%dma_start3A_77, %dma_start3A_78] : memref<16x128xi32, #tpu.memory_space<vmem>> -> memref<1x128xi32, #tpu.memory_space<vmem>>
      %dma_start3A_80 = tpu.memref_squeeze %dma_start3A_79 : memref<1x128xi32, #tpu.memory_space<vmem>> -> memref<128xi32, #tpu.memory_space<vmem>>
      %dma_start3A_81 = arith.constant 0 : i32
      %dma_start3A_82 = arith.constant 0 : i32
      %dma_start3A_83 = tpu.memref_slice %arg8[%dma_start3A_81, %dma_start3A_82] : memref<10112x128xf32, #tpu.memory_space<vmem_shared>> -> memref<10112x128xf32, #tpu.memory_space<vmem_shared>>
      tpu.enqueue_indirect_dma source(%arg7 : memref<128x128xf32, #tpu.memory_space<vmem>>) target(%dma_start3A_83 : memref<10112x128xf32, #tpu.memory_space<vmem_shared>>) offsets(%dma_start3A_80 : memref<128xi32, #tpu.memory_space<vmem>>) semaphore(%arg9 : memref<!tpu.dma_semaphore, #tpu.memory_space<semaphore_mem>>) {add = true}
      %dma_start3A_84 = arith.constant 10 : i32
      %dma_start3A_85 = arith.constant 0 : i32
      %dma_start3A_86 = tpu.memref_slice %arg6[%dma_start3A_84, %dma_start3A_85] : memref<16x128xi32, #tpu.memory_space<vmem>> -> memref<1x128xi32, #tpu.memory_space<vmem>>
      %dma_start3A_87 = tpu.memref_squeeze %dma_start3A_86 : memref<1x128xi32, #tpu.memory_space<vmem>> -> memref<128xi32, #tpu.memory_space<vmem>>
      %dma_start3A_88 = arith.constant 0 : i32
      %dma_start3A_89 = arith.constant 0 : i32
      %dma_start3A_90 = tpu.memref_slice %arg8[%dma_start3A_88, %dma_start3A_89] : memref<10112x128xf32, #tpu.memory_space<vmem_shared>> -> memref<10112x128xf32, #tpu.memory_space<vmem_shared>>
      tpu.enqueue_indirect_dma source(%arg7 : memref<128x128xf32, #tpu.memory_space<vmem>>) target(%dma_start3A_90 : memref<10112x128xf32, #tpu.memory_space<vmem_shared>>) offsets(%dma_start3A_87 : memref<128xi32, #tpu.memory_space<vmem>>) semaphore(%arg9 : memref<!tpu.dma_semaphore, #tpu.memory_space<semaphore_mem>>) {add = true}
      %dma_start3A_91 = arith.constant 11 : i32
      %dma_start3A_92 = arith.constant 0 : i32
      %dma_start3A_93 = tpu.memref_slice %arg6[%dma_start3A_91, %dma_start3A_92] : memref<16x128xi32, #tpu.memory_space<vmem>> -> memref<1x128xi32, #tpu.memory_space<vmem>>
      %dma_start3A_94 = tpu.memref_squeeze %dma_start3A_93 : memref<1x128xi32, #tpu.memory_space<vmem>> -> memref<128xi32, #tpu.memory_space<vmem>>
      %dma_start3A_95 = arith.constant 0 : i32
      %dma_start3A_96 = arith.constant 0 : i32
      %dma_start3A_97 = tpu.memref_slice %arg8[%dma_start3A_95, %dma_start3A_96] : memref<10112x128xf32, #tpu.memory_space<vmem_shared>> -> memref<10112x128xf32, #tpu.memory_space<vmem_shared>>
      tpu.enqueue_indirect_dma source(%arg7 : memref<128x128xf32, #tpu.memory_space<vmem>>) target(%dma_start3A_97 : memref<10112x128xf32, #tpu.memory_space<vmem_shared>>) offsets(%dma_start3A_94 : memref<128xi32, #tpu.memory_space<vmem>>) semaphore(%arg9 : memref<!tpu.dma_semaphore, #tpu.memory_space<semaphore_mem>>) {add = true}
      %dma_start3A_98 = arith.constant 12 : i32
      %dma_start3A_99 = arith.constant 0 : i32
      %dma_start3A_100 = tpu.memref_slice %arg6[%dma_start3A_98, %dma_start3A_99] : memref<16x128xi32, #tpu.memory_space<vmem>> -> memref<1x128xi32, #tpu.memory_space<vmem>>
      %dma_start3A_101 = tpu.memref_squeeze %dma_start3A_100 : memref<1x128xi32, #tpu.memory_space<vmem>> -> memref<128xi32, #tpu.memory_space<vmem>>
      %dma_start3A_102 = arith.constant 0 : i32
      %dma_start3A_103 = arith.constant 0 : i32
      %dma_start3A_104 = tpu.memref_slice %arg8[%dma_start3A_102, %dma_start3A_103] : memref<10112x128xf32, #tpu.memory_space<vmem_shared>> -> memref<10112x128xf32, #tpu.memory_space<vmem_shared>>
      tpu.enqueue_indirect_dma source(%arg7 : memref<128x128xf32, #tpu.memory_space<vmem>>) target(%dma_start3A_104 : memref<10112x128xf32, #tpu.memory_space<vmem_shared>>) offsets(%dma_start3A_101 : memref<128xi32, #tpu.memory_space<vmem>>) semaphore(%arg9 : memref<!tpu.dma_semaphore, #tpu.memory_space<semaphore_mem>>) {add = true}
      %dma_start3A_105 = arith.constant 13 : i32
      %dma_start3A_106 = arith.constant 0 : i32
      %dma_start3A_107 = tpu.memref_slice %arg6[%dma_start3A_105, %dma_start3A_106] : memref<16x128xi32, #tpu.memory_space<vmem>> -> memref<1x128xi32, #tpu.memory_space<vmem>>
      %dma_start3A_108 = tpu.memref_squeeze %dma_start3A_107 : memref<1x128xi32, #tpu.memory_space<vmem>> -> memref<128xi32, #tpu.memory_space<vmem>>
      %dma_start3A_109 = arith.constant 0 : i32
      %dma_start3A_110 = arith.constant 0 : i32
      %dma_start3A_111 = tpu.memref_slice %arg8[%dma_start3A_109, %dma_start3A_110] : memref<10112x128xf32, #tpu.memory_space<vmem_shared>> -> memref<10112x128xf32, #tpu.memory_space<vmem_shared>>
      tpu.enqueue_indirect_dma source(%arg7 : memref<128x128xf32, #tpu.memory_space<vmem>>) target(%dma_start3A_111 : memref<10112x128xf32, #tpu.memory_space<vmem_shared>>) offsets(%dma_start3A_108 : memref<128xi32, #tpu.memory_space<vmem>>) semaphore(%arg9 : memref<!tpu.dma_semaphore, #tpu.memory_space<semaphore_mem>>) {add = true}
      %dma_start3A_112 = arith.constant 14 : i32
      %dma_start3A_113 = arith.constant 0 : i32
      %dma_start3A_114 = tpu.memref_slice %arg6[%dma_start3A_112, %dma_start3A_113] : memref<16x128xi32, #tpu.memory_space<vmem>> -> memref<1x128xi32, #tpu.memory_space<vmem>>
      %dma_start3A_115 = tpu.memref_squeeze %dma_start3A_114 : memref<1x128xi32, #tpu.memory_space<vmem>> -> memref<128xi32, #tpu.memory_space<vmem>>
      %dma_start3A_116 = arith.constant 0 : i32
      %dma_start3A_117 = arith.constant 0 : i32
      %dma_start3A_118 = tpu.memref_slice %arg8[%dma_start3A_116, %dma_start3A_117] : memref<10112x128xf32, #tpu.memory_space<vmem_shared>> -> memref<10112x128xf32, #tpu.memory_space<vmem_shared>>
      tpu.enqueue_indirect_dma source(%arg7 : memref<128x128xf32, #tpu.memory_space<vmem>>) target(%dma_start3A_118 : memref<10112x128xf32, #tpu.memory_space<vmem_shared>>) offsets(%dma_start3A_115 : memref<128xi32, #tpu.memory_space<vmem>>) semaphore(%arg9 : memref<!tpu.dma_semaphore, #tpu.memory_space<semaphore_mem>>) {add = true}
      %dma_start3A_119 = arith.constant 15 : i32
      %dma_start3A_120 = arith.constant 0 : i32
      %dma_start3A_121 = tpu.memref_slice %arg6[%dma_start3A_119, %dma_start3A_120] : memref<16x128xi32, #tpu.memory_space<vmem>> -> memref<1x128xi32, #tpu.memory_space<vmem>>
      %dma_start3A_122 = tpu.memref_squeeze %dma_start3A_121 : memref<1x128xi32, #tpu.memory_space<vmem>> -> memref<128xi32, #tpu.memory_space<vmem>>
      %dma_start3A_123 = arith.constant 0 : i32
      %dma_start3A_124 = arith.constant 0 : i32
      %dma_start3A_125 = tpu.memref_slice %arg8[%dma_start3A_123, %dma_start3A_124] : memref<10112x128xf32, #tpu.memory_space<vmem_shared>> -> memref<10112x128xf32, #tpu.memory_space<vmem_shared>>
      tpu.enqueue_indirect_dma source(%arg7 : memref<128x128xf32, #tpu.memory_space<vmem>>) target(%dma_start3A_125 : memref<10112x128xf32, #tpu.memory_space<vmem_shared>>) offsets(%dma_start3A_122 : memref<128xi32, #tpu.memory_space<vmem>>) semaphore(%arg9 : memref<!tpu.dma_semaphore, #tpu.memory_space<semaphore_mem>>) {add = true}
      %dma_wait3A = arith.constant 0 : i32
      %dma_wait3A_126 = arith.constant 0 : i32
      %dma_wait3A_127 = tpu.memref_slice %arg6[%dma_wait3A, %dma_wait3A_126] : memref<16x128xi32, #tpu.memory_space<vmem>> -> memref<1x128xi32, #tpu.memory_space<vmem>>
      %dma_wait3A_128 = tpu.memref_squeeze %dma_wait3A_127 : memref<1x128xi32, #tpu.memory_space<vmem>> -> memref<128xi32, #tpu.memory_space<vmem>>
      %dma_wait3A_129 = arith.constant 0 : i32
      %dma_wait3A_130 = arith.constant 0 : i32
      %dma_wait3A_131 = tpu.memref_slice %arg8[%dma_wait3A_129, %dma_wait3A_130] : memref<10112x128xf32, #tpu.memory_space<vmem_shared>> -> memref<10112x128xf32, #tpu.memory_space<vmem_shared>>
      tpu.wait_indirect_dma semaphore(%arg9 : memref<!tpu.dma_semaphore, #tpu.memory_space<semaphore_mem>>) src(%arg7 : memref<128x128xf32, #tpu.memory_space<vmem>>) dst(%dma_wait3A_131 : memref<10112x128xf32, #tpu.memory_space<vmem_shared>>)
      %dma_wait3A_132 = arith.constant 1 : i32
      %dma_wait3A_133 = arith.constant 0 : i32
      %dma_wait3A_134 = tpu.memref_slice %arg6[%dma_wait3A_132, %dma_wait3A_133] : memref<16x128xi32, #tpu.memory_space<vmem>> -> memref<1x128xi32, #tpu.memory_space<vmem>>
      %dma_wait3A_135 = tpu.memref_squeeze %dma_wait3A_134 : memref<1x128xi32, #tpu.memory_space<vmem>> -> memref<128xi32, #tpu.memory_space<vmem>>
      %dma_wait3A_136 = arith.constant 0 : i32
      %dma_wait3A_137 = arith.constant 0 : i32
      %dma_wait3A_138 = tpu.memref_slice %arg8[%dma_wait3A_136, %dma_wait3A_137] : memref<10112x128xf32, #tpu.memory_space<vmem_shared>> -> memref<10112x128xf32, #tpu.memory_space<vmem_shared>>
      tpu.wait_indirect_dma semaphore(%arg9 : memref<!tpu.dma_semaphore, #tpu.memory_space<semaphore_mem>>) src(%arg7 : memref<128x128xf32, #tpu.memory_space<vmem>>) dst(%dma_wait3A_138 : memref<10112x128xf32, #tpu.memory_space<vmem_shared>>)
      %dma_wait3A_139 = arith.constant 2 : i32
      %dma_wait3A_140 = arith.constant 0 : i32
      %dma_wait3A_141 = tpu.memref_slice %arg6[%dma_wait3A_139, %dma_wait3A_140] : memref<16x128xi32, #tpu.memory_space<vmem>> -> memref<1x128xi32, #tpu.memory_space<vmem>>
      %dma_wait3A_142 = tpu.memref_squeeze %dma_wait3A_141 : memref<1x128xi32, #tpu.memory_space<vmem>> -> memref<128xi32, #tpu.memory_space<vmem>>
      %dma_wait3A_143 = arith.constant 0 : i32
      %dma_wait3A_144 = arith.constant 0 : i32
      %dma_wait3A_145 = tpu.memref_slice %arg8[%dma_wait3A_143, %dma_wait3A_144] : memref<10112x128xf32, #tpu.memory_space<vmem_shared>> -> memref<10112x128xf32, #tpu.memory_space<vmem_shared>>
      tpu.wait_indirect_dma semaphore(%arg9 : memref<!tpu.dma_semaphore, #tpu.memory_space<semaphore_mem>>) src(%arg7 : memref<128x128xf32, #tpu.memory_space<vmem>>) dst(%dma_wait3A_145 : memref<10112x128xf32, #tpu.memory_space<vmem_shared>>)
      %dma_wait3A_146 = arith.constant 3 : i32
      %dma_wait3A_147 = arith.constant 0 : i32
      %dma_wait3A_148 = tpu.memref_slice %arg6[%dma_wait3A_146, %dma_wait3A_147] : memref<16x128xi32, #tpu.memory_space<vmem>> -> memref<1x128xi32, #tpu.memory_space<vmem>>
      %dma_wait3A_149 = tpu.memref_squeeze %dma_wait3A_148 : memref<1x128xi32, #tpu.memory_space<vmem>> -> memref<128xi32, #tpu.memory_space<vmem>>
      %dma_wait3A_150 = arith.constant 0 : i32
      %dma_wait3A_151 = arith.constant 0 : i32
      %dma_wait3A_152 = tpu.memref_slice %arg8[%dma_wait3A_150, %dma_wait3A_151] : memref<10112x128xf32, #tpu.memory_space<vmem_shared>> -> memref<10112x128xf32, #tpu.memory_space<vmem_shared>>
      tpu.wait_indirect_dma semaphore(%arg9 : memref<!tpu.dma_semaphore, #tpu.memory_space<semaphore_mem>>) src(%arg7 : memref<128x128xf32, #tpu.memory_space<vmem>>) dst(%dma_wait3A_152 : memref<10112x128xf32, #tpu.memory_space<vmem_shared>>)
      %dma_wait3A_153 = arith.constant 4 : i32
      %dma_wait3A_154 = arith.constant 0 : i32
      %dma_wait3A_155 = tpu.memref_slice %arg6[%dma_wait3A_153, %dma_wait3A_154] : memref<16x128xi32, #tpu.memory_space<vmem>> -> memref<1x128xi32, #tpu.memory_space<vmem>>
      %dma_wait3A_156 = tpu.memref_squeeze %dma_wait3A_155 : memref<1x128xi32, #tpu.memory_space<vmem>> -> memref<128xi32, #tpu.memory_space<vmem>>
      %dma_wait3A_157 = arith.constant 0 : i32
      %dma_wait3A_158 = arith.constant 0 : i32
      %dma_wait3A_159 = tpu.memref_slice %arg8[%dma_wait3A_157, %dma_wait3A_158] : memref<10112x128xf32, #tpu.memory_space<vmem_shared>> -> memref<10112x128xf32, #tpu.memory_space<vmem_shared>>
      tpu.wait_indirect_dma semaphore(%arg9 : memref<!tpu.dma_semaphore, #tpu.memory_space<semaphore_mem>>) src(%arg7 : memref<128x128xf32, #tpu.memory_space<vmem>>) dst(%dma_wait3A_159 : memref<10112x128xf32, #tpu.memory_space<vmem_shared>>)
      %dma_wait3A_160 = arith.constant 5 : i32
      %dma_wait3A_161 = arith.constant 0 : i32
      %dma_wait3A_162 = tpu.memref_slice %arg6[%dma_wait3A_160, %dma_wait3A_161] : memref<16x128xi32, #tpu.memory_space<vmem>> -> memref<1x128xi32, #tpu.memory_space<vmem>>
      %dma_wait3A_163 = tpu.memref_squeeze %dma_wait3A_162 : memref<1x128xi32, #tpu.memory_space<vmem>> -> memref<128xi32, #tpu.memory_space<vmem>>
      %dma_wait3A_164 = arith.constant 0 : i32
      %dma_wait3A_165 = arith.constant 0 : i32
      %dma_wait3A_166 = tpu.memref_slice %arg8[%dma_wait3A_164, %dma_wait3A_165] : memref<10112x128xf32, #tpu.memory_space<vmem_shared>> -> memref<10112x128xf32, #tpu.memory_space<vmem_shared>>
      tpu.wait_indirect_dma semaphore(%arg9 : memref<!tpu.dma_semaphore, #tpu.memory_space<semaphore_mem>>) src(%arg7 : memref<128x128xf32, #tpu.memory_space<vmem>>) dst(%dma_wait3A_166 : memref<10112x128xf32, #tpu.memory_space<vmem_shared>>)
      %dma_wait3A_167 = arith.constant 6 : i32
      %dma_wait3A_168 = arith.constant 0 : i32
      %dma_wait3A_169 = tpu.memref_slice %arg6[%dma_wait3A_167, %dma_wait3A_168] : memref<16x128xi32, #tpu.memory_space<vmem>> -> memref<1x128xi32, #tpu.memory_space<vmem>>
      %dma_wait3A_170 = tpu.memref_squeeze %dma_wait3A_169 : memref<1x128xi32, #tpu.memory_space<vmem>> -> memref<128xi32, #tpu.memory_space<vmem>>
      %dma_wait3A_171 = arith.constant 0 : i32
      %dma_wait3A_172 = arith.constant 0 : i32
      %dma_wait3A_173 = tpu.memref_slice %arg8[%dma_wait3A_171, %dma_wait3A_172] : memref<10112x128xf32, #tpu.memory_space<vmem_shared>> -> memref<10112x128xf32, #tpu.memory_space<vmem_shared>>
      tpu.wait_indirect_dma semaphore(%arg9 : memref<!tpu.dma_semaphore, #tpu.memory_space<semaphore_mem>>) src(%arg7 : memref<128x128xf32, #tpu.memory_space<vmem>>) dst(%dma_wait3A_173 : memref<10112x128xf32, #tpu.memory_space<vmem_shared>>)
      %dma_wait3A_174 = arith.constant 7 : i32
      %dma_wait3A_175 = arith.constant 0 : i32
      %dma_wait3A_176 = tpu.memref_slice %arg6[%dma_wait3A_174, %dma_wait3A_175] : memref<16x128xi32, #tpu.memory_space<vmem>> -> memref<1x128xi32, #tpu.memory_space<vmem>>
      %dma_wait3A_177 = tpu.memref_squeeze %dma_wait3A_176 : memref<1x128xi32, #tpu.memory_space<vmem>> -> memref<128xi32, #tpu.memory_space<vmem>>
      %dma_wait3A_178 = arith.constant 0 : i32
      %dma_wait3A_179 = arith.constant 0 : i32
      %dma_wait3A_180 = tpu.memref_slice %arg8[%dma_wait3A_178, %dma_wait3A_179] : memref<10112x128xf32, #tpu.memory_space<vmem_shared>> -> memref<10112x128xf32, #tpu.memory_space<vmem_shared>>
      tpu.wait_indirect_dma semaphore(%arg9 : memref<!tpu.dma_semaphore, #tpu.memory_space<semaphore_mem>>) src(%arg7 : memref<128x128xf32, #tpu.memory_space<vmem>>) dst(%dma_wait3A_180 : memref<10112x128xf32, #tpu.memory_space<vmem_shared>>)
      %dma_wait3A_181 = arith.constant 8 : i32
      %dma_wait3A_182 = arith.constant 0 : i32
      %dma_wait3A_183 = tpu.memref_slice %arg6[%dma_wait3A_181, %dma_wait3A_182] : memref<16x128xi32, #tpu.memory_space<vmem>> -> memref<1x128xi32, #tpu.memory_space<vmem>>
      %dma_wait3A_184 = tpu.memref_squeeze %dma_wait3A_183 : memref<1x128xi32, #tpu.memory_space<vmem>> -> memref<128xi32, #tpu.memory_space<vmem>>
      %dma_wait3A_185 = arith.constant 0 : i32
      %dma_wait3A_186 = arith.constant 0 : i32
      %dma_wait3A_187 = tpu.memref_slice %arg8[%dma_wait3A_185, %dma_wait3A_186] : memref<10112x128xf32, #tpu.memory_space<vmem_shared>> -> memref<10112x128xf32, #tpu.memory_space<vmem_shared>>
      tpu.wait_indirect_dma semaphore(%arg9 : memref<!tpu.dma_semaphore, #tpu.memory_space<semaphore_mem>>) src(%arg7 : memref<128x128xf32, #tpu.memory_space<vmem>>) dst(%dma_wait3A_187 : memref<10112x128xf32, #tpu.memory_space<vmem_shared>>)
      %dma_wait3A_188 = arith.constant 9 : i32
      %dma_wait3A_189 = arith.constant 0 : i32
      %dma_wait3A_190 = tpu.memref_slice %arg6[%dma_wait3A_188, %dma_wait3A_189] : memref<16x128xi32, #tpu.memory_space<vmem>> -> memref<1x128xi32, #tpu.memory_space<vmem>>
      %dma_wait3A_191 = tpu.memref_squeeze %dma_wait3A_190 : memref<1x128xi32, #tpu.memory_space<vmem>> -> memref<128xi32, #tpu.memory_space<vmem>>
      %dma_wait3A_192 = arith.constant 0 : i32
      %dma_wait3A_193 = arith.constant 0 : i32
      %dma_wait3A_194 = tpu.memref_slice %arg8[%dma_wait3A_192, %dma_wait3A_193] : memref<10112x128xf32, #tpu.memory_space<vmem_shared>> -> memref<10112x128xf32, #tpu.memory_space<vmem_shared>>
      tpu.wait_indirect_dma semaphore(%arg9 : memref<!tpu.dma_semaphore, #tpu.memory_space<semaphore_mem>>) src(%arg7 : memref<128x128xf32, #tpu.memory_space<vmem>>) dst(%dma_wait3A_194 : memref<10112x128xf32, #tpu.memory_space<vmem_shared>>)
      %dma_wait3A_195 = arith.constant 10 : i32
      %dma_wait3A_196 = arith.constant 0 : i32
      %dma_wait3A_197 = tpu.memref_slice %arg6[%dma_wait3A_195, %dma_wait3A_196] : memref<16x128xi32, #tpu.memory_space<vmem>> -> memref<1x128xi32, #tpu.memory_space<vmem>>
      %dma_wait3A_198 = tpu.memref_squeeze %dma_wait3A_197 : memref<1x128xi32, #tpu.memory_space<vmem>> -> memref<128xi32, #tpu.memory_space<vmem>>
      %dma_wait3A_199 = arith.constant 0 : i32
      %dma_wait3A_200 = arith.constant 0 : i32
      %dma_wait3A_201 = tpu.memref_slice %arg8[%dma_wait3A_199, %dma_wait3A_200] : memref<10112x128xf32, #tpu.memory_space<vmem_shared>> -> memref<10112x128xf32, #tpu.memory_space<vmem_shared>>
      tpu.wait_indirect_dma semaphore(%arg9 : memref<!tpu.dma_semaphore, #tpu.memory_space<semaphore_mem>>) src(%arg7 : memref<128x128xf32, #tpu.memory_space<vmem>>) dst(%dma_wait3A_201 : memref<10112x128xf32, #tpu.memory_space<vmem_shared>>)
      %dma_wait3A_202 = arith.constant 11 : i32
      %dma_wait3A_203 = arith.constant 0 : i32
      %dma_wait3A_204 = tpu.memref_slice %arg6[%dma_wait3A_202, %dma_wait3A_203] : memref<16x128xi32, #tpu.memory_space<vmem>> -> memref<1x128xi32, #tpu.memory_space<vmem>>
      %dma_wait3A_205 = tpu.memref_squeeze %dma_wait3A_204 : memref<1x128xi32, #tpu.memory_space<vmem>> -> memref<128xi32, #tpu.memory_space<vmem>>
      %dma_wait3A_206 = arith.constant 0 : i32
      %dma_wait3A_207 = arith.constant 0 : i32
      %dma_wait3A_208 = tpu.memref_slice %arg8[%dma_wait3A_206, %dma_wait3A_207] : memref<10112x128xf32, #tpu.memory_space<vmem_shared>> -> memref<10112x128xf32, #tpu.memory_space<vmem_shared>>
      tpu.wait_indirect_dma semaphore(%arg9 : memref<!tpu.dma_semaphore, #tpu.memory_space<semaphore_mem>>) src(%arg7 : memref<128x128xf32, #tpu.memory_space<vmem>>) dst(%dma_wait3A_208 : memref<10112x128xf32, #tpu.memory_space<vmem_shared>>)
      %dma_wait3A_209 = arith.constant 12 : i32
      %dma_wait3A_210 = arith.constant 0 : i32
      %dma_wait3A_211 = tpu.memref_slice %arg6[%dma_wait3A_209, %dma_wait3A_210] : memref<16x128xi32, #tpu.memory_space<vmem>> -> memref<1x128xi32, #tpu.memory_space<vmem>>
      %dma_wait3A_212 = tpu.memref_squeeze %dma_wait3A_211 : memref<1x128xi32, #tpu.memory_space<vmem>> -> memref<128xi32, #tpu.memory_space<vmem>>
      %dma_wait3A_213 = arith.constant 0 : i32
      %dma_wait3A_214 = arith.constant 0 : i32
      %dma_wait3A_215 = tpu.memref_slice %arg8[%dma_wait3A_213, %dma_wait3A_214] : memref<10112x128xf32, #tpu.memory_space<vmem_shared>> -> memref<10112x128xf32, #tpu.memory_space<vmem_shared>>
      tpu.wait_indirect_dma semaphore(%arg9 : memref<!tpu.dma_semaphore, #tpu.memory_space<semaphore_mem>>) src(%arg7 : memref<128x128xf32, #tpu.memory_space<vmem>>) dst(%dma_wait3A_215 : memref<10112x128xf32, #tpu.memory_space<vmem_shared>>)
      %dma_wait3A_216 = arith.constant 13 : i32
      %dma_wait3A_217 = arith.constant 0 : i32
      %dma_wait3A_218 = tpu.memref_slice %arg6[%dma_wait3A_216, %dma_wait3A_217] : memref<16x128xi32, #tpu.memory_space<vmem>> -> memref<1x128xi32, #tpu.memory_space<vmem>>
      %dma_wait3A_219 = tpu.memref_squeeze %dma_wait3A_218 : memref<1x128xi32, #tpu.memory_space<vmem>> -> memref<128xi32, #tpu.memory_space<vmem>>
      %dma_wait3A_220 = arith.constant 0 : i32
      %dma_wait3A_221 = arith.constant 0 : i32
      %dma_wait3A_222 = tpu.memref_slice %arg8[%dma_wait3A_220, %dma_wait3A_221] : memref<10112x128xf32, #tpu.memory_space<vmem_shared>> -> memref<10112x128xf32, #tpu.memory_space<vmem_shared>>
      tpu.wait_indirect_dma semaphore(%arg9 : memref<!tpu.dma_semaphore, #tpu.memory_space<semaphore_mem>>) src(%arg7 : memref<128x128xf32, #tpu.memory_space<vmem>>) dst(%dma_wait3A_222 : memref<10112x128xf32, #tpu.memory_space<vmem_shared>>)
      %dma_wait3A_223 = arith.constant 14 : i32
      %dma_wait3A_224 = arith.constant 0 : i32
      %dma_wait3A_225 = tpu.memref_slice %arg6[%dma_wait3A_223, %dma_wait3A_224] : memref<16x128xi32, #tpu.memory_space<vmem>> -> memref<1x128xi32, #tpu.memory_space<vmem>>
      %dma_wait3A_226 = tpu.memref_squeeze %dma_wait3A_225 : memref<1x128xi32, #tpu.memory_space<vmem>> -> memref<128xi32, #tpu.memory_space<vmem>>
      %dma_wait3A_227 = arith.constant 0 : i32
      %dma_wait3A_228 = arith.constant 0 : i32
      %dma_wait3A_229 = tpu.memref_slice %arg8[%dma_wait3A_227, %dma_wait3A_228] : memref<10112x128xf32, #tpu.memory_space<vmem_shared>> -> memref<10112x128xf32, #tpu.memory_space<vmem_shared>>
      tpu.wait_indirect_dma semaphore(%arg9 : memref<!tpu.dma_semaphore, #tpu.memory_space<semaphore_mem>>) src(%arg7 : memref<128x128xf32, #tpu.memory_space<vmem>>) dst(%dma_wait3A_229 : memref<10112x128xf32, #tpu.memory_space<vmem_shared>>)
      %dma_wait3A_230 = arith.constant 15 : i32
      %dma_wait3A_231 = arith.constant 0 : i32
      %dma_wait3A_232 = tpu.memref_slice %arg6[%dma_wait3A_230, %dma_wait3A_231] : memref<16x128xi32, #tpu.memory_space<vmem>> -> memref<1x128xi32, #tpu.memory_space<vmem>>
      %dma_wait3A_233 = tpu.memref_squeeze %dma_wait3A_232 : memref<1x128xi32, #tpu.memory_space<vmem>> -> memref<128xi32, #tpu.memory_space<vmem>>
      %dma_wait3A_234 = arith.constant 0 : i32
      %dma_wait3A_235 = arith.constant 0 : i32
      %dma_wait3A_236 = tpu.memref_slice %arg8[%dma_wait3A_234, %dma_wait3A_235] : memref<10112x128xf32, #tpu.memory_space<vmem_shared>> -> memref<10112x128xf32, #tpu.memory_space<vmem_shared>>
      tpu.wait_indirect_dma semaphore(%arg9 : memref<!tpu.dma_semaphore, #tpu.memory_space<semaphore_mem>>) src(%arg7 : memref<128x128xf32, #tpu.memory_space<vmem>>) dst(%dma_wait3A_236 : memref<10112x128xf32, #tpu.memory_space<vmem_shared>>)
    }
    %scan3A_9 = arith.constant 5 : i32
    %barrier3A_10 = arith.constant 0 : index
    tpu.barrier barrier_id(%barrier3A_10)
    "tpu.region"() ({
      %run_scoped3A = tpu.sem_alloc : memref<!tpu.dma_semaphore, #tpu.memory_space<semaphore_mem>>
      %dma_start3A = arith.constant 0 : i32
      %dma_start3A_11 = tpu.memref_slice %arg5[%arg0, %mul3A_2, %dma_start3A] : memref<2x10112x128xf32, #tpu.memory_space<hbm>> -> memref<1x632x128xf32, #tpu.memory_space<hbm>>
      %dma_start3A_12 = tpu.memref_squeeze %dma_start3A_11 : memref<1x632x128xf32, #tpu.memory_space<hbm>> -> memref<632x128xf32, #tpu.memory_space<hbm>>
      %dma_start3A_13 = arith.constant 0 : i32
      %dma_start3A_14 = tpu.memref_slice %arg8[%mul3A_2, %dma_start3A_13] : memref<10112x128xf32, #tpu.memory_space<vmem_shared>> -> memref<632x128xf32, #tpu.memory_space<vmem_shared>>
      tpu.enqueue_dma source(%dma_start3A_14 : memref<632x128xf32, #tpu.memory_space<vmem_shared>>) target(%dma_start3A_12 : memref<632x128xf32, #tpu.memory_space<hbm>>) target_semaphore(%run_scoped3A : memref<!tpu.dma_semaphore, #tpu.memory_space<semaphore_mem>>)
      %dma_wait3A = arith.constant 0 : i32
      %dma_wait3A_15 = tpu.memref_slice %arg5[%arg0, %mul3A_2, %dma_wait3A] : memref<2x10112x128xf32, #tpu.memory_space<hbm>> -> memref<1x632x128xf32, #tpu.memory_space<hbm>>
      %dma_wait3A_16 = tpu.memref_squeeze %dma_wait3A_15 : memref<1x632x128xf32, #tpu.memory_space<hbm>> -> memref<632x128xf32, #tpu.memory_space<hbm>>
      %dma_wait3A_17 = arith.constant 0 : i32
      %dma_wait3A_18 = tpu.memref_slice %arg8[%mul3A_2, %dma_wait3A_17] : memref<10112x128xf32, #tpu.memory_space<vmem_shared>> -> memref<632x128xf32, #tpu.memory_space<vmem_shared>>
      tpu.wait_dma2 semaphore(%run_scoped3A : memref<!tpu.dma_semaphore, #tpu.memory_space<semaphore_mem>>) src(%dma_wait3A_18 : memref<632x128xf32, #tpu.memory_space<vmem_shared>>) dst(%dma_wait3A_16 : memref<632x128xf32, #tpu.memory_space<hbm>>)
      tpu.yield
    }) : () -> ()
    return
  }
}

#map = affine_map<(d0, d1) -> (0, 0)>
#map1 = affine_map<(d0, d1) -> (0, 0, 0)>
module attributes {stable_mosaic.version = 14 : i64} {
  func.func @k(%arg0: i32, %arg1: i32, %arg2: memref<10000x128xf32, #tpu.memory_space<hbm>>, %arg3: memref<2560x128xi32, #tpu.memory_space<hbm>>, %arg4: memref<2560x128xi32, #tpu.memory_space<hbm>>, %arg5: memref<10112x128xf32, #tpu.memory_space<hbm>>, %arg6: memref<2x10112x128xf32, #tpu.memory_space<hbm>>, %arg7: memref<16x128xi32, #tpu.memory_space<vmem>>, %arg8: memref<16x128xi32, #tpu.memory_space<vmem>>, %arg9: memref<128x128xf32, #tpu.memory_space<vmem>>, %arg10: memref<128x128xf32, #tpu.memory_space<vmem>>, %arg11: memref<10112x128xf32, #tpu.memory_space<vmem_shared>>, %arg12: memref<!tpu.dma_semaphore, #tpu.memory_space<semaphore_mem>>, %arg13: memref<!tpu.dma_semaphore, #tpu.memory_space<semaphore_mem>>) attributes {dimension_semantics = [#tpu.dimension_semantics<core_parallel>, #tpu.dimension_semantics<subcore_parallel>], iteration_bounds = array<i64: 2, 16>, scalar_prefetch = 0 : i64, scratch_operands = 7 : i64, tpu.core_type = #tpu.core_type<sc_vector_subcore>, window_params = [{transform_indices = #map}, {transform_indices = #map}, {transform_indices = #map}, {transform_indices = #map}, {transform_indices = #map1}]} {
    %mul3A = arith.constant 16 : i32
    %mul3A_0 = arith.muli %arg0, %mul3A : i32
    %add3A = arith.addi %mul3A_0, %arg1 : i32
    %mul3A_1 = arith.constant 632 : i32
    %mul3A_2 = arith.muli %arg1, %mul3A_1 : i32
    "tpu.region"() ({
      %run_scoped3A = tpu.sem_alloc : memref<!tpu.dma_semaphore, #tpu.memory_space<semaphore_mem>>
      %dma_start3A = arith.constant 0 : i32
      %dma_start3A_42 = tpu.memref_slice %arg11[%mul3A_2, %dma_start3A] : memref<10112x128xf32, #tpu.memory_space<vmem_shared>> -> memref<632x128xf32, #tpu.memory_space<vmem_shared>>
      %dma_start3A_43 = arith.constant 0 : i32
      %dma_start3A_44 = tpu.memref_slice %arg5[%mul3A_2, %dma_start3A_43] : memref<10112x128xf32, #tpu.memory_space<hbm>> -> memref<632x128xf32, #tpu.memory_space<hbm>>
      tpu.enqueue_dma source(%dma_start3A_44 : memref<632x128xf32, #tpu.memory_space<hbm>>) target(%dma_start3A_42 : memref<632x128xf32, #tpu.memory_space<vmem_shared>>) target_semaphore(%run_scoped3A : memref<!tpu.dma_semaphore, #tpu.memory_space<semaphore_mem>>)
      %dma_wait3A = arith.constant 0 : i32
      %dma_wait3A_45 = tpu.memref_slice %arg11[%mul3A_2, %dma_wait3A] : memref<10112x128xf32, #tpu.memory_space<vmem_shared>> -> memref<632x128xf32, #tpu.memory_space<vmem_shared>>
      %dma_wait3A_46 = arith.constant 0 : i32
      %dma_wait3A_47 = tpu.memref_slice %arg5[%mul3A_2, %dma_wait3A_46] : memref<10112x128xf32, #tpu.memory_space<hbm>> -> memref<632x128xf32, #tpu.memory_space<hbm>>
      tpu.wait_dma2 semaphore(%run_scoped3A : memref<!tpu.dma_semaphore, #tpu.memory_space<semaphore_mem>>) src(%dma_wait3A_47 : memref<632x128xf32, #tpu.memory_space<hbm>>) dst(%dma_wait3A_45 : memref<632x128xf32, #tpu.memory_space<vmem_shared>>)
      tpu.yield
    }) : () -> ()
    %barrier3A = arith.constant 0 : index
    tpu.barrier barrier_id(%barrier3A)
    %eq3A = arith.constant 0 : i32
    %eq3A_3 = arith.cmpi eq, %arg0, %eq3A : i32
    %mul3A_4 = arith.constant 80 : i32
    %mul3A_5 = arith.muli %arg1, %mul3A_4 : i32
    %mul3A_6 = arith.constant 80 : i32
    %mul3A_7 = arith.muli %arg1, %mul3A_6 : i32
    %add3A_8 = arith.constant 1280 : i32
    %add3A_9 = arith.addi %add3A_8, %mul3A_7 : i32
    %select_n3A = arith.select %eq3A_3, %mul3A_5, %add3A_9 : i32
    %eq3A_10 = arith.constant 0 : i32
    %eq3A_11 = arith.cmpi eq, %arg0, %eq3A_10 : i32
    %jit3A = arith.constant 80 : i32
    %jit3A_12 = arith.constant 80 : i32
    %select_n3A_13 = arith.select %eq3A_11, %jit3A, %jit3A_12 : i32
    %jit3A_14 = arith.constant 16 : i32
    %div3A = arith.divsi %select_n3A_13, %jit3A_14 : i32
    %sign3A = arith.constant 0 : i32
    %sign3A_15 = arith.cmpi sgt, %select_n3A_13, %sign3A : i32
    %sign3A_16 = arith.extui %sign3A_15 : i1 to i32
    %sign3A_17 = arith.constant 0 : i32
    %sign3A_18 = arith.cmpi slt, %select_n3A_13, %sign3A_17 : i32
    %sign3A_19 = arith.extui %sign3A_18 : i1 to i32
    %sign3A_20 = arith.subi %sign3A_16, %sign3A_19 : i32
    %sign3A_21 = arith.constant 0 : i32
    %sign3A_22 = arith.cmpi sgt, %jit3A_14, %sign3A_21 : i32
    %sign3A_23 = arith.extui %sign3A_22 : i1 to i32
    %sign3A_24 = arith.constant 0 : i32
    %sign3A_25 = arith.cmpi slt, %jit3A_14, %sign3A_24 : i32
    %sign3A_26 = arith.extui %sign3A_25 : i1 to i32
    %sign3A_27 = arith.subi %sign3A_23, %sign3A_26 : i32
    %ne3A = arith.cmpi ne, %sign3A_20, %sign3A_27 : i32
    %rem3A = arith.remsi %select_n3A_13, %jit3A_14 : i32
    %ne3A_28 = arith.constant 0 : i32
    %ne3A_29 = arith.cmpi ne, %rem3A, %ne3A_28 : i32
    %and3A = arith.andi %ne3A, %ne3A_29 : i1
    %sub3A = arith.constant 1 : i32
    %sub3A_30 = arith.subi %div3A, %sub3A : i32
    %select_n3A_31 = arith.select %and3A, %sub3A_30, %div3A : i32
    %while3A = arith.constant 0 : i32
    %while3A_32 = arith.constant 0 : i32
    %while3A_33 = arith.subi %select_n3A_31, %while3A_32 : i32
    %while3A_34 = arith.addi %while3A_32, %while3A_33 : i32
    %while3A_35 = arith.constant 1 : i32
    %while3A_36 = arith.divsi %while3A_33, %while3A_35 : i32
    %while3A_37 = arith.muli %while3A_36, %while3A_35 : i32
    %while3A_38 = arith.addi %while3A_32, %while3A_37 : i32
    %while3A_39 = arith.constant 1 : i32
    scf.for %while3A_42 = %while3A_32 to %while3A_38 step %while3A_39  : i32 {
      %mul3A_43 = arith.constant 16 : i32
      %mul3A_44 = arith.muli %while3A_42, %mul3A_43 : i32
      %add3A_45 = arith.addi %select_n3A, %mul3A_44 : i32
      %multiple_of3A = tpu.assume_multiple %add3A_45, 16 : i32
      "tpu.region"() ({
        %run_scoped3A_283 = tpu.sem_alloc : memref<!tpu.dma_semaphore, #tpu.memory_space<semaphore_mem>>
        %dma_start3A_284 = arith.constant 0 : i32
        %dma_start3A_285 = tpu.memref_slice %arg3[%multiple_of3A, %dma_start3A_284] : memref<2560x128xi32, #tpu.memory_space<hbm>> -> memref<16x128xi32, #tpu.memory_space<hbm>>
        %dma_start3A_286 = arith.constant 0 : i32
        %dma_start3A_287 = tpu.memref_slice %arg3[%multiple_of3A, %dma_start3A_286] : memref<2560x128xi32, #tpu.memory_space<hbm>> -> memref<16x128xi32, #tpu.memory_space<hbm>>
        tpu.enqueue_dma source(%dma_start3A_287 : memref<16x128xi32, #tpu.memory_space<hbm>>) target(%arg7 : memref<16x128xi32, #tpu.memory_space<vmem>>) target_semaphore(%run_scoped3A_283 : memref<!tpu.dma_semaphore, #tpu.memory_space<semaphore_mem>>)
        %dma_wait3A_288 = arith.constant 0 : i32
        %dma_wait3A_289 = tpu.memref_slice %arg3[%multiple_of3A, %dma_wait3A_288] : memref<2560x128xi32, #tpu.memory_space<hbm>> -> memref<16x128xi32, #tpu.memory_space<hbm>>
        %dma_wait3A_290 = arith.constant 0 : i32
        %dma_wait3A_291 = tpu.memref_slice %arg3[%multiple_of3A, %dma_wait3A_290] : memref<2560x128xi32, #tpu.memory_space<hbm>> -> memref<16x128xi32, #tpu.memory_space<hbm>>
        tpu.wait_dma2 semaphore(%run_scoped3A_283 : memref<!tpu.dma_semaphore, #tpu.memory_space<semaphore_mem>>) src(%dma_wait3A_291 : memref<16x128xi32, #tpu.memory_space<hbm>>) dst(%arg7 : memref<16x128xi32, #tpu.memory_space<vmem>>)
        tpu.yield
      }) : () -> ()
      "tpu.region"() ({
        %run_scoped3A_283 = tpu.sem_alloc : memref<!tpu.dma_semaphore, #tpu.memory_space<semaphore_mem>>
        %dma_start3A_284 = arith.constant 0 : i32
        %dma_start3A_285 = tpu.memref_slice %arg4[%multiple_of3A, %dma_start3A_284] : memref<2560x128xi32, #tpu.memory_space<hbm>> -> memref<16x128xi32, #tpu.memory_space<hbm>>
        %dma_start3A_286 = arith.constant 0 : i32
        %dma_start3A_287 = tpu.memref_slice %arg4[%multiple_of3A, %dma_start3A_286] : memref<2560x128xi32, #tpu.memory_space<hbm>> -> memref<16x128xi32, #tpu.memory_space<hbm>>
        tpu.enqueue_dma source(%dma_start3A_287 : memref<16x128xi32, #tpu.memory_space<hbm>>) target(%arg8 : memref<16x128xi32, #tpu.memory_space<vmem>>) target_semaphore(%run_scoped3A_283 : memref<!tpu.dma_semaphore, #tpu.memory_space<semaphore_mem>>)
        %dma_wait3A_288 = arith.constant 0 : i32
        %dma_wait3A_289 = tpu.memref_slice %arg4[%multiple_of3A, %dma_wait3A_288] : memref<2560x128xi32, #tpu.memory_space<hbm>> -> memref<16x128xi32, #tpu.memory_space<hbm>>
        %dma_wait3A_290 = arith.constant 0 : i32
        %dma_wait3A_291 = tpu.memref_slice %arg4[%multiple_of3A, %dma_wait3A_290] : memref<2560x128xi32, #tpu.memory_space<hbm>> -> memref<16x128xi32, #tpu.memory_space<hbm>>
        tpu.wait_dma2 semaphore(%run_scoped3A_283 : memref<!tpu.dma_semaphore, #tpu.memory_space<semaphore_mem>>) src(%dma_wait3A_291 : memref<16x128xi32, #tpu.memory_space<hbm>>) dst(%arg8 : memref<16x128xi32, #tpu.memory_space<vmem>>)
        tpu.yield
      }) : () -> ()
      %dma_start3A = arith.constant 0 : i32
      %dma_start3A_46 = arith.constant 0 : i32
      %dma_start3A_47 = tpu.memref_slice %arg7[%dma_start3A, %dma_start3A_46] : memref<16x128xi32, #tpu.memory_space<vmem>> -> memref<1x128xi32, #tpu.memory_space<vmem>>
      %dma_start3A_48 = tpu.memref_squeeze %dma_start3A_47 : memref<1x128xi32, #tpu.memory_space<vmem>> -> memref<128xi32, #tpu.memory_space<vmem>>
      %dma_start3A_49 = arith.constant 0 : i32
      %dma_start3A_50 = arith.constant 0 : i32
      %dma_start3A_51 = tpu.memref_slice %arg2[%dma_start3A_49, %dma_start3A_50] : memref<10000x128xf32, #tpu.memory_space<hbm>> -> memref<10000x128xf32, #tpu.memory_space<hbm>>
      tpu.enqueue_indirect_dma source(%dma_start3A_51 : memref<10000x128xf32, #tpu.memory_space<hbm>>) target(%arg9 : memref<128x128xf32, #tpu.memory_space<vmem>>) offsets(%dma_start3A_48 : memref<128xi32, #tpu.memory_space<vmem>>) semaphore(%arg12 : memref<!tpu.dma_semaphore, #tpu.memory_space<semaphore_mem>>)
      %dma_start3A_52 = arith.constant 1 : i32
      %dma_start3A_53 = arith.constant 0 : i32
      %dma_start3A_54 = tpu.memref_slice %arg7[%dma_start3A_52, %dma_start3A_53] : memref<16x128xi32, #tpu.memory_space<vmem>> -> memref<1x128xi32, #tpu.memory_space<vmem>>
      %dma_start3A_55 = tpu.memref_squeeze %dma_start3A_54 : memref<1x128xi32, #tpu.memory_space<vmem>> -> memref<128xi32, #tpu.memory_space<vmem>>
      %dma_start3A_56 = arith.constant 0 : i32
      %dma_start3A_57 = arith.constant 0 : i32
      %dma_start3A_58 = tpu.memref_slice %arg2[%dma_start3A_56, %dma_start3A_57] : memref<10000x128xf32, #tpu.memory_space<hbm>> -> memref<10000x128xf32, #tpu.memory_space<hbm>>
      tpu.enqueue_indirect_dma source(%dma_start3A_58 : memref<10000x128xf32, #tpu.memory_space<hbm>>) target(%arg10 : memref<128x128xf32, #tpu.memory_space<vmem>>) offsets(%dma_start3A_55 : memref<128xi32, #tpu.memory_space<vmem>>) semaphore(%arg13 : memref<!tpu.dma_semaphore, #tpu.memory_space<semaphore_mem>>)
      %dma_wait3A = arith.constant 0 : i32
      %dma_wait3A_59 = arith.constant 0 : i32
      %dma_wait3A_60 = tpu.memref_slice %arg7[%dma_wait3A, %dma_wait3A_59] : memref<16x128xi32, #tpu.memory_space<vmem>> -> memref<1x128xi32, #tpu.memory_space<vmem>>
      %dma_wait3A_61 = tpu.memref_squeeze %dma_wait3A_60 : memref<1x128xi32, #tpu.memory_space<vmem>> -> memref<128xi32, #tpu.memory_space<vmem>>
      %dma_wait3A_62 = arith.constant 0 : i32
      %dma_wait3A_63 = arith.constant 0 : i32
      %dma_wait3A_64 = tpu.memref_slice %arg2[%dma_wait3A_62, %dma_wait3A_63] : memref<10000x128xf32, #tpu.memory_space<hbm>> -> memref<10000x128xf32, #tpu.memory_space<hbm>>
      tpu.wait_indirect_dma semaphore(%arg12 : memref<!tpu.dma_semaphore, #tpu.memory_space<semaphore_mem>>) src(%dma_wait3A_64 : memref<10000x128xf32, #tpu.memory_space<hbm>>) dst(%arg9 : memref<128x128xf32, #tpu.memory_space<vmem>>)
      %run_scoped3A = arith.constant 0 : i32
      "tpu.region"() ({
        %run_scoped3A_283 = tpu.sem_alloc : memref<!tpu.dma_semaphore, #tpu.memory_space<semaphore_mem>>
        %dma_start3A_284 = arith.constant 0 : i32
        %dma_start3A_285 = tpu.memref_slice %arg8[%run_scoped3A, %dma_start3A_284] : memref<16x128xi32, #tpu.memory_space<vmem>> -> memref<1x128xi32, #tpu.memory_space<vmem>>
        %dma_start3A_286 = tpu.memref_squeeze %dma_start3A_285 : memref<1x128xi32, #tpu.memory_space<vmem>> -> memref<128xi32, #tpu.memory_space<vmem>>
        %dma_start3A_287 = arith.constant 0 : i32
        %dma_start3A_288 = arith.constant 0 : i32
        %dma_start3A_289 = tpu.memref_slice %arg11[%dma_start3A_287, %dma_start3A_288] : memref<10112x128xf32, #tpu.memory_space<vmem_shared>> -> memref<10112x128xf32, #tpu.memory_space<vmem_shared>>
        tpu.enqueue_indirect_dma source(%arg9 : memref<128x128xf32, #tpu.memory_space<vmem>>) target(%dma_start3A_289 : memref<10112x128xf32, #tpu.memory_space<vmem_shared>>) offsets(%dma_start3A_286 : memref<128xi32, #tpu.memory_space<vmem>>) semaphore(%run_scoped3A_283 : memref<!tpu.dma_semaphore, #tpu.memory_space<semaphore_mem>>) {add = true}
        %dma_wait3A_290 = arith.constant 0 : i32
        %dma_wait3A_291 = tpu.memref_slice %arg8[%run_scoped3A, %dma_wait3A_290] : memref<16x128xi32, #tpu.memory_space<vmem>> -> memref<1x128xi32, #tpu.memory_space<vmem>>
        %dma_wait3A_292 = tpu.memref_squeeze %dma_wait3A_291 : memref<1x128xi32, #tpu.memory_space<vmem>> -> memref<128xi32, #tpu.memory_space<vmem>>
        %dma_wait3A_293 = arith.constant 0 : i32
        %dma_wait3A_294 = arith.constant 0 : i32
        %dma_wait3A_295 = tpu.memref_slice %arg11[%dma_wait3A_293, %dma_wait3A_294] : memref<10112x128xf32, #tpu.memory_space<vmem_shared>> -> memref<10112x128xf32, #tpu.memory_space<vmem_shared>>
        tpu.wait_indirect_dma semaphore(%run_scoped3A_283 : memref<!tpu.dma_semaphore, #tpu.memory_space<semaphore_mem>>) src(%arg9 : memref<128x128xf32, #tpu.memory_space<vmem>>) dst(%dma_wait3A_295 : memref<10112x128xf32, #tpu.memory_space<vmem_shared>>)
        tpu.yield
      }) : () -> ()
      %dma_start3A_65 = arith.constant 2 : i32
      %dma_start3A_66 = arith.constant 0 : i32
      %dma_start3A_67 = tpu.memref_slice %arg7[%dma_start3A_65, %dma_start3A_66] : memref<16x128xi32, #tpu.memory_space<vmem>> -> memref<1x128xi32, #tpu.memory_space<vmem>>
      %dma_start3A_68 = tpu.memref_squeeze %dma_start3A_67 : memref<1x128xi32, #tpu.memory_space<vmem>> -> memref<128xi32, #tpu.memory_space<vmem>>
      %dma_start3A_69 = arith.constant 0 : i32
      %dma_start3A_70 = arith.constant 0 : i32
      %dma_start3A_71 = tpu.memref_slice %arg2[%dma_start3A_69, %dma_start3A_70] : memref<10000x128xf32, #tpu.memory_space<hbm>> -> memref<10000x128xf32, #tpu.memory_space<hbm>>
      tpu.enqueue_indirect_dma source(%dma_start3A_71 : memref<10000x128xf32, #tpu.memory_space<hbm>>) target(%arg9 : memref<128x128xf32, #tpu.memory_space<vmem>>) offsets(%dma_start3A_68 : memref<128xi32, #tpu.memory_space<vmem>>) semaphore(%arg12 : memref<!tpu.dma_semaphore, #tpu.memory_space<semaphore_mem>>)
      %dma_wait3A_72 = arith.constant 1 : i32
      %dma_wait3A_73 = arith.constant 0 : i32
      %dma_wait3A_74 = tpu.memref_slice %arg7[%dma_wait3A_72, %dma_wait3A_73] : memref<16x128xi32, #tpu.memory_space<vmem>> -> memref<1x128xi32, #tpu.memory_space<vmem>>
      %dma_wait3A_75 = tpu.memref_squeeze %dma_wait3A_74 : memref<1x128xi32, #tpu.memory_space<vmem>> -> memref<128xi32, #tpu.memory_space<vmem>>
      %dma_wait3A_76 = arith.constant 0 : i32
      %dma_wait3A_77 = arith.constant 0 : i32
      %dma_wait3A_78 = tpu.memref_slice %arg2[%dma_wait3A_76, %dma_wait3A_77] : memref<10000x128xf32, #tpu.memory_space<hbm>> -> memref<10000x128xf32, #tpu.memory_space<hbm>>
      tpu.wait_indirect_dma semaphore(%arg13 : memref<!tpu.dma_semaphore, #tpu.memory_space<semaphore_mem>>) src(%dma_wait3A_78 : memref<10000x128xf32, #tpu.memory_space<hbm>>) dst(%arg10 : memref<128x128xf32, #tpu.memory_space<vmem>>)
      %run_scoped3A_79 = arith.constant 1 : i32
      "tpu.region"() ({
        %run_scoped3A_283 = tpu.sem_alloc : memref<!tpu.dma_semaphore, #tpu.memory_space<semaphore_mem>>
        %dma_start3A_284 = arith.constant 0 : i32
        %dma_start3A_285 = tpu.memref_slice %arg8[%run_scoped3A_79, %dma_start3A_284] : memref<16x128xi32, #tpu.memory_space<vmem>> -> memref<1x128xi32, #tpu.memory_space<vmem>>
        %dma_start3A_286 = tpu.memref_squeeze %dma_start3A_285 : memref<1x128xi32, #tpu.memory_space<vmem>> -> memref<128xi32, #tpu.memory_space<vmem>>
        %dma_start3A_287 = arith.constant 0 : i32
        %dma_start3A_288 = arith.constant 0 : i32
        %dma_start3A_289 = tpu.memref_slice %arg11[%dma_start3A_287, %dma_start3A_288] : memref<10112x128xf32, #tpu.memory_space<vmem_shared>> -> memref<10112x128xf32, #tpu.memory_space<vmem_shared>>
        tpu.enqueue_indirect_dma source(%arg10 : memref<128x128xf32, #tpu.memory_space<vmem>>) target(%dma_start3A_289 : memref<10112x128xf32, #tpu.memory_space<vmem_shared>>) offsets(%dma_start3A_286 : memref<128xi32, #tpu.memory_space<vmem>>) semaphore(%run_scoped3A_283 : memref<!tpu.dma_semaphore, #tpu.memory_space<semaphore_mem>>) {add = true}
        %dma_wait3A_290 = arith.constant 0 : i32
        %dma_wait3A_291 = tpu.memref_slice %arg8[%run_scoped3A_79, %dma_wait3A_290] : memref<16x128xi32, #tpu.memory_space<vmem>> -> memref<1x128xi32, #tpu.memory_space<vmem>>
        %dma_wait3A_292 = tpu.memref_squeeze %dma_wait3A_291 : memref<1x128xi32, #tpu.memory_space<vmem>> -> memref<128xi32, #tpu.memory_space<vmem>>
        %dma_wait3A_293 = arith.constant 0 : i32
        %dma_wait3A_294 = arith.constant 0 : i32
        %dma_wait3A_295 = tpu.memref_slice %arg11[%dma_wait3A_293, %dma_wait3A_294] : memref<10112x128xf32, #tpu.memory_space<vmem_shared>> -> memref<10112x128xf32, #tpu.memory_space<vmem_shared>>
        tpu.wait_indirect_dma semaphore(%run_scoped3A_283 : memref<!tpu.dma_semaphore, #tpu.memory_space<semaphore_mem>>) src(%arg10 : memref<128x128xf32, #tpu.memory_space<vmem>>) dst(%dma_wait3A_295 : memref<10112x128xf32, #tpu.memory_space<vmem_shared>>)
        tpu.yield
      }) : () -> ()
      %dma_start3A_80 = arith.constant 3 : i32
      %dma_start3A_81 = arith.constant 0 : i32
      %dma_start3A_82 = tpu.memref_slice %arg7[%dma_start3A_80, %dma_start3A_81] : memref<16x128xi32, #tpu.memory_space<vmem>> -> memref<1x128xi32, #tpu.memory_space<vmem>>
      %dma_start3A_83 = tpu.memref_squeeze %dma_start3A_82 : memref<1x128xi32, #tpu.memory_space<vmem>> -> memref<128xi32, #tpu.memory_space<vmem>>
      %dma_start3A_84 = arith.constant 0 : i32
      %dma_start3A_85 = arith.constant 0 : i32
      %dma_start3A_86 = tpu.memref_slice %arg2[%dma_start3A_84, %dma_start3A_85] : memref<10000x128xf32, #tpu.memory_space<hbm>> -> memref<10000x128xf32, #tpu.memory_space<hbm>>
      tpu.enqueue_indirect_dma source(%dma_start3A_86 : memref<10000x128xf32, #tpu.memory_space<hbm>>) target(%arg10 : memref<128x128xf32, #tpu.memory_space<vmem>>) offsets(%dma_start3A_83 : memref<128xi32, #tpu.memory_space<vmem>>) semaphore(%arg13 : memref<!tpu.dma_semaphore, #tpu.memory_space<semaphore_mem>>)
      %dma_wait3A_87 = arith.constant 2 : i32
      %dma_wait3A_88 = arith.constant 0 : i32
      %dma_wait3A_89 = tpu.memref_slice %arg7[%dma_wait3A_87, %dma_wait3A_88] : memref<16x128xi32, #tpu.memory_space<vmem>> -> memref<1x128xi32, #tpu.memory_space<vmem>>
      %dma_wait3A_90 = tpu.memref_squeeze %dma_wait3A_89 : memref<1x128xi32, #tpu.memory_space<vmem>> -> memref<128xi32, #tpu.memory_space<vmem>>
      %dma_wait3A_91 = arith.constant 0 : i32
      %dma_wait3A_92 = arith.constant 0 : i32
      %dma_wait3A_93 = tpu.memref_slice %arg2[%dma_wait3A_91, %dma_wait3A_92] : memref<10000x128xf32, #tpu.memory_space<hbm>> -> memref<10000x128xf32, #tpu.memory_space<hbm>>
      tpu.wait_indirect_dma semaphore(%arg12 : memref<!tpu.dma_semaphore, #tpu.memory_space<semaphore_mem>>) src(%dma_wait3A_93 : memref<10000x128xf32, #tpu.memory_space<hbm>>) dst(%arg9 : memref<128x128xf32, #tpu.memory_space<vmem>>)
      %run_scoped3A_94 = arith.constant 2 : i32
      "tpu.region"() ({
        %run_scoped3A_283 = tpu.sem_alloc : memref<!tpu.dma_semaphore, #tpu.memory_space<semaphore_mem>>
        %dma_start3A_284 = arith.constant 0 : i32
        %dma_start3A_285 = tpu.memref_slice %arg8[%run_scoped3A_94, %dma_start3A_284] : memref<16x128xi32, #tpu.memory_space<vmem>> -> memref<1x128xi32, #tpu.memory_space<vmem>>
        %dma_start3A_286 = tpu.memref_squeeze %dma_start3A_285 : memref<1x128xi32, #tpu.memory_space<vmem>> -> memref<128xi32, #tpu.memory_space<vmem>>
        %dma_start3A_287 = arith.constant 0 : i32
        %dma_start3A_288 = arith.constant 0 : i32
        %dma_start3A_289 = tpu.memref_slice %arg11[%dma_start3A_287, %dma_start3A_288] : memref<10112x128xf32, #tpu.memory_space<vmem_shared>> -> memref<10112x128xf32, #tpu.memory_space<vmem_shared>>
        tpu.enqueue_indirect_dma source(%arg9 : memref<128x128xf32, #tpu.memory_space<vmem>>) target(%dma_start3A_289 : memref<10112x128xf32, #tpu.memory_space<vmem_shared>>) offsets(%dma_start3A_286 : memref<128xi32, #tpu.memory_space<vmem>>) semaphore(%run_scoped3A_283 : memref<!tpu.dma_semaphore, #tpu.memory_space<semaphore_mem>>) {add = true}
        %dma_wait3A_290 = arith.constant 0 : i32
        %dma_wait3A_291 = tpu.memref_slice %arg8[%run_scoped3A_94, %dma_wait3A_290] : memref<16x128xi32, #tpu.memory_space<vmem>> -> memref<1x128xi32, #tpu.memory_space<vmem>>
        %dma_wait3A_292 = tpu.memref_squeeze %dma_wait3A_291 : memref<1x128xi32, #tpu.memory_space<vmem>> -> memref<128xi32, #tpu.memory_space<vmem>>
        %dma_wait3A_293 = arith.constant 0 : i32
        %dma_wait3A_294 = arith.constant 0 : i32
        %dma_wait3A_295 = tpu.memref_slice %arg11[%dma_wait3A_293, %dma_wait3A_294] : memref<10112x128xf32, #tpu.memory_space<vmem_shared>> -> memref<10112x128xf32, #tpu.memory_space<vmem_shared>>
        tpu.wait_indirect_dma semaphore(%run_scoped3A_283 : memref<!tpu.dma_semaphore, #tpu.memory_space<semaphore_mem>>) src(%arg9 : memref<128x128xf32, #tpu.memory_space<vmem>>) dst(%dma_wait3A_295 : memref<10112x128xf32, #tpu.memory_space<vmem_shared>>)
        tpu.yield
      }) : () -> ()
      %dma_start3A_95 = arith.constant 4 : i32
      %dma_start3A_96 = arith.constant 0 : i32
      %dma_start3A_97 = tpu.memref_slice %arg7[%dma_start3A_95, %dma_start3A_96] : memref<16x128xi32, #tpu.memory_space<vmem>> -> memref<1x128xi32, #tpu.memory_space<vmem>>
      %dma_start3A_98 = tpu.memref_squeeze %dma_start3A_97 : memref<1x128xi32, #tpu.memory_space<vmem>> -> memref<128xi32, #tpu.memory_space<vmem>>
      %dma_start3A_99 = arith.constant 0 : i32
      %dma_start3A_100 = arith.constant 0 : i32
      %dma_start3A_101 = tpu.memref_slice %arg2[%dma_start3A_99, %dma_start3A_100] : memref<10000x128xf32, #tpu.memory_space<hbm>> -> memref<10000x128xf32, #tpu.memory_space<hbm>>
      tpu.enqueue_indirect_dma source(%dma_start3A_101 : memref<10000x128xf32, #tpu.memory_space<hbm>>) target(%arg9 : memref<128x128xf32, #tpu.memory_space<vmem>>) offsets(%dma_start3A_98 : memref<128xi32, #tpu.memory_space<vmem>>) semaphore(%arg12 : memref<!tpu.dma_semaphore, #tpu.memory_space<semaphore_mem>>)
      %dma_wait3A_102 = arith.constant 3 : i32
      %dma_wait3A_103 = arith.constant 0 : i32
      %dma_wait3A_104 = tpu.memref_slice %arg7[%dma_wait3A_102, %dma_wait3A_103] : memref<16x128xi32, #tpu.memory_space<vmem>> -> memref<1x128xi32, #tpu.memory_space<vmem>>
      %dma_wait3A_105 = tpu.memref_squeeze %dma_wait3A_104 : memref<1x128xi32, #tpu.memory_space<vmem>> -> memref<128xi32, #tpu.memory_space<vmem>>
      %dma_wait3A_106 = arith.constant 0 : i32
      %dma_wait3A_107 = arith.constant 0 : i32
      %dma_wait3A_108 = tpu.memref_slice %arg2[%dma_wait3A_106, %dma_wait3A_107] : memref<10000x128xf32, #tpu.memory_space<hbm>> -> memref<10000x128xf32, #tpu.memory_space<hbm>>
      tpu.wait_indirect_dma semaphore(%arg13 : memref<!tpu.dma_semaphore, #tpu.memory_space<semaphore_mem>>) src(%dma_wait3A_108 : memref<10000x128xf32, #tpu.memory_space<hbm>>) dst(%arg10 : memref<128x128xf32, #tpu.memory_space<vmem>>)
      %run_scoped3A_109 = arith.constant 3 : i32
      "tpu.region"() ({
        %run_scoped3A_283 = tpu.sem_alloc : memref<!tpu.dma_semaphore, #tpu.memory_space<semaphore_mem>>
        %dma_start3A_284 = arith.constant 0 : i32
        %dma_start3A_285 = tpu.memref_slice %arg8[%run_scoped3A_109, %dma_start3A_284] : memref<16x128xi32, #tpu.memory_space<vmem>> -> memref<1x128xi32, #tpu.memory_space<vmem>>
        %dma_start3A_286 = tpu.memref_squeeze %dma_start3A_285 : memref<1x128xi32, #tpu.memory_space<vmem>> -> memref<128xi32, #tpu.memory_space<vmem>>
        %dma_start3A_287 = arith.constant 0 : i32
        %dma_start3A_288 = arith.constant 0 : i32
        %dma_start3A_289 = tpu.memref_slice %arg11[%dma_start3A_287, %dma_start3A_288] : memref<10112x128xf32, #tpu.memory_space<vmem_shared>> -> memref<10112x128xf32, #tpu.memory_space<vmem_shared>>
        tpu.enqueue_indirect_dma source(%arg10 : memref<128x128xf32, #tpu.memory_space<vmem>>) target(%dma_start3A_289 : memref<10112x128xf32, #tpu.memory_space<vmem_shared>>) offsets(%dma_start3A_286 : memref<128xi32, #tpu.memory_space<vmem>>) semaphore(%run_scoped3A_283 : memref<!tpu.dma_semaphore, #tpu.memory_space<semaphore_mem>>) {add = true}
        %dma_wait3A_290 = arith.constant 0 : i32
        %dma_wait3A_291 = tpu.memref_slice %arg8[%run_scoped3A_109, %dma_wait3A_290] : memref<16x128xi32, #tpu.memory_space<vmem>> -> memref<1x128xi32, #tpu.memory_space<vmem>>
        %dma_wait3A_292 = tpu.memref_squeeze %dma_wait3A_291 : memref<1x128xi32, #tpu.memory_space<vmem>> -> memref<128xi32, #tpu.memory_space<vmem>>
        %dma_wait3A_293 = arith.constant 0 : i32
        %dma_wait3A_294 = arith.constant 0 : i32
        %dma_wait3A_295 = tpu.memref_slice %arg11[%dma_wait3A_293, %dma_wait3A_294] : memref<10112x128xf32, #tpu.memory_space<vmem_shared>> -> memref<10112x128xf32, #tpu.memory_space<vmem_shared>>
        tpu.wait_indirect_dma semaphore(%run_scoped3A_283 : memref<!tpu.dma_semaphore, #tpu.memory_space<semaphore_mem>>) src(%arg10 : memref<128x128xf32, #tpu.memory_space<vmem>>) dst(%dma_wait3A_295 : memref<10112x128xf32, #tpu.memory_space<vmem_shared>>)
        tpu.yield
      }) : () -> ()
      %dma_start3A_110 = arith.constant 5 : i32
      %dma_start3A_111 = arith.constant 0 : i32
      %dma_start3A_112 = tpu.memref_slice %arg7[%dma_start3A_110, %dma_start3A_111] : memref<16x128xi32, #tpu.memory_space<vmem>> -> memref<1x128xi32, #tpu.memory_space<vmem>>
      %dma_start3A_113 = tpu.memref_squeeze %dma_start3A_112 : memref<1x128xi32, #tpu.memory_space<vmem>> -> memref<128xi32, #tpu.memory_space<vmem>>
      %dma_start3A_114 = arith.constant 0 : i32
      %dma_start3A_115 = arith.constant 0 : i32
      %dma_start3A_116 = tpu.memref_slice %arg2[%dma_start3A_114, %dma_start3A_115] : memref<10000x128xf32, #tpu.memory_space<hbm>> -> memref<10000x128xf32, #tpu.memory_space<hbm>>
      tpu.enqueue_indirect_dma source(%dma_start3A_116 : memref<10000x128xf32, #tpu.memory_space<hbm>>) target(%arg10 : memref<128x128xf32, #tpu.memory_space<vmem>>) offsets(%dma_start3A_113 : memref<128xi32, #tpu.memory_space<vmem>>) semaphore(%arg13 : memref<!tpu.dma_semaphore, #tpu.memory_space<semaphore_mem>>)
      %dma_wait3A_117 = arith.constant 4 : i32
      %dma_wait3A_118 = arith.constant 0 : i32
      %dma_wait3A_119 = tpu.memref_slice %arg7[%dma_wait3A_117, %dma_wait3A_118] : memref<16x128xi32, #tpu.memory_space<vmem>> -> memref<1x128xi32, #tpu.memory_space<vmem>>
      %dma_wait3A_120 = tpu.memref_squeeze %dma_wait3A_119 : memref<1x128xi32, #tpu.memory_space<vmem>> -> memref<128xi32, #tpu.memory_space<vmem>>
      %dma_wait3A_121 = arith.constant 0 : i32
      %dma_wait3A_122 = arith.constant 0 : i32
      %dma_wait3A_123 = tpu.memref_slice %arg2[%dma_wait3A_121, %dma_wait3A_122] : memref<10000x128xf32, #tpu.memory_space<hbm>> -> memref<10000x128xf32, #tpu.memory_space<hbm>>
      tpu.wait_indirect_dma semaphore(%arg12 : memref<!tpu.dma_semaphore, #tpu.memory_space<semaphore_mem>>) src(%dma_wait3A_123 : memref<10000x128xf32, #tpu.memory_space<hbm>>) dst(%arg9 : memref<128x128xf32, #tpu.memory_space<vmem>>)
      %run_scoped3A_124 = arith.constant 4 : i32
      "tpu.region"() ({
        %run_scoped3A_283 = tpu.sem_alloc : memref<!tpu.dma_semaphore, #tpu.memory_space<semaphore_mem>>
        %dma_start3A_284 = arith.constant 0 : i32
        %dma_start3A_285 = tpu.memref_slice %arg8[%run_scoped3A_124, %dma_start3A_284] : memref<16x128xi32, #tpu.memory_space<vmem>> -> memref<1x128xi32, #tpu.memory_space<vmem>>
        %dma_start3A_286 = tpu.memref_squeeze %dma_start3A_285 : memref<1x128xi32, #tpu.memory_space<vmem>> -> memref<128xi32, #tpu.memory_space<vmem>>
        %dma_start3A_287 = arith.constant 0 : i32
        %dma_start3A_288 = arith.constant 0 : i32
        %dma_start3A_289 = tpu.memref_slice %arg11[%dma_start3A_287, %dma_start3A_288] : memref<10112x128xf32, #tpu.memory_space<vmem_shared>> -> memref<10112x128xf32, #tpu.memory_space<vmem_shared>>
        tpu.enqueue_indirect_dma source(%arg9 : memref<128x128xf32, #tpu.memory_space<vmem>>) target(%dma_start3A_289 : memref<10112x128xf32, #tpu.memory_space<vmem_shared>>) offsets(%dma_start3A_286 : memref<128xi32, #tpu.memory_space<vmem>>) semaphore(%run_scoped3A_283 : memref<!tpu.dma_semaphore, #tpu.memory_space<semaphore_mem>>) {add = true}
        %dma_wait3A_290 = arith.constant 0 : i32
        %dma_wait3A_291 = tpu.memref_slice %arg8[%run_scoped3A_124, %dma_wait3A_290] : memref<16x128xi32, #tpu.memory_space<vmem>> -> memref<1x128xi32, #tpu.memory_space<vmem>>
        %dma_wait3A_292 = tpu.memref_squeeze %dma_wait3A_291 : memref<1x128xi32, #tpu.memory_space<vmem>> -> memref<128xi32, #tpu.memory_space<vmem>>
        %dma_wait3A_293 = arith.constant 0 : i32
        %dma_wait3A_294 = arith.constant 0 : i32
        %dma_wait3A_295 = tpu.memref_slice %arg11[%dma_wait3A_293, %dma_wait3A_294] : memref<10112x128xf32, #tpu.memory_space<vmem_shared>> -> memref<10112x128xf32, #tpu.memory_space<vmem_shared>>
        tpu.wait_indirect_dma semaphore(%run_scoped3A_283 : memref<!tpu.dma_semaphore, #tpu.memory_space<semaphore_mem>>) src(%arg9 : memref<128x128xf32, #tpu.memory_space<vmem>>) dst(%dma_wait3A_295 : memref<10112x128xf32, #tpu.memory_space<vmem_shared>>)
        tpu.yield
      }) : () -> ()
      %dma_start3A_125 = arith.constant 6 : i32
      %dma_start3A_126 = arith.constant 0 : i32
      %dma_start3A_127 = tpu.memref_slice %arg7[%dma_start3A_125, %dma_start3A_126] : memref<16x128xi32, #tpu.memory_space<vmem>> -> memref<1x128xi32, #tpu.memory_space<vmem>>
      %dma_start3A_128 = tpu.memref_squeeze %dma_start3A_127 : memref<1x128xi32, #tpu.memory_space<vmem>> -> memref<128xi32, #tpu.memory_space<vmem>>
      %dma_start3A_129 = arith.constant 0 : i32
      %dma_start3A_130 = arith.constant 0 : i32
      %dma_start3A_131 = tpu.memref_slice %arg2[%dma_start3A_129, %dma_start3A_130] : memref<10000x128xf32, #tpu.memory_space<hbm>> -> memref<10000x128xf32, #tpu.memory_space<hbm>>
      tpu.enqueue_indirect_dma source(%dma_start3A_131 : memref<10000x128xf32, #tpu.memory_space<hbm>>) target(%arg9 : memref<128x128xf32, #tpu.memory_space<vmem>>) offsets(%dma_start3A_128 : memref<128xi32, #tpu.memory_space<vmem>>) semaphore(%arg12 : memref<!tpu.dma_semaphore, #tpu.memory_space<semaphore_mem>>)
      %dma_wait3A_132 = arith.constant 5 : i32
      %dma_wait3A_133 = arith.constant 0 : i32
      %dma_wait3A_134 = tpu.memref_slice %arg7[%dma_wait3A_132, %dma_wait3A_133] : memref<16x128xi32, #tpu.memory_space<vmem>> -> memref<1x128xi32, #tpu.memory_space<vmem>>
      %dma_wait3A_135 = tpu.memref_squeeze %dma_wait3A_134 : memref<1x128xi32, #tpu.memory_space<vmem>> -> memref<128xi32, #tpu.memory_space<vmem>>
      %dma_wait3A_136 = arith.constant 0 : i32
      %dma_wait3A_137 = arith.constant 0 : i32
      %dma_wait3A_138 = tpu.memref_slice %arg2[%dma_wait3A_136, %dma_wait3A_137] : memref<10000x128xf32, #tpu.memory_space<hbm>> -> memref<10000x128xf32, #tpu.memory_space<hbm>>
      tpu.wait_indirect_dma semaphore(%arg13 : memref<!tpu.dma_semaphore, #tpu.memory_space<semaphore_mem>>) src(%dma_wait3A_138 : memref<10000x128xf32, #tpu.memory_space<hbm>>) dst(%arg10 : memref<128x128xf32, #tpu.memory_space<vmem>>)
      %run_scoped3A_139 = arith.constant 5 : i32
      "tpu.region"() ({
        %run_scoped3A_283 = tpu.sem_alloc : memref<!tpu.dma_semaphore, #tpu.memory_space<semaphore_mem>>
        %dma_start3A_284 = arith.constant 0 : i32
        %dma_start3A_285 = tpu.memref_slice %arg8[%run_scoped3A_139, %dma_start3A_284] : memref<16x128xi32, #tpu.memory_space<vmem>> -> memref<1x128xi32, #tpu.memory_space<vmem>>
        %dma_start3A_286 = tpu.memref_squeeze %dma_start3A_285 : memref<1x128xi32, #tpu.memory_space<vmem>> -> memref<128xi32, #tpu.memory_space<vmem>>
        %dma_start3A_287 = arith.constant 0 : i32
        %dma_start3A_288 = arith.constant 0 : i32
        %dma_start3A_289 = tpu.memref_slice %arg11[%dma_start3A_287, %dma_start3A_288] : memref<10112x128xf32, #tpu.memory_space<vmem_shared>> -> memref<10112x128xf32, #tpu.memory_space<vmem_shared>>
        tpu.enqueue_indirect_dma source(%arg10 : memref<128x128xf32, #tpu.memory_space<vmem>>) target(%dma_start3A_289 : memref<10112x128xf32, #tpu.memory_space<vmem_shared>>) offsets(%dma_start3A_286 : memref<128xi32, #tpu.memory_space<vmem>>) semaphore(%run_scoped3A_283 : memref<!tpu.dma_semaphore, #tpu.memory_space<semaphore_mem>>) {add = true}
        %dma_wait3A_290 = arith.constant 0 : i32
        %dma_wait3A_291 = tpu.memref_slice %arg8[%run_scoped3A_139, %dma_wait3A_290] : memref<16x128xi32, #tpu.memory_space<vmem>> -> memref<1x128xi32, #tpu.memory_space<vmem>>
        %dma_wait3A_292 = tpu.memref_squeeze %dma_wait3A_291 : memref<1x128xi32, #tpu.memory_space<vmem>> -> memref<128xi32, #tpu.memory_space<vmem>>
        %dma_wait3A_293 = arith.constant 0 : i32
        %dma_wait3A_294 = arith.constant 0 : i32
        %dma_wait3A_295 = tpu.memref_slice %arg11[%dma_wait3A_293, %dma_wait3A_294] : memref<10112x128xf32, #tpu.memory_space<vmem_shared>> -> memref<10112x128xf32, #tpu.memory_space<vmem_shared>>
        tpu.wait_indirect_dma semaphore(%run_scoped3A_283 : memref<!tpu.dma_semaphore, #tpu.memory_space<semaphore_mem>>) src(%arg10 : memref<128x128xf32, #tpu.memory_space<vmem>>) dst(%dma_wait3A_295 : memref<10112x128xf32, #tpu.memory_space<vmem_shared>>)
        tpu.yield
      }) : () -> ()
      %dma_start3A_140 = arith.constant 7 : i32
      %dma_start3A_141 = arith.constant 0 : i32
      %dma_start3A_142 = tpu.memref_slice %arg7[%dma_start3A_140, %dma_start3A_141] : memref<16x128xi32, #tpu.memory_space<vmem>> -> memref<1x128xi32, #tpu.memory_space<vmem>>
      %dma_start3A_143 = tpu.memref_squeeze %dma_start3A_142 : memref<1x128xi32, #tpu.memory_space<vmem>> -> memref<128xi32, #tpu.memory_space<vmem>>
      %dma_start3A_144 = arith.constant 0 : i32
      %dma_start3A_145 = arith.constant 0 : i32
      %dma_start3A_146 = tpu.memref_slice %arg2[%dma_start3A_144, %dma_start3A_145] : memref<10000x128xf32, #tpu.memory_space<hbm>> -> memref<10000x128xf32, #tpu.memory_space<hbm>>
      tpu.enqueue_indirect_dma source(%dma_start3A_146 : memref<10000x128xf32, #tpu.memory_space<hbm>>) target(%arg10 : memref<128x128xf32, #tpu.memory_space<vmem>>) offsets(%dma_start3A_143 : memref<128xi32, #tpu.memory_space<vmem>>) semaphore(%arg13 : memref<!tpu.dma_semaphore, #tpu.memory_space<semaphore_mem>>)
      %dma_wait3A_147 = arith.constant 6 : i32
      %dma_wait3A_148 = arith.constant 0 : i32
      %dma_wait3A_149 = tpu.memref_slice %arg7[%dma_wait3A_147, %dma_wait3A_148] : memref<16x128xi32, #tpu.memory_space<vmem>> -> memref<1x128xi32, #tpu.memory_space<vmem>>
      %dma_wait3A_150 = tpu.memref_squeeze %dma_wait3A_149 : memref<1x128xi32, #tpu.memory_space<vmem>> -> memref<128xi32, #tpu.memory_space<vmem>>
      %dma_wait3A_151 = arith.constant 0 : i32
      %dma_wait3A_152 = arith.constant 0 : i32
      %dma_wait3A_153 = tpu.memref_slice %arg2[%dma_wait3A_151, %dma_wait3A_152] : memref<10000x128xf32, #tpu.memory_space<hbm>> -> memref<10000x128xf32, #tpu.memory_space<hbm>>
      tpu.wait_indirect_dma semaphore(%arg12 : memref<!tpu.dma_semaphore, #tpu.memory_space<semaphore_mem>>) src(%dma_wait3A_153 : memref<10000x128xf32, #tpu.memory_space<hbm>>) dst(%arg9 : memref<128x128xf32, #tpu.memory_space<vmem>>)
      %run_scoped3A_154 = arith.constant 6 : i32
      "tpu.region"() ({
        %run_scoped3A_283 = tpu.sem_alloc : memref<!tpu.dma_semaphore, #tpu.memory_space<semaphore_mem>>
        %dma_start3A_284 = arith.constant 0 : i32
        %dma_start3A_285 = tpu.memref_slice %arg8[%run_scoped3A_154, %dma_start3A_284] : memref<16x128xi32, #tpu.memory_space<vmem>> -> memref<1x128xi32, #tpu.memory_space<vmem>>
        %dma_start3A_286 = tpu.memref_squeeze %dma_start3A_285 : memref<1x128xi32, #tpu.memory_space<vmem>> -> memref<128xi32, #tpu.memory_space<vmem>>
        %dma_start3A_287 = arith.constant 0 : i32
        %dma_start3A_288 = arith.constant 0 : i32
        %dma_start3A_289 = tpu.memref_slice %arg11[%dma_start3A_287, %dma_start3A_288] : memref<10112x128xf32, #tpu.memory_space<vmem_shared>> -> memref<10112x128xf32, #tpu.memory_space<vmem_shared>>
        tpu.enqueue_indirect_dma source(%arg9 : memref<128x128xf32, #tpu.memory_space<vmem>>) target(%dma_start3A_289 : memref<10112x128xf32, #tpu.memory_space<vmem_shared>>) offsets(%dma_start3A_286 : memref<128xi32, #tpu.memory_space<vmem>>) semaphore(%run_scoped3A_283 : memref<!tpu.dma_semaphore, #tpu.memory_space<semaphore_mem>>) {add = true}
        %dma_wait3A_290 = arith.constant 0 : i32
        %dma_wait3A_291 = tpu.memref_slice %arg8[%run_scoped3A_154, %dma_wait3A_290] : memref<16x128xi32, #tpu.memory_space<vmem>> -> memref<1x128xi32, #tpu.memory_space<vmem>>
        %dma_wait3A_292 = tpu.memref_squeeze %dma_wait3A_291 : memref<1x128xi32, #tpu.memory_space<vmem>> -> memref<128xi32, #tpu.memory_space<vmem>>
        %dma_wait3A_293 = arith.constant 0 : i32
        %dma_wait3A_294 = arith.constant 0 : i32
        %dma_wait3A_295 = tpu.memref_slice %arg11[%dma_wait3A_293, %dma_wait3A_294] : memref<10112x128xf32, #tpu.memory_space<vmem_shared>> -> memref<10112x128xf32, #tpu.memory_space<vmem_shared>>
        tpu.wait_indirect_dma semaphore(%run_scoped3A_283 : memref<!tpu.dma_semaphore, #tpu.memory_space<semaphore_mem>>) src(%arg9 : memref<128x128xf32, #tpu.memory_space<vmem>>) dst(%dma_wait3A_295 : memref<10112x128xf32, #tpu.memory_space<vmem_shared>>)
        tpu.yield
      }) : () -> ()
      %dma_start3A_155 = arith.constant 8 : i32
      %dma_start3A_156 = arith.constant 0 : i32
      %dma_start3A_157 = tpu.memref_slice %arg7[%dma_start3A_155, %dma_start3A_156] : memref<16x128xi32, #tpu.memory_space<vmem>> -> memref<1x128xi32, #tpu.memory_space<vmem>>
      %dma_start3A_158 = tpu.memref_squeeze %dma_start3A_157 : memref<1x128xi32, #tpu.memory_space<vmem>> -> memref<128xi32, #tpu.memory_space<vmem>>
      %dma_start3A_159 = arith.constant 0 : i32
      %dma_start3A_160 = arith.constant 0 : i32
      %dma_start3A_161 = tpu.memref_slice %arg2[%dma_start3A_159, %dma_start3A_160] : memref<10000x128xf32, #tpu.memory_space<hbm>> -> memref<10000x128xf32, #tpu.memory_space<hbm>>
      tpu.enqueue_indirect_dma source(%dma_start3A_161 : memref<10000x128xf32, #tpu.memory_space<hbm>>) target(%arg9 : memref<128x128xf32, #tpu.memory_space<vmem>>) offsets(%dma_start3A_158 : memref<128xi32, #tpu.memory_space<vmem>>) semaphore(%arg12 : memref<!tpu.dma_semaphore, #tpu.memory_space<semaphore_mem>>)
      %dma_wait3A_162 = arith.constant 7 : i32
      %dma_wait3A_163 = arith.constant 0 : i32
      %dma_wait3A_164 = tpu.memref_slice %arg7[%dma_wait3A_162, %dma_wait3A_163] : memref<16x128xi32, #tpu.memory_space<vmem>> -> memref<1x128xi32, #tpu.memory_space<vmem>>
      %dma_wait3A_165 = tpu.memref_squeeze %dma_wait3A_164 : memref<1x128xi32, #tpu.memory_space<vmem>> -> memref<128xi32, #tpu.memory_space<vmem>>
      %dma_wait3A_166 = arith.constant 0 : i32
      %dma_wait3A_167 = arith.constant 0 : i32
      %dma_wait3A_168 = tpu.memref_slice %arg2[%dma_wait3A_166, %dma_wait3A_167] : memref<10000x128xf32, #tpu.memory_space<hbm>> -> memref<10000x128xf32, #tpu.memory_space<hbm>>
      tpu.wait_indirect_dma semaphore(%arg13 : memref<!tpu.dma_semaphore, #tpu.memory_space<semaphore_mem>>) src(%dma_wait3A_168 : memref<10000x128xf32, #tpu.memory_space<hbm>>) dst(%arg10 : memref<128x128xf32, #tpu.memory_space<vmem>>)
      %run_scoped3A_169 = arith.constant 7 : i32
      "tpu.region"() ({
        %run_scoped3A_283 = tpu.sem_alloc : memref<!tpu.dma_semaphore, #tpu.memory_space<semaphore_mem>>
        %dma_start3A_284 = arith.constant 0 : i32
        %dma_start3A_285 = tpu.memref_slice %arg8[%run_scoped3A_169, %dma_start3A_284] : memref<16x128xi32, #tpu.memory_space<vmem>> -> memref<1x128xi32, #tpu.memory_space<vmem>>
        %dma_start3A_286 = tpu.memref_squeeze %dma_start3A_285 : memref<1x128xi32, #tpu.memory_space<vmem>> -> memref<128xi32, #tpu.memory_space<vmem>>
        %dma_start3A_287 = arith.constant 0 : i32
        %dma_start3A_288 = arith.constant 0 : i32
        %dma_start3A_289 = tpu.memref_slice %arg11[%dma_start3A_287, %dma_start3A_288] : memref<10112x128xf32, #tpu.memory_space<vmem_shared>> -> memref<10112x128xf32, #tpu.memory_space<vmem_shared>>
        tpu.enqueue_indirect_dma source(%arg10 : memref<128x128xf32, #tpu.memory_space<vmem>>) target(%dma_start3A_289 : memref<10112x128xf32, #tpu.memory_space<vmem_shared>>) offsets(%dma_start3A_286 : memref<128xi32, #tpu.memory_space<vmem>>) semaphore(%run_scoped3A_283 : memref<!tpu.dma_semaphore, #tpu.memory_space<semaphore_mem>>) {add = true}
        %dma_wait3A_290 = arith.constant 0 : i32
        %dma_wait3A_291 = tpu.memref_slice %arg8[%run_scoped3A_169, %dma_wait3A_290] : memref<16x128xi32, #tpu.memory_space<vmem>> -> memref<1x128xi32, #tpu.memory_space<vmem>>
        %dma_wait3A_292 = tpu.memref_squeeze %dma_wait3A_291 : memref<1x128xi32, #tpu.memory_space<vmem>> -> memref<128xi32, #tpu.memory_space<vmem>>
        %dma_wait3A_293 = arith.constant 0 : i32
        %dma_wait3A_294 = arith.constant 0 : i32
        %dma_wait3A_295 = tpu.memref_slice %arg11[%dma_wait3A_293, %dma_wait3A_294] : memref<10112x128xf32, #tpu.memory_space<vmem_shared>> -> memref<10112x128xf32, #tpu.memory_space<vmem_shared>>
        tpu.wait_indirect_dma semaphore(%run_scoped3A_283 : memref<!tpu.dma_semaphore, #tpu.memory_space<semaphore_mem>>) src(%arg10 : memref<128x128xf32, #tpu.memory_space<vmem>>) dst(%dma_wait3A_295 : memref<10112x128xf32, #tpu.memory_space<vmem_shared>>)
        tpu.yield
      }) : () -> ()
      %dma_start3A_170 = arith.constant 9 : i32
      %dma_start3A_171 = arith.constant 0 : i32
      %dma_start3A_172 = tpu.memref_slice %arg7[%dma_start3A_170, %dma_start3A_171] : memref<16x128xi32, #tpu.memory_space<vmem>> -> memref<1x128xi32, #tpu.memory_space<vmem>>
      %dma_start3A_173 = tpu.memref_squeeze %dma_start3A_172 : memref<1x128xi32, #tpu.memory_space<vmem>> -> memref<128xi32, #tpu.memory_space<vmem>>
      %dma_start3A_174 = arith.constant 0 : i32
      %dma_start3A_175 = arith.constant 0 : i32
      %dma_start3A_176 = tpu.memref_slice %arg2[%dma_start3A_174, %dma_start3A_175] : memref<10000x128xf32, #tpu.memory_space<hbm>> -> memref<10000x128xf32, #tpu.memory_space<hbm>>
      tpu.enqueue_indirect_dma source(%dma_start3A_176 : memref<10000x128xf32, #tpu.memory_space<hbm>>) target(%arg10 : memref<128x128xf32, #tpu.memory_space<vmem>>) offsets(%dma_start3A_173 : memref<128xi32, #tpu.memory_space<vmem>>) semaphore(%arg13 : memref<!tpu.dma_semaphore, #tpu.memory_space<semaphore_mem>>)
      %dma_wait3A_177 = arith.constant 8 : i32
      %dma_wait3A_178 = arith.constant 0 : i32
      %dma_wait3A_179 = tpu.memref_slice %arg7[%dma_wait3A_177, %dma_wait3A_178] : memref<16x128xi32, #tpu.memory_space<vmem>> -> memref<1x128xi32, #tpu.memory_space<vmem>>
      %dma_wait3A_180 = tpu.memref_squeeze %dma_wait3A_179 : memref<1x128xi32, #tpu.memory_space<vmem>> -> memref<128xi32, #tpu.memory_space<vmem>>
      %dma_wait3A_181 = arith.constant 0 : i32
      %dma_wait3A_182 = arith.constant 0 : i32
      %dma_wait3A_183 = tpu.memref_slice %arg2[%dma_wait3A_181, %dma_wait3A_182] : memref<10000x128xf32, #tpu.memory_space<hbm>> -> memref<10000x128xf32, #tpu.memory_space<hbm>>
      tpu.wait_indirect_dma semaphore(%arg12 : memref<!tpu.dma_semaphore, #tpu.memory_space<semaphore_mem>>) src(%dma_wait3A_183 : memref<10000x128xf32, #tpu.memory_space<hbm>>) dst(%arg9 : memref<128x128xf32, #tpu.memory_space<vmem>>)
      %run_scoped3A_184 = arith.constant 8 : i32
      "tpu.region"() ({
        %run_scoped3A_283 = tpu.sem_alloc : memref<!tpu.dma_semaphore, #tpu.memory_space<semaphore_mem>>
        %dma_start3A_284 = arith.constant 0 : i32
        %dma_start3A_285 = tpu.memref_slice %arg8[%run_scoped3A_184, %dma_start3A_284] : memref<16x128xi32, #tpu.memory_space<vmem>> -> memref<1x128xi32, #tpu.memory_space<vmem>>
        %dma_start3A_286 = tpu.memref_squeeze %dma_start3A_285 : memref<1x128xi32, #tpu.memory_space<vmem>> -> memref<128xi32, #tpu.memory_space<vmem>>
        %dma_start3A_287 = arith.constant 0 : i32
        %dma_start3A_288 = arith.constant 0 : i32
        %dma_start3A_289 = tpu.memref_slice %arg11[%dma_start3A_287, %dma_start3A_288] : memref<10112x128xf32, #tpu.memory_space<vmem_shared>> -> memref<10112x128xf32, #tpu.memory_space<vmem_shared>>
        tpu.enqueue_indirect_dma source(%arg9 : memref<128x128xf32, #tpu.memory_space<vmem>>) target(%dma_start3A_289 : memref<10112x128xf32, #tpu.memory_space<vmem_shared>>) offsets(%dma_start3A_286 : memref<128xi32, #tpu.memory_space<vmem>>) semaphore(%run_scoped3A_283 : memref<!tpu.dma_semaphore, #tpu.memory_space<semaphore_mem>>) {add = true}
        %dma_wait3A_290 = arith.constant 0 : i32
        %dma_wait3A_291 = tpu.memref_slice %arg8[%run_scoped3A_184, %dma_wait3A_290] : memref<16x128xi32, #tpu.memory_space<vmem>> -> memref<1x128xi32, #tpu.memory_space<vmem>>
        %dma_wait3A_292 = tpu.memref_squeeze %dma_wait3A_291 : memref<1x128xi32, #tpu.memory_space<vmem>> -> memref<128xi32, #tpu.memory_space<vmem>>
        %dma_wait3A_293 = arith.constant 0 : i32
        %dma_wait3A_294 = arith.constant 0 : i32
        %dma_wait3A_295 = tpu.memref_slice %arg11[%dma_wait3A_293, %dma_wait3A_294] : memref<10112x128xf32, #tpu.memory_space<vmem_shared>> -> memref<10112x128xf32, #tpu.memory_space<vmem_shared>>
        tpu.wait_indirect_dma semaphore(%run_scoped3A_283 : memref<!tpu.dma_semaphore, #tpu.memory_space<semaphore_mem>>) src(%arg9 : memref<128x128xf32, #tpu.memory_space<vmem>>) dst(%dma_wait3A_295 : memref<10112x128xf32, #tpu.memory_space<vmem_shared>>)
        tpu.yield
      }) : () -> ()
      %dma_start3A_185 = arith.constant 10 : i32
      %dma_start3A_186 = arith.constant 0 : i32
      %dma_start3A_187 = tpu.memref_slice %arg7[%dma_start3A_185, %dma_start3A_186] : memref<16x128xi32, #tpu.memory_space<vmem>> -> memref<1x128xi32, #tpu.memory_space<vmem>>
      %dma_start3A_188 = tpu.memref_squeeze %dma_start3A_187 : memref<1x128xi32, #tpu.memory_space<vmem>> -> memref<128xi32, #tpu.memory_space<vmem>>
      %dma_start3A_189 = arith.constant 0 : i32
      %dma_start3A_190 = arith.constant 0 : i32
      %dma_start3A_191 = tpu.memref_slice %arg2[%dma_start3A_189, %dma_start3A_190] : memref<10000x128xf32, #tpu.memory_space<hbm>> -> memref<10000x128xf32, #tpu.memory_space<hbm>>
      tpu.enqueue_indirect_dma source(%dma_start3A_191 : memref<10000x128xf32, #tpu.memory_space<hbm>>) target(%arg9 : memref<128x128xf32, #tpu.memory_space<vmem>>) offsets(%dma_start3A_188 : memref<128xi32, #tpu.memory_space<vmem>>) semaphore(%arg12 : memref<!tpu.dma_semaphore, #tpu.memory_space<semaphore_mem>>)
      %dma_wait3A_192 = arith.constant 9 : i32
      %dma_wait3A_193 = arith.constant 0 : i32
      %dma_wait3A_194 = tpu.memref_slice %arg7[%dma_wait3A_192, %dma_wait3A_193] : memref<16x128xi32, #tpu.memory_space<vmem>> -> memref<1x128xi32, #tpu.memory_space<vmem>>
      %dma_wait3A_195 = tpu.memref_squeeze %dma_wait3A_194 : memref<1x128xi32, #tpu.memory_space<vmem>> -> memref<128xi32, #tpu.memory_space<vmem>>
      %dma_wait3A_196 = arith.constant 0 : i32
      %dma_wait3A_197 = arith.constant 0 : i32
      %dma_wait3A_198 = tpu.memref_slice %arg2[%dma_wait3A_196, %dma_wait3A_197] : memref<10000x128xf32, #tpu.memory_space<hbm>> -> memref<10000x128xf32, #tpu.memory_space<hbm>>
      tpu.wait_indirect_dma semaphore(%arg13 : memref<!tpu.dma_semaphore, #tpu.memory_space<semaphore_mem>>) src(%dma_wait3A_198 : memref<10000x128xf32, #tpu.memory_space<hbm>>) dst(%arg10 : memref<128x128xf32, #tpu.memory_space<vmem>>)
      %run_scoped3A_199 = arith.constant 9 : i32
      "tpu.region"() ({
        %run_scoped3A_283 = tpu.sem_alloc : memref<!tpu.dma_semaphore, #tpu.memory_space<semaphore_mem>>
        %dma_start3A_284 = arith.constant 0 : i32
        %dma_start3A_285 = tpu.memref_slice %arg8[%run_scoped3A_199, %dma_start3A_284] : memref<16x128xi32, #tpu.memory_space<vmem>> -> memref<1x128xi32, #tpu.memory_space<vmem>>
        %dma_start3A_286 = tpu.memref_squeeze %dma_start3A_285 : memref<1x128xi32, #tpu.memory_space<vmem>> -> memref<128xi32, #tpu.memory_space<vmem>>
        %dma_start3A_287 = arith.constant 0 : i32
        %dma_start3A_288 = arith.constant 0 : i32
        %dma_start3A_289 = tpu.memref_slice %arg11[%dma_start3A_287, %dma_start3A_288] : memref<10112x128xf32, #tpu.memory_space<vmem_shared>> -> memref<10112x128xf32, #tpu.memory_space<vmem_shared>>
        tpu.enqueue_indirect_dma source(%arg10 : memref<128x128xf32, #tpu.memory_space<vmem>>) target(%dma_start3A_289 : memref<10112x128xf32, #tpu.memory_space<vmem_shared>>) offsets(%dma_start3A_286 : memref<128xi32, #tpu.memory_space<vmem>>) semaphore(%run_scoped3A_283 : memref<!tpu.dma_semaphore, #tpu.memory_space<semaphore_mem>>) {add = true}
        %dma_wait3A_290 = arith.constant 0 : i32
        %dma_wait3A_291 = tpu.memref_slice %arg8[%run_scoped3A_199, %dma_wait3A_290] : memref<16x128xi32, #tpu.memory_space<vmem>> -> memref<1x128xi32, #tpu.memory_space<vmem>>
        %dma_wait3A_292 = tpu.memref_squeeze %dma_wait3A_291 : memref<1x128xi32, #tpu.memory_space<vmem>> -> memref<128xi32, #tpu.memory_space<vmem>>
        %dma_wait3A_293 = arith.constant 0 : i32
        %dma_wait3A_294 = arith.constant 0 : i32
        %dma_wait3A_295 = tpu.memref_slice %arg11[%dma_wait3A_293, %dma_wait3A_294] : memref<10112x128xf32, #tpu.memory_space<vmem_shared>> -> memref<10112x128xf32, #tpu.memory_space<vmem_shared>>
        tpu.wait_indirect_dma semaphore(%run_scoped3A_283 : memref<!tpu.dma_semaphore, #tpu.memory_space<semaphore_mem>>) src(%arg10 : memref<128x128xf32, #tpu.memory_space<vmem>>) dst(%dma_wait3A_295 : memref<10112x128xf32, #tpu.memory_space<vmem_shared>>)
        tpu.yield
      }) : () -> ()
      %dma_start3A_200 = arith.constant 11 : i32
      %dma_start3A_201 = arith.constant 0 : i32
      %dma_start3A_202 = tpu.memref_slice %arg7[%dma_start3A_200, %dma_start3A_201] : memref<16x128xi32, #tpu.memory_space<vmem>> -> memref<1x128xi32, #tpu.memory_space<vmem>>
      %dma_start3A_203 = tpu.memref_squeeze %dma_start3A_202 : memref<1x128xi32, #tpu.memory_space<vmem>> -> memref<128xi32, #tpu.memory_space<vmem>>
      %dma_start3A_204 = arith.constant 0 : i32
      %dma_start3A_205 = arith.constant 0 : i32
      %dma_start3A_206 = tpu.memref_slice %arg2[%dma_start3A_204, %dma_start3A_205] : memref<10000x128xf32, #tpu.memory_space<hbm>> -> memref<10000x128xf32, #tpu.memory_space<hbm>>
      tpu.enqueue_indirect_dma source(%dma_start3A_206 : memref<10000x128xf32, #tpu.memory_space<hbm>>) target(%arg10 : memref<128x128xf32, #tpu.memory_space<vmem>>) offsets(%dma_start3A_203 : memref<128xi32, #tpu.memory_space<vmem>>) semaphore(%arg13 : memref<!tpu.dma_semaphore, #tpu.memory_space<semaphore_mem>>)
      %dma_wait3A_207 = arith.constant 10 : i32
      %dma_wait3A_208 = arith.constant 0 : i32
      %dma_wait3A_209 = tpu.memref_slice %arg7[%dma_wait3A_207, %dma_wait3A_208] : memref<16x128xi32, #tpu.memory_space<vmem>> -> memref<1x128xi32, #tpu.memory_space<vmem>>
      %dma_wait3A_210 = tpu.memref_squeeze %dma_wait3A_209 : memref<1x128xi32, #tpu.memory_space<vmem>> -> memref<128xi32, #tpu.memory_space<vmem>>
      %dma_wait3A_211 = arith.constant 0 : i32
      %dma_wait3A_212 = arith.constant 0 : i32
      %dma_wait3A_213 = tpu.memref_slice %arg2[%dma_wait3A_211, %dma_wait3A_212] : memref<10000x128xf32, #tpu.memory_space<hbm>> -> memref<10000x128xf32, #tpu.memory_space<hbm>>
      tpu.wait_indirect_dma semaphore(%arg12 : memref<!tpu.dma_semaphore, #tpu.memory_space<semaphore_mem>>) src(%dma_wait3A_213 : memref<10000x128xf32, #tpu.memory_space<hbm>>) dst(%arg9 : memref<128x128xf32, #tpu.memory_space<vmem>>)
      %run_scoped3A_214 = arith.constant 10 : i32
      "tpu.region"() ({
        %run_scoped3A_283 = tpu.sem_alloc : memref<!tpu.dma_semaphore, #tpu.memory_space<semaphore_mem>>
        %dma_start3A_284 = arith.constant 0 : i32
        %dma_start3A_285 = tpu.memref_slice %arg8[%run_scoped3A_214, %dma_start3A_284] : memref<16x128xi32, #tpu.memory_space<vmem>> -> memref<1x128xi32, #tpu.memory_space<vmem>>
        %dma_start3A_286 = tpu.memref_squeeze %dma_start3A_285 : memref<1x128xi32, #tpu.memory_space<vmem>> -> memref<128xi32, #tpu.memory_space<vmem>>
        %dma_start3A_287 = arith.constant 0 : i32
        %dma_start3A_288 = arith.constant 0 : i32
        %dma_start3A_289 = tpu.memref_slice %arg11[%dma_start3A_287, %dma_start3A_288] : memref<10112x128xf32, #tpu.memory_space<vmem_shared>> -> memref<10112x128xf32, #tpu.memory_space<vmem_shared>>
        tpu.enqueue_indirect_dma source(%arg9 : memref<128x128xf32, #tpu.memory_space<vmem>>) target(%dma_start3A_289 : memref<10112x128xf32, #tpu.memory_space<vmem_shared>>) offsets(%dma_start3A_286 : memref<128xi32, #tpu.memory_space<vmem>>) semaphore(%run_scoped3A_283 : memref<!tpu.dma_semaphore, #tpu.memory_space<semaphore_mem>>) {add = true}
        %dma_wait3A_290 = arith.constant 0 : i32
        %dma_wait3A_291 = tpu.memref_slice %arg8[%run_scoped3A_214, %dma_wait3A_290] : memref<16x128xi32, #tpu.memory_space<vmem>> -> memref<1x128xi32, #tpu.memory_space<vmem>>
        %dma_wait3A_292 = tpu.memref_squeeze %dma_wait3A_291 : memref<1x128xi32, #tpu.memory_space<vmem>> -> memref<128xi32, #tpu.memory_space<vmem>>
        %dma_wait3A_293 = arith.constant 0 : i32
        %dma_wait3A_294 = arith.constant 0 : i32
        %dma_wait3A_295 = tpu.memref_slice %arg11[%dma_wait3A_293, %dma_wait3A_294] : memref<10112x128xf32, #tpu.memory_space<vmem_shared>> -> memref<10112x128xf32, #tpu.memory_space<vmem_shared>>
        tpu.wait_indirect_dma semaphore(%run_scoped3A_283 : memref<!tpu.dma_semaphore, #tpu.memory_space<semaphore_mem>>) src(%arg9 : memref<128x128xf32, #tpu.memory_space<vmem>>) dst(%dma_wait3A_295 : memref<10112x128xf32, #tpu.memory_space<vmem_shared>>)
        tpu.yield
      }) : () -> ()
      %dma_start3A_215 = arith.constant 12 : i32
      %dma_start3A_216 = arith.constant 0 : i32
      %dma_start3A_217 = tpu.memref_slice %arg7[%dma_start3A_215, %dma_start3A_216] : memref<16x128xi32, #tpu.memory_space<vmem>> -> memref<1x128xi32, #tpu.memory_space<vmem>>
      %dma_start3A_218 = tpu.memref_squeeze %dma_start3A_217 : memref<1x128xi32, #tpu.memory_space<vmem>> -> memref<128xi32, #tpu.memory_space<vmem>>
      %dma_start3A_219 = arith.constant 0 : i32
      %dma_start3A_220 = arith.constant 0 : i32
      %dma_start3A_221 = tpu.memref_slice %arg2[%dma_start3A_219, %dma_start3A_220] : memref<10000x128xf32, #tpu.memory_space<hbm>> -> memref<10000x128xf32, #tpu.memory_space<hbm>>
      tpu.enqueue_indirect_dma source(%dma_start3A_221 : memref<10000x128xf32, #tpu.memory_space<hbm>>) target(%arg9 : memref<128x128xf32, #tpu.memory_space<vmem>>) offsets(%dma_start3A_218 : memref<128xi32, #tpu.memory_space<vmem>>) semaphore(%arg12 : memref<!tpu.dma_semaphore, #tpu.memory_space<semaphore_mem>>)
      %dma_wait3A_222 = arith.constant 11 : i32
      %dma_wait3A_223 = arith.constant 0 : i32
      %dma_wait3A_224 = tpu.memref_slice %arg7[%dma_wait3A_222, %dma_wait3A_223] : memref<16x128xi32, #tpu.memory_space<vmem>> -> memref<1x128xi32, #tpu.memory_space<vmem>>
      %dma_wait3A_225 = tpu.memref_squeeze %dma_wait3A_224 : memref<1x128xi32, #tpu.memory_space<vmem>> -> memref<128xi32, #tpu.memory_space<vmem>>
      %dma_wait3A_226 = arith.constant 0 : i32
      %dma_wait3A_227 = arith.constant 0 : i32
      %dma_wait3A_228 = tpu.memref_slice %arg2[%dma_wait3A_226, %dma_wait3A_227] : memref<10000x128xf32, #tpu.memory_space<hbm>> -> memref<10000x128xf32, #tpu.memory_space<hbm>>
      tpu.wait_indirect_dma semaphore(%arg13 : memref<!tpu.dma_semaphore, #tpu.memory_space<semaphore_mem>>) src(%dma_wait3A_228 : memref<10000x128xf32, #tpu.memory_space<hbm>>) dst(%arg10 : memref<128x128xf32, #tpu.memory_space<vmem>>)
      %run_scoped3A_229 = arith.constant 11 : i32
      "tpu.region"() ({
        %run_scoped3A_283 = tpu.sem_alloc : memref<!tpu.dma_semaphore, #tpu.memory_space<semaphore_mem>>
        %dma_start3A_284 = arith.constant 0 : i32
        %dma_start3A_285 = tpu.memref_slice %arg8[%run_scoped3A_229, %dma_start3A_284] : memref<16x128xi32, #tpu.memory_space<vmem>> -> memref<1x128xi32, #tpu.memory_space<vmem>>
        %dma_start3A_286 = tpu.memref_squeeze %dma_start3A_285 : memref<1x128xi32, #tpu.memory_space<vmem>> -> memref<128xi32, #tpu.memory_space<vmem>>
        %dma_start3A_287 = arith.constant 0 : i32
        %dma_start3A_288 = arith.constant 0 : i32
        %dma_start3A_289 = tpu.memref_slice %arg11[%dma_start3A_287, %dma_start3A_288] : memref<10112x128xf32, #tpu.memory_space<vmem_shared>> -> memref<10112x128xf32, #tpu.memory_space<vmem_shared>>
        tpu.enqueue_indirect_dma source(%arg10 : memref<128x128xf32, #tpu.memory_space<vmem>>) target(%dma_start3A_289 : memref<10112x128xf32, #tpu.memory_space<vmem_shared>>) offsets(%dma_start3A_286 : memref<128xi32, #tpu.memory_space<vmem>>) semaphore(%run_scoped3A_283 : memref<!tpu.dma_semaphore, #tpu.memory_space<semaphore_mem>>) {add = true}
        %dma_wait3A_290 = arith.constant 0 : i32
        %dma_wait3A_291 = tpu.memref_slice %arg8[%run_scoped3A_229, %dma_wait3A_290] : memref<16x128xi32, #tpu.memory_space<vmem>> -> memref<1x128xi32, #tpu.memory_space<vmem>>
        %dma_wait3A_292 = tpu.memref_squeeze %dma_wait3A_291 : memref<1x128xi32, #tpu.memory_space<vmem>> -> memref<128xi32, #tpu.memory_space<vmem>>
        %dma_wait3A_293 = arith.constant 0 : i32
        %dma_wait3A_294 = arith.constant 0 : i32
        %dma_wait3A_295 = tpu.memref_slice %arg11[%dma_wait3A_293, %dma_wait3A_294] : memref<10112x128xf32, #tpu.memory_space<vmem_shared>> -> memref<10112x128xf32, #tpu.memory_space<vmem_shared>>
        tpu.wait_indirect_dma semaphore(%run_scoped3A_283 : memref<!tpu.dma_semaphore, #tpu.memory_space<semaphore_mem>>) src(%arg10 : memref<128x128xf32, #tpu.memory_space<vmem>>) dst(%dma_wait3A_295 : memref<10112x128xf32, #tpu.memory_space<vmem_shared>>)
        tpu.yield
      }) : () -> ()
      %dma_start3A_230 = arith.constant 13 : i32
      %dma_start3A_231 = arith.constant 0 : i32
      %dma_start3A_232 = tpu.memref_slice %arg7[%dma_start3A_230, %dma_start3A_231] : memref<16x128xi32, #tpu.memory_space<vmem>> -> memref<1x128xi32, #tpu.memory_space<vmem>>
      %dma_start3A_233 = tpu.memref_squeeze %dma_start3A_232 : memref<1x128xi32, #tpu.memory_space<vmem>> -> memref<128xi32, #tpu.memory_space<vmem>>
      %dma_start3A_234 = arith.constant 0 : i32
      %dma_start3A_235 = arith.constant 0 : i32
      %dma_start3A_236 = tpu.memref_slice %arg2[%dma_start3A_234, %dma_start3A_235] : memref<10000x128xf32, #tpu.memory_space<hbm>> -> memref<10000x128xf32, #tpu.memory_space<hbm>>
      tpu.enqueue_indirect_dma source(%dma_start3A_236 : memref<10000x128xf32, #tpu.memory_space<hbm>>) target(%arg10 : memref<128x128xf32, #tpu.memory_space<vmem>>) offsets(%dma_start3A_233 : memref<128xi32, #tpu.memory_space<vmem>>) semaphore(%arg13 : memref<!tpu.dma_semaphore, #tpu.memory_space<semaphore_mem>>)
      %dma_wait3A_237 = arith.constant 12 : i32
      %dma_wait3A_238 = arith.constant 0 : i32
      %dma_wait3A_239 = tpu.memref_slice %arg7[%dma_wait3A_237, %dma_wait3A_238] : memref<16x128xi32, #tpu.memory_space<vmem>> -> memref<1x128xi32, #tpu.memory_space<vmem>>
      %dma_wait3A_240 = tpu.memref_squeeze %dma_wait3A_239 : memref<1x128xi32, #tpu.memory_space<vmem>> -> memref<128xi32, #tpu.memory_space<vmem>>
      %dma_wait3A_241 = arith.constant 0 : i32
      %dma_wait3A_242 = arith.constant 0 : i32
      %dma_wait3A_243 = tpu.memref_slice %arg2[%dma_wait3A_241, %dma_wait3A_242] : memref<10000x128xf32, #tpu.memory_space<hbm>> -> memref<10000x128xf32, #tpu.memory_space<hbm>>
      tpu.wait_indirect_dma semaphore(%arg12 : memref<!tpu.dma_semaphore, #tpu.memory_space<semaphore_mem>>) src(%dma_wait3A_243 : memref<10000x128xf32, #tpu.memory_space<hbm>>) dst(%arg9 : memref<128x128xf32, #tpu.memory_space<vmem>>)
      %run_scoped3A_244 = arith.constant 12 : i32
      "tpu.region"() ({
        %run_scoped3A_283 = tpu.sem_alloc : memref<!tpu.dma_semaphore, #tpu.memory_space<semaphore_mem>>
        %dma_start3A_284 = arith.constant 0 : i32
        %dma_start3A_285 = tpu.memref_slice %arg8[%run_scoped3A_244, %dma_start3A_284] : memref<16x128xi32, #tpu.memory_space<vmem>> -> memref<1x128xi32, #tpu.memory_space<vmem>>
        %dma_start3A_286 = tpu.memref_squeeze %dma_start3A_285 : memref<1x128xi32, #tpu.memory_space<vmem>> -> memref<128xi32, #tpu.memory_space<vmem>>
        %dma_start3A_287 = arith.constant 0 : i32
        %dma_start3A_288 = arith.constant 0 : i32
        %dma_start3A_289 = tpu.memref_slice %arg11[%dma_start3A_287, %dma_start3A_288] : memref<10112x128xf32, #tpu.memory_space<vmem_shared>> -> memref<10112x128xf32, #tpu.memory_space<vmem_shared>>
        tpu.enqueue_indirect_dma source(%arg9 : memref<128x128xf32, #tpu.memory_space<vmem>>) target(%dma_start3A_289 : memref<10112x128xf32, #tpu.memory_space<vmem_shared>>) offsets(%dma_start3A_286 : memref<128xi32, #tpu.memory_space<vmem>>) semaphore(%run_scoped3A_283 : memref<!tpu.dma_semaphore, #tpu.memory_space<semaphore_mem>>) {add = true}
        %dma_wait3A_290 = arith.constant 0 : i32
        %dma_wait3A_291 = tpu.memref_slice %arg8[%run_scoped3A_244, %dma_wait3A_290] : memref<16x128xi32, #tpu.memory_space<vmem>> -> memref<1x128xi32, #tpu.memory_space<vmem>>
        %dma_wait3A_292 = tpu.memref_squeeze %dma_wait3A_291 : memref<1x128xi32, #tpu.memory_space<vmem>> -> memref<128xi32, #tpu.memory_space<vmem>>
        %dma_wait3A_293 = arith.constant 0 : i32
        %dma_wait3A_294 = arith.constant 0 : i32
        %dma_wait3A_295 = tpu.memref_slice %arg11[%dma_wait3A_293, %dma_wait3A_294] : memref<10112x128xf32, #tpu.memory_space<vmem_shared>> -> memref<10112x128xf32, #tpu.memory_space<vmem_shared>>
        tpu.wait_indirect_dma semaphore(%run_scoped3A_283 : memref<!tpu.dma_semaphore, #tpu.memory_space<semaphore_mem>>) src(%arg9 : memref<128x128xf32, #tpu.memory_space<vmem>>) dst(%dma_wait3A_295 : memref<10112x128xf32, #tpu.memory_space<vmem_shared>>)
        tpu.yield
      }) : () -> ()
      %dma_start3A_245 = arith.constant 14 : i32
      %dma_start3A_246 = arith.constant 0 : i32
      %dma_start3A_247 = tpu.memref_slice %arg7[%dma_start3A_245, %dma_start3A_246] : memref<16x128xi32, #tpu.memory_space<vmem>> -> memref<1x128xi32, #tpu.memory_space<vmem>>
      %dma_start3A_248 = tpu.memref_squeeze %dma_start3A_247 : memref<1x128xi32, #tpu.memory_space<vmem>> -> memref<128xi32, #tpu.memory_space<vmem>>
      %dma_start3A_249 = arith.constant 0 : i32
      %dma_start3A_250 = arith.constant 0 : i32
      %dma_start3A_251 = tpu.memref_slice %arg2[%dma_start3A_249, %dma_start3A_250] : memref<10000x128xf32, #tpu.memory_space<hbm>> -> memref<10000x128xf32, #tpu.memory_space<hbm>>
      tpu.enqueue_indirect_dma source(%dma_start3A_251 : memref<10000x128xf32, #tpu.memory_space<hbm>>) target(%arg9 : memref<128x128xf32, #tpu.memory_space<vmem>>) offsets(%dma_start3A_248 : memref<128xi32, #tpu.memory_space<vmem>>) semaphore(%arg12 : memref<!tpu.dma_semaphore, #tpu.memory_space<semaphore_mem>>)
      %dma_wait3A_252 = arith.constant 13 : i32
      %dma_wait3A_253 = arith.constant 0 : i32
      %dma_wait3A_254 = tpu.memref_slice %arg7[%dma_wait3A_252, %dma_wait3A_253] : memref<16x128xi32, #tpu.memory_space<vmem>> -> memref<1x128xi32, #tpu.memory_space<vmem>>
      %dma_wait3A_255 = tpu.memref_squeeze %dma_wait3A_254 : memref<1x128xi32, #tpu.memory_space<vmem>> -> memref<128xi32, #tpu.memory_space<vmem>>
      %dma_wait3A_256 = arith.constant 0 : i32
      %dma_wait3A_257 = arith.constant 0 : i32
      %dma_wait3A_258 = tpu.memref_slice %arg2[%dma_wait3A_256, %dma_wait3A_257] : memref<10000x128xf32, #tpu.memory_space<hbm>> -> memref<10000x128xf32, #tpu.memory_space<hbm>>
      tpu.wait_indirect_dma semaphore(%arg13 : memref<!tpu.dma_semaphore, #tpu.memory_space<semaphore_mem>>) src(%dma_wait3A_258 : memref<10000x128xf32, #tpu.memory_space<hbm>>) dst(%arg10 : memref<128x128xf32, #tpu.memory_space<vmem>>)
      %run_scoped3A_259 = arith.constant 13 : i32
      "tpu.region"() ({
        %run_scoped3A_283 = tpu.sem_alloc : memref<!tpu.dma_semaphore, #tpu.memory_space<semaphore_mem>>
        %dma_start3A_284 = arith.constant 0 : i32
        %dma_start3A_285 = tpu.memref_slice %arg8[%run_scoped3A_259, %dma_start3A_284] : memref<16x128xi32, #tpu.memory_space<vmem>> -> memref<1x128xi32, #tpu.memory_space<vmem>>
        %dma_start3A_286 = tpu.memref_squeeze %dma_start3A_285 : memref<1x128xi32, #tpu.memory_space<vmem>> -> memref<128xi32, #tpu.memory_space<vmem>>
        %dma_start3A_287 = arith.constant 0 : i32
        %dma_start3A_288 = arith.constant 0 : i32
        %dma_start3A_289 = tpu.memref_slice %arg11[%dma_start3A_287, %dma_start3A_288] : memref<10112x128xf32, #tpu.memory_space<vmem_shared>> -> memref<10112x128xf32, #tpu.memory_space<vmem_shared>>
        tpu.enqueue_indirect_dma source(%arg10 : memref<128x128xf32, #tpu.memory_space<vmem>>) target(%dma_start3A_289 : memref<10112x128xf32, #tpu.memory_space<vmem_shared>>) offsets(%dma_start3A_286 : memref<128xi32, #tpu.memory_space<vmem>>) semaphore(%run_scoped3A_283 : memref<!tpu.dma_semaphore, #tpu.memory_space<semaphore_mem>>) {add = true}
        %dma_wait3A_290 = arith.constant 0 : i32
        %dma_wait3A_291 = tpu.memref_slice %arg8[%run_scoped3A_259, %dma_wait3A_290] : memref<16x128xi32, #tpu.memory_space<vmem>> -> memref<1x128xi32, #tpu.memory_space<vmem>>
        %dma_wait3A_292 = tpu.memref_squeeze %dma_wait3A_291 : memref<1x128xi32, #tpu.memory_space<vmem>> -> memref<128xi32, #tpu.memory_space<vmem>>
        %dma_wait3A_293 = arith.constant 0 : i32
        %dma_wait3A_294 = arith.constant 0 : i32
        %dma_wait3A_295 = tpu.memref_slice %arg11[%dma_wait3A_293, %dma_wait3A_294] : memref<10112x128xf32, #tpu.memory_space<vmem_shared>> -> memref<10112x128xf32, #tpu.memory_space<vmem_shared>>
        tpu.wait_indirect_dma semaphore(%run_scoped3A_283 : memref<!tpu.dma_semaphore, #tpu.memory_space<semaphore_mem>>) src(%arg10 : memref<128x128xf32, #tpu.memory_space<vmem>>) dst(%dma_wait3A_295 : memref<10112x128xf32, #tpu.memory_space<vmem_shared>>)
        tpu.yield
      }) : () -> ()
      %dma_start3A_260 = arith.constant 15 : i32
      %dma_start3A_261 = arith.constant 0 : i32
      %dma_start3A_262 = tpu.memref_slice %arg7[%dma_start3A_260, %dma_start3A_261] : memref<16x128xi32, #tpu.memory_space<vmem>> -> memref<1x128xi32, #tpu.memory_space<vmem>>
      %dma_start3A_263 = tpu.memref_squeeze %dma_start3A_262 : memref<1x128xi32, #tpu.memory_space<vmem>> -> memref<128xi32, #tpu.memory_space<vmem>>
      %dma_start3A_264 = arith.constant 0 : i32
      %dma_start3A_265 = arith.constant 0 : i32
      %dma_start3A_266 = tpu.memref_slice %arg2[%dma_start3A_264, %dma_start3A_265] : memref<10000x128xf32, #tpu.memory_space<hbm>> -> memref<10000x128xf32, #tpu.memory_space<hbm>>
      tpu.enqueue_indirect_dma source(%dma_start3A_266 : memref<10000x128xf32, #tpu.memory_space<hbm>>) target(%arg10 : memref<128x128xf32, #tpu.memory_space<vmem>>) offsets(%dma_start3A_263 : memref<128xi32, #tpu.memory_space<vmem>>) semaphore(%arg13 : memref<!tpu.dma_semaphore, #tpu.memory_space<semaphore_mem>>)
      %dma_wait3A_267 = arith.constant 14 : i32
      %dma_wait3A_268 = arith.constant 0 : i32
      %dma_wait3A_269 = tpu.memref_slice %arg7[%dma_wait3A_267, %dma_wait3A_268] : memref<16x128xi32, #tpu.memory_space<vmem>> -> memref<1x128xi32, #tpu.memory_space<vmem>>
      %dma_wait3A_270 = tpu.memref_squeeze %dma_wait3A_269 : memref<1x128xi32, #tpu.memory_space<vmem>> -> memref<128xi32, #tpu.memory_space<vmem>>
      %dma_wait3A_271 = arith.constant 0 : i32
      %dma_wait3A_272 = arith.constant 0 : i32
      %dma_wait3A_273 = tpu.memref_slice %arg2[%dma_wait3A_271, %dma_wait3A_272] : memref<10000x128xf32, #tpu.memory_space<hbm>> -> memref<10000x128xf32, #tpu.memory_space<hbm>>
      tpu.wait_indirect_dma semaphore(%arg12 : memref<!tpu.dma_semaphore, #tpu.memory_space<semaphore_mem>>) src(%dma_wait3A_273 : memref<10000x128xf32, #tpu.memory_space<hbm>>) dst(%arg9 : memref<128x128xf32, #tpu.memory_space<vmem>>)
      %run_scoped3A_274 = arith.constant 14 : i32
      "tpu.region"() ({
        %run_scoped3A_283 = tpu.sem_alloc : memref<!tpu.dma_semaphore, #tpu.memory_space<semaphore_mem>>
        %dma_start3A_284 = arith.constant 0 : i32
        %dma_start3A_285 = tpu.memref_slice %arg8[%run_scoped3A_274, %dma_start3A_284] : memref<16x128xi32, #tpu.memory_space<vmem>> -> memref<1x128xi32, #tpu.memory_space<vmem>>
        %dma_start3A_286 = tpu.memref_squeeze %dma_start3A_285 : memref<1x128xi32, #tpu.memory_space<vmem>> -> memref<128xi32, #tpu.memory_space<vmem>>
        %dma_start3A_287 = arith.constant 0 : i32
        %dma_start3A_288 = arith.constant 0 : i32
        %dma_start3A_289 = tpu.memref_slice %arg11[%dma_start3A_287, %dma_start3A_288] : memref<10112x128xf32, #tpu.memory_space<vmem_shared>> -> memref<10112x128xf32, #tpu.memory_space<vmem_shared>>
        tpu.enqueue_indirect_dma source(%arg9 : memref<128x128xf32, #tpu.memory_space<vmem>>) target(%dma_start3A_289 : memref<10112x128xf32, #tpu.memory_space<vmem_shared>>) offsets(%dma_start3A_286 : memref<128xi32, #tpu.memory_space<vmem>>) semaphore(%run_scoped3A_283 : memref<!tpu.dma_semaphore, #tpu.memory_space<semaphore_mem>>) {add = true}
        %dma_wait3A_290 = arith.constant 0 : i32
        %dma_wait3A_291 = tpu.memref_slice %arg8[%run_scoped3A_274, %dma_wait3A_290] : memref<16x128xi32, #tpu.memory_space<vmem>> -> memref<1x128xi32, #tpu.memory_space<vmem>>
        %dma_wait3A_292 = tpu.memref_squeeze %dma_wait3A_291 : memref<1x128xi32, #tpu.memory_space<vmem>> -> memref<128xi32, #tpu.memory_space<vmem>>
        %dma_wait3A_293 = arith.constant 0 : i32
        %dma_wait3A_294 = arith.constant 0 : i32
        %dma_wait3A_295 = tpu.memref_slice %arg11[%dma_wait3A_293, %dma_wait3A_294] : memref<10112x128xf32, #tpu.memory_space<vmem_shared>> -> memref<10112x128xf32, #tpu.memory_space<vmem_shared>>
        tpu.wait_indirect_dma semaphore(%run_scoped3A_283 : memref<!tpu.dma_semaphore, #tpu.memory_space<semaphore_mem>>) src(%arg9 : memref<128x128xf32, #tpu.memory_space<vmem>>) dst(%dma_wait3A_295 : memref<10112x128xf32, #tpu.memory_space<vmem_shared>>)
        tpu.yield
      }) : () -> ()
      %dma_wait3A_275 = arith.constant 15 : i32
      %dma_wait3A_276 = arith.constant 0 : i32
      %dma_wait3A_277 = tpu.memref_slice %arg7[%dma_wait3A_275, %dma_wait3A_276] : memref<16x128xi32, #tpu.memory_space<vmem>> -> memref<1x128xi32, #tpu.memory_space<vmem>>
      %dma_wait3A_278 = tpu.memref_squeeze %dma_wait3A_277 : memref<1x128xi32, #tpu.memory_space<vmem>> -> memref<128xi32, #tpu.memory_space<vmem>>
      %dma_wait3A_279 = arith.constant 0 : i32
      %dma_wait3A_280 = arith.constant 0 : i32
      %dma_wait3A_281 = tpu.memref_slice %arg2[%dma_wait3A_279, %dma_wait3A_280] : memref<10000x128xf32, #tpu.memory_space<hbm>> -> memref<10000x128xf32, #tpu.memory_space<hbm>>
      tpu.wait_indirect_dma semaphore(%arg13 : memref<!tpu.dma_semaphore, #tpu.memory_space<semaphore_mem>>) src(%dma_wait3A_281 : memref<10000x128xf32, #tpu.memory_space<hbm>>) dst(%arg10 : memref<128x128xf32, #tpu.memory_space<vmem>>)
      %run_scoped3A_282 = arith.constant 15 : i32
      "tpu.region"() ({
        %run_scoped3A_283 = tpu.sem_alloc : memref<!tpu.dma_semaphore, #tpu.memory_space<semaphore_mem>>
        %dma_start3A_284 = arith.constant 0 : i32
        %dma_start3A_285 = tpu.memref_slice %arg8[%run_scoped3A_282, %dma_start3A_284] : memref<16x128xi32, #tpu.memory_space<vmem>> -> memref<1x128xi32, #tpu.memory_space<vmem>>
        %dma_start3A_286 = tpu.memref_squeeze %dma_start3A_285 : memref<1x128xi32, #tpu.memory_space<vmem>> -> memref<128xi32, #tpu.memory_space<vmem>>
        %dma_start3A_287 = arith.constant 0 : i32
        %dma_start3A_288 = arith.constant 0 : i32
        %dma_start3A_289 = tpu.memref_slice %arg11[%dma_start3A_287, %dma_start3A_288] : memref<10112x128xf32, #tpu.memory_space<vmem_shared>> -> memref<10112x128xf32, #tpu.memory_space<vmem_shared>>
        tpu.enqueue_indirect_dma source(%arg10 : memref<128x128xf32, #tpu.memory_space<vmem>>) target(%dma_start3A_289 : memref<10112x128xf32, #tpu.memory_space<vmem_shared>>) offsets(%dma_start3A_286 : memref<128xi32, #tpu.memory_space<vmem>>) semaphore(%run_scoped3A_283 : memref<!tpu.dma_semaphore, #tpu.memory_space<semaphore_mem>>) {add = true}
        %dma_wait3A_290 = arith.constant 0 : i32
        %dma_wait3A_291 = tpu.memref_slice %arg8[%run_scoped3A_282, %dma_wait3A_290] : memref<16x128xi32, #tpu.memory_space<vmem>> -> memref<1x128xi32, #tpu.memory_space<vmem>>
        %dma_wait3A_292 = tpu.memref_squeeze %dma_wait3A_291 : memref<1x128xi32, #tpu.memory_space<vmem>> -> memref<128xi32, #tpu.memory_space<vmem>>
        %dma_wait3A_293 = arith.constant 0 : i32
        %dma_wait3A_294 = arith.constant 0 : i32
        %dma_wait3A_295 = tpu.memref_slice %arg11[%dma_wait3A_293, %dma_wait3A_294] : memref<10112x128xf32, #tpu.memory_space<vmem_shared>> -> memref<10112x128xf32, #tpu.memory_space<vmem_shared>>
        tpu.wait_indirect_dma semaphore(%run_scoped3A_283 : memref<!tpu.dma_semaphore, #tpu.memory_space<semaphore_mem>>) src(%arg10 : memref<128x128xf32, #tpu.memory_space<vmem>>) dst(%dma_wait3A_295 : memref<10112x128xf32, #tpu.memory_space<vmem_shared>>)
        tpu.yield
      }) : () -> ()
    }
    %while3A_40 = arith.constant 1 : i32
    scf.for %while3A_42 = %while3A_38 to %while3A_34 step %while3A_40  : i32 {
      %mul3A_43 = arith.constant 16 : i32
      %mul3A_44 = arith.muli %while3A_42, %mul3A_43 : i32
      %add3A_45 = arith.addi %select_n3A, %mul3A_44 : i32
      %multiple_of3A = tpu.assume_multiple %add3A_45, 16 : i32
      "tpu.region"() ({
        %run_scoped3A_283 = tpu.sem_alloc : memref<!tpu.dma_semaphore, #tpu.memory_space<semaphore_mem>>
        %dma_start3A_284 = arith.constant 0 : i32
        %dma_start3A_285 = tpu.memref_slice %arg3[%multiple_of3A, %dma_start3A_284] : memref<2560x128xi32, #tpu.memory_space<hbm>> -> memref<16x128xi32, #tpu.memory_space<hbm>>
        %dma_start3A_286 = arith.constant 0 : i32
        %dma_start3A_287 = tpu.memref_slice %arg3[%multiple_of3A, %dma_start3A_286] : memref<2560x128xi32, #tpu.memory_space<hbm>> -> memref<16x128xi32, #tpu.memory_space<hbm>>
        tpu.enqueue_dma source(%dma_start3A_287 : memref<16x128xi32, #tpu.memory_space<hbm>>) target(%arg7 : memref<16x128xi32, #tpu.memory_space<vmem>>) target_semaphore(%run_scoped3A_283 : memref<!tpu.dma_semaphore, #tpu.memory_space<semaphore_mem>>)
        %dma_wait3A_288 = arith.constant 0 : i32
        %dma_wait3A_289 = tpu.memref_slice %arg3[%multiple_of3A, %dma_wait3A_288] : memref<2560x128xi32, #tpu.memory_space<hbm>> -> memref<16x128xi32, #tpu.memory_space<hbm>>
        %dma_wait3A_290 = arith.constant 0 : i32
        %dma_wait3A_291 = tpu.memref_slice %arg3[%multiple_of3A, %dma_wait3A_290] : memref<2560x128xi32, #tpu.memory_space<hbm>> -> memref<16x128xi32, #tpu.memory_space<hbm>>
        tpu.wait_dma2 semaphore(%run_scoped3A_283 : memref<!tpu.dma_semaphore, #tpu.memory_space<semaphore_mem>>) src(%dma_wait3A_291 : memref<16x128xi32, #tpu.memory_space<hbm>>) dst(%arg7 : memref<16x128xi32, #tpu.memory_space<vmem>>)
        tpu.yield
      }) : () -> ()
      "tpu.region"() ({
        %run_scoped3A_283 = tpu.sem_alloc : memref<!tpu.dma_semaphore, #tpu.memory_space<semaphore_mem>>
        %dma_start3A_284 = arith.constant 0 : i32
        %dma_start3A_285 = tpu.memref_slice %arg4[%multiple_of3A, %dma_start3A_284] : memref<2560x128xi32, #tpu.memory_space<hbm>> -> memref<16x128xi32, #tpu.memory_space<hbm>>
        %dma_start3A_286 = arith.constant 0 : i32
        %dma_start3A_287 = tpu.memref_slice %arg4[%multiple_of3A, %dma_start3A_286] : memref<2560x128xi32, #tpu.memory_space<hbm>> -> memref<16x128xi32, #tpu.memory_space<hbm>>
        tpu.enqueue_dma source(%dma_start3A_287 : memref<16x128xi32, #tpu.memory_space<hbm>>) target(%arg8 : memref<16x128xi32, #tpu.memory_space<vmem>>) target_semaphore(%run_scoped3A_283 : memref<!tpu.dma_semaphore, #tpu.memory_space<semaphore_mem>>)
        %dma_wait3A_288 = arith.constant 0 : i32
        %dma_wait3A_289 = tpu.memref_slice %arg4[%multiple_of3A, %dma_wait3A_288] : memref<2560x128xi32, #tpu.memory_space<hbm>> -> memref<16x128xi32, #tpu.memory_space<hbm>>
        %dma_wait3A_290 = arith.constant 0 : i32
        %dma_wait3A_291 = tpu.memref_slice %arg4[%multiple_of3A, %dma_wait3A_290] : memref<2560x128xi32, #tpu.memory_space<hbm>> -> memref<16x128xi32, #tpu.memory_space<hbm>>
        tpu.wait_dma2 semaphore(%run_scoped3A_283 : memref<!tpu.dma_semaphore, #tpu.memory_space<semaphore_mem>>) src(%dma_wait3A_291 : memref<16x128xi32, #tpu.memory_space<hbm>>) dst(%arg8 : memref<16x128xi32, #tpu.memory_space<vmem>>)
        tpu.yield
      }) : () -> ()
      %dma_start3A = arith.constant 0 : i32
      %dma_start3A_46 = arith.constant 0 : i32
      %dma_start3A_47 = tpu.memref_slice %arg7[%dma_start3A, %dma_start3A_46] : memref<16x128xi32, #tpu.memory_space<vmem>> -> memref<1x128xi32, #tpu.memory_space<vmem>>
      %dma_start3A_48 = tpu.memref_squeeze %dma_start3A_47 : memref<1x128xi32, #tpu.memory_space<vmem>> -> memref<128xi32, #tpu.memory_space<vmem>>
      %dma_start3A_49 = arith.constant 0 : i32
      %dma_start3A_50 = arith.constant 0 : i32
      %dma_start3A_51 = tpu.memref_slice %arg2[%dma_start3A_49, %dma_start3A_50] : memref<10000x128xf32, #tpu.memory_space<hbm>> -> memref<10000x128xf32, #tpu.memory_space<hbm>>
      tpu.enqueue_indirect_dma source(%dma_start3A_51 : memref<10000x128xf32, #tpu.memory_space<hbm>>) target(%arg9 : memref<128x128xf32, #tpu.memory_space<vmem>>) offsets(%dma_start3A_48 : memref<128xi32, #tpu.memory_space<vmem>>) semaphore(%arg12 : memref<!tpu.dma_semaphore, #tpu.memory_space<semaphore_mem>>)
      %dma_start3A_52 = arith.constant 1 : i32
      %dma_start3A_53 = arith.constant 0 : i32
      %dma_start3A_54 = tpu.memref_slice %arg7[%dma_start3A_52, %dma_start3A_53] : memref<16x128xi32, #tpu.memory_space<vmem>> -> memref<1x128xi32, #tpu.memory_space<vmem>>
      %dma_start3A_55 = tpu.memref_squeeze %dma_start3A_54 : memref<1x128xi32, #tpu.memory_space<vmem>> -> memref<128xi32, #tpu.memory_space<vmem>>
      %dma_start3A_56 = arith.constant 0 : i32
      %dma_start3A_57 = arith.constant 0 : i32
      %dma_start3A_58 = tpu.memref_slice %arg2[%dma_start3A_56, %dma_start3A_57] : memref<10000x128xf32, #tpu.memory_space<hbm>> -> memref<10000x128xf32, #tpu.memory_space<hbm>>
      tpu.enqueue_indirect_dma source(%dma_start3A_58 : memref<10000x128xf32, #tpu.memory_space<hbm>>) target(%arg10 : memref<128x128xf32, #tpu.memory_space<vmem>>) offsets(%dma_start3A_55 : memref<128xi32, #tpu.memory_space<vmem>>) semaphore(%arg13 : memref<!tpu.dma_semaphore, #tpu.memory_space<semaphore_mem>>)
      %dma_wait3A = arith.constant 0 : i32
      %dma_wait3A_59 = arith.constant 0 : i32
      %dma_wait3A_60 = tpu.memref_slice %arg7[%dma_wait3A, %dma_wait3A_59] : memref<16x128xi32, #tpu.memory_space<vmem>> -> memref<1x128xi32, #tpu.memory_space<vmem>>
      %dma_wait3A_61 = tpu.memref_squeeze %dma_wait3A_60 : memref<1x128xi32, #tpu.memory_space<vmem>> -> memref<128xi32, #tpu.memory_space<vmem>>
      %dma_wait3A_62 = arith.constant 0 : i32
      %dma_wait3A_63 = arith.constant 0 : i32
      %dma_wait3A_64 = tpu.memref_slice %arg2[%dma_wait3A_62, %dma_wait3A_63] : memref<10000x128xf32, #tpu.memory_space<hbm>> -> memref<10000x128xf32, #tpu.memory_space<hbm>>
      tpu.wait_indirect_dma semaphore(%arg12 : memref<!tpu.dma_semaphore, #tpu.memory_space<semaphore_mem>>) src(%dma_wait3A_64 : memref<10000x128xf32, #tpu.memory_space<hbm>>) dst(%arg9 : memref<128x128xf32, #tpu.memory_space<vmem>>)
      %run_scoped3A = arith.constant 0 : i32
      "tpu.region"() ({
        %run_scoped3A_283 = tpu.sem_alloc : memref<!tpu.dma_semaphore, #tpu.memory_space<semaphore_mem>>
        %dma_start3A_284 = arith.constant 0 : i32
        %dma_start3A_285 = tpu.memref_slice %arg8[%run_scoped3A, %dma_start3A_284] : memref<16x128xi32, #tpu.memory_space<vmem>> -> memref<1x128xi32, #tpu.memory_space<vmem>>
        %dma_start3A_286 = tpu.memref_squeeze %dma_start3A_285 : memref<1x128xi32, #tpu.memory_space<vmem>> -> memref<128xi32, #tpu.memory_space<vmem>>
        %dma_start3A_287 = arith.constant 0 : i32
        %dma_start3A_288 = arith.constant 0 : i32
        %dma_start3A_289 = tpu.memref_slice %arg11[%dma_start3A_287, %dma_start3A_288] : memref<10112x128xf32, #tpu.memory_space<vmem_shared>> -> memref<10112x128xf32, #tpu.memory_space<vmem_shared>>
        tpu.enqueue_indirect_dma source(%arg9 : memref<128x128xf32, #tpu.memory_space<vmem>>) target(%dma_start3A_289 : memref<10112x128xf32, #tpu.memory_space<vmem_shared>>) offsets(%dma_start3A_286 : memref<128xi32, #tpu.memory_space<vmem>>) semaphore(%run_scoped3A_283 : memref<!tpu.dma_semaphore, #tpu.memory_space<semaphore_mem>>) {add = true}
        %dma_wait3A_290 = arith.constant 0 : i32
        %dma_wait3A_291 = tpu.memref_slice %arg8[%run_scoped3A, %dma_wait3A_290] : memref<16x128xi32, #tpu.memory_space<vmem>> -> memref<1x128xi32, #tpu.memory_space<vmem>>
        %dma_wait3A_292 = tpu.memref_squeeze %dma_wait3A_291 : memref<1x128xi32, #tpu.memory_space<vmem>> -> memref<128xi32, #tpu.memory_space<vmem>>
        %dma_wait3A_293 = arith.constant 0 : i32
        %dma_wait3A_294 = arith.constant 0 : i32
        %dma_wait3A_295 = tpu.memref_slice %arg11[%dma_wait3A_293, %dma_wait3A_294] : memref<10112x128xf32, #tpu.memory_space<vmem_shared>> -> memref<10112x128xf32, #tpu.memory_space<vmem_shared>>
        tpu.wait_indirect_dma semaphore(%run_scoped3A_283 : memref<!tpu.dma_semaphore, #tpu.memory_space<semaphore_mem>>) src(%arg9 : memref<128x128xf32, #tpu.memory_space<vmem>>) dst(%dma_wait3A_295 : memref<10112x128xf32, #tpu.memory_space<vmem_shared>>)
        tpu.yield
      }) : () -> ()
      %dma_start3A_65 = arith.constant 2 : i32
      %dma_start3A_66 = arith.constant 0 : i32
      %dma_start3A_67 = tpu.memref_slice %arg7[%dma_start3A_65, %dma_start3A_66] : memref<16x128xi32, #tpu.memory_space<vmem>> -> memref<1x128xi32, #tpu.memory_space<vmem>>
      %dma_start3A_68 = tpu.memref_squeeze %dma_start3A_67 : memref<1x128xi32, #tpu.memory_space<vmem>> -> memref<128xi32, #tpu.memory_space<vmem>>
      %dma_start3A_69 = arith.constant 0 : i32
      %dma_start3A_70 = arith.constant 0 : i32
      %dma_start3A_71 = tpu.memref_slice %arg2[%dma_start3A_69, %dma_start3A_70] : memref<10000x128xf32, #tpu.memory_space<hbm>> -> memref<10000x128xf32, #tpu.memory_space<hbm>>
      tpu.enqueue_indirect_dma source(%dma_start3A_71 : memref<10000x128xf32, #tpu.memory_space<hbm>>) target(%arg9 : memref<128x128xf32, #tpu.memory_space<vmem>>) offsets(%dma_start3A_68 : memref<128xi32, #tpu.memory_space<vmem>>) semaphore(%arg12 : memref<!tpu.dma_semaphore, #tpu.memory_space<semaphore_mem>>)
      %dma_wait3A_72 = arith.constant 1 : i32
      %dma_wait3A_73 = arith.constant 0 : i32
      %dma_wait3A_74 = tpu.memref_slice %arg7[%dma_wait3A_72, %dma_wait3A_73] : memref<16x128xi32, #tpu.memory_space<vmem>> -> memref<1x128xi32, #tpu.memory_space<vmem>>
      %dma_wait3A_75 = tpu.memref_squeeze %dma_wait3A_74 : memref<1x128xi32, #tpu.memory_space<vmem>> -> memref<128xi32, #tpu.memory_space<vmem>>
      %dma_wait3A_76 = arith.constant 0 : i32
      %dma_wait3A_77 = arith.constant 0 : i32
      %dma_wait3A_78 = tpu.memref_slice %arg2[%dma_wait3A_76, %dma_wait3A_77] : memref<10000x128xf32, #tpu.memory_space<hbm>> -> memref<10000x128xf32, #tpu.memory_space<hbm>>
      tpu.wait_indirect_dma semaphore(%arg13 : memref<!tpu.dma_semaphore, #tpu.memory_space<semaphore_mem>>) src(%dma_wait3A_78 : memref<10000x128xf32, #tpu.memory_space<hbm>>) dst(%arg10 : memref<128x128xf32, #tpu.memory_space<vmem>>)
      %run_scoped3A_79 = arith.constant 1 : i32
      "tpu.region"() ({
        %run_scoped3A_283 = tpu.sem_alloc : memref<!tpu.dma_semaphore, #tpu.memory_space<semaphore_mem>>
        %dma_start3A_284 = arith.constant 0 : i32
        %dma_start3A_285 = tpu.memref_slice %arg8[%run_scoped3A_79, %dma_start3A_284] : memref<16x128xi32, #tpu.memory_space<vmem>> -> memref<1x128xi32, #tpu.memory_space<vmem>>
        %dma_start3A_286 = tpu.memref_squeeze %dma_start3A_285 : memref<1x128xi32, #tpu.memory_space<vmem>> -> memref<128xi32, #tpu.memory_space<vmem>>
        %dma_start3A_287 = arith.constant 0 : i32
        %dma_start3A_288 = arith.constant 0 : i32
        %dma_start3A_289 = tpu.memref_slice %arg11[%dma_start3A_287, %dma_start3A_288] : memref<10112x128xf32, #tpu.memory_space<vmem_shared>> -> memref<10112x128xf32, #tpu.memory_space<vmem_shared>>
        tpu.enqueue_indirect_dma source(%arg10 : memref<128x128xf32, #tpu.memory_space<vmem>>) target(%dma_start3A_289 : memref<10112x128xf32, #tpu.memory_space<vmem_shared>>) offsets(%dma_start3A_286 : memref<128xi32, #tpu.memory_space<vmem>>) semaphore(%run_scoped3A_283 : memref<!tpu.dma_semaphore, #tpu.memory_space<semaphore_mem>>) {add = true}
        %dma_wait3A_290 = arith.constant 0 : i32
        %dma_wait3A_291 = tpu.memref_slice %arg8[%run_scoped3A_79, %dma_wait3A_290] : memref<16x128xi32, #tpu.memory_space<vmem>> -> memref<1x128xi32, #tpu.memory_space<vmem>>
        %dma_wait3A_292 = tpu.memref_squeeze %dma_wait3A_291 : memref<1x128xi32, #tpu.memory_space<vmem>> -> memref<128xi32, #tpu.memory_space<vmem>>
        %dma_wait3A_293 = arith.constant 0 : i32
        %dma_wait3A_294 = arith.constant 0 : i32
        %dma_wait3A_295 = tpu.memref_slice %arg11[%dma_wait3A_293, %dma_wait3A_294] : memref<10112x128xf32, #tpu.memory_space<vmem_shared>> -> memref<10112x128xf32, #tpu.memory_space<vmem_shared>>
        tpu.wait_indirect_dma semaphore(%run_scoped3A_283 : memref<!tpu.dma_semaphore, #tpu.memory_space<semaphore_mem>>) src(%arg10 : memref<128x128xf32, #tpu.memory_space<vmem>>) dst(%dma_wait3A_295 : memref<10112x128xf32, #tpu.memory_space<vmem_shared>>)
        tpu.yield
      }) : () -> ()
      %dma_start3A_80 = arith.constant 3 : i32
      %dma_start3A_81 = arith.constant 0 : i32
      %dma_start3A_82 = tpu.memref_slice %arg7[%dma_start3A_80, %dma_start3A_81] : memref<16x128xi32, #tpu.memory_space<vmem>> -> memref<1x128xi32, #tpu.memory_space<vmem>>
      %dma_start3A_83 = tpu.memref_squeeze %dma_start3A_82 : memref<1x128xi32, #tpu.memory_space<vmem>> -> memref<128xi32, #tpu.memory_space<vmem>>
      %dma_start3A_84 = arith.constant 0 : i32
      %dma_start3A_85 = arith.constant 0 : i32
      %dma_start3A_86 = tpu.memref_slice %arg2[%dma_start3A_84, %dma_start3A_85] : memref<10000x128xf32, #tpu.memory_space<hbm>> -> memref<10000x128xf32, #tpu.memory_space<hbm>>
      tpu.enqueue_indirect_dma source(%dma_start3A_86 : memref<10000x128xf32, #tpu.memory_space<hbm>>) target(%arg10 : memref<128x128xf32, #tpu.memory_space<vmem>>) offsets(%dma_start3A_83 : memref<128xi32, #tpu.memory_space<vmem>>) semaphore(%arg13 : memref<!tpu.dma_semaphore, #tpu.memory_space<semaphore_mem>>)
      %dma_wait3A_87 = arith.constant 2 : i32
      %dma_wait3A_88 = arith.constant 0 : i32
      %dma_wait3A_89 = tpu.memref_slice %arg7[%dma_wait3A_87, %dma_wait3A_88] : memref<16x128xi32, #tpu.memory_space<vmem>> -> memref<1x128xi32, #tpu.memory_space<vmem>>
      %dma_wait3A_90 = tpu.memref_squeeze %dma_wait3A_89 : memref<1x128xi32, #tpu.memory_space<vmem>> -> memref<128xi32, #tpu.memory_space<vmem>>
      %dma_wait3A_91 = arith.constant 0 : i32
      %dma_wait3A_92 = arith.constant 0 : i32
      %dma_wait3A_93 = tpu.memref_slice %arg2[%dma_wait3A_91, %dma_wait3A_92] : memref<10000x128xf32, #tpu.memory_space<hbm>> -> memref<10000x128xf32, #tpu.memory_space<hbm>>
      tpu.wait_indirect_dma semaphore(%arg12 : memref<!tpu.dma_semaphore, #tpu.memory_space<semaphore_mem>>) src(%dma_wait3A_93 : memref<10000x128xf32, #tpu.memory_space<hbm>>) dst(%arg9 : memref<128x128xf32, #tpu.memory_space<vmem>>)
      %run_scoped3A_94 = arith.constant 2 : i32
      "tpu.region"() ({
        %run_scoped3A_283 = tpu.sem_alloc : memref<!tpu.dma_semaphore, #tpu.memory_space<semaphore_mem>>
        %dma_start3A_284 = arith.constant 0 : i32
        %dma_start3A_285 = tpu.memref_slice %arg8[%run_scoped3A_94, %dma_start3A_284] : memref<16x128xi32, #tpu.memory_space<vmem>> -> memref<1x128xi32, #tpu.memory_space<vmem>>
        %dma_start3A_286 = tpu.memref_squeeze %dma_start3A_285 : memref<1x128xi32, #tpu.memory_space<vmem>> -> memref<128xi32, #tpu.memory_space<vmem>>
        %dma_start3A_287 = arith.constant 0 : i32
        %dma_start3A_288 = arith.constant 0 : i32
        %dma_start3A_289 = tpu.memref_slice %arg11[%dma_start3A_287, %dma_start3A_288] : memref<10112x128xf32, #tpu.memory_space<vmem_shared>> -> memref<10112x128xf32, #tpu.memory_space<vmem_shared>>
        tpu.enqueue_indirect_dma source(%arg9 : memref<128x128xf32, #tpu.memory_space<vmem>>) target(%dma_start3A_289 : memref<10112x128xf32, #tpu.memory_space<vmem_shared>>) offsets(%dma_start3A_286 : memref<128xi32, #tpu.memory_space<vmem>>) semaphore(%run_scoped3A_283 : memref<!tpu.dma_semaphore, #tpu.memory_space<semaphore_mem>>) {add = true}
        %dma_wait3A_290 = arith.constant 0 : i32
        %dma_wait3A_291 = tpu.memref_slice %arg8[%run_scoped3A_94, %dma_wait3A_290] : memref<16x128xi32, #tpu.memory_space<vmem>> -> memref<1x128xi32, #tpu.memory_space<vmem>>
        %dma_wait3A_292 = tpu.memref_squeeze %dma_wait3A_291 : memref<1x128xi32, #tpu.memory_space<vmem>> -> memref<128xi32, #tpu.memory_space<vmem>>
        %dma_wait3A_293 = arith.constant 0 : i32
        %dma_wait3A_294 = arith.constant 0 : i32
        %dma_wait3A_295 = tpu.memref_slice %arg11[%dma_wait3A_293, %dma_wait3A_294] : memref<10112x128xf32, #tpu.memory_space<vmem_shared>> -> memref<10112x128xf32, #tpu.memory_space<vmem_shared>>
        tpu.wait_indirect_dma semaphore(%run_scoped3A_283 : memref<!tpu.dma_semaphore, #tpu.memory_space<semaphore_mem>>) src(%arg9 : memref<128x128xf32, #tpu.memory_space<vmem>>) dst(%dma_wait3A_295 : memref<10112x128xf32, #tpu.memory_space<vmem_shared>>)
        tpu.yield
      }) : () -> ()
      %dma_start3A_95 = arith.constant 4 : i32
      %dma_start3A_96 = arith.constant 0 : i32
      %dma_start3A_97 = tpu.memref_slice %arg7[%dma_start3A_95, %dma_start3A_96] : memref<16x128xi32, #tpu.memory_space<vmem>> -> memref<1x128xi32, #tpu.memory_space<vmem>>
      %dma_start3A_98 = tpu.memref_squeeze %dma_start3A_97 : memref<1x128xi32, #tpu.memory_space<vmem>> -> memref<128xi32, #tpu.memory_space<vmem>>
      %dma_start3A_99 = arith.constant 0 : i32
      %dma_start3A_100 = arith.constant 0 : i32
      %dma_start3A_101 = tpu.memref_slice %arg2[%dma_start3A_99, %dma_start3A_100] : memref<10000x128xf32, #tpu.memory_space<hbm>> -> memref<10000x128xf32, #tpu.memory_space<hbm>>
      tpu.enqueue_indirect_dma source(%dma_start3A_101 : memref<10000x128xf32, #tpu.memory_space<hbm>>) target(%arg9 : memref<128x128xf32, #tpu.memory_space<vmem>>) offsets(%dma_start3A_98 : memref<128xi32, #tpu.memory_space<vmem>>) semaphore(%arg12 : memref<!tpu.dma_semaphore, #tpu.memory_space<semaphore_mem>>)
      %dma_wait3A_102 = arith.constant 3 : i32
      %dma_wait3A_103 = arith.constant 0 : i32
      %dma_wait3A_104 = tpu.memref_slice %arg7[%dma_wait3A_102, %dma_wait3A_103] : memref<16x128xi32, #tpu.memory_space<vmem>> -> memref<1x128xi32, #tpu.memory_space<vmem>>
      %dma_wait3A_105 = tpu.memref_squeeze %dma_wait3A_104 : memref<1x128xi32, #tpu.memory_space<vmem>> -> memref<128xi32, #tpu.memory_space<vmem>>
      %dma_wait3A_106 = arith.constant 0 : i32
      %dma_wait3A_107 = arith.constant 0 : i32
      %dma_wait3A_108 = tpu.memref_slice %arg2[%dma_wait3A_106, %dma_wait3A_107] : memref<10000x128xf32, #tpu.memory_space<hbm>> -> memref<10000x128xf32, #tpu.memory_space<hbm>>
      tpu.wait_indirect_dma semaphore(%arg13 : memref<!tpu.dma_semaphore, #tpu.memory_space<semaphore_mem>>) src(%dma_wait3A_108 : memref<10000x128xf32, #tpu.memory_space<hbm>>) dst(%arg10 : memref<128x128xf32, #tpu.memory_space<vmem>>)
      %run_scoped3A_109 = arith.constant 3 : i32
      "tpu.region"() ({
        %run_scoped3A_283 = tpu.sem_alloc : memref<!tpu.dma_semaphore, #tpu.memory_space<semaphore_mem>>
        %dma_start3A_284 = arith.constant 0 : i32
        %dma_start3A_285 = tpu.memref_slice %arg8[%run_scoped3A_109, %dma_start3A_284] : memref<16x128xi32, #tpu.memory_space<vmem>> -> memref<1x128xi32, #tpu.memory_space<vmem>>
        %dma_start3A_286 = tpu.memref_squeeze %dma_start3A_285 : memref<1x128xi32, #tpu.memory_space<vmem>> -> memref<128xi32, #tpu.memory_space<vmem>>
        %dma_start3A_287 = arith.constant 0 : i32
        %dma_start3A_288 = arith.constant 0 : i32
        %dma_start3A_289 = tpu.memref_slice %arg11[%dma_start3A_287, %dma_start3A_288] : memref<10112x128xf32, #tpu.memory_space<vmem_shared>> -> memref<10112x128xf32, #tpu.memory_space<vmem_shared>>
        tpu.enqueue_indirect_dma source(%arg10 : memref<128x128xf32, #tpu.memory_space<vmem>>) target(%dma_start3A_289 : memref<10112x128xf32, #tpu.memory_space<vmem_shared>>) offsets(%dma_start3A_286 : memref<128xi32, #tpu.memory_space<vmem>>) semaphore(%run_scoped3A_283 : memref<!tpu.dma_semaphore, #tpu.memory_space<semaphore_mem>>) {add = true}
        %dma_wait3A_290 = arith.constant 0 : i32
        %dma_wait3A_291 = tpu.memref_slice %arg8[%run_scoped3A_109, %dma_wait3A_290] : memref<16x128xi32, #tpu.memory_space<vmem>> -> memref<1x128xi32, #tpu.memory_space<vmem>>
        %dma_wait3A_292 = tpu.memref_squeeze %dma_wait3A_291 : memref<1x128xi32, #tpu.memory_space<vmem>> -> memref<128xi32, #tpu.memory_space<vmem>>
        %dma_wait3A_293 = arith.constant 0 : i32
        %dma_wait3A_294 = arith.constant 0 : i32
        %dma_wait3A_295 = tpu.memref_slice %arg11[%dma_wait3A_293, %dma_wait3A_294] : memref<10112x128xf32, #tpu.memory_space<vmem_shared>> -> memref<10112x128xf32, #tpu.memory_space<vmem_shared>>
        tpu.wait_indirect_dma semaphore(%run_scoped3A_283 : memref<!tpu.dma_semaphore, #tpu.memory_space<semaphore_mem>>) src(%arg10 : memref<128x128xf32, #tpu.memory_space<vmem>>) dst(%dma_wait3A_295 : memref<10112x128xf32, #tpu.memory_space<vmem_shared>>)
        tpu.yield
      }) : () -> ()
      %dma_start3A_110 = arith.constant 5 : i32
      %dma_start3A_111 = arith.constant 0 : i32
      %dma_start3A_112 = tpu.memref_slice %arg7[%dma_start3A_110, %dma_start3A_111] : memref<16x128xi32, #tpu.memory_space<vmem>> -> memref<1x128xi32, #tpu.memory_space<vmem>>
      %dma_start3A_113 = tpu.memref_squeeze %dma_start3A_112 : memref<1x128xi32, #tpu.memory_space<vmem>> -> memref<128xi32, #tpu.memory_space<vmem>>
      %dma_start3A_114 = arith.constant 0 : i32
      %dma_start3A_115 = arith.constant 0 : i32
      %dma_start3A_116 = tpu.memref_slice %arg2[%dma_start3A_114, %dma_start3A_115] : memref<10000x128xf32, #tpu.memory_space<hbm>> -> memref<10000x128xf32, #tpu.memory_space<hbm>>
      tpu.enqueue_indirect_dma source(%dma_start3A_116 : memref<10000x128xf32, #tpu.memory_space<hbm>>) target(%arg10 : memref<128x128xf32, #tpu.memory_space<vmem>>) offsets(%dma_start3A_113 : memref<128xi32, #tpu.memory_space<vmem>>) semaphore(%arg13 : memref<!tpu.dma_semaphore, #tpu.memory_space<semaphore_mem>>)
      %dma_wait3A_117 = arith.constant 4 : i32
      %dma_wait3A_118 = arith.constant 0 : i32
      %dma_wait3A_119 = tpu.memref_slice %arg7[%dma_wait3A_117, %dma_wait3A_118] : memref<16x128xi32, #tpu.memory_space<vmem>> -> memref<1x128xi32, #tpu.memory_space<vmem>>
      %dma_wait3A_120 = tpu.memref_squeeze %dma_wait3A_119 : memref<1x128xi32, #tpu.memory_space<vmem>> -> memref<128xi32, #tpu.memory_space<vmem>>
      %dma_wait3A_121 = arith.constant 0 : i32
      %dma_wait3A_122 = arith.constant 0 : i32
      %dma_wait3A_123 = tpu.memref_slice %arg2[%dma_wait3A_121, %dma_wait3A_122] : memref<10000x128xf32, #tpu.memory_space<hbm>> -> memref<10000x128xf32, #tpu.memory_space<hbm>>
      tpu.wait_indirect_dma semaphore(%arg12 : memref<!tpu.dma_semaphore, #tpu.memory_space<semaphore_mem>>) src(%dma_wait3A_123 : memref<10000x128xf32, #tpu.memory_space<hbm>>) dst(%arg9 : memref<128x128xf32, #tpu.memory_space<vmem>>)
      %run_scoped3A_124 = arith.constant 4 : i32
      "tpu.region"() ({
        %run_scoped3A_283 = tpu.sem_alloc : memref<!tpu.dma_semaphore, #tpu.memory_space<semaphore_mem>>
        %dma_start3A_284 = arith.constant 0 : i32
        %dma_start3A_285 = tpu.memref_slice %arg8[%run_scoped3A_124, %dma_start3A_284] : memref<16x128xi32, #tpu.memory_space<vmem>> -> memref<1x128xi32, #tpu.memory_space<vmem>>
        %dma_start3A_286 = tpu.memref_squeeze %dma_start3A_285 : memref<1x128xi32, #tpu.memory_space<vmem>> -> memref<128xi32, #tpu.memory_space<vmem>>
        %dma_start3A_287 = arith.constant 0 : i32
        %dma_start3A_288 = arith.constant 0 : i32
        %dma_start3A_289 = tpu.memref_slice %arg11[%dma_start3A_287, %dma_start3A_288] : memref<10112x128xf32, #tpu.memory_space<vmem_shared>> -> memref<10112x128xf32, #tpu.memory_space<vmem_shared>>
        tpu.enqueue_indirect_dma source(%arg9 : memref<128x128xf32, #tpu.memory_space<vmem>>) target(%dma_start3A_289 : memref<10112x128xf32, #tpu.memory_space<vmem_shared>>) offsets(%dma_start3A_286 : memref<128xi32, #tpu.memory_space<vmem>>) semaphore(%run_scoped3A_283 : memref<!tpu.dma_semaphore, #tpu.memory_space<semaphore_mem>>) {add = true}
        %dma_wait3A_290 = arith.constant 0 : i32
        %dma_wait3A_291 = tpu.memref_slice %arg8[%run_scoped3A_124, %dma_wait3A_290] : memref<16x128xi32, #tpu.memory_space<vmem>> -> memref<1x128xi32, #tpu.memory_space<vmem>>
        %dma_wait3A_292 = tpu.memref_squeeze %dma_wait3A_291 : memref<1x128xi32, #tpu.memory_space<vmem>> -> memref<128xi32, #tpu.memory_space<vmem>>
        %dma_wait3A_293 = arith.constant 0 : i32
        %dma_wait3A_294 = arith.constant 0 : i32
        %dma_wait3A_295 = tpu.memref_slice %arg11[%dma_wait3A_293, %dma_wait3A_294] : memref<10112x128xf32, #tpu.memory_space<vmem_shared>> -> memref<10112x128xf32, #tpu.memory_space<vmem_shared>>
        tpu.wait_indirect_dma semaphore(%run_scoped3A_283 : memref<!tpu.dma_semaphore, #tpu.memory_space<semaphore_mem>>) src(%arg9 : memref<128x128xf32, #tpu.memory_space<vmem>>) dst(%dma_wait3A_295 : memref<10112x128xf32, #tpu.memory_space<vmem_shared>>)
        tpu.yield
      }) : () -> ()
      %dma_start3A_125 = arith.constant 6 : i32
      %dma_start3A_126 = arith.constant 0 : i32
      %dma_start3A_127 = tpu.memref_slice %arg7[%dma_start3A_125, %dma_start3A_126] : memref<16x128xi32, #tpu.memory_space<vmem>> -> memref<1x128xi32, #tpu.memory_space<vmem>>
      %dma_start3A_128 = tpu.memref_squeeze %dma_start3A_127 : memref<1x128xi32, #tpu.memory_space<vmem>> -> memref<128xi32, #tpu.memory_space<vmem>>
      %dma_start3A_129 = arith.constant 0 : i32
      %dma_start3A_130 = arith.constant 0 : i32
      %dma_start3A_131 = tpu.memref_slice %arg2[%dma_start3A_129, %dma_start3A_130] : memref<10000x128xf32, #tpu.memory_space<hbm>> -> memref<10000x128xf32, #tpu.memory_space<hbm>>
      tpu.enqueue_indirect_dma source(%dma_start3A_131 : memref<10000x128xf32, #tpu.memory_space<hbm>>) target(%arg9 : memref<128x128xf32, #tpu.memory_space<vmem>>) offsets(%dma_start3A_128 : memref<128xi32, #tpu.memory_space<vmem>>) semaphore(%arg12 : memref<!tpu.dma_semaphore, #tpu.memory_space<semaphore_mem>>)
      %dma_wait3A_132 = arith.constant 5 : i32
      %dma_wait3A_133 = arith.constant 0 : i32
      %dma_wait3A_134 = tpu.memref_slice %arg7[%dma_wait3A_132, %dma_wait3A_133] : memref<16x128xi32, #tpu.memory_space<vmem>> -> memref<1x128xi32, #tpu.memory_space<vmem>>
      %dma_wait3A_135 = tpu.memref_squeeze %dma_wait3A_134 : memref<1x128xi32, #tpu.memory_space<vmem>> -> memref<128xi32, #tpu.memory_space<vmem>>
      %dma_wait3A_136 = arith.constant 0 : i32
      %dma_wait3A_137 = arith.constant 0 : i32
      %dma_wait3A_138 = tpu.memref_slice %arg2[%dma_wait3A_136, %dma_wait3A_137] : memref<10000x128xf32, #tpu.memory_space<hbm>> -> memref<10000x128xf32, #tpu.memory_space<hbm>>
      tpu.wait_indirect_dma semaphore(%arg13 : memref<!tpu.dma_semaphore, #tpu.memory_space<semaphore_mem>>) src(%dma_wait3A_138 : memref<10000x128xf32, #tpu.memory_space<hbm>>) dst(%arg10 : memref<128x128xf32, #tpu.memory_space<vmem>>)
      %run_scoped3A_139 = arith.constant 5 : i32
      "tpu.region"() ({
        %run_scoped3A_283 = tpu.sem_alloc : memref<!tpu.dma_semaphore, #tpu.memory_space<semaphore_mem>>
        %dma_start3A_284 = arith.constant 0 : i32
        %dma_start3A_285 = tpu.memref_slice %arg8[%run_scoped3A_139, %dma_start3A_284] : memref<16x128xi32, #tpu.memory_space<vmem>> -> memref<1x128xi32, #tpu.memory_space<vmem>>
        %dma_start3A_286 = tpu.memref_squeeze %dma_start3A_285 : memref<1x128xi32, #tpu.memory_space<vmem>> -> memref<128xi32, #tpu.memory_space<vmem>>
        %dma_start3A_287 = arith.constant 0 : i32
        %dma_start3A_288 = arith.constant 0 : i32
        %dma_start3A_289 = tpu.memref_slice %arg11[%dma_start3A_287, %dma_start3A_288] : memref<10112x128xf32, #tpu.memory_space<vmem_shared>> -> memref<10112x128xf32, #tpu.memory_space<vmem_shared>>
        tpu.enqueue_indirect_dma source(%arg10 : memref<128x128xf32, #tpu.memory_space<vmem>>) target(%dma_start3A_289 : memref<10112x128xf32, #tpu.memory_space<vmem_shared>>) offsets(%dma_start3A_286 : memref<128xi32, #tpu.memory_space<vmem>>) semaphore(%run_scoped3A_283 : memref<!tpu.dma_semaphore, #tpu.memory_space<semaphore_mem>>) {add = true}
        %dma_wait3A_290 = arith.constant 0 : i32
        %dma_wait3A_291 = tpu.memref_slice %arg8[%run_scoped3A_139, %dma_wait3A_290] : memref<16x128xi32, #tpu.memory_space<vmem>> -> memref<1x128xi32, #tpu.memory_space<vmem>>
        %dma_wait3A_292 = tpu.memref_squeeze %dma_wait3A_291 : memref<1x128xi32, #tpu.memory_space<vmem>> -> memref<128xi32, #tpu.memory_space<vmem>>
        %dma_wait3A_293 = arith.constant 0 : i32
        %dma_wait3A_294 = arith.constant 0 : i32
        %dma_wait3A_295 = tpu.memref_slice %arg11[%dma_wait3A_293, %dma_wait3A_294] : memref<10112x128xf32, #tpu.memory_space<vmem_shared>> -> memref<10112x128xf32, #tpu.memory_space<vmem_shared>>
        tpu.wait_indirect_dma semaphore(%run_scoped3A_283 : memref<!tpu.dma_semaphore, #tpu.memory_space<semaphore_mem>>) src(%arg10 : memref<128x128xf32, #tpu.memory_space<vmem>>) dst(%dma_wait3A_295 : memref<10112x128xf32, #tpu.memory_space<vmem_shared>>)
        tpu.yield
      }) : () -> ()
      %dma_start3A_140 = arith.constant 7 : i32
      %dma_start3A_141 = arith.constant 0 : i32
      %dma_start3A_142 = tpu.memref_slice %arg7[%dma_start3A_140, %dma_start3A_141] : memref<16x128xi32, #tpu.memory_space<vmem>> -> memref<1x128xi32, #tpu.memory_space<vmem>>
      %dma_start3A_143 = tpu.memref_squeeze %dma_start3A_142 : memref<1x128xi32, #tpu.memory_space<vmem>> -> memref<128xi32, #tpu.memory_space<vmem>>
      %dma_start3A_144 = arith.constant 0 : i32
      %dma_start3A_145 = arith.constant 0 : i32
      %dma_start3A_146 = tpu.memref_slice %arg2[%dma_start3A_144, %dma_start3A_145] : memref<10000x128xf32, #tpu.memory_space<hbm>> -> memref<10000x128xf32, #tpu.memory_space<hbm>>
      tpu.enqueue_indirect_dma source(%dma_start3A_146 : memref<10000x128xf32, #tpu.memory_space<hbm>>) target(%arg10 : memref<128x128xf32, #tpu.memory_space<vmem>>) offsets(%dma_start3A_143 : memref<128xi32, #tpu.memory_space<vmem>>) semaphore(%arg13 : memref<!tpu.dma_semaphore, #tpu.memory_space<semaphore_mem>>)
      %dma_wait3A_147 = arith.constant 6 : i32
      %dma_wait3A_148 = arith.constant 0 : i32
      %dma_wait3A_149 = tpu.memref_slice %arg7[%dma_wait3A_147, %dma_wait3A_148] : memref<16x128xi32, #tpu.memory_space<vmem>> -> memref<1x128xi32, #tpu.memory_space<vmem>>
      %dma_wait3A_150 = tpu.memref_squeeze %dma_wait3A_149 : memref<1x128xi32, #tpu.memory_space<vmem>> -> memref<128xi32, #tpu.memory_space<vmem>>
      %dma_wait3A_151 = arith.constant 0 : i32
      %dma_wait3A_152 = arith.constant 0 : i32
      %dma_wait3A_153 = tpu.memref_slice %arg2[%dma_wait3A_151, %dma_wait3A_152] : memref<10000x128xf32, #tpu.memory_space<hbm>> -> memref<10000x128xf32, #tpu.memory_space<hbm>>
      tpu.wait_indirect_dma semaphore(%arg12 : memref<!tpu.dma_semaphore, #tpu.memory_space<semaphore_mem>>) src(%dma_wait3A_153 : memref<10000x128xf32, #tpu.memory_space<hbm>>) dst(%arg9 : memref<128x128xf32, #tpu.memory_space<vmem>>)
      %run_scoped3A_154 = arith.constant 6 : i32
      "tpu.region"() ({
        %run_scoped3A_283 = tpu.sem_alloc : memref<!tpu.dma_semaphore, #tpu.memory_space<semaphore_mem>>
        %dma_start3A_284 = arith.constant 0 : i32
        %dma_start3A_285 = tpu.memref_slice %arg8[%run_scoped3A_154, %dma_start3A_284] : memref<16x128xi32, #tpu.memory_space<vmem>> -> memref<1x128xi32, #tpu.memory_space<vmem>>
        %dma_start3A_286 = tpu.memref_squeeze %dma_start3A_285 : memref<1x128xi32, #tpu.memory_space<vmem>> -> memref<128xi32, #tpu.memory_space<vmem>>
        %dma_start3A_287 = arith.constant 0 : i32
        %dma_start3A_288 = arith.constant 0 : i32
        %dma_start3A_289 = tpu.memref_slice %arg11[%dma_start3A_287, %dma_start3A_288] : memref<10112x128xf32, #tpu.memory_space<vmem_shared>> -> memref<10112x128xf32, #tpu.memory_space<vmem_shared>>
        tpu.enqueue_indirect_dma source(%arg9 : memref<128x128xf32, #tpu.memory_space<vmem>>) target(%dma_start3A_289 : memref<10112x128xf32, #tpu.memory_space<vmem_shared>>) offsets(%dma_start3A_286 : memref<128xi32, #tpu.memory_space<vmem>>) semaphore(%run_scoped3A_283 : memref<!tpu.dma_semaphore, #tpu.memory_space<semaphore_mem>>) {add = true}
        %dma_wait3A_290 = arith.constant 0 : i32
        %dma_wait3A_291 = tpu.memref_slice %arg8[%run_scoped3A_154, %dma_wait3A_290] : memref<16x128xi32, #tpu.memory_space<vmem>> -> memref<1x128xi32, #tpu.memory_space<vmem>>
        %dma_wait3A_292 = tpu.memref_squeeze %dma_wait3A_291 : memref<1x128xi32, #tpu.memory_space<vmem>> -> memref<128xi32, #tpu.memory_space<vmem>>
        %dma_wait3A_293 = arith.constant 0 : i32
        %dma_wait3A_294 = arith.constant 0 : i32
        %dma_wait3A_295 = tpu.memref_slice %arg11[%dma_wait3A_293, %dma_wait3A_294] : memref<10112x128xf32, #tpu.memory_space<vmem_shared>> -> memref<10112x128xf32, #tpu.memory_space<vmem_shared>>
        tpu.wait_indirect_dma semaphore(%run_scoped3A_283 : memref<!tpu.dma_semaphore, #tpu.memory_space<semaphore_mem>>) src(%arg9 : memref<128x128xf32, #tpu.memory_space<vmem>>) dst(%dma_wait3A_295 : memref<10112x128xf32, #tpu.memory_space<vmem_shared>>)
        tpu.yield
      }) : () -> ()
      %dma_start3A_155 = arith.constant 8 : i32
      %dma_start3A_156 = arith.constant 0 : i32
      %dma_start3A_157 = tpu.memref_slice %arg7[%dma_start3A_155, %dma_start3A_156] : memref<16x128xi32, #tpu.memory_space<vmem>> -> memref<1x128xi32, #tpu.memory_space<vmem>>
      %dma_start3A_158 = tpu.memref_squeeze %dma_start3A_157 : memref<1x128xi32, #tpu.memory_space<vmem>> -> memref<128xi32, #tpu.memory_space<vmem>>
      %dma_start3A_159 = arith.constant 0 : i32
      %dma_start3A_160 = arith.constant 0 : i32
      %dma_start3A_161 = tpu.memref_slice %arg2[%dma_start3A_159, %dma_start3A_160] : memref<10000x128xf32, #tpu.memory_space<hbm>> -> memref<10000x128xf32, #tpu.memory_space<hbm>>
      tpu.enqueue_indirect_dma source(%dma_start3A_161 : memref<10000x128xf32, #tpu.memory_space<hbm>>) target(%arg9 : memref<128x128xf32, #tpu.memory_space<vmem>>) offsets(%dma_start3A_158 : memref<128xi32, #tpu.memory_space<vmem>>) semaphore(%arg12 : memref<!tpu.dma_semaphore, #tpu.memory_space<semaphore_mem>>)
      %dma_wait3A_162 = arith.constant 7 : i32
      %dma_wait3A_163 = arith.constant 0 : i32
      %dma_wait3A_164 = tpu.memref_slice %arg7[%dma_wait3A_162, %dma_wait3A_163] : memref<16x128xi32, #tpu.memory_space<vmem>> -> memref<1x128xi32, #tpu.memory_space<vmem>>
      %dma_wait3A_165 = tpu.memref_squeeze %dma_wait3A_164 : memref<1x128xi32, #tpu.memory_space<vmem>> -> memref<128xi32, #tpu.memory_space<vmem>>
      %dma_wait3A_166 = arith.constant 0 : i32
      %dma_wait3A_167 = arith.constant 0 : i32
      %dma_wait3A_168 = tpu.memref_slice %arg2[%dma_wait3A_166, %dma_wait3A_167] : memref<10000x128xf32, #tpu.memory_space<hbm>> -> memref<10000x128xf32, #tpu.memory_space<hbm>>
      tpu.wait_indirect_dma semaphore(%arg13 : memref<!tpu.dma_semaphore, #tpu.memory_space<semaphore_mem>>) src(%dma_wait3A_168 : memref<10000x128xf32, #tpu.memory_space<hbm>>) dst(%arg10 : memref<128x128xf32, #tpu.memory_space<vmem>>)
      %run_scoped3A_169 = arith.constant 7 : i32
      "tpu.region"() ({
        %run_scoped3A_283 = tpu.sem_alloc : memref<!tpu.dma_semaphore, #tpu.memory_space<semaphore_mem>>
        %dma_start3A_284 = arith.constant 0 : i32
        %dma_start3A_285 = tpu.memref_slice %arg8[%run_scoped3A_169, %dma_start3A_284] : memref<16x128xi32, #tpu.memory_space<vmem>> -> memref<1x128xi32, #tpu.memory_space<vmem>>
        %dma_start3A_286 = tpu.memref_squeeze %dma_start3A_285 : memref<1x128xi32, #tpu.memory_space<vmem>> -> memref<128xi32, #tpu.memory_space<vmem>>
        %dma_start3A_287 = arith.constant 0 : i32
        %dma_start3A_288 = arith.constant 0 : i32
        %dma_start3A_289 = tpu.memref_slice %arg11[%dma_start3A_287, %dma_start3A_288] : memref<10112x128xf32, #tpu.memory_space<vmem_shared>> -> memref<10112x128xf32, #tpu.memory_space<vmem_shared>>
        tpu.enqueue_indirect_dma source(%arg10 : memref<128x128xf32, #tpu.memory_space<vmem>>) target(%dma_start3A_289 : memref<10112x128xf32, #tpu.memory_space<vmem_shared>>) offsets(%dma_start3A_286 : memref<128xi32, #tpu.memory_space<vmem>>) semaphore(%run_scoped3A_283 : memref<!tpu.dma_semaphore, #tpu.memory_space<semaphore_mem>>) {add = true}
        %dma_wait3A_290 = arith.constant 0 : i32
        %dma_wait3A_291 = tpu.memref_slice %arg8[%run_scoped3A_169, %dma_wait3A_290] : memref<16x128xi32, #tpu.memory_space<vmem>> -> memref<1x128xi32, #tpu.memory_space<vmem>>
        %dma_wait3A_292 = tpu.memref_squeeze %dma_wait3A_291 : memref<1x128xi32, #tpu.memory_space<vmem>> -> memref<128xi32, #tpu.memory_space<vmem>>
        %dma_wait3A_293 = arith.constant 0 : i32
        %dma_wait3A_294 = arith.constant 0 : i32
        %dma_wait3A_295 = tpu.memref_slice %arg11[%dma_wait3A_293, %dma_wait3A_294] : memref<10112x128xf32, #tpu.memory_space<vmem_shared>> -> memref<10112x128xf32, #tpu.memory_space<vmem_shared>>
        tpu.wait_indirect_dma semaphore(%run_scoped3A_283 : memref<!tpu.dma_semaphore, #tpu.memory_space<semaphore_mem>>) src(%arg10 : memref<128x128xf32, #tpu.memory_space<vmem>>) dst(%dma_wait3A_295 : memref<10112x128xf32, #tpu.memory_space<vmem_shared>>)
        tpu.yield
      }) : () -> ()
      %dma_start3A_170 = arith.constant 9 : i32
      %dma_start3A_171 = arith.constant 0 : i32
      %dma_start3A_172 = tpu.memref_slice %arg7[%dma_start3A_170, %dma_start3A_171] : memref<16x128xi32, #tpu.memory_space<vmem>> -> memref<1x128xi32, #tpu.memory_space<vmem>>
      %dma_start3A_173 = tpu.memref_squeeze %dma_start3A_172 : memref<1x128xi32, #tpu.memory_space<vmem>> -> memref<128xi32, #tpu.memory_space<vmem>>
      %dma_start3A_174 = arith.constant 0 : i32
      %dma_start3A_175 = arith.constant 0 : i32
      %dma_start3A_176 = tpu.memref_slice %arg2[%dma_start3A_174, %dma_start3A_175] : memref<10000x128xf32, #tpu.memory_space<hbm>> -> memref<10000x128xf32, #tpu.memory_space<hbm>>
      tpu.enqueue_indirect_dma source(%dma_start3A_176 : memref<10000x128xf32, #tpu.memory_space<hbm>>) target(%arg10 : memref<128x128xf32, #tpu.memory_space<vmem>>) offsets(%dma_start3A_173 : memref<128xi32, #tpu.memory_space<vmem>>) semaphore(%arg13 : memref<!tpu.dma_semaphore, #tpu.memory_space<semaphore_mem>>)
      %dma_wait3A_177 = arith.constant 8 : i32
      %dma_wait3A_178 = arith.constant 0 : i32
      %dma_wait3A_179 = tpu.memref_slice %arg7[%dma_wait3A_177, %dma_wait3A_178] : memref<16x128xi32, #tpu.memory_space<vmem>> -> memref<1x128xi32, #tpu.memory_space<vmem>>
      %dma_wait3A_180 = tpu.memref_squeeze %dma_wait3A_179 : memref<1x128xi32, #tpu.memory_space<vmem>> -> memref<128xi32, #tpu.memory_space<vmem>>
      %dma_wait3A_181 = arith.constant 0 : i32
      %dma_wait3A_182 = arith.constant 0 : i32
      %dma_wait3A_183 = tpu.memref_slice %arg2[%dma_wait3A_181, %dma_wait3A_182] : memref<10000x128xf32, #tpu.memory_space<hbm>> -> memref<10000x128xf32, #tpu.memory_space<hbm>>
      tpu.wait_indirect_dma semaphore(%arg12 : memref<!tpu.dma_semaphore, #tpu.memory_space<semaphore_mem>>) src(%dma_wait3A_183 : memref<10000x128xf32, #tpu.memory_space<hbm>>) dst(%arg9 : memref<128x128xf32, #tpu.memory_space<vmem>>)
      %run_scoped3A_184 = arith.constant 8 : i32
      "tpu.region"() ({
        %run_scoped3A_283 = tpu.sem_alloc : memref<!tpu.dma_semaphore, #tpu.memory_space<semaphore_mem>>
        %dma_start3A_284 = arith.constant 0 : i32
        %dma_start3A_285 = tpu.memref_slice %arg8[%run_scoped3A_184, %dma_start3A_284] : memref<16x128xi32, #tpu.memory_space<vmem>> -> memref<1x128xi32, #tpu.memory_space<vmem>>
        %dma_start3A_286 = tpu.memref_squeeze %dma_start3A_285 : memref<1x128xi32, #tpu.memory_space<vmem>> -> memref<128xi32, #tpu.memory_space<vmem>>
        %dma_start3A_287 = arith.constant 0 : i32
        %dma_start3A_288 = arith.constant 0 : i32
        %dma_start3A_289 = tpu.memref_slice %arg11[%dma_start3A_287, %dma_start3A_288] : memref<10112x128xf32, #tpu.memory_space<vmem_shared>> -> memref<10112x128xf32, #tpu.memory_space<vmem_shared>>
        tpu.enqueue_indirect_dma source(%arg9 : memref<128x128xf32, #tpu.memory_space<vmem>>) target(%dma_start3A_289 : memref<10112x128xf32, #tpu.memory_space<vmem_shared>>) offsets(%dma_start3A_286 : memref<128xi32, #tpu.memory_space<vmem>>) semaphore(%run_scoped3A_283 : memref<!tpu.dma_semaphore, #tpu.memory_space<semaphore_mem>>) {add = true}
        %dma_wait3A_290 = arith.constant 0 : i32
        %dma_wait3A_291 = tpu.memref_slice %arg8[%run_scoped3A_184, %dma_wait3A_290] : memref<16x128xi32, #tpu.memory_space<vmem>> -> memref<1x128xi32, #tpu.memory_space<vmem>>
        %dma_wait3A_292 = tpu.memref_squeeze %dma_wait3A_291 : memref<1x128xi32, #tpu.memory_space<vmem>> -> memref<128xi32, #tpu.memory_space<vmem>>
        %dma_wait3A_293 = arith.constant 0 : i32
        %dma_wait3A_294 = arith.constant 0 : i32
        %dma_wait3A_295 = tpu.memref_slice %arg11[%dma_wait3A_293, %dma_wait3A_294] : memref<10112x128xf32, #tpu.memory_space<vmem_shared>> -> memref<10112x128xf32, #tpu.memory_space<vmem_shared>>
        tpu.wait_indirect_dma semaphore(%run_scoped3A_283 : memref<!tpu.dma_semaphore, #tpu.memory_space<semaphore_mem>>) src(%arg9 : memref<128x128xf32, #tpu.memory_space<vmem>>) dst(%dma_wait3A_295 : memref<10112x128xf32, #tpu.memory_space<vmem_shared>>)
        tpu.yield
      }) : () -> ()
      %dma_start3A_185 = arith.constant 10 : i32
      %dma_start3A_186 = arith.constant 0 : i32
      %dma_start3A_187 = tpu.memref_slice %arg7[%dma_start3A_185, %dma_start3A_186] : memref<16x128xi32, #tpu.memory_space<vmem>> -> memref<1x128xi32, #tpu.memory_space<vmem>>
      %dma_start3A_188 = tpu.memref_squeeze %dma_start3A_187 : memref<1x128xi32, #tpu.memory_space<vmem>> -> memref<128xi32, #tpu.memory_space<vmem>>
      %dma_start3A_189 = arith.constant 0 : i32
      %dma_start3A_190 = arith.constant 0 : i32
      %dma_start3A_191 = tpu.memref_slice %arg2[%dma_start3A_189, %dma_start3A_190] : memref<10000x128xf32, #tpu.memory_space<hbm>> -> memref<10000x128xf32, #tpu.memory_space<hbm>>
      tpu.enqueue_indirect_dma source(%dma_start3A_191 : memref<10000x128xf32, #tpu.memory_space<hbm>>) target(%arg9 : memref<128x128xf32, #tpu.memory_space<vmem>>) offsets(%dma_start3A_188 : memref<128xi32, #tpu.memory_space<vmem>>) semaphore(%arg12 : memref<!tpu.dma_semaphore, #tpu.memory_space<semaphore_mem>>)
      %dma_wait3A_192 = arith.constant 9 : i32
      %dma_wait3A_193 = arith.constant 0 : i32
      %dma_wait3A_194 = tpu.memref_slice %arg7[%dma_wait3A_192, %dma_wait3A_193] : memref<16x128xi32, #tpu.memory_space<vmem>> -> memref<1x128xi32, #tpu.memory_space<vmem>>
      %dma_wait3A_195 = tpu.memref_squeeze %dma_wait3A_194 : memref<1x128xi32, #tpu.memory_space<vmem>> -> memref<128xi32, #tpu.memory_space<vmem>>
      %dma_wait3A_196 = arith.constant 0 : i32
      %dma_wait3A_197 = arith.constant 0 : i32
      %dma_wait3A_198 = tpu.memref_slice %arg2[%dma_wait3A_196, %dma_wait3A_197] : memref<10000x128xf32, #tpu.memory_space<hbm>> -> memref<10000x128xf32, #tpu.memory_space<hbm>>
      tpu.wait_indirect_dma semaphore(%arg13 : memref<!tpu.dma_semaphore, #tpu.memory_space<semaphore_mem>>) src(%dma_wait3A_198 : memref<10000x128xf32, #tpu.memory_space<hbm>>) dst(%arg10 : memref<128x128xf32, #tpu.memory_space<vmem>>)
      %run_scoped3A_199 = arith.constant 9 : i32
      "tpu.region"() ({
        %run_scoped3A_283 = tpu.sem_alloc : memref<!tpu.dma_semaphore, #tpu.memory_space<semaphore_mem>>
        %dma_start3A_284 = arith.constant 0 : i32
        %dma_start3A_285 = tpu.memref_slice %arg8[%run_scoped3A_199, %dma_start3A_284] : memref<16x128xi32, #tpu.memory_space<vmem>> -> memref<1x128xi32, #tpu.memory_space<vmem>>
        %dma_start3A_286 = tpu.memref_squeeze %dma_start3A_285 : memref<1x128xi32, #tpu.memory_space<vmem>> -> memref<128xi32, #tpu.memory_space<vmem>>
        %dma_start3A_287 = arith.constant 0 : i32
        %dma_start3A_288 = arith.constant 0 : i32
        %dma_start3A_289 = tpu.memref_slice %arg11[%dma_start3A_287, %dma_start3A_288] : memref<10112x128xf32, #tpu.memory_space<vmem_shared>> -> memref<10112x128xf32, #tpu.memory_space<vmem_shared>>
        tpu.enqueue_indirect_dma source(%arg10 : memref<128x128xf32, #tpu.memory_space<vmem>>) target(%dma_start3A_289 : memref<10112x128xf32, #tpu.memory_space<vmem_shared>>) offsets(%dma_start3A_286 : memref<128xi32, #tpu.memory_space<vmem>>) semaphore(%run_scoped3A_283 : memref<!tpu.dma_semaphore, #tpu.memory_space<semaphore_mem>>) {add = true}
        %dma_wait3A_290 = arith.constant 0 : i32
        %dma_wait3A_291 = tpu.memref_slice %arg8[%run_scoped3A_199, %dma_wait3A_290] : memref<16x128xi32, #tpu.memory_space<vmem>> -> memref<1x128xi32, #tpu.memory_space<vmem>>
        %dma_wait3A_292 = tpu.memref_squeeze %dma_wait3A_291 : memref<1x128xi32, #tpu.memory_space<vmem>> -> memref<128xi32, #tpu.memory_space<vmem>>
        %dma_wait3A_293 = arith.constant 0 : i32
        %dma_wait3A_294 = arith.constant 0 : i32
        %dma_wait3A_295 = tpu.memref_slice %arg11[%dma_wait3A_293, %dma_wait3A_294] : memref<10112x128xf32, #tpu.memory_space<vmem_shared>> -> memref<10112x128xf32, #tpu.memory_space<vmem_shared>>
        tpu.wait_indirect_dma semaphore(%run_scoped3A_283 : memref<!tpu.dma_semaphore, #tpu.memory_space<semaphore_mem>>) src(%arg10 : memref<128x128xf32, #tpu.memory_space<vmem>>) dst(%dma_wait3A_295 : memref<10112x128xf32, #tpu.memory_space<vmem_shared>>)
        tpu.yield
      }) : () -> ()
      %dma_start3A_200 = arith.constant 11 : i32
      %dma_start3A_201 = arith.constant 0 : i32
      %dma_start3A_202 = tpu.memref_slice %arg7[%dma_start3A_200, %dma_start3A_201] : memref<16x128xi32, #tpu.memory_space<vmem>> -> memref<1x128xi32, #tpu.memory_space<vmem>>
      %dma_start3A_203 = tpu.memref_squeeze %dma_start3A_202 : memref<1x128xi32, #tpu.memory_space<vmem>> -> memref<128xi32, #tpu.memory_space<vmem>>
      %dma_start3A_204 = arith.constant 0 : i32
      %dma_start3A_205 = arith.constant 0 : i32
      %dma_start3A_206 = tpu.memref_slice %arg2[%dma_start3A_204, %dma_start3A_205] : memref<10000x128xf32, #tpu.memory_space<hbm>> -> memref<10000x128xf32, #tpu.memory_space<hbm>>
      tpu.enqueue_indirect_dma source(%dma_start3A_206 : memref<10000x128xf32, #tpu.memory_space<hbm>>) target(%arg10 : memref<128x128xf32, #tpu.memory_space<vmem>>) offsets(%dma_start3A_203 : memref<128xi32, #tpu.memory_space<vmem>>) semaphore(%arg13 : memref<!tpu.dma_semaphore, #tpu.memory_space<semaphore_mem>>)
      %dma_wait3A_207 = arith.constant 10 : i32
      %dma_wait3A_208 = arith.constant 0 : i32
      %dma_wait3A_209 = tpu.memref_slice %arg7[%dma_wait3A_207, %dma_wait3A_208] : memref<16x128xi32, #tpu.memory_space<vmem>> -> memref<1x128xi32, #tpu.memory_space<vmem>>
      %dma_wait3A_210 = tpu.memref_squeeze %dma_wait3A_209 : memref<1x128xi32, #tpu.memory_space<vmem>> -> memref<128xi32, #tpu.memory_space<vmem>>
      %dma_wait3A_211 = arith.constant 0 : i32
      %dma_wait3A_212 = arith.constant 0 : i32
      %dma_wait3A_213 = tpu.memref_slice %arg2[%dma_wait3A_211, %dma_wait3A_212] : memref<10000x128xf32, #tpu.memory_space<hbm>> -> memref<10000x128xf32, #tpu.memory_space<hbm>>
      tpu.wait_indirect_dma semaphore(%arg12 : memref<!tpu.dma_semaphore, #tpu.memory_space<semaphore_mem>>) src(%dma_wait3A_213 : memref<10000x128xf32, #tpu.memory_space<hbm>>) dst(%arg9 : memref<128x128xf32, #tpu.memory_space<vmem>>)
      %run_scoped3A_214 = arith.constant 10 : i32
      "tpu.region"() ({
        %run_scoped3A_283 = tpu.sem_alloc : memref<!tpu.dma_semaphore, #tpu.memory_space<semaphore_mem>>
        %dma_start3A_284 = arith.constant 0 : i32
        %dma_start3A_285 = tpu.memref_slice %arg8[%run_scoped3A_214, %dma_start3A_284] : memref<16x128xi32, #tpu.memory_space<vmem>> -> memref<1x128xi32, #tpu.memory_space<vmem>>
        %dma_start3A_286 = tpu.memref_squeeze %dma_start3A_285 : memref<1x128xi32, #tpu.memory_space<vmem>> -> memref<128xi32, #tpu.memory_space<vmem>>
        %dma_start3A_287 = arith.constant 0 : i32
        %dma_start3A_288 = arith.constant 0 : i32
        %dma_start3A_289 = tpu.memref_slice %arg11[%dma_start3A_287, %dma_start3A_288] : memref<10112x128xf32, #tpu.memory_space<vmem_shared>> -> memref<10112x128xf32, #tpu.memory_space<vmem_shared>>
        tpu.enqueue_indirect_dma source(%arg9 : memref<128x128xf32, #tpu.memory_space<vmem>>) target(%dma_start3A_289 : memref<10112x128xf32, #tpu.memory_space<vmem_shared>>) offsets(%dma_start3A_286 : memref<128xi32, #tpu.memory_space<vmem>>) semaphore(%run_scoped3A_283 : memref<!tpu.dma_semaphore, #tpu.memory_space<semaphore_mem>>) {add = true}
        %dma_wait3A_290 = arith.constant 0 : i32
        %dma_wait3A_291 = tpu.memref_slice %arg8[%run_scoped3A_214, %dma_wait3A_290] : memref<16x128xi32, #tpu.memory_space<vmem>> -> memref<1x128xi32, #tpu.memory_space<vmem>>
        %dma_wait3A_292 = tpu.memref_squeeze %dma_wait3A_291 : memref<1x128xi32, #tpu.memory_space<vmem>> -> memref<128xi32, #tpu.memory_space<vmem>>
        %dma_wait3A_293 = arith.constant 0 : i32
        %dma_wait3A_294 = arith.constant 0 : i32
        %dma_wait3A_295 = tpu.memref_slice %arg11[%dma_wait3A_293, %dma_wait3A_294] : memref<10112x128xf32, #tpu.memory_space<vmem_shared>> -> memref<10112x128xf32, #tpu.memory_space<vmem_shared>>
        tpu.wait_indirect_dma semaphore(%run_scoped3A_283 : memref<!tpu.dma_semaphore, #tpu.memory_space<semaphore_mem>>) src(%arg9 : memref<128x128xf32, #tpu.memory_space<vmem>>) dst(%dma_wait3A_295 : memref<10112x128xf32, #tpu.memory_space<vmem_shared>>)
        tpu.yield
      }) : () -> ()
      %dma_start3A_215 = arith.constant 12 : i32
      %dma_start3A_216 = arith.constant 0 : i32
      %dma_start3A_217 = tpu.memref_slice %arg7[%dma_start3A_215, %dma_start3A_216] : memref<16x128xi32, #tpu.memory_space<vmem>> -> memref<1x128xi32, #tpu.memory_space<vmem>>
      %dma_start3A_218 = tpu.memref_squeeze %dma_start3A_217 : memref<1x128xi32, #tpu.memory_space<vmem>> -> memref<128xi32, #tpu.memory_space<vmem>>
      %dma_start3A_219 = arith.constant 0 : i32
      %dma_start3A_220 = arith.constant 0 : i32
      %dma_start3A_221 = tpu.memref_slice %arg2[%dma_start3A_219, %dma_start3A_220] : memref<10000x128xf32, #tpu.memory_space<hbm>> -> memref<10000x128xf32, #tpu.memory_space<hbm>>
      tpu.enqueue_indirect_dma source(%dma_start3A_221 : memref<10000x128xf32, #tpu.memory_space<hbm>>) target(%arg9 : memref<128x128xf32, #tpu.memory_space<vmem>>) offsets(%dma_start3A_218 : memref<128xi32, #tpu.memory_space<vmem>>) semaphore(%arg12 : memref<!tpu.dma_semaphore, #tpu.memory_space<semaphore_mem>>)
      %dma_wait3A_222 = arith.constant 11 : i32
      %dma_wait3A_223 = arith.constant 0 : i32
      %dma_wait3A_224 = tpu.memref_slice %arg7[%dma_wait3A_222, %dma_wait3A_223] : memref<16x128xi32, #tpu.memory_space<vmem>> -> memref<1x128xi32, #tpu.memory_space<vmem>>
      %dma_wait3A_225 = tpu.memref_squeeze %dma_wait3A_224 : memref<1x128xi32, #tpu.memory_space<vmem>> -> memref<128xi32, #tpu.memory_space<vmem>>
      %dma_wait3A_226 = arith.constant 0 : i32
      %dma_wait3A_227 = arith.constant 0 : i32
      %dma_wait3A_228 = tpu.memref_slice %arg2[%dma_wait3A_226, %dma_wait3A_227] : memref<10000x128xf32, #tpu.memory_space<hbm>> -> memref<10000x128xf32, #tpu.memory_space<hbm>>
      tpu.wait_indirect_dma semaphore(%arg13 : memref<!tpu.dma_semaphore, #tpu.memory_space<semaphore_mem>>) src(%dma_wait3A_228 : memref<10000x128xf32, #tpu.memory_space<hbm>>) dst(%arg10 : memref<128x128xf32, #tpu.memory_space<vmem>>)
      %run_scoped3A_229 = arith.constant 11 : i32
      "tpu.region"() ({
        %run_scoped3A_283 = tpu.sem_alloc : memref<!tpu.dma_semaphore, #tpu.memory_space<semaphore_mem>>
        %dma_start3A_284 = arith.constant 0 : i32
        %dma_start3A_285 = tpu.memref_slice %arg8[%run_scoped3A_229, %dma_start3A_284] : memref<16x128xi32, #tpu.memory_space<vmem>> -> memref<1x128xi32, #tpu.memory_space<vmem>>
        %dma_start3A_286 = tpu.memref_squeeze %dma_start3A_285 : memref<1x128xi32, #tpu.memory_space<vmem>> -> memref<128xi32, #tpu.memory_space<vmem>>
        %dma_start3A_287 = arith.constant 0 : i32
        %dma_start3A_288 = arith.constant 0 : i32
        %dma_start3A_289 = tpu.memref_slice %arg11[%dma_start3A_287, %dma_start3A_288] : memref<10112x128xf32, #tpu.memory_space<vmem_shared>> -> memref<10112x128xf32, #tpu.memory_space<vmem_shared>>
        tpu.enqueue_indirect_dma source(%arg10 : memref<128x128xf32, #tpu.memory_space<vmem>>) target(%dma_start3A_289 : memref<10112x128xf32, #tpu.memory_space<vmem_shared>>) offsets(%dma_start3A_286 : memref<128xi32, #tpu.memory_space<vmem>>) semaphore(%run_scoped3A_283 : memref<!tpu.dma_semaphore, #tpu.memory_space<semaphore_mem>>) {add = true}
        %dma_wait3A_290 = arith.constant 0 : i32
        %dma_wait3A_291 = tpu.memref_slice %arg8[%run_scoped3A_229, %dma_wait3A_290] : memref<16x128xi32, #tpu.memory_space<vmem>> -> memref<1x128xi32, #tpu.memory_space<vmem>>
        %dma_wait3A_292 = tpu.memref_squeeze %dma_wait3A_291 : memref<1x128xi32, #tpu.memory_space<vmem>> -> memref<128xi32, #tpu.memory_space<vmem>>
        %dma_wait3A_293 = arith.constant 0 : i32
        %dma_wait3A_294 = arith.constant 0 : i32
        %dma_wait3A_295 = tpu.memref_slice %arg11[%dma_wait3A_293, %dma_wait3A_294] : memref<10112x128xf32, #tpu.memory_space<vmem_shared>> -> memref<10112x128xf32, #tpu.memory_space<vmem_shared>>
        tpu.wait_indirect_dma semaphore(%run_scoped3A_283 : memref<!tpu.dma_semaphore, #tpu.memory_space<semaphore_mem>>) src(%arg10 : memref<128x128xf32, #tpu.memory_space<vmem>>) dst(%dma_wait3A_295 : memref<10112x128xf32, #tpu.memory_space<vmem_shared>>)
        tpu.yield
      }) : () -> ()
      %dma_start3A_230 = arith.constant 13 : i32
      %dma_start3A_231 = arith.constant 0 : i32
      %dma_start3A_232 = tpu.memref_slice %arg7[%dma_start3A_230, %dma_start3A_231] : memref<16x128xi32, #tpu.memory_space<vmem>> -> memref<1x128xi32, #tpu.memory_space<vmem>>
      %dma_start3A_233 = tpu.memref_squeeze %dma_start3A_232 : memref<1x128xi32, #tpu.memory_space<vmem>> -> memref<128xi32, #tpu.memory_space<vmem>>
      %dma_start3A_234 = arith.constant 0 : i32
      %dma_start3A_235 = arith.constant 0 : i32
      %dma_start3A_236 = tpu.memref_slice %arg2[%dma_start3A_234, %dma_start3A_235] : memref<10000x128xf32, #tpu.memory_space<hbm>> -> memref<10000x128xf32, #tpu.memory_space<hbm>>
      tpu.enqueue_indirect_dma source(%dma_start3A_236 : memref<10000x128xf32, #tpu.memory_space<hbm>>) target(%arg10 : memref<128x128xf32, #tpu.memory_space<vmem>>) offsets(%dma_start3A_233 : memref<128xi32, #tpu.memory_space<vmem>>) semaphore(%arg13 : memref<!tpu.dma_semaphore, #tpu.memory_space<semaphore_mem>>)
      %dma_wait3A_237 = arith.constant 12 : i32
      %dma_wait3A_238 = arith.constant 0 : i32
      %dma_wait3A_239 = tpu.memref_slice %arg7[%dma_wait3A_237, %dma_wait3A_238] : memref<16x128xi32, #tpu.memory_space<vmem>> -> memref<1x128xi32, #tpu.memory_space<vmem>>
      %dma_wait3A_240 = tpu.memref_squeeze %dma_wait3A_239 : memref<1x128xi32, #tpu.memory_space<vmem>> -> memref<128xi32, #tpu.memory_space<vmem>>
      %dma_wait3A_241 = arith.constant 0 : i32
      %dma_wait3A_242 = arith.constant 0 : i32
      %dma_wait3A_243 = tpu.memref_slice %arg2[%dma_wait3A_241, %dma_wait3A_242] : memref<10000x128xf32, #tpu.memory_space<hbm>> -> memref<10000x128xf32, #tpu.memory_space<hbm>>
      tpu.wait_indirect_dma semaphore(%arg12 : memref<!tpu.dma_semaphore, #tpu.memory_space<semaphore_mem>>) src(%dma_wait3A_243 : memref<10000x128xf32, #tpu.memory_space<hbm>>) dst(%arg9 : memref<128x128xf32, #tpu.memory_space<vmem>>)
      %run_scoped3A_244 = arith.constant 12 : i32
      "tpu.region"() ({
        %run_scoped3A_283 = tpu.sem_alloc : memref<!tpu.dma_semaphore, #tpu.memory_space<semaphore_mem>>
        %dma_start3A_284 = arith.constant 0 : i32
        %dma_start3A_285 = tpu.memref_slice %arg8[%run_scoped3A_244, %dma_start3A_284] : memref<16x128xi32, #tpu.memory_space<vmem>> -> memref<1x128xi32, #tpu.memory_space<vmem>>
        %dma_start3A_286 = tpu.memref_squeeze %dma_start3A_285 : memref<1x128xi32, #tpu.memory_space<vmem>> -> memref<128xi32, #tpu.memory_space<vmem>>
        %dma_start3A_287 = arith.constant 0 : i32
        %dma_start3A_288 = arith.constant 0 : i32
        %dma_start3A_289 = tpu.memref_slice %arg11[%dma_start3A_287, %dma_start3A_288] : memref<10112x128xf32, #tpu.memory_space<vmem_shared>> -> memref<10112x128xf32, #tpu.memory_space<vmem_shared>>
        tpu.enqueue_indirect_dma source(%arg9 : memref<128x128xf32, #tpu.memory_space<vmem>>) target(%dma_start3A_289 : memref<10112x128xf32, #tpu.memory_space<vmem_shared>>) offsets(%dma_start3A_286 : memref<128xi32, #tpu.memory_space<vmem>>) semaphore(%run_scoped3A_283 : memref<!tpu.dma_semaphore, #tpu.memory_space<semaphore_mem>>) {add = true}
        %dma_wait3A_290 = arith.constant 0 : i32
        %dma_wait3A_291 = tpu.memref_slice %arg8[%run_scoped3A_244, %dma_wait3A_290] : memref<16x128xi32, #tpu.memory_space<vmem>> -> memref<1x128xi32, #tpu.memory_space<vmem>>
        %dma_wait3A_292 = tpu.memref_squeeze %dma_wait3A_291 : memref<1x128xi32, #tpu.memory_space<vmem>> -> memref<128xi32, #tpu.memory_space<vmem>>
        %dma_wait3A_293 = arith.constant 0 : i32
        %dma_wait3A_294 = arith.constant 0 : i32
        %dma_wait3A_295 = tpu.memref_slice %arg11[%dma_wait3A_293, %dma_wait3A_294] : memref<10112x128xf32, #tpu.memory_space<vmem_shared>> -> memref<10112x128xf32, #tpu.memory_space<vmem_shared>>
        tpu.wait_indirect_dma semaphore(%run_scoped3A_283 : memref<!tpu.dma_semaphore, #tpu.memory_space<semaphore_mem>>) src(%arg9 : memref<128x128xf32, #tpu.memory_space<vmem>>) dst(%dma_wait3A_295 : memref<10112x128xf32, #tpu.memory_space<vmem_shared>>)
        tpu.yield
      }) : () -> ()
      %dma_start3A_245 = arith.constant 14 : i32
      %dma_start3A_246 = arith.constant 0 : i32
      %dma_start3A_247 = tpu.memref_slice %arg7[%dma_start3A_245, %dma_start3A_246] : memref<16x128xi32, #tpu.memory_space<vmem>> -> memref<1x128xi32, #tpu.memory_space<vmem>>
      %dma_start3A_248 = tpu.memref_squeeze %dma_start3A_247 : memref<1x128xi32, #tpu.memory_space<vmem>> -> memref<128xi32, #tpu.memory_space<vmem>>
      %dma_start3A_249 = arith.constant 0 : i32
      %dma_start3A_250 = arith.constant 0 : i32
      %dma_start3A_251 = tpu.memref_slice %arg2[%dma_start3A_249, %dma_start3A_250] : memref<10000x128xf32, #tpu.memory_space<hbm>> -> memref<10000x128xf32, #tpu.memory_space<hbm>>
      tpu.enqueue_indirect_dma source(%dma_start3A_251 : memref<10000x128xf32, #tpu.memory_space<hbm>>) target(%arg9 : memref<128x128xf32, #tpu.memory_space<vmem>>) offsets(%dma_start3A_248 : memref<128xi32, #tpu.memory_space<vmem>>) semaphore(%arg12 : memref<!tpu.dma_semaphore, #tpu.memory_space<semaphore_mem>>)
      %dma_wait3A_252 = arith.constant 13 : i32
      %dma_wait3A_253 = arith.constant 0 : i32
      %dma_wait3A_254 = tpu.memref_slice %arg7[%dma_wait3A_252, %dma_wait3A_253] : memref<16x128xi32, #tpu.memory_space<vmem>> -> memref<1x128xi32, #tpu.memory_space<vmem>>
      %dma_wait3A_255 = tpu.memref_squeeze %dma_wait3A_254 : memref<1x128xi32, #tpu.memory_space<vmem>> -> memref<128xi32, #tpu.memory_space<vmem>>
      %dma_wait3A_256 = arith.constant 0 : i32
      %dma_wait3A_257 = arith.constant 0 : i32
      %dma_wait3A_258 = tpu.memref_slice %arg2[%dma_wait3A_256, %dma_wait3A_257] : memref<10000x128xf32, #tpu.memory_space<hbm>> -> memref<10000x128xf32, #tpu.memory_space<hbm>>
      tpu.wait_indirect_dma semaphore(%arg13 : memref<!tpu.dma_semaphore, #tpu.memory_space<semaphore_mem>>) src(%dma_wait3A_258 : memref<10000x128xf32, #tpu.memory_space<hbm>>) dst(%arg10 : memref<128x128xf32, #tpu.memory_space<vmem>>)
      %run_scoped3A_259 = arith.constant 13 : i32
      "tpu.region"() ({
        %run_scoped3A_283 = tpu.sem_alloc : memref<!tpu.dma_semaphore, #tpu.memory_space<semaphore_mem>>
        %dma_start3A_284 = arith.constant 0 : i32
        %dma_start3A_285 = tpu.memref_slice %arg8[%run_scoped3A_259, %dma_start3A_284] : memref<16x128xi32, #tpu.memory_space<vmem>> -> memref<1x128xi32, #tpu.memory_space<vmem>>
        %dma_start3A_286 = tpu.memref_squeeze %dma_start3A_285 : memref<1x128xi32, #tpu.memory_space<vmem>> -> memref<128xi32, #tpu.memory_space<vmem>>
        %dma_start3A_287 = arith.constant 0 : i32
        %dma_start3A_288 = arith.constant 0 : i32
        %dma_start3A_289 = tpu.memref_slice %arg11[%dma_start3A_287, %dma_start3A_288] : memref<10112x128xf32, #tpu.memory_space<vmem_shared>> -> memref<10112x128xf32, #tpu.memory_space<vmem_shared>>
        tpu.enqueue_indirect_dma source(%arg10 : memref<128x128xf32, #tpu.memory_space<vmem>>) target(%dma_start3A_289 : memref<10112x128xf32, #tpu.memory_space<vmem_shared>>) offsets(%dma_start3A_286 : memref<128xi32, #tpu.memory_space<vmem>>) semaphore(%run_scoped3A_283 : memref<!tpu.dma_semaphore, #tpu.memory_space<semaphore_mem>>) {add = true}
        %dma_wait3A_290 = arith.constant 0 : i32
        %dma_wait3A_291 = tpu.memref_slice %arg8[%run_scoped3A_259, %dma_wait3A_290] : memref<16x128xi32, #tpu.memory_space<vmem>> -> memref<1x128xi32, #tpu.memory_space<vmem>>
        %dma_wait3A_292 = tpu.memref_squeeze %dma_wait3A_291 : memref<1x128xi32, #tpu.memory_space<vmem>> -> memref<128xi32, #tpu.memory_space<vmem>>
        %dma_wait3A_293 = arith.constant 0 : i32
        %dma_wait3A_294 = arith.constant 0 : i32
        %dma_wait3A_295 = tpu.memref_slice %arg11[%dma_wait3A_293, %dma_wait3A_294] : memref<10112x128xf32, #tpu.memory_space<vmem_shared>> -> memref<10112x128xf32, #tpu.memory_space<vmem_shared>>
        tpu.wait_indirect_dma semaphore(%run_scoped3A_283 : memref<!tpu.dma_semaphore, #tpu.memory_space<semaphore_mem>>) src(%arg10 : memref<128x128xf32, #tpu.memory_space<vmem>>) dst(%dma_wait3A_295 : memref<10112x128xf32, #tpu.memory_space<vmem_shared>>)
        tpu.yield
      }) : () -> ()
      %dma_start3A_260 = arith.constant 15 : i32
      %dma_start3A_261 = arith.constant 0 : i32
      %dma_start3A_262 = tpu.memref_slice %arg7[%dma_start3A_260, %dma_start3A_261] : memref<16x128xi32, #tpu.memory_space<vmem>> -> memref<1x128xi32, #tpu.memory_space<vmem>>
      %dma_start3A_263 = tpu.memref_squeeze %dma_start3A_262 : memref<1x128xi32, #tpu.memory_space<vmem>> -> memref<128xi32, #tpu.memory_space<vmem>>
      %dma_start3A_264 = arith.constant 0 : i32
      %dma_start3A_265 = arith.constant 0 : i32
      %dma_start3A_266 = tpu.memref_slice %arg2[%dma_start3A_264, %dma_start3A_265] : memref<10000x128xf32, #tpu.memory_space<hbm>> -> memref<10000x128xf32, #tpu.memory_space<hbm>>
      tpu.enqueue_indirect_dma source(%dma_start3A_266 : memref<10000x128xf32, #tpu.memory_space<hbm>>) target(%arg10 : memref<128x128xf32, #tpu.memory_space<vmem>>) offsets(%dma_start3A_263 : memref<128xi32, #tpu.memory_space<vmem>>) semaphore(%arg13 : memref<!tpu.dma_semaphore, #tpu.memory_space<semaphore_mem>>)
      %dma_wait3A_267 = arith.constant 14 : i32
      %dma_wait3A_268 = arith.constant 0 : i32
      %dma_wait3A_269 = tpu.memref_slice %arg7[%dma_wait3A_267, %dma_wait3A_268] : memref<16x128xi32, #tpu.memory_space<vmem>> -> memref<1x128xi32, #tpu.memory_space<vmem>>
      %dma_wait3A_270 = tpu.memref_squeeze %dma_wait3A_269 : memref<1x128xi32, #tpu.memory_space<vmem>> -> memref<128xi32, #tpu.memory_space<vmem>>
      %dma_wait3A_271 = arith.constant 0 : i32
      %dma_wait3A_272 = arith.constant 0 : i32
      %dma_wait3A_273 = tpu.memref_slice %arg2[%dma_wait3A_271, %dma_wait3A_272] : memref<10000x128xf32, #tpu.memory_space<hbm>> -> memref<10000x128xf32, #tpu.memory_space<hbm>>
      tpu.wait_indirect_dma semaphore(%arg12 : memref<!tpu.dma_semaphore, #tpu.memory_space<semaphore_mem>>) src(%dma_wait3A_273 : memref<10000x128xf32, #tpu.memory_space<hbm>>) dst(%arg9 : memref<128x128xf32, #tpu.memory_space<vmem>>)
      %run_scoped3A_274 = arith.constant 14 : i32
      "tpu.region"() ({
        %run_scoped3A_283 = tpu.sem_alloc : memref<!tpu.dma_semaphore, #tpu.memory_space<semaphore_mem>>
        %dma_start3A_284 = arith.constant 0 : i32
        %dma_start3A_285 = tpu.memref_slice %arg8[%run_scoped3A_274, %dma_start3A_284] : memref<16x128xi32, #tpu.memory_space<vmem>> -> memref<1x128xi32, #tpu.memory_space<vmem>>
        %dma_start3A_286 = tpu.memref_squeeze %dma_start3A_285 : memref<1x128xi32, #tpu.memory_space<vmem>> -> memref<128xi32, #tpu.memory_space<vmem>>
        %dma_start3A_287 = arith.constant 0 : i32
        %dma_start3A_288 = arith.constant 0 : i32
        %dma_start3A_289 = tpu.memref_slice %arg11[%dma_start3A_287, %dma_start3A_288] : memref<10112x128xf32, #tpu.memory_space<vmem_shared>> -> memref<10112x128xf32, #tpu.memory_space<vmem_shared>>
        tpu.enqueue_indirect_dma source(%arg9 : memref<128x128xf32, #tpu.memory_space<vmem>>) target(%dma_start3A_289 : memref<10112x128xf32, #tpu.memory_space<vmem_shared>>) offsets(%dma_start3A_286 : memref<128xi32, #tpu.memory_space<vmem>>) semaphore(%run_scoped3A_283 : memref<!tpu.dma_semaphore, #tpu.memory_space<semaphore_mem>>) {add = true}
        %dma_wait3A_290 = arith.constant 0 : i32
        %dma_wait3A_291 = tpu.memref_slice %arg8[%run_scoped3A_274, %dma_wait3A_290] : memref<16x128xi32, #tpu.memory_space<vmem>> -> memref<1x128xi32, #tpu.memory_space<vmem>>
        %dma_wait3A_292 = tpu.memref_squeeze %dma_wait3A_291 : memref<1x128xi32, #tpu.memory_space<vmem>> -> memref<128xi32, #tpu.memory_space<vmem>>
        %dma_wait3A_293 = arith.constant 0 : i32
        %dma_wait3A_294 = arith.constant 0 : i32
        %dma_wait3A_295 = tpu.memref_slice %arg11[%dma_wait3A_293, %dma_wait3A_294] : memref<10112x128xf32, #tpu.memory_space<vmem_shared>> -> memref<10112x128xf32, #tpu.memory_space<vmem_shared>>
        tpu.wait_indirect_dma semaphore(%run_scoped3A_283 : memref<!tpu.dma_semaphore, #tpu.memory_space<semaphore_mem>>) src(%arg9 : memref<128x128xf32, #tpu.memory_space<vmem>>) dst(%dma_wait3A_295 : memref<10112x128xf32, #tpu.memory_space<vmem_shared>>)
        tpu.yield
      }) : () -> ()
      %dma_wait3A_275 = arith.constant 15 : i32
      %dma_wait3A_276 = arith.constant 0 : i32
      %dma_wait3A_277 = tpu.memref_slice %arg7[%dma_wait3A_275, %dma_wait3A_276] : memref<16x128xi32, #tpu.memory_space<vmem>> -> memref<1x128xi32, #tpu.memory_space<vmem>>
      %dma_wait3A_278 = tpu.memref_squeeze %dma_wait3A_277 : memref<1x128xi32, #tpu.memory_space<vmem>> -> memref<128xi32, #tpu.memory_space<vmem>>
      %dma_wait3A_279 = arith.constant 0 : i32
      %dma_wait3A_280 = arith.constant 0 : i32
      %dma_wait3A_281 = tpu.memref_slice %arg2[%dma_wait3A_279, %dma_wait3A_280] : memref<10000x128xf32, #tpu.memory_space<hbm>> -> memref<10000x128xf32, #tpu.memory_space<hbm>>
      tpu.wait_indirect_dma semaphore(%arg13 : memref<!tpu.dma_semaphore, #tpu.memory_space<semaphore_mem>>) src(%dma_wait3A_281 : memref<10000x128xf32, #tpu.memory_space<hbm>>) dst(%arg10 : memref<128x128xf32, #tpu.memory_space<vmem>>)
      %run_scoped3A_282 = arith.constant 15 : i32
      "tpu.region"() ({
        %run_scoped3A_283 = tpu.sem_alloc : memref<!tpu.dma_semaphore, #tpu.memory_space<semaphore_mem>>
        %dma_start3A_284 = arith.constant 0 : i32
        %dma_start3A_285 = tpu.memref_slice %arg8[%run_scoped3A_282, %dma_start3A_284] : memref<16x128xi32, #tpu.memory_space<vmem>> -> memref<1x128xi32, #tpu.memory_space<vmem>>
        %dma_start3A_286 = tpu.memref_squeeze %dma_start3A_285 : memref<1x128xi32, #tpu.memory_space<vmem>> -> memref<128xi32, #tpu.memory_space<vmem>>
        %dma_start3A_287 = arith.constant 0 : i32
        %dma_start3A_288 = arith.constant 0 : i32
        %dma_start3A_289 = tpu.memref_slice %arg11[%dma_start3A_287, %dma_start3A_288] : memref<10112x128xf32, #tpu.memory_space<vmem_shared>> -> memref<10112x128xf32, #tpu.memory_space<vmem_shared>>
        tpu.enqueue_indirect_dma source(%arg10 : memref<128x128xf32, #tpu.memory_space<vmem>>) target(%dma_start3A_289 : memref<10112x128xf32, #tpu.memory_space<vmem_shared>>) offsets(%dma_start3A_286 : memref<128xi32, #tpu.memory_space<vmem>>) semaphore(%run_scoped3A_283 : memref<!tpu.dma_semaphore, #tpu.memory_space<semaphore_mem>>) {add = true}
        %dma_wait3A_290 = arith.constant 0 : i32
        %dma_wait3A_291 = tpu.memref_slice %arg8[%run_scoped3A_282, %dma_wait3A_290] : memref<16x128xi32, #tpu.memory_space<vmem>> -> memref<1x128xi32, #tpu.memory_space<vmem>>
        %dma_wait3A_292 = tpu.memref_squeeze %dma_wait3A_291 : memref<1x128xi32, #tpu.memory_space<vmem>> -> memref<128xi32, #tpu.memory_space<vmem>>
        %dma_wait3A_293 = arith.constant 0 : i32
        %dma_wait3A_294 = arith.constant 0 : i32
        %dma_wait3A_295 = tpu.memref_slice %arg11[%dma_wait3A_293, %dma_wait3A_294] : memref<10112x128xf32, #tpu.memory_space<vmem_shared>> -> memref<10112x128xf32, #tpu.memory_space<vmem_shared>>
        tpu.wait_indirect_dma semaphore(%run_scoped3A_283 : memref<!tpu.dma_semaphore, #tpu.memory_space<semaphore_mem>>) src(%arg10 : memref<128x128xf32, #tpu.memory_space<vmem>>) dst(%dma_wait3A_295 : memref<10112x128xf32, #tpu.memory_space<vmem_shared>>)
        tpu.yield
      }) : () -> ()
    }
    %barrier3A_41 = arith.constant 0 : index
    tpu.barrier barrier_id(%barrier3A_41)
    "tpu.region"() ({
      %run_scoped3A = tpu.sem_alloc : memref<!tpu.dma_semaphore, #tpu.memory_space<semaphore_mem>>
      %dma_start3A = arith.constant 0 : i32
      %dma_start3A_42 = tpu.memref_slice %arg6[%arg0, %mul3A_2, %dma_start3A] : memref<2x10112x128xf32, #tpu.memory_space<hbm>> -> memref<1x632x128xf32, #tpu.memory_space<hbm>>
      %dma_start3A_43 = tpu.memref_squeeze %dma_start3A_42 : memref<1x632x128xf32, #tpu.memory_space<hbm>> -> memref<632x128xf32, #tpu.memory_space<hbm>>
      %dma_start3A_44 = arith.constant 0 : i32
      %dma_start3A_45 = tpu.memref_slice %arg11[%mul3A_2, %dma_start3A_44] : memref<10112x128xf32, #tpu.memory_space<vmem_shared>> -> memref<632x128xf32, #tpu.memory_space<vmem_shared>>
      tpu.enqueue_dma source(%dma_start3A_45 : memref<632x128xf32, #tpu.memory_space<vmem_shared>>) target(%dma_start3A_43 : memref<632x128xf32, #tpu.memory_space<hbm>>) target_semaphore(%run_scoped3A : memref<!tpu.dma_semaphore, #tpu.memory_space<semaphore_mem>>)
      %dma_wait3A = arith.constant 0 : i32
      %dma_wait3A_46 = tpu.memref_slice %arg6[%arg0, %mul3A_2, %dma_wait3A] : memref<2x10112x128xf32, #tpu.memory_space<hbm>> -> memref<1x632x128xf32, #tpu.memory_space<hbm>>
      %dma_wait3A_47 = tpu.memref_squeeze %dma_wait3A_46 : memref<1x632x128xf32, #tpu.memory_space<hbm>> -> memref<632x128xf32, #tpu.memory_space<hbm>>
      %dma_wait3A_48 = arith.constant 0 : i32
      %dma_wait3A_49 = tpu.memref_slice %arg11[%mul3A_2, %dma_wait3A_48] : memref<10112x128xf32, #tpu.memory_space<vmem_shared>> -> memref<632x128xf32, #tpu.memory_space<vmem_shared>>
      tpu.wait_dma2 semaphore(%run_scoped3A : memref<!tpu.dma_semaphore, #tpu.memory_space<semaphore_mem>>) src(%dma_wait3A_49 : memref<632x128xf32, #tpu.memory_space<vmem_shared>>) dst(%dma_wait3A_47 : memref<632x128xf32, #tpu.memory_space<hbm>>)
      tpu.yield
    }) : () -> ()
    return
  }
}

module attributes {stable_mosaic.version = 14 : i64} {
  func.func @_tc_mm(%arg0: memref<10000x128xf32, #tpu.memory_space<vmem>>, %arg1: memref<128x128xf32, #tpu.memory_space<vmem>>, %arg2: memref<10000x128xf32, #tpu.memory_space<vmem>>) attributes {dimension_semantics = [], scalar_prefetch = 0 : i64, scratch_operands = 0 : i64, tpu.core_type = #tpu.core_type<tc>} {
    %get3A = arith.constant 0 : index
    %get3A_0 = arith.constant 0 : index
    %get3A_1 = vector.load %arg0[%get3A, %get3A_0] : memref<10000x128xf32, #tpu.memory_space<vmem>>, vector<10000x128xf32>
    %get3A_2 = arith.constant 0 : index
    %get3A_3 = arith.constant 0 : index
    %get3A_4 = vector.load %arg1[%get3A_2, %get3A_3] : memref<128x128xf32, #tpu.memory_space<vmem>>, vector<128x128xf32>
    %dot_general3A = arith.constant dense<0.000000e+00> : vector<10000x128xf32>
    %dot_general3A_5 = tpu.matmul %get3A_1, %get3A_4, %dot_general3A {dimension_numbers = #tpu.dot_dimension_numbers<[1], [0], [0], [1], [0, 0, 1, 1], [], []>, transpose_lhs_hint = false} : vector<10000x128xf32>, vector<128x128xf32>, vector<10000x128xf32> -> vector<10000x128xf32>
    %swap3A = arith.constant 0 : index
    %swap3A_6 = arith.constant 0 : index
    %swap3A_7 = vector.load %arg2[%swap3A, %swap3A_6] : memref<10000x128xf32, #tpu.memory_space<vmem>>, vector<10000x128xf32>
    tpu.vector_store %arg2[%swap3A, %swap3A_6], %dot_general3A_5 {strides = array<i32>} : memref<10000x128xf32, #tpu.memory_space<vmem>>, vector<10000x128xf32>,
    return
  }
}

module attributes {stable_mosaic.version = 14 : i64} {
  func.func @_tc_red(%arg0: memref<2x10112x128xf32, #tpu.memory_space<vmem>>, %arg1: memref<10000x128xf32, #tpu.memory_space<vmem>>, %arg2: memref<10000x1xf32, #tpu.memory_space<vmem>>, %arg3: memref<10000x128xf32, #tpu.memory_space<vmem>>) attributes {dimension_semantics = [], scalar_prefetch = 0 : i64, scratch_operands = 0 : i64, tpu.core_type = #tpu.core_type<tc>} {
    %get3A = arith.constant 0 : index
    %get3A_0 = arith.constant 0 : index
    %get3A_1 = arith.constant 0 : index
    %get3A_2 = vector.load %arg0[%get3A, %get3A_0, %get3A_1] : memref<2x10112x128xf32, #tpu.memory_space<vmem>>, vector<1x10000x1xf32>
    %get3A_3 = vector.shape_cast %get3A_2 : vector<1x10000x1xf32> to vector<10000x1xf32>
    %get3A_4 = arith.constant 1 : index
    %get3A_5 = arith.constant 0 : index
    %get3A_6 = arith.constant 0 : index
    %get3A_7 = vector.load %arg0[%get3A_4, %get3A_5, %get3A_6] : memref<2x10112x128xf32, #tpu.memory_space<vmem>>, vector<1x10000x1xf32>
    %get3A_8 = vector.shape_cast %get3A_7 : vector<1x10000x1xf32> to vector<10000x1xf32>
    %add3A = arith.addf %get3A_3, %get3A_8 : vector<10000x1xf32>
    %add3A_9 = arith.constant 1.000000e+00 : f32
    %add3A_10 = vector.broadcast %add3A_9 : f32 to vector<10000x1xf32>
    %add3A_11 = arith.addf %add3A, %add3A_10 : vector<10000x1xf32>
    %rsqrt3A = math.rsqrt %add3A_11 : vector<10000x1xf32>
    %swap3A = arith.constant 0 : index
    %swap3A_12 = arith.constant 0 : index
    %swap3A_13 = vector.load %arg2[%swap3A, %swap3A_12] : memref<10000x1xf32, #tpu.memory_space<vmem>>, vector<10000x1xf32>
    tpu.vector_store %arg2[%swap3A, %swap3A_12], %rsqrt3A {strides = array<i32>} : memref<10000x1xf32, #tpu.memory_space<vmem>>, vector<10000x1xf32>,
    %get3A_14 = arith.constant 0 : index
    %get3A_15 = arith.constant 0 : index
    %get3A_16 = vector.load %arg1[%get3A_14, %get3A_15] : memref<10000x128xf32, #tpu.memory_space<vmem>>, vector<10000x128xf32>
    %mul3A = vector.broadcast %rsqrt3A : vector<10000x1xf32> to vector<10000x128xf32>
    %mul3A_17 = arith.mulf %mul3A, %get3A_16 : vector<10000x128xf32>
    %swap3A_18 = arith.constant 0 : index
    %swap3A_19 = arith.constant 0 : index
    %swap3A_20 = vector.load %arg3[%swap3A_18, %swap3A_19] : memref<10000x128xf32, #tpu.memory_space<vmem>>, vector<10000x128xf32>
    tpu.vector_store %arg3[%swap3A_18, %swap3A_19], %mul3A_17 {strides = array<i32>} : memref<10000x128xf32, #tpu.memory_space<vmem>>, vector<10000x128xf32>,
    return
  }
}

module attributes {stable_mosaic.version = 14 : i64} {
  func.func @_tc_b(%arg0: memref<2x10112x128xf32, #tpu.memory_space<vmem>>, %arg1: memref<10000x128xf32, #tpu.memory_space<vmem>>, %arg2: memref<10000x1xf32, #tpu.memory_space<vmem>>, %arg3: memref<1x128xf32, #tpu.memory_space<vmem>>, %arg4: memref<128x128xf32, #tpu.memory_space<vmem>>, %arg5: memref<10000x128xf32, #tpu.memory_space<vmem>>) attributes {dimension_semantics = [], scalar_prefetch = 0 : i64, scratch_operands = 0 : i64, tpu.core_type = #tpu.core_type<tc>} {
    %get3A = arith.constant 0 : index
    %get3A_0 = arith.constant 0 : index
    %get3A_1 = arith.constant 0 : index
    %get3A_2 = vector.load %arg0[%get3A, %get3A_0, %get3A_1] : memref<2x10112x128xf32, #tpu.memory_space<vmem>>, vector<1x10000x128xf32>
    %get3A_3 = vector.shape_cast %get3A_2 : vector<1x10000x128xf32> to vector<10000x128xf32>
    %get3A_4 = arith.constant 1 : index
    %get3A_5 = arith.constant 0 : index
    %get3A_6 = arith.constant 0 : index
    %get3A_7 = vector.load %arg0[%get3A_4, %get3A_5, %get3A_6] : memref<2x10112x128xf32, #tpu.memory_space<vmem>>, vector<1x10000x128xf32>
    %get3A_8 = vector.shape_cast %get3A_7 : vector<1x10000x128xf32> to vector<10000x128xf32>
    %add3A = arith.addf %get3A_3, %get3A_8 : vector<10000x128xf32>
    %get3A_9 = arith.constant 0 : index
    %get3A_10 = arith.constant 0 : index
    %get3A_11 = vector.load %arg2[%get3A_9, %get3A_10] : memref<10000x1xf32, #tpu.memory_space<vmem>>, vector<10000x1xf32>
    %get3A_12 = arith.constant 0 : index
    %get3A_13 = arith.constant 0 : index
    %get3A_14 = vector.load %arg1[%get3A_12, %get3A_13] : memref<10000x128xf32, #tpu.memory_space<vmem>>, vector<10000x128xf32>
    %add3A_15 = arith.addf %add3A, %get3A_14 : vector<10000x128xf32>
    %mul3A = vector.broadcast %get3A_11 : vector<10000x1xf32> to vector<10000x128xf32>
    %mul3A_16 = arith.mulf %mul3A, %add3A_15 : vector<10000x128xf32>
    %get3A_17 = arith.constant 0 : index
    %get3A_18 = arith.constant 0 : index
    %get3A_19 = vector.load %arg3[%get3A_17, %get3A_18] : memref<1x128xf32, #tpu.memory_space<vmem>>, vector<1x128xf32>
    %add3A_20 = vector.broadcast %get3A_19 : vector<1x128xf32> to vector<10000x128xf32>
    %add3A_21 = arith.addf %mul3A_16, %add3A_20 : vector<10000x128xf32>
    %max3A = arith.constant 0.000000e+00 : f32
    %max3A_22 = vector.broadcast %max3A : f32 to vector<10000x128xf32>
    %max3A_23 = arith.maximumf %add3A_21, %max3A_22 : vector<10000x128xf32>
    %get3A_24 = arith.constant 0 : index
    %get3A_25 = arith.constant 0 : index
    %get3A_26 = vector.load %arg4[%get3A_24, %get3A_25] : memref<128x128xf32, #tpu.memory_space<vmem>>, vector<128x128xf32>
    %dot_general3A = arith.constant dense<0.000000e+00> : vector<10000x128xf32>
    %dot_general3A_27 = tpu.matmul %max3A_23, %get3A_26, %dot_general3A {dimension_numbers = #tpu.dot_dimension_numbers<[1], [0], [0], [1], [0, 0, 1, 1], [], []>, transpose_lhs_hint = false} : vector<10000x128xf32>, vector<128x128xf32>, vector<10000x128xf32> -> vector<10000x128xf32>
    %mul3A_28 = vector.broadcast %get3A_11 : vector<10000x1xf32> to vector<10000x128xf32>
    %mul3A_29 = arith.mulf %mul3A_28, %dot_general3A_27 : vector<10000x128xf32>
    %swap3A = arith.constant 0 : index
    %swap3A_30 = arith.constant 0 : index
    %swap3A_31 = vector.load %arg5[%swap3A, %swap3A_30] : memref<10000x128xf32, #tpu.memory_space<vmem>>, vector<10000x128xf32>
    tpu.vector_store %arg5[%swap3A, %swap3A_30], %mul3A_29 {strides = array<i32>} : memref<10000x128xf32, #tpu.memory_space<vmem>>, vector<10000x128xf32>,
    return
  }
}

module attributes {stable_mosaic.version = 14 : i64} {
  func.func @_tc_c(%arg0: memref<2x10112x128xf32, #tpu.memory_space<vmem>>, %arg1: memref<10000x128xf32, #tpu.memory_space<vmem>>, %arg2: memref<10000x1xf32, #tpu.memory_space<vmem>>, %arg3: memref<1x128xf32, #tpu.memory_space<vmem>>, %arg4: memref<10000x128xf32, #tpu.memory_space<vmem>>) attributes {dimension_semantics = [], scalar_prefetch = 0 : i64, scratch_operands = 0 : i64, tpu.core_type = #tpu.core_type<tc>} {
    %get3A = arith.constant 0 : index
    %get3A_0 = arith.constant 0 : index
    %get3A_1 = arith.constant 0 : index
    %get3A_2 = vector.load %arg0[%get3A, %get3A_0, %get3A_1] : memref<2x10112x128xf32, #tpu.memory_space<vmem>>, vector<1x10000x128xf32>
    %get3A_3 = vector.shape_cast %get3A_2 : vector<1x10000x128xf32> to vector<10000x128xf32>
    %get3A_4 = arith.constant 1 : index
    %get3A_5 = arith.constant 0 : index
    %get3A_6 = arith.constant 0 : index
    %get3A_7 = vector.load %arg0[%get3A_4, %get3A_5, %get3A_6] : memref<2x10112x128xf32, #tpu.memory_space<vmem>>, vector<1x10000x128xf32>
    %get3A_8 = vector.shape_cast %get3A_7 : vector<1x10000x128xf32> to vector<10000x128xf32>
    %add3A = arith.addf %get3A_3, %get3A_8 : vector<10000x128xf32>
    %get3A_9 = arith.constant 0 : index
    %get3A_10 = arith.constant 0 : index
    %get3A_11 = vector.load %arg2[%get3A_9, %get3A_10] : memref<10000x1xf32, #tpu.memory_space<vmem>>, vector<10000x1xf32>
    %get3A_12 = arith.constant 0 : index
    %get3A_13 = arith.constant 0 : index
    %get3A_14 = vector.load %arg1[%get3A_12, %get3A_13] : memref<10000x128xf32, #tpu.memory_space<vmem>>, vector<10000x128xf32>
    %add3A_15 = arith.addf %add3A, %get3A_14 : vector<10000x128xf32>
    %mul3A = vector.broadcast %get3A_11 : vector<10000x1xf32> to vector<10000x128xf32>
    %mul3A_16 = arith.mulf %mul3A, %add3A_15 : vector<10000x128xf32>
    %get3A_17 = arith.constant 0 : index
    %get3A_18 = arith.constant 0 : index
    %get3A_19 = vector.load %arg3[%get3A_17, %get3A_18] : memref<1x128xf32, #tpu.memory_space<vmem>>, vector<1x128xf32>
    %add3A_20 = vector.broadcast %get3A_19 : vector<1x128xf32> to vector<10000x128xf32>
    %add3A_21 = arith.addf %mul3A_16, %add3A_20 : vector<10000x128xf32>
    %swap3A = arith.constant 0 : index
    %swap3A_22 = arith.constant 0 : index
    %swap3A_23 = vector.load %arg4[%swap3A, %swap3A_22] : memref<10000x128xf32, #tpu.memory_space<vmem>>, vector<10000x128xf32>
    tpu.vector_store %arg4[%swap3A, %swap3A_22], %add3A_21 {strides = array<i32>} : memref<10000x128xf32, #tpu.memory_space<vmem>>, vector<10000x128xf32>,
    return
  }
}

</mosaic_0001>

<sc_bundles>
// kernel: kernel.12.cloned.1.call-start
scs
__scs_entry_jumppad:
0x0: {  	(pc) =	sbr.rel $0x88, $3  }
0x1: {  	(tag) =	ssettag $0x0;
	lr =	simm.s32 $0x1  }
0x2: {  	[smem:$0x3F9B] =	sst lr;
	_ =	strace $0xD0000000  }
0x3: {  	_ = 	snop  }
0x4: {  	_ = 	snop  }
0x5: {  	_ = 	snop  }
0x6: {  	_ = 	snop  }
0x7: {  	_ = 	snop  }
__scs_overlays_trampoline_lowered:
0x8: {  	[smem:$0x3FAA] =	sst s0  }
0x9: {  	[smem:$0x3FAB] =	sst s1  }
0xa: {  	[smem:$0x3FAC] =	sst s2  }
0xb: {  	[smem:$0x3FAD] =	sst s3  }
0xc: {  	[smem:$0x3FAE] =	sst s4  }
0xd: {  	[smem:$0x3FAF] =	sst s5  }
0xe: {  	[smem:$0x3FB0] =	sst s6  }
0xf: {  	[smem:$0x3FB1] =	sst s7  }
0x10: {  	[smem:$0x3FB2] =	sst s8  }
0x11: {  	[smem:$0x3FB3] =	sst s9;
	s0 =	simm.s32 @!p0 $0x0  }
0x12: {  	s1 =	sld [smem:$0x3F99];
	s0 =	simm.s32 @p0 $0x1  }
0x13: {  	[smem:$0x3FB4] =	sst s0;
	s0 =	simm.s32 @!p1 $0x0  }
0x14: {  	s2 =	sld [smem:$0x3F98];
	s0 =	simm.s32 @p1 $0x1  }
0x15: {  	[smem:$0x3FB5] =	sst s0;
	s0 =	simm.s32 @!p2 $0x0  }
0x16: {  	s3 =	sld [smem:$0x3FDB];
	s0 =	simm.s32 @p2 $0x1  }
0x17: {  	s4 =	simm.s32 $0x1BF5;
	[smem:$0x3FB7] =	sst s0  }
0x18: {  	s0 =	sld [smem:$0x3F9A];
	_ =	swait.ge [sflag:s4], $0x0  }
0x19: {  	s7 =	sld [smem:$0x3F9B]  }
0x1a: {  	s8 =	sadd.s32 $0xFFFFE003, lr  }
0x1b: {  	s9 =	sadd.s32 $0xFFFFFEF7, lr;
	s5 =	simm.s32 $0xFFFFFFFF;
	p2 =	slt.u32 s8, $0xFFFFF086  }
0x1c: {  	p1 =	slt.u32 s9, $0xF7A;
	s5 =	simm.s32 @!p2 $0x0  }
0x1d: {  	s5 =	simm.s32 @p1 $0x1;
	p0 =	seq.s32 s7, s2  }
0x1e: {  	s7 =	smul.u32 @!p0 $0xF7A, s2;
	p2 =	seq.s32 @!p0 s5, $0x0  }
0x1f: {  	s9 =	smul.u32 $0xF7A, s1;
	s8 =	simm.s32 @!p0 $0x1BF5;
	p2 =	por !p2, p0  }
0x20: {  	[sflag:s8] =	ssyncset.s32 @!p0 $0xFFFFF086;
	s6 =	sadd.s32 @!p0 s3, s7;
	s7 =	simm.s32 @!p0 $0x108  }
0x21: {  	s3 =	sadd.s32 s3, s9;
	s6 =	sadd.s32 @!p0 $0x88, s6;
	s7 =	simm.s32 @p2 $0x1082  }
0x22: {  	[simem:s7], [sflag:s8] =	dma.local @!p0 [hbm:s6], $0xF7A  }
0x23: {  	s9 =	sor.u32 $0xD0000000, s2;
	s6 =	simm.s32 $0x108;
	_ =	swait.ge @!p0 [sflag:s8], $0x0  }
0x24: {  	s3 =	sadd.s32 $0x88, s3;
	s6 =	simm.s32 @!p1 $0x1082;
	[sflag:s4] =	ssyncset.s32 $0xFFFFF086  }
0x25: {  	[simem:s6], [sflag:s4] =	dma.local [hbm:s3], $0xF7A  }
0x26: {  	[smem:$0x3F9B] =	sst s1;
	(tag) =	ssettag s2;
	_ =	strace s9  }
0x27: {  	s1 =	sld [smem:$0x3FAB]  }
0x28: {  	s2 =	sld [smem:$0x3FAC]  }
0x29: {  	s4 =	sld [smem:$0x3FAE]  }
0x2a: {  	p0 =	seq.s32 s5, $0x0;
	s5 =	sld [smem:$0x3FAF]  }
0x2b: {  	s6 =	sld [smem:$0x3FB0]  }
0x2c: {  	s7 =	sld [smem:$0x3FB1]  }
0x2d: {  	s3 =	simm.s32 $0x108;
	s8 =	sld [smem:$0x3FB2]  }
0x2e: {  	s3 =	simm.s32 @!p0 $0x1082;
	s9 =	sld [smem:$0x3FB3]  }
0x2f: {  	lr =	sadd.s32 s0, s3;
	s0 =	sld [smem:$0x3FAA]  }
0x30: {  	s3 =	sld [smem:$0x3FAD]  }
0x31: {  	[smem:$0x3FB6] =	sst s10  }
0x32: {  	s10 =	sld [smem:$0x3FB4];
	_ =	sdelay $0x3  }
0x33: {  	p0 =	seq.s32 s10, $0x1;
	s10 =	sld [smem:$0x3FB6];
	_ =	sdelay $0x3  }
0x34: {  	[smem:$0x3FB6] =	sst s10  }
0x35: {  	s10 =	sld [smem:$0x3FB5];
	_ =	sdelay $0x3  }
0x36: {  	p1 =	seq.s32 s10, $0x1;
	s10 =	sld [smem:$0x3FB6];
	_ =	sdelay $0x3  }
0x37: {  	[smem:$0x3FB6] =	sst s10  }
0x38: {  	s10 =	sld [smem:$0x3FB7]  }
0x39: {  	_ = 	snop;
	(pc) =	sbr.ind lr, $3  }
0x3a: {  	_ = 	snop  }
0x3b: {  	_ = 	snop  }
0x3c: {  	p2 =	seq.s32 s10, $0x1;
	s10 =	sld [smem:$0x3FB6]  }
0x3d: {  	_ =	shalt  }
0x3e: {  	_ =	shalt  }
0x3f: {  	_ =	shalt  }
0x40: {  	_ =	shalt  }
0x41: {  	_ =	shalt  }
0x42: {  	_ =	shalt  }
0x43: {  	_ =	shalt  }
0x44: {  	_ =	shalt  }
0x45: {  	_ =	shalt  }
0x46: {  	_ =	shalt  }
0x47: {  	_ =	shalt  }
0x48: {  	_ =	shalt  }
0x49: {  	_ =	shalt  }
0x4a: {  	_ =	shalt  }
0x4b: {  	_ =	shalt  }
0x4c: {  	_ =	shalt  }
0x4d: {  	_ =	shalt  }
0x4e: {  	_ =	shalt  }
0x4f: {  	_ =	shalt  }
0x50: {  	_ =	shalt  }
0x51: {  	_ =	shalt  }
0x52: {  	_ =	shalt  }
0x53: {  	_ =	shalt  }
0x54: {  	_ =	shalt  }
0x55: {  	_ =	shalt  }
0x56: {  	_ =	shalt  }
0x57: {  	_ =	shalt  }
0x58: {  	_ =	shalt  }
0x59: {  	_ =	shalt  }
0x5a: {  	_ =	shalt  }
0x5b: {  	_ =	shalt  }
0x5c: {  	_ =	shalt  }
0x5d: {  	_ =	shalt  }
0x5e: {  	_ =	shalt  }
0x5f: {  	_ =	shalt  }
0x60: {  	_ =	shalt  }
0x61: {  	_ =	shalt  }
0x62: {  	_ =	shalt  }
0x63: {  	_ =	shalt  }
0x64: {  	_ =	shalt  }
0x65: {  	_ =	shalt  }
0x66: {  	_ =	shalt  }
0x67: {  	_ =	shalt  }
0x68: {  	_ =	shalt  }
0x69: {  	_ =	shalt  }
0x6a: {  	_ =	shalt  }
0x6b: {  	_ =	shalt  }
0x6c: {  	_ =	shalt  }
0x6d: {  	_ =	shalt  }
0x6e: {  	_ =	shalt  }
0x6f: {  	_ =	shalt  }
0x70: {  	_ =	shalt  }
0x71: {  	_ =	shalt  }
0x72: {  	_ =	shalt  }
0x73: {  	_ =	shalt  }
0x74: {  	_ =	shalt  }
0x75: {  	_ =	shalt  }
0x76: {  	_ =	shalt  }
0x77: {  	_ =	shalt  }
0x78: {  	_ =	shalt  }
0x79: {  	_ =	shalt  }
0x7a: {  	_ =	shalt  }
0x7b: {  	_ =	shalt  }
0x7c: {  	_ =	shalt  }
0x7d: {  	_ =	shalt  }
0x7e: {  	_ =	shalt  }
0x7f: {  	_ =	shalt  }
0x80: {  	_ =	shalt  }
0x81: {  	_ =	shalt  }
0x82: {  	_ =	shalt  }
0x83: {  	_ =	shalt  }
0x84: {  	_ =	shalt  }
0x85: {  	_ =	shalt  }
0x86: {  	_ =	shalt  }
0x87: {  	_ =	shalt  }
.Lfunc_end0:
.L_simem_size_0:
called_computation.1_lowered:
.L_overlay_start_0:
0x88: {  	s2 =	sld [smem:$0x3FD9]  }
0x89: {  	s3 =	sld [smem:$0x3FFE];
	_ =	sdelay $0x1  }
0x8a: {  	s1 =	srdreg.scid  }
0x8b: {  	s0 =	sand.u32 $0x1, s1  }
0x8c: {  	s17 =	sshll.u32 s0, $0xA;
	s2 =	sadd.s32 s3, s2  }
0x8d: {  	s2 =	sadd.s32 s2, s17  }
0x8e: {  	[smem:$0x3FC2] =	sst s2  }
0x8f: {  	_ = 	snop  }
0x90: {  	s2 =	sld [smem:$0x3FD0];
	(tm) =	ssettm $0x1  }
0x91: {  	s18 =	sld [smem:$0x3FFB];
	_ =	sdelay $0x3  }
0x92: {  	_ =	strace s18  }
0x93: {  	s3 =	sld [smem:$0x3FFC];
	_ =	sdelay $0x3  }
0x94: {  	_ =	strace s3  }
0x95: {  	s3 =	sld [smem:$0x3FFD];
	_ =	sdelay $0x3  }
0x96: {  	_ =	strace s3  }
0x97: {  	_ =	strace $0x8FFFFFFF  }
0x98: {  	s19 =	sld [smem:$0x3FDB];
	_ =	sdelay $0x1  }
0x99: {  	s4 =	simm.s32 $_scs_section_size  }
0x9a: {  	s5 =	simm.s32 $_size__tile_overlayer_lowered;
	s6 =	simm.s32 $_tile_overlayer_lowered  }
0x9b: {  	s22 =	simm.s32 $0x1BFF;
	s21 =	sshll.u32 s6, $0x1;
	s3 =	sadd.s32 s4, s19  }
0x9c: {  	s7 =	simm.s32 $0x0;
	s20 =	sshll.u32 s5, $0x1;
	s5 =	sadd.s32 s21, s3  }
0x9d: {  	[timem:s7], [sflag:s22] =	dma.local [hbm:s5], s20  }
0x9e: {  	_ =	swait.ge [sflag:s22], s20  }
0x9f: {  	s4 =	ssub.s32 $0x0, s20;
	[sflag:s22] =	ssyncset.done $0x0  }
0xa0: {  	[sflag:s22] =	ssyncadd.s32 s4;
	_ =	sdelay $0x1  }
0xa1: {  	s23 =	simm.s32 $0x1B8B  }
0xa2: {  	_ =	swait.ge [sflag:s23], $0x1  }
0xa3: {  	[sflag:s23] =	ssyncset.done $0x0  }
0xa4: {  	s25 =	simm.s32 $0x1B8E;
	s24 =	sld [smem:$0x3FFE];
	[sflag:s23] =	ssyncadd.s32 $0xFFFFFFFF  }
0xa5: {  	s26 =	simm.s32 $execute0_lowered;
	[smem:$0x3FD2] =	sst s25  }
0xa6: {  	s5 =	sshll.u32 s26, $0x1;
	_ =	strace $0x80000049;
	[dreg:$0x1] =	wrdreg $0xFFFFFFFF  }
0xa7: {  	s28 =	simm.s32 $_size_execute0_lowered;
	s3 =	sadd.s32 s3, s5;
	[dreg:$0x0] =	wrdreg $0x0  }
0xa8: {  	s5 =	sshll.u32 s28, $0x1;
	[dreg:$0x2] =	wrdreg s3  }
0xa9: {  	[dreg:$0x3] =	wrdreg s5  }
0xaa: {  	[dreg:$0x4] =	wrdreg $0xC0  }
0xab: {  	_ =	task [dreg:s7], $0x5FFFF  }
0xac: {  	[dreg:$0x1] =	wrdreg $0xFFFFFFFF  }
0xad: {  	[dreg:$0x0] =	wrdreg $0x60  }
0xae: {  	[dreg:$0x2] =	wrdreg s2  }
0xaf: {  	[dreg:$0x3] =	wrdreg s24  }
0xb0: {  	[dreg:$0x4] =	wrdreg $0x90000  }
0xb1: {  	[dreg:$0x5] =	wrdreg $0x9  }
0xb2: {  	_ =	task.clear_ibuf [dreg:s7], $0x6FFFF;
	_ =	strace $0x90000049  }
0xb3: {  	s29 =	simm.s32 $0x9;
	_ =	strace $0x8000004B  }
0xb4: {  	_ =	swait.ge [sflag:s29], $0x1  }
0xb5: {  	[sflag:s29] =	ssyncadd.s32 $0xFFFFFFFF  }
0xb6: {  	_ =	strace $0x9000004B  }
0xb7: {  	_ =	sfence  }
0xb8: {  	s30 =	sld [smem:$0x0];
	_ =	sdelay $0x2  }
0xb9: {  	s31 =	sshll.u32 s1, $0xD;
	s1 =	sshrl.u32 s1, $0x2  }
0xba: {  	s3 =	sand.u32 $0x4000, s31;
	s1 =	sadd.s32 s1, s30  }
0xbb: {  	s0 =	sor.u32 s3, s0;
	s1 =	sshll.u32 s1, $0x11  }
0xbc: {  	s0 =	sor.u32 s1, s0  }
0xbd: {  	s0 =	sadd.s32 $0x8F2B, s0  }
0xbe: {  	[sflag:s0] =	ssyncadd.remote.s32 $0x1  }
0xbf: {  	_ =	sfence.sel $0xFFFF  }
0xc0: {  	[dreg:$0x0] =	wrdreg $0xFFFFFFFF;
	(pc) =	sbr.abs _section_cstart, $3  }
0xc1: {  	[dreg:$0x1] =	wrdreg $0xFFFFFFFF  }
0xc2: {  	_ =	task.clear_ibuf [dreg:s7], $0x2FFFF;
	_ =	strace $0x9FFFFFFF  }
0xc3: {  	(tm) =	ssettm $0x7FFFFFFF  }
tec
execute0_lowered:
.L_overlay_start_1:
0x0: {  	(tag) =	ssettag $0x1  }
0x1: {  	s1 =	rddreg [dreg:$0x0]  }
0x2: {  	s0 =	rddreg [dreg:$0x1];
	s10 =	stileid.u32  }
0x3: {  	s2 =	srdreg.scid;
	s3 =	rddreg [dreg:$0x2]  }
0x4: {  	s4 =	simm.s32 $0x0;
	s13 =	simm.s32 $0x100;
	s15 =	simm.s32 $0x880  }
0x5: {  	s17 =	simm.s32 $0x180;
	s18 =	simm.s32 $0x900;
	s19 =	simm.s32 $0x200  }
0x6: {  	s20 =	simm.s32 $0x980;
	s21 =	simm.s32 $0x280;
	[smem:$0x7FF] =	sst s4  }
0x7: {  	s22 =	simm.s32 $0xA00;
	_ =	strace $0x8000004A;
	[dreg:$0x6] =	wrdreg s13  }
0x8: {  	s23 =	simm.s32 $0x300;
	s24 =	simm.s32 $0xA80;
	[dreg:$0x7] =	wrdreg s15  }
0x9: {  	s28 =	simm.s32 $0x680;
	s29 =	simm.s32 $0xE00;
	[dreg:$0x8] =	wrdreg s17  }
0xa: {  	s30 =	simm.s32 $0x700;
	s5 =	smul.u32 $0x2800, s10;
	[dreg:$0x9] =	wrdreg s18  }
0xb: {  	s31 =	simm.s32 $0xE80;
	s25 =	smul.u32 $0x13C00, s10;
	[dreg:$0xa] =	wrdreg s19  }
0xc: {  	s2 =	sand.u32 $0x1, s2;
	s9 =	smul.u32 $0x4F000, s10;
	[dreg:$0xb] =	wrdreg s20  }
0xd: {  	s16 =	sshll.u32 s10, $0x6;
	s10 =	simm.s32 $0x3;
	[dreg:$0xc] =	wrdreg s21  }
0xe: {  	p0 =	seq.s32 s2, $0x0;
	s7 =	smul.u32 $0x13C000, s2;
	[dreg:$0xd] =	wrdreg s22  }
0xf: {  	s2 =	ssub.s32 $0x2, s2;
	[dreg:$0xe] =	wrdreg s23;
	s13 =	simm.s32 $0x1000  }
0x10: {  	[dreg:$0xf] =	wrdreg s24;
	s15 =	simm.s32 $0x1;
	s17 =	simm.s32 $0x400  }
0x11: {  	s18 =	simm.s32 $0xB80;
	s19 =	simm.s32 $0x480;
	s20 =	simm.s32 $0xC00  }
0x12: {  	s21 =	simm.s32 $0x500;
	s22 =	simm.s32 $0xC80;
	s23 =	simm.s32 $0x580  }
0x13: {  	s24 =	simm.s32 $0xD00;
	s6 =	sadd.s32 $0x28000, s5;
	s8 =	sshrl.u32 s25, $0x3  }
0x14: {  	s26 =	sshrl.u32 s2, $0x1;
	s9 =	sshrl.u32 s9, $0x2;
	s6 =	smov.u32 @p0 s5  }
0x15: {  	s8 =	sadd.s32 s8, s0;
	s5 =	sadd.s32 s25, s7;
	s2 =	ssub.s32 s2, s26  }
0x16: {  	s12 =	sadd.s32 s9, s3;
	s25 =	simm.s32 $0x380;
	s26 =	simm.s32 $0xB00  }
0x17: {  	s9 =	simm.s32 $0x0;
	s6 =	sshrl.u32 s6, $0x3;
	s5 =	sshrl.u32 s5, $0x3  }
0x18: {  	s14 =	sadd.s32 $0x16800, s8;
	s2 =	smax.u32 s2, $0x1;
	[dreg:$0x10] =	wrdreg s25  }
0x19: {  	s8 =	sshrl.u32 s12, $0x3;
	s12 =	simm.s32 $0x80;
	[dreg:$0x11] =	wrdreg s26  }
0x1a: {  	s25 =	simm.s32 $0x600;
	s26 =	simm.s32 $0xD80;
	[dreg:$0x12] =	wrdreg s14  }
0x1b: {  	s6 =	sadd.s32 s6, s0;
	s0 =	sadd.s32 s5, s0;
	[dreg:$0x15] =	wrdreg s2  }
0x1c: {  	s14 =	simm.s32 $0x5000;
	[dreg:$0x16] =	wrdreg s8;
	s7 =	sadd.s32 $0x2800, s6  }
0x1d: {  	s2 =	simm.s32 $0x780;
	s11 =	sadd.s32 $0xC800, s6;
	[dreg:$0x4] =	wrdreg s7  }
0x1e: {  	s5 =	simm.s32 $0xF80;
	s0 =	sadd.s32 $0x3E000, s0;
	[dreg:$0x5] =	wrdreg s11  }
0x1f: {  	s7 =	sor.u32 $0x1C03, s16;
	[dreg:$0x14] =	wrdreg s0;
	s11 =	simm.s32 $0x800  }
0x20: {  	s16 =	simm.s32 $0x2;
	s0 =	simm.s32 $0xF00;
	[dreg:$0x13] =	wrdreg s7  }
.LBB2_1:
0x21: {  	[dreg:$0x17] =	wrdreg s9  }
0x22: {  	s6 =	rddreg [dreg:$0x12]  }
0x23: {  	[spmem:s8], [sflag:s7] =	dma.local [hbm:s6], $0x2780  }
0x24: {  	_ =	swait.ge [sflag:s10], $0x2780  }
0x25: {  	[sflag:s10] =	ssyncset.done $0x0  }
0x26: {  	[sflag:s10] =	ssyncadd.s32 $0xFFFFD880  }
0x27: {  	[bflag:$0x0] =	sbarrier.arrive $0xFFFF  }
0x28: {  	s8 =	rddreg [dreg:$0x5]  }
0x29: {  	s6 =	sadd.s32 $0x0, s8  }
0x2a: {  	[tilespmem:s4], [sflag:$0x3] =	stream.linear.gather [hbm4b:s6+s4], $0x800, $0x38;
	[tilespmem:$0x1CC00] =	vst v63  }
0x2b: {  	_ =	swait.ge [sflag:s10], $0x800  }
0x2c: {  	s9 =	rddreg [dreg:$0x4];
	[sflag:s10] =	ssyncset.done $0x0  }
0x2d: {  	[sflag:s10] =	ssyncadd.s32 $0xFFFFF800;
	s6 =	sadd.s32 $0x0, s9  }
0x2e: {  	[tilespmem:s11], [sflag:$0x3] =	stream.linear.gather [hbm4b:s6+s4], $0x800, $0x38;
	[tilespmem:$0x1CC00] =	vst v63  }
0x2f: {  	_ =	swait.ge [sflag:s10], $0x800  }
0x30: {  	[sflag:s10] =	ssyncset.done $0x0  }
0x31: {  	[sflag:s10] =	ssyncadd.s32 $0xFFFFF800  }
0x32: {  	[tilespmem:s13], [sflag:$0x1] =	stream.indirect.gather [hbm4b:s1+s12], $0x80, s4, s12, $0xb8;
	[tilespmem:$0x1CC00] =	vst v63  }
0x33: {  	_ = 	snop  }
0x34: {  	[tilespmem:s14], [sflag:$0x2] =	stream.indirect.gather [hbm4b:s1+s12], $0x80, s12, s12, $0xb8;
	[tilespmem:$0x1CC00] =	vst v63  }
0x35: {  	_ =	swait.ge [sflag:s15], $0x4000  }
0x36: {  	[sflag:s15] =	ssyncset.done $0x0  }
0x37: {  	[sflag:s15] =	ssyncadd.s32 $0xFFFFC000  }
0x38: {  	[spmem:s3] =	stream.indirect.scatter.add.f32 [tilespmem:s13], [sflag:$0x3], $0x80, s11, s12, $0xb8;
	[tilespmem:$0x1CC00] =	vst v63  }
0x39: {  	_ =	swait.ge [sflag:s10], $0x4000  }
0x3a: {  	[sflag:s10] =	ssyncset.done $0x0  }
0x3b: {  	s7 =	rddreg [dreg:$0x6];
	[sflag:s10] =	ssyncadd.s32 $0xFFFFC000  }
0x3c: {  	[tilespmem:s13], [sflag:$0x1] =	stream.indirect.gather [hbm4b:s1+s12], $0x80, s7, s12, $0xb8;
	[tilespmem:$0x1CC00] =	vst v63  }
0x3d: {  	_ =	swait.ge [sflag:s16], $0x4000  }
0x3e: {  	[sflag:s16] =	ssyncset.done $0x0  }
0x3f: {  	s8 =	rddreg [dreg:$0x7];
	[sflag:s16] =	ssyncadd.s32 $0xFFFFC000  }
0x40: {  	[spmem:s3] =	stream.indirect.scatter.add.f32 [tilespmem:s14], [sflag:$0x3], $0x80, s8, s12, $0xb8;
	[tilespmem:$0x1CC00] =	vst v63  }
0x41: {  	_ =	swait.ge [sflag:s10], $0x4000  }
0x42: {  	[sflag:s10] =	ssyncset.done $0x0  }
0x43: {  	s9 =	rddreg [dreg:$0x8];
	[sflag:s10] =	ssyncadd.s32 $0xFFFFC000  }
0x44: {  	[tilespmem:s14], [sflag:$0x2] =	stream.indirect.gather [hbm4b:s1+s12], $0x80, s9, s12, $0xb8;
	[tilespmem:$0x1CC00] =	vst v63  }
0x45: {  	_ =	swait.ge [sflag:s15], $0x4000  }
0x46: {  	[sflag:s15] =	ssyncset.done $0x0  }
0x47: {  	s7 =	rddreg [dreg:$0x9];
	[sflag:s15] =	ssyncadd.s32 $0xFFFFC000  }
0x48: {  	[spmem:s3] =	stream.indirect.scatter.add.f32 [tilespmem:s13], [sflag:$0x3], $0x80, s7, s12, $0xb8;
	[tilespmem:$0x1CC00] =	vst v63  }
0x49: {  	_ =	swait.ge [sflag:s10], $0x4000  }
0x4a: {  	[sflag:s10] =	ssyncset.done $0x0  }
0x4b: {  	s8 =	rddreg [dreg:$0xa];
	[sflag:s10] =	ssyncadd.s32 $0xFFFFC000  }
0x4c: {  	[tilespmem:s13], [sflag:$0x1] =	stream.indirect.gather [hbm4b:s1+s12], $0x80, s8, s12, $0xb8;
	[tilespmem:$0x1CC00] =	vst v63  }
0x4d: {  	_ =	swait.ge [sflag:s16], $0x4000  }
0x4e: {  	[sflag:s16] =	ssyncset.done $0x0  }
0x4f: {  	s9 =	rddreg [dreg:$0xb];
	[sflag:s16] =	ssyncadd.s32 $0xFFFFC000  }
0x50: {  	[spmem:s3] =	stream.indirect.scatter.add.f32 [tilespmem:s14], [sflag:$0x3], $0x80, s9, s12, $0xb8;
	[tilespmem:$0x1CC00] =	vst v63  }
0x51: {  	_ =	swait.ge [sflag:s10], $0x4000  }
0x52: {  	[sflag:s10] =	ssyncset.done $0x0  }
0x53: {  	s7 =	rddreg [dreg:$0xc];
	[sflag:s10] =	ssyncadd.s32 $0xFFFFC000  }
0x54: {  	[tilespmem:s14], [sflag:$0x2] =	stream.indirect.gather [hbm4b:s1+s12], $0x80, s7, s12, $0xb8;
	[tilespmem:$0x1CC00] =	vst v63  }
0x55: {  	_ =	swait.ge [sflag:s15], $0x4000  }
0x56: {  	[sflag:s15] =	ssyncset.done $0x0  }
0x57: {  	s8 =	rddreg [dreg:$0xd];
	[sflag:s15] =	ssyncadd.s32 $0xFFFFC000  }
0x58: {  	[spmem:s3] =	stream.indirect.scatter.add.f32 [tilespmem:s13], [sflag:$0x3], $0x80, s8, s12, $0xb8;
	[tilespmem:$0x1CC00] =	vst v63  }
0x59: {  	_ =	swait.ge [sflag:s10], $0x4000  }
0x5a: {  	[sflag:s10] =	ssyncset.done $0x0  }
0x5b: {  	s9 =	rddreg [dreg:$0xe];
	[sflag:s10] =	ssyncadd.s32 $0xFFFFC000  }
0x5c: {  	[tilespmem:s13], [sflag:$0x1] =	stream.indirect.gather [hbm4b:s1+s12], $0x80, s9, s12, $0xb8;
	[tilespmem:$0x1CC00] =	vst v63  }
0x5d: {  	_ =	swait.ge [sflag:s16], $0x4000  }
0x5e: {  	[sflag:s16] =	ssyncset.done $0x0  }
0x5f: {  	s7 =	rddreg [dreg:$0xf];
	[sflag:s16] =	ssyncadd.s32 $0xFFFFC000  }
0x60: {  	[spmem:s3] =	stream.indirect.scatter.add.f32 [tilespmem:s14], [sflag:$0x3], $0x80, s7, s12, $0xb8;
	[tilespmem:$0x1CC00] =	vst v63  }
0x61: {  	_ =	swait.ge [sflag:s10], $0x4000  }
0x62: {  	[sflag:s10] =	ssyncset.done $0x0  }
0x63: {  	s8 =	rddreg [dreg:$0x10];
	[sflag:s10] =	ssyncadd.s32 $0xFFFFC000  }
0x64: {  	[tilespmem:s14], [sflag:$0x2] =	stream.indirect.gather [hbm4b:s1+s12], $0x80, s8, s12, $0xb8;
	[tilespmem:$0x1CC00] =	vst v63  }
0x65: {  	_ =	swait.ge [sflag:s15], $0x4000  }
0x66: {  	[sflag:s15] =	ssyncset.done $0x0  }
0x67: {  	s9 =	rddreg [dreg:$0x11];
	[sflag:s15] =	ssyncadd.s32 $0xFFFFC000  }
0x68: {  	[spmem:s3] =	stream.indirect.scatter.add.f32 [tilespmem:s13], [sflag:$0x3], $0x80, s9, s12, $0xb8;
	[tilespmem:$0x1CC00] =	vst v63  }
0x69: {  	_ =	swait.ge [sflag:s10], $0x4000  }
0x6a: {  	[sflag:s10] =	ssyncset.done $0x0  }
0x6b: {  	[sflag:s10] =	ssyncadd.s32 $0xFFFFC000  }
0x6c: {  	[tilespmem:s13], [sflag:$0x1] =	stream.indirect.gather [hbm4b:s1+s12], $0x80, s17, s12, $0xb8;
	[tilespmem:$0x1CC00] =	vst v63  }
0x6d: {  	_ =	swait.ge [sflag:s16], $0x4000  }
0x6e: {  	[sflag:s16] =	ssyncset.done $0x0  }
0x6f: {  	[sflag:s16] =	ssyncadd.s32 $0xFFFFC000  }
0x70: {  	[spmem:s3] =	stream.indirect.scatter.add.f32 [tilespmem:s14], [sflag:$0x3], $0x80, s18, s12, $0xb8;
	[tilespmem:$0x1CC00] =	vst v63  }
0x71: {  	_ =	swait.ge [sflag:s10], $0x4000  }
0x72: {  	[sflag:s10] =	ssyncset.done $0x0  }
0x73: {  	[sflag:s10] =	ssyncadd.s32 $0xFFFFC000  }
0x74: {  	[tilespmem:s14], [sflag:$0x2] =	stream.indirect.gather [hbm4b:s1+s12], $0x80, s19, s12, $0xb8;
	[tilespmem:$0x1CC00] =	vst v63  }
0x75: {  	_ =	swait.ge [sflag:s15], $0x4000  }
0x76: {  	[sflag:s15] =	ssyncset.done $0x0  }
0x77: {  	[sflag:s15] =	ssyncadd.s32 $0xFFFFC000  }
0x78: {  	[spmem:s3] =	stream.indirect.scatter.add.f32 [tilespmem:s13], [sflag:$0x3], $0x80, s20, s12, $0xb8;
	[tilespmem:$0x1CC00] =	vst v63  }
0x79: {  	_ =	swait.ge [sflag:s10], $0x4000  }
0x7a: {  	[sflag:s10] =	ssyncset.done $0x0  }
0x7b: {  	[sflag:s10] =	ssyncadd.s32 $0xFFFFC000  }
0x7c: {  	[tilespmem:s13], [sflag:$0x1] =	stream.indirect.gather [hbm4b:s1+s12], $0x80, s21, s12, $0xb8;
	[tilespmem:$0x1CC00] =	vst v63  }
0x7d: {  	_ =	swait.ge [sflag:s16], $0x4000  }
0x7e: {  	[sflag:s16] =	ssyncset.done $0x0  }
0x7f: {  	[sflag:s16] =	ssyncadd.s32 $0xFFFFC000  }
0x80: {  	[spmem:s3] =	stream.indirect.scatter.add.f32 [tilespmem:s14], [sflag:$0x3], $0x80, s22, s12, $0xb8;
	[tilespmem:$0x1CC00] =	vst v63  }
0x81: {  	_ =	swait.ge [sflag:s10], $0x4000  }
0x82: {  	[sflag:s10] =	ssyncset.done $0x0  }
0x83: {  	[sflag:s10] =	ssyncadd.s32 $0xFFFFC000  }
0x84: {  	[tilespmem:s14], [sflag:$0x2] =	stream.indirect.gather [hbm4b:s1+s12], $0x80, s23, s12, $0xb8;
	[tilespmem:$0x1CC00] =	vst v63  }
0x85: {  	_ =	swait.ge [sflag:s15], $0x4000  }
0x86: {  	[sflag:s15] =	ssyncset.done $0x0  }
0x87: {  	[sflag:s15] =	ssyncadd.s32 $0xFFFFC000  }
0x88: {  	[spmem:s3] =	stream.indirect.scatter.add.f32 [tilespmem:s13], [sflag:$0x3], $0x80, s24, s12, $0xb8;
	[tilespmem:$0x1CC00] =	vst v63  }
0x89: {  	_ =	swait.ge [sflag:s10], $0x4000  }
0x8a: {  	[sflag:s10] =	ssyncset.done $0x0  }
0x8b: {  	[sflag:s10] =	ssyncadd.s32 $0xFFFFC000  }
0x8c: {  	[tilespmem:s13], [sflag:$0x1] =	stream.indirect.gather [hbm4b:s1+s12], $0x80, s25, s12, $0xb8;
	[tilespmem:$0x1CC00] =	vst v63  }
0x8d: {  	_ =	swait.ge [sflag:s16], $0x4000  }
0x8e: {  	[sflag:s16] =	ssyncset.done $0x0  }
0x8f: {  	[sflag:s16] =	ssyncadd.s32 $0xFFFFC000  }
0x90: {  	[spmem:s3] =	stream.indirect.scatter.add.f32 [tilespmem:s14], [sflag:$0x3], $0x80, s26, s12, $0xb8;
	[tilespmem:$0x1CC00] =	vst v63  }
0x91: {  	_ =	swait.ge [sflag:s10], $0x4000  }
0x92: {  	[sflag:s10] =	ssyncset.done $0x0  }
0x93: {  	[sflag:s10] =	ssyncadd.s32 $0xFFFFC000  }
0x94: {  	[tilespmem:s14], [sflag:$0x2] =	stream.indirect.gather [hbm4b:s1+s12], $0x80, s28, s12, $0xb8;
	[tilespmem:$0x1CC00] =	vst v63  }
0x95: {  	_ =	swait.ge [sflag:s15], $0x4000  }
0x96: {  	[sflag:s15] =	ssyncset.done $0x0  }
0x97: {  	[sflag:s15] =	ssyncadd.s32 $0xFFFFC000  }
0x98: {  	[spmem:s3] =	stream.indirect.scatter.add.f32 [tilespmem:s13], [sflag:$0x3], $0x80, s29, s12, $0xb8;
	[tilespmem:$0x1CC00] =	vst v63  }
0x99: {  	_ =	swait.ge [sflag:s10], $0x4000  }
0x9a: {  	[sflag:s10] =	ssyncset.done $0x0  }
0x9b: {  	[sflag:s10] =	ssyncadd.s32 $0xFFFFC000  }
0x9c: {  	[tilespmem:s13], [sflag:$0x1] =	stream.indirect.gather [hbm4b:s1+s12], $0x80, s30, s12, $0xb8;
	[tilespmem:$0x1CC00] =	vst v63  }
0x9d: {  	_ =	swait.ge [sflag:s16], $0x4000  }
0x9e: {  	[sflag:s16] =	ssyncset.done $0x0  }
0x9f: {  	[sflag:s16] =	ssyncadd.s32 $0xFFFFC000  }
0xa0: {  	[spmem:s3] =	stream.indirect.scatter.add.f32 [tilespmem:s14], [sflag:$0x3], $0x80, s31, s12, $0xb8;
	[tilespmem:$0x1CC00] =	vst v63  }
0xa1: {  	_ =	swait.ge [sflag:s10], $0x4000  }
0xa2: {  	[sflag:s10] =	ssyncset.done $0x0  }
0xa3: {  	[sflag:s10] =	ssyncadd.s32 $0xFFFFC000  }
0xa4: {  	[tilespmem:s14], [sflag:$0x2] =	stream.indirect.gather [hbm4b:s1+s12], $0x80, s2, s12, $0xb8;
	[tilespmem:$0x1CC00] =	vst v63  }
0xa5: {  	_ =	swait.ge [sflag:s15], $0x4000  }
0xa6: {  	[sflag:s15] =	ssyncset.done $0x0  }
0xa7: {  	[sflag:s15] =	ssyncadd.s32 $0xFFFFC000  }
0xa8: {  	[spmem:s3] =	stream.indirect.scatter.add.f32 [tilespmem:s13], [sflag:$0x3], $0x80, s0, s12, $0xb8;
	[tilespmem:$0x1CC00] =	vst v63  }
0xa9: {  	_ =	swait.ge [sflag:s10], $0x4000  }
0xaa: {  	[sflag:s10] =	ssyncset.done $0x0  }
0xab: {  	[sflag:s10] =	ssyncadd.s32 $0xFFFFC000  }
0xac: {  	_ =	swait.ge [sflag:s16], $0x4000  }
0xad: {  	[sflag:s16] =	ssyncset.done $0x0  }
0xae: {  	[sflag:s16] =	ssyncadd.s32 $0xFFFFC000  }
0xaf: {  	[spmem:s3] =	stream.indirect.scatter.add.f32 [tilespmem:s14], [sflag:$0x3], $0x80, s5, s12, $0xb8;
	[tilespmem:$0x1CC00] =	vst v63  }
0xb0: {  	s6 =	simm.s32 $0x200;
	_ =	swait.ge [sflag:s10], $0x4000  }
0xb1: {  	s8 =	simm.s32 $0x100;
	s9 =	rddreg [dreg:$0x5];
	[sflag:s10] =	ssyncset.done $0x0  }
.LBB2_2:
0xb2: {  	[sflag:s10] =	ssyncadd.s32 $0xFFFFC000;
	s9 =	sadd.s32 s8, s9  }
0xb3: {  	[tilespmem:s4], [sflag:$0x3] =	stream.linear.gather [hbm4b:s9+s4], $0x800, $0x38;
	[tilespmem:$0x1CC00] =	vst v63  }
0xb4: {  	_ =	swait.ge [sflag:s10], $0x800  }
0xb5: {  	s9 =	rddreg [dreg:$0x4];
	[sflag:s10] =	ssyncset.done $0x0  }
0xb6: {  	[sflag:s10] =	ssyncadd.s32 $0xFFFFF800;
	s9 =	sadd.s32 s8, s9  }
0xb7: {  	[tilespmem:s11], [sflag:$0x3] =	stream.linear.gather [hbm4b:s9+s4], $0x800, $0x38;
	[tilespmem:$0x1CC00] =	vst v63  }
0xb8: {  	_ =	swait.ge [sflag:s10], $0x800  }
0xb9: {  	[sflag:s10] =	ssyncset.done $0x0  }
0xba: {  	[sflag:s10] =	ssyncadd.s32 $0xFFFFF800  }
0xbb: {  	[tilespmem:s13], [sflag:$0x1] =	stream.indirect.gather [hbm4b:s1+s12], $0x80, s4, s12, $0xb8;
	[tilespmem:$0x1CC00] =	vst v63  }
0xbc: {  	_ = 	snop  }
0xbd: {  	[tilespmem:s14], [sflag:$0x2] =	stream.indirect.gather [hbm4b:s1+s12], $0x80, s12, s12, $0xb8;
	[tilespmem:$0x1CC00] =	vst v63  }
0xbe: {  	_ =	swait.ge [sflag:s15], $0x4000  }
0xbf: {  	[sflag:s15] =	ssyncset.done $0x0  }
0xc0: {  	[sflag:s15] =	ssyncadd.s32 $0xFFFFC000  }
0xc1: {  	[spmem:s3] =	stream.indirect.scatter.add.f32 [tilespmem:s13], [sflag:$0x3], $0x80, s11, s12, $0xb8;
	[tilespmem:$0x1CC00] =	vst v63  }
0xc2: {  	_ =	swait.ge [sflag:s10], $0x4000  }
0xc3: {  	[sflag:s10] =	ssyncset.done $0x0  }
0xc4: {  	s9 =	rddreg [dreg:$0x6];
	[sflag:s10] =	ssyncadd.s32 $0xFFFFC000  }
0xc5: {  	[tilespmem:s13], [sflag:$0x1] =	stream.indirect.gather [hbm4b:s1+s12], $0x80, s9, s12, $0xb8;
	[tilespmem:$0x1CC00] =	vst v63  }
0xc6: {  	_ =	swait.ge [sflag:s16], $0x4000  }
0xc7: {  	[sflag:s16] =	ssyncset.done $0x0  }
0xc8: {  	s9 =	rddreg [dreg:$0x7];
	[sflag:s16] =	ssyncadd.s32 $0xFFFFC000  }
0xc9: {  	[spmem:s3] =	stream.indirect.scatter.add.f32 [tilespmem:s14], [sflag:$0x3], $0x80, s9, s12, $0xb8;
	[tilespmem:$0x1CC00] =	vst v63  }
0xca: {  	_ =	swait.ge [sflag:s10], $0x4000  }
0xcb: {  	[sflag:s10] =	ssyncset.done $0x0  }
0xcc: {  	s9 =	rddreg [dreg:$0x8];
	[sflag:s10] =	ssyncadd.s32 $0xFFFFC000  }
0xcd: {  	[tilespmem:s14], [sflag:$0x2] =	stream.indirect.gather [hbm4b:s1+s12], $0x80, s9, s12, $0xb8;
	[tilespmem:$0x1CC00] =	vst v63  }
0xce: {  	_ =	swait.ge [sflag:s15], $0x4000  }
0xcf: {  	[sflag:s15] =	ssyncset.done $0x0  }
0xd0: {  	s9 =	rddreg [dreg:$0x9];
	[sflag:s15] =	ssyncadd.s32 $0xFFFFC000  }
0xd1: {  	[spmem:s3] =	stream.indirect.scatter.add.f32 [tilespmem:s13], [sflag:$0x3], $0x80, s9, s12, $0xb8;
	[tilespmem:$0x1CC00] =	vst v63  }
0xd2: {  	_ =	swait.ge [sflag:s10], $0x4000  }
0xd3: {  	[sflag:s10] =	ssyncset.done $0x0  }
0xd4: {  	s9 =	rddreg [dreg:$0xa];
	[sflag:s10] =	ssyncadd.s32 $0xFFFFC000  }
0xd5: {  	[tilespmem:s13], [sflag:$0x1] =	stream.indirect.gather [hbm4b:s1+s12], $0x80, s9, s12, $0xb8;
	[tilespmem:$0x1CC00] =	vst v63  }
0xd6: {  	_ =	swait.ge [sflag:s16], $0x4000  }
0xd7: {  	[sflag:s16] =	ssyncset.done $0x0  }
0xd8: {  	s9 =	rddreg [dreg:$0xb];
	[sflag:s16] =	ssyncadd.s32 $0xFFFFC000  }
0xd9: {  	[spmem:s3] =	stream.indirect.scatter.add.f32 [tilespmem:s14], [sflag:$0x3], $0x80, s9, s12, $0xb8;
	[tilespmem:$0x1CC00] =	vst v63  }
0xda: {  	_ =	swait.ge [sflag:s10], $0x4000  }
0xdb: {  	[sflag:s10] =	ssyncset.done $0x0  }
0xdc: {  	s9 =	rddreg [dreg:$0xc];
	[sflag:s10] =	ssyncadd.s32 $0xFFFFC000  }
0xdd: {  	[tilespmem:s14], [sflag:$0x2] =	stream.indirect.gather [hbm4b:s1+s12], $0x80, s9, s12, $0xb8;
	[tilespmem:$0x1CC00] =	vst v63  }
0xde: {  	_ =	swait.ge [sflag:s15], $0x4000  }
0xdf: {  	[sflag:s15] =	ssyncset.done $0x0  }
0xe0: {  	s9 =	rddreg [dreg:$0xd];
	[sflag:s15] =	ssyncadd.s32 $0xFFFFC000  }
0xe1: {  	[spmem:s3] =	stream.indirect.scatter.add.f32 [tilespmem:s13], [sflag:$0x3], $0x80, s9, s12, $0xb8;
	[tilespmem:$0x1CC00] =	vst v63  }
0xe2: {  	_ =	swait.ge [sflag:s10], $0x4000  }
0xe3: {  	[sflag:s10] =	ssyncset.done $0x0  }
0xe4: {  	s9 =	rddreg [dreg:$0xe];
	[sflag:s10] =	ssyncadd.s32 $0xFFFFC000  }
0xe5: {  	[tilespmem:s13], [sflag:$0x1] =	stream.indirect.gather [hbm4b:s1+s12], $0x80, s9, s12, $0xb8;
	[tilespmem:$0x1CC00] =	vst v63  }
0xe6: {  	_ =	swait.ge [sflag:s16], $0x4000  }
0xe7: {  	[sflag:s16] =	ssyncset.done $0x0  }
0xe8: {  	s9 =	rddreg [dreg:$0xf];
	[sflag:s16] =	ssyncadd.s32 $0xFFFFC000  }
0xe9: {  	[spmem:s3] =	stream.indirect.scatter.add.f32 [tilespmem:s14], [sflag:$0x3], $0x80, s9, s12, $0xb8;
	[tilespmem:$0x1CC00] =	vst v63  }
0xea: {  	_ =	swait.ge [sflag:s10], $0x4000  }
0xeb: {  	[sflag:s10] =	ssyncset.done $0x0  }
0xec: {  	s9 =	rddreg [dreg:$0x10];
	[sflag:s10] =	ssyncadd.s32 $0xFFFFC000  }
0xed: {  	[tilespmem:s14], [sflag:$0x2] =	stream.indirect.gather [hbm4b:s1+s12], $0x80, s9, s12, $0xb8;
	[tilespmem:$0x1CC00] =	vst v63  }
0xee: {  	_ =	swait.ge [sflag:s15], $0x4000  }
0xef: {  	[sflag:s15] =	ssyncset.done $0x0  }
0xf0: {  	s9 =	rddreg [dreg:$0x11];
	[sflag:s15] =	ssyncadd.s32 $0xFFFFC000  }
0xf1: {  	[spmem:s3] =	stream.indirect.scatter.add.f32 [tilespmem:s13], [sflag:$0x3], $0x80, s9, s12, $0xb8;
	[tilespmem:$0x1CC00] =	vst v63  }
0xf2: {  	_ =	swait.ge [sflag:s10], $0x4000  }
0xf3: {  	[sflag:s10] =	ssyncset.done $0x0  }
0xf4: {  	[sflag:s10] =	ssyncadd.s32 $0xFFFFC000  }
0xf5: {  	[tilespmem:s13], [sflag:$0x1] =	stream.indirect.gather [hbm4b:s1+s12], $0x80, s17, s12, $0xb8;
	[tilespmem:$0x1CC00] =	vst v63  }
0xf6: {  	_ =	swait.ge [sflag:s16], $0x4000  }
0xf7: {  	[sflag:s16] =	ssyncset.done $0x0  }
0xf8: {  	[sflag:s16] =	ssyncadd.s32 $0xFFFFC000  }
0xf9: {  	[spmem:s3] =	stream.indirect.scatter.add.f32 [tilespmem:s14], [sflag:$0x3], $0x80, s18, s12, $0xb8;
	[tilespmem:$0x1CC00] =	vst v63  }
0xfa: {  	_ =	swait.ge [sflag:s10], $0x4000  }
0xfb: {  	[sflag:s10] =	ssyncset.done $0x0  }
0xfc: {  	[sflag:s10] =	ssyncadd.s32 $0xFFFFC000  }
0xfd: {  	[tilespmem:s14], [sflag:$0x2] =	stream.indirect.gather [hbm4b:s1+s12], $0x80, s19, s12, $0xb8;
	[tilespmem:$0x1CC00] =	vst v63  }
0xfe: {  	_ =	swait.ge [sflag:s15], $0x4000  }
0xff: {  	[sflag:s15] =	ssyncset.done $0x0  }
0x100: {  	[sflag:s15] =	ssyncadd.s32 $0xFFFFC000  }
0x101: {  	[spmem:s3] =	stream.indirect.scatter.add.f32 [tilespmem:s13], [sflag:$0x3], $0x80, s20, s12, $0xb8;
	[tilespmem:$0x1CC00] =	vst v63  }
0x102: {  	_ =	swait.ge [sflag:s10], $0x4000  }
0x103: {  	[sflag:s10] =	ssyncset.done $0x0  }
0x104: {  	[sflag:s10] =	ssyncadd.s32 $0xFFFFC000  }
0x105: {  	[tilespmem:s13], [sflag:$0x1] =	stream.indirect.gather [hbm4b:s1+s12], $0x80, s21, s12, $0xb8;
	[tilespmem:$0x1CC00] =	vst v63  }
0x106: {  	_ =	swait.ge [sflag:s16], $0x4000  }
0x107: {  	[sflag:s16] =	ssyncset.done $0x0  }
0x108: {  	[sflag:s16] =	ssyncadd.s32 $0xFFFFC000  }
0x109: {  	[spmem:s3] =	stream.indirect.scatter.add.f32 [tilespmem:s14], [sflag:$0x3], $0x80, s22, s12, $0xb8;
	[tilespmem:$0x1CC00] =	vst v63  }
0x10a: {  	_ =	swait.ge [sflag:s10], $0x4000  }
0x10b: {  	[sflag:s10] =	ssyncset.done $0x0  }
0x10c: {  	[sflag:s10] =	ssyncadd.s32 $0xFFFFC000  }
0x10d: {  	[tilespmem:s14], [sflag:$0x2] =	stream.indirect.gather [hbm4b:s1+s12], $0x80, s23, s12, $0xb8;
	[tilespmem:$0x1CC00] =	vst v63  }
0x10e: {  	_ =	swait.ge [sflag:s15], $0x4000  }
0x10f: {  	[sflag:s15] =	ssyncset.done $0x0  }
0x110: {  	[sflag:s15] =	ssyncadd.s32 $0xFFFFC000  }
0x111: {  	[spmem:s3] =	stream.indirect.scatter.add.f32 [tilespmem:s13], [sflag:$0x3], $0x80, s24, s12, $0xb8;
	[tilespmem:$0x1CC00] =	vst v63  }
0x112: {  	_ =	swait.ge [sflag:s10], $0x4000  }
0x113: {  	[sflag:s10] =	ssyncset.done $0x0  }
0x114: {  	[sflag:s10] =	ssyncadd.s32 $0xFFFFC000  }
0x115: {  	[tilespmem:s13], [sflag:$0x1] =	stream.indirect.gather [hbm4b:s1+s12], $0x80, s25, s12, $0xb8;
	[tilespmem:$0x1CC00] =	vst v63  }
0x116: {  	_ =	swait.ge [sflag:s16], $0x4000  }
0x117: {  	[sflag:s16] =	ssyncset.done $0x0  }
0x118: {  	[sflag:s16] =	ssyncadd.s32 $0xFFFFC000  }
0x119: {  	[spmem:s3] =	stream.indirect.scatter.add.f32 [tilespmem:s14], [sflag:$0x3], $0x80, s26, s12, $0xb8;
	[tilespmem:$0x1CC00] =	vst v63  }
0x11a: {  	_ =	swait.ge [sflag:s10], $0x4000  }
0x11b: {  	[sflag:s10] =	ssyncset.done $0x0  }
0x11c: {  	[sflag:s10] =	ssyncadd.s32 $0xFFFFC000  }
0x11d: {  	[tilespmem:s14], [sflag:$0x2] =	stream.indirect.gather [hbm4b:s1+s12], $0x80, s28, s12, $0xb8;
	[tilespmem:$0x1CC00] =	vst v63  }
0x11e: {  	_ =	swait.ge [sflag:s15], $0x4000  }
0x11f: {  	[sflag:s15] =	ssyncset.done $0x0  }
0x120: {  	[sflag:s15] =	ssyncadd.s32 $0xFFFFC000  }
0x121: {  	[spmem:s3] =	stream.indirect.scatter.add.f32 [tilespmem:s13], [sflag:$0x3], $0x80, s29, s12, $0xb8;
	[tilespmem:$0x1CC00] =	vst v63  }
0x122: {  	_ =	swait.ge [sflag:s10], $0x4000  }
0x123: {  	[sflag:s10] =	ssyncset.done $0x0  }
0x124: {  	[sflag:s10] =	ssyncadd.s32 $0xFFFFC000  }
0x125: {  	[tilespmem:s13], [sflag:$0x1] =	stream.indirect.gather [hbm4b:s1+s12], $0x80, s30, s12, $0xb8;
	[tilespmem:$0x1CC00] =	vst v63  }
0x126: {  	_ =	swait.ge [sflag:s16], $0x4000  }
0x127: {  	[sflag:s16] =	ssyncset.done $0x0  }
0x128: {  	[sflag:s16] =	ssyncadd.s32 $0xFFFFC000  }
0x129: {  	[spmem:s3] =	stream.indirect.scatter.add.f32 [tilespmem:s14], [sflag:$0x3], $0x80, s31, s12, $0xb8;
	[tilespmem:$0x1CC00] =	vst v63  }
0x12a: {  	_ =	swait.ge [sflag:s10], $0x4000  }
0x12b: {  	[sflag:s10] =	ssyncset.done $0x0  }
0x12c: {  	[sflag:s10] =	ssyncadd.s32 $0xFFFFC000  }
0x12d: {  	[tilespmem:s14], [sflag:$0x2] =	stream.indirect.gather [hbm4b:s1+s12], $0x80, s2, s12, $0xb8;
	[tilespmem:$0x1CC00] =	vst v63  }
0x12e: {  	_ =	swait.ge [sflag:s15], $0x4000  }
0x12f: {  	[sflag:s15] =	ssyncset.done $0x0  }
0x130: {  	[sflag:s15] =	ssyncadd.s32 $0xFFFFC000  }
0x131: {  	[spmem:s3] =	stream.indirect.scatter.add.f32 [tilespmem:s13], [sflag:$0x3], $0x80, s0, s12, $0xb8;
	[tilespmem:$0x1CC00] =	vst v63  }
0x132: {  	_ =	swait.ge [sflag:s10], $0x4000  }
0x133: {  	[sflag:s10] =	ssyncset.done $0x0  }
0x134: {  	[sflag:s10] =	ssyncadd.s32 $0xFFFFC000  }
0x135: {  	p0 =	sne.s32 s6, $0x400;
	_ =	swait.ge [sflag:s16], $0x4000  }
.Ltmp0:
0x136: {  	[sflag:s16] =	ssyncset.done $0x0;
	(pc) =	sbr.rel @p0 .LBB2_2-.Ltmp0, $4  }
0x137: {  	[sflag:s16] =	ssyncadd.s32 $0xFFFFC000  }
0x138: {  	[spmem:s3] =	stream.indirect.scatter.add.f32 [tilespmem:s14], [sflag:$0x3], $0x80, s5, s12, $0xb8;
	[tilespmem:$0x1CC00] =	vst v63  }
0x139: {  	s7 =	smov.u32 s6;
	s6 =	sadd.s32 $0x100, s6;
	_ =	swait.ge [sflag:s10], $0x4000  }
0x13a: {  	s8 =	smov.u32 s7;
	s9 =	rddreg [dreg:$0x5];
	[sflag:s10] =	ssyncset.done $0x0  }
0x13b: {  	[sflag:s10] =	ssyncadd.s32 $0xFFFFC000;
	s6 =	sadd.s32 s8, s9  }
0x13c: {  	[tilespmem:s4], [sflag:$0x3] =	stream.linear.gather [hbm4b:s6+s4], $0x800, $0x38;
	[tilespmem:$0x1CC00] =	vst v63  }
0x13d: {  	_ =	swait.ge [sflag:s10], $0x800  }
0x13e: {  	s7 =	rddreg [dreg:$0x4];
	[sflag:s10] =	ssyncset.done $0x0  }
0x13f: {  	s6 =	sadd.s32 s8, s7;
	[sflag:s10] =	ssyncadd.s32 $0xFFFFF800  }
0x140: {  	[tilespmem:s11], [sflag:$0x3] =	stream.linear.gather [hbm4b:s6+s4], $0x800, $0x38;
	[tilespmem:$0x1CC00] =	vst v63  }
0x141: {  	_ =	swait.ge [sflag:s10], $0x800  }
0x142: {  	[sflag:s10] =	ssyncset.done $0x0  }
0x143: {  	[sflag:s10] =	ssyncadd.s32 $0xFFFFF800  }
0x144: {  	[tilespmem:s13], [sflag:$0x1] =	stream.indirect.gather [hbm4b:s1+s12], $0x80, s4, s12, $0xb8;
	[tilespmem:$0x1CC00] =	vst v63  }
0x145: {  	_ = 	snop  }
0x146: {  	[tilespmem:s14], [sflag:$0x2] =	stream.indirect.gather [hbm4b:s1+s12], $0x80, s12, s12, $0xb8;
	[tilespmem:$0x1CC00] =	vst v63  }
0x147: {  	_ =	swait.ge [sflag:s15], $0x4000  }
0x148: {  	[sflag:s15] =	ssyncset.done $0x0  }
0x149: {  	[sflag:s15] =	ssyncadd.s32 $0xFFFFC000  }
0x14a: {  	[spmem:s3] =	stream.indirect.scatter.add.f32 [tilespmem:s13], [sflag:$0x3], $0x80, s11, s12, $0xb8;
	[tilespmem:$0x1CC00] =	vst v63  }
0x14b: {  	_ =	swait.ge [sflag:s10], $0x4000  }
0x14c: {  	[sflag:s10] =	ssyncset.done $0x0  }
0x14d: {  	s9 =	rddreg [dreg:$0x6];
	[sflag:s10] =	ssyncadd.s32 $0xFFFFC000  }
0x14e: {  	[tilespmem:s13], [sflag:$0x1] =	stream.indirect.gather [hbm4b:s1+s12], $0x80, s9, s12, $0xb8;
	[tilespmem:$0x1CC00] =	vst v63  }
0x14f: {  	_ =	swait.ge [sflag:s16], $0x4000  }
0x150: {  	[sflag:s16] =	ssyncset.done $0x0  }
0x151: {  	s7 =	rddreg [dreg:$0x7];
	[sflag:s16] =	ssyncadd.s32 $0xFFFFC000  }
0x152: {  	[spmem:s3] =	stream.indirect.scatter.add.f32 [tilespmem:s14], [sflag:$0x3], $0x80, s7, s12, $0xb8;
	[tilespmem:$0x1CC00] =	vst v63  }
0x153: {  	_ =	swait.ge [sflag:s10], $0x4000  }
0x154: {  	[sflag:s10] =	ssyncset.done $0x0  }
0x155: {  	s8 =	rddreg [dreg:$0x8];
	[sflag:s10] =	ssyncadd.s32 $0xFFFFC000  }
0x156: {  	[tilespmem:s14], [sflag:$0x2] =	stream.indirect.gather [hbm4b:s1+s12], $0x80, s8, s12, $0xb8;
	[tilespmem:$0x1CC00] =	vst v63  }
0x157: {  	_ =	swait.ge [sflag:s15], $0x4000  }
0x158: {  	[sflag:s15] =	ssyncset.done $0x0  }
0x159: {  	s9 =	rddreg [dreg:$0x9];
	[sflag:s15] =	ssyncadd.s32 $0xFFFFC000  }
0x15a: {  	[spmem:s3] =	stream.indirect.scatter.add.f32 [tilespmem:s13], [sflag:$0x3], $0x80, s9, s12, $0xb8;
	[tilespmem:$0x1CC00] =	vst v63  }
0x15b: {  	_ =	swait.ge [sflag:s10], $0x4000  }
0x15c: {  	[sflag:s10] =	ssyncset.done $0x0  }
0x15d: {  	s7 =	rddreg [dreg:$0xa];
	[sflag:s10] =	ssyncadd.s32 $0xFFFFC000  }
0x15e: {  	[tilespmem:s13], [sflag:$0x1] =	stream.indirect.gather [hbm4b:s1+s12], $0x80, s7, s12, $0xb8;
	[tilespmem:$0x1CC00] =	vst v63  }
0x15f: {  	_ =	swait.ge [sflag:s16], $0x4000  }
0x160: {  	[sflag:s16] =	ssyncset.done $0x0  }
0x161: {  	s8 =	rddreg [dreg:$0xb];
	[sflag:s16] =	ssyncadd.s32 $0xFFFFC000  }
0x162: {  	[spmem:s3] =	stream.indirect.scatter.add.f32 [tilespmem:s14], [sflag:$0x3], $0x80, s8, s12, $0xb8;
	[tilespmem:$0x1CC00] =	vst v63  }
0x163: {  	_ =	swait.ge [sflag:s10], $0x4000  }
0x164: {  	[sflag:s10] =	ssyncset.done $0x0  }
0x165: {  	s9 =	rddreg [dreg:$0xc];
	[sflag:s10] =	ssyncadd.s32 $0xFFFFC000  }
0x166: {  	[tilespmem:s14], [sflag:$0x2] =	stream.indirect.gather [hbm4b:s1+s12], $0x80, s9, s12, $0xb8;
	[tilespmem:$0x1CC00] =	vst v63  }
0x167: {  	_ =	swait.ge [sflag:s15], $0x4000  }
0x168: {  	[sflag:s15] =	ssyncset.done $0x0  }
0x169: {  	s7 =	rddreg [dreg:$0xd];
	[sflag:s15] =	ssyncadd.s32 $0xFFFFC000  }
0x16a: {  	[spmem:s3] =	stream.indirect.scatter.add.f32 [tilespmem:s13], [sflag:$0x3], $0x80, s7, s12, $0xb8;
	[tilespmem:$0x1CC00] =	vst v63  }
0x16b: {  	_ =	swait.ge [sflag:s10], $0x4000  }
0x16c: {  	[sflag:s10] =	ssyncset.done $0x0  }
0x16d: {  	s8 =	rddreg [dreg:$0xe];
	[sflag:s10] =	ssyncadd.s32 $0xFFFFC000  }
0x16e: {  	[tilespmem:s13], [sflag:$0x1] =	stream.indirect.gather [hbm4b:s1+s12], $0x80, s8, s12, $0xb8;
	[tilespmem:$0x1CC00] =	vst v63  }
0x16f: {  	_ =	swait.ge [sflag:s16], $0x4000  }
0x170: {  	[sflag:s16] =	ssyncset.done $0x0  }
0x171: {  	s9 =	rddreg [dreg:$0xf];
	[sflag:s16] =	ssyncadd.s32 $0xFFFFC000  }
0x172: {  	[spmem:s3] =	stream.indirect.scatter.add.f32 [tilespmem:s14], [sflag:$0x3], $0x80, s9, s12, $0xb8;
	[tilespmem:$0x1CC00] =	vst v63  }
0x173: {  	_ =	swait.ge [sflag:s10], $0x4000  }
0x174: {  	[sflag:s10] =	ssyncset.done $0x0  }
0x175: {  	s7 =	rddreg [dreg:$0x10];
	[sflag:s10] =	ssyncadd.s32 $0xFFFFC000  }
0x176: {  	[tilespmem:s14], [sflag:$0x2] =	stream.indirect.gather [hbm4b:s1+s12], $0x80, s7, s12, $0xb8;
	[tilespmem:$0x1CC00] =	vst v63  }
0x177: {  	_ =	swait.ge [sflag:s15], $0x4000  }
0x178: {  	[sflag:s15] =	ssyncset.done $0x0  }
0x179: {  	s8 =	rddreg [dreg:$0x11];
	[sflag:s15] =	ssyncadd.s32 $0xFFFFC000  }
0x17a: {  	[spmem:s3] =	stream.indirect.scatter.add.f32 [tilespmem:s13], [sflag:$0x3], $0x80, s8, s12, $0xb8;
	[tilespmem:$0x1CC00] =	vst v63  }
0x17b: {  	_ =	swait.ge [sflag:s10], $0x4000  }
0x17c: {  	[sflag:s10] =	ssyncset.done $0x0  }
0x17d: {  	[sflag:s10] =	ssyncadd.s32 $0xFFFFC000  }
0x17e: {  	[tilespmem:s13], [sflag:$0x1] =	stream.indirect.gather [hbm4b:s1+s12], $0x80, s17, s12, $0xb8;
	[tilespmem:$0x1CC00] =	vst v63  }
0x17f: {  	_ =	swait.ge [sflag:s16], $0x4000  }
0x180: {  	[sflag:s16] =	ssyncset.done $0x0  }
0x181: {  	[sflag:s16] =	ssyncadd.s32 $0xFFFFC000  }
0x182: {  	[spmem:s3] =	stream.indirect.scatter.add.f32 [tilespmem:s14], [sflag:$0x3], $0x80, s18, s12, $0xb8;
	[tilespmem:$0x1CC00] =	vst v63  }
0x183: {  	_ =	swait.ge [sflag:s10], $0x4000  }
0x184: {  	[sflag:s10] =	ssyncset.done $0x0  }
0x185: {  	[sflag:s10] =	ssyncadd.s32 $0xFFFFC000  }
0x186: {  	[tilespmem:s14], [sflag:$0x2] =	stream.indirect.gather [hbm4b:s1+s12], $0x80, s19, s12, $0xb8;
	[tilespmem:$0x1CC00] =	vst v63  }
0x187: {  	_ =	swait.ge [sflag:s15], $0x4000  }
0x188: {  	[sflag:s15] =	ssyncset.done $0x0  }
0x189: {  	[sflag:s15] =	ssyncadd.s32 $0xFFFFC000  }
0x18a: {  	[spmem:s3] =	stream.indirect.scatter.add.f32 [tilespmem:s13], [sflag:$0x3], $0x80, s20, s12, $0xb8;
	[tilespmem:$0x1CC00] =	vst v63  }
0x18b: {  	_ =	swait.ge [sflag:s10], $0x4000  }
0x18c: {  	[sflag:s10] =	ssyncset.done $0x0  }
0x18d: {  	[sflag:s10] =	ssyncadd.s32 $0xFFFFC000  }
0x18e: {  	[tilespmem:s13], [sflag:$0x1] =	stream.indirect.gather [hbm4b:s1+s12], $0x80, s21, s12, $0xb8;
	[tilespmem:$0x1CC00] =	vst v63  }
0x18f: {  	_ =	swait.ge [sflag:s16], $0x4000  }
0x190: {  	[sflag:s16] =	ssyncset.done $0x0  }
0x191: {  	[sflag:s16] =	ssyncadd.s32 $0xFFFFC000  }
0x192: {  	[spmem:s3] =	stream.indirect.scatter.add.f32 [tilespmem:s14], [sflag:$0x3], $0x80, s22, s12, $0xb8;
	[tilespmem:$0x1CC00] =	vst v63  }
0x193: {  	_ =	swait.ge [sflag:s10], $0x4000  }
0x194: {  	[sflag:s10] =	ssyncset.done $0x0  }
0x195: {  	[sflag:s10] =	ssyncadd.s32 $0xFFFFC000  }
0x196: {  	[tilespmem:s14], [sflag:$0x2] =	stream.indirect.gather [hbm4b:s1+s12], $0x80, s23, s12, $0xb8;
	[tilespmem:$0x1CC00] =	vst v63  }
0x197: {  	_ =	swait.ge [sflag:s15], $0x4000  }
0x198: {  	[sflag:s15] =	ssyncset.done $0x0  }
0x199: {  	[sflag:s15] =	ssyncadd.s32 $0xFFFFC000  }
0x19a: {  	[spmem:s3] =	stream.indirect.scatter.add.f32 [tilespmem:s13], [sflag:$0x3], $0x80, s24, s12, $0xb8;
	[tilespmem:$0x1CC00] =	vst v63  }
0x19b: {  	_ =	swait.ge [sflag:s10], $0x4000  }
0x19c: {  	[sflag:s10] =	ssyncset.done $0x0  }
0x19d: {  	[sflag:s10] =	ssyncadd.s32 $0xFFFFC000  }
0x19e: {  	[tilespmem:s13], [sflag:$0x1] =	stream.indirect.gather [hbm4b:s1+s12], $0x80, s25, s12, $0xb8;
	[tilespmem:$0x1CC00] =	vst v63  }
0x19f: {  	_ =	swait.ge [sflag:s16], $0x4000  }
0x1a0: {  	[sflag:s16] =	ssyncset.done $0x0  }
0x1a1: {  	[sflag:s16] =	ssyncadd.s32 $0xFFFFC000  }
0x1a2: {  	[spmem:s3] =	stream.indirect.scatter.add.f32 [tilespmem:s14], [sflag:$0x3], $0x80, s26, s12, $0xb8;
	[tilespmem:$0x1CC00] =	vst v63  }
0x1a3: {  	_ =	swait.ge [sflag:s10], $0x4000  }
0x1a4: {  	[sflag:s10] =	ssyncset.done $0x0  }
0x1a5: {  	[sflag:s10] =	ssyncadd.s32 $0xFFFFC000  }
0x1a6: {  	[tilespmem:s14], [sflag:$0x2] =	stream.indirect.gather [hbm4b:s1+s12], $0x80, s28, s12, $0xb8;
	[tilespmem:$0x1CC00] =	vst v63  }
0x1a7: {  	_ =	swait.ge [sflag:s15], $0x4000  }
0x1a8: {  	[sflag:s15] =	ssyncset.done $0x0  }
0x1a9: {  	[sflag:s15] =	ssyncadd.s32 $0xFFFFC000  }
0x1aa: {  	[spmem:s3] =	stream.indirect.scatter.add.f32 [tilespmem:s13], [sflag:$0x3], $0x80, s29, s12, $0xb8;
	[tilespmem:$0x1CC00] =	vst v63  }
0x1ab: {  	_ =	swait.ge [sflag:s10], $0x4000  }
0x1ac: {  	[sflag:s10] =	ssyncset.done $0x0  }
0x1ad: {  	[sflag:s10] =	ssyncadd.s32 $0xFFFFC000  }
0x1ae: {  	[tilespmem:s13], [sflag:$0x1] =	stream.indirect.gather [hbm4b:s1+s12], $0x80, s30, s12, $0xb8;
	[tilespmem:$0x1CC00] =	vst v63  }
0x1af: {  	_ =	swait.ge [sflag:s16], $0x4000  }
0x1b0: {  	[sflag:s16] =	ssyncset.done $0x0  }
0x1b1: {  	[sflag:s16] =	ssyncadd.s32 $0xFFFFC000  }
0x1b2: {  	[spmem:s3] =	stream.indirect.scatter.add.f32 [tilespmem:s14], [sflag:$0x3], $0x80, s31, s12, $0xb8;
	[tilespmem:$0x1CC00] =	vst v63  }
0x1b3: {  	_ =	swait.ge [sflag:s10], $0x4000  }
0x1b4: {  	[sflag:s10] =	ssyncset.done $0x0  }
0x1b5: {  	[sflag:s10] =	ssyncadd.s32 $0xFFFFC000  }
0x1b6: {  	[tilespmem:s14], [sflag:$0x2] =	stream.indirect.gather [hbm4b:s1+s12], $0x80, s2, s12, $0xb8;
	[tilespmem:$0x1CC00] =	vst v63  }
0x1b7: {  	_ =	swait.ge [sflag:s15], $0x4000  }
0x1b8: {  	[sflag:s15] =	ssyncset.done $0x0  }
0x1b9: {  	[sflag:s15] =	ssyncadd.s32 $0xFFFFC000  }
0x1ba: {  	[spmem:s3] =	stream.indirect.scatter.add.f32 [tilespmem:s13], [sflag:$0x3], $0x80, s0, s12, $0xb8;
	[tilespmem:$0x1CC00] =	vst v63  }
0x1bb: {  	_ =	swait.ge [sflag:s10], $0x4000  }
0x1bc: {  	[sflag:s10] =	ssyncset.done $0x0  }
0x1bd: {  	[sflag:s10] =	ssyncadd.s32 $0xFFFFC000  }
0x1be: {  	_ =	swait.ge [sflag:s16], $0x4000  }
0x1bf: {  	[sflag:s16] =	ssyncset.done $0x0  }
0x1c0: {  	[sflag:s16] =	ssyncadd.s32 $0xFFFFC000  }
0x1c1: {  	[spmem:s3] =	stream.indirect.scatter.add.f32 [tilespmem:s14], [sflag:$0x3], $0x80, s5, s12, $0xb8;
	[tilespmem:$0x1CC00] =	vst v63  }
0x1c2: {  	_ =	swait.ge [sflag:s10], $0x4000  }
0x1c3: {  	[sflag:s10] =	ssyncset.done $0x0  }
0x1c4: {  	[sflag:s10] =	ssyncadd.s32 $0xFFFFC000  }
0x1c5: {  	[bflag:$0x0] =	sbarrier.arrive $0xFFFF  }
0x1c6: {  	s7 =	rddreg [dreg:$0x13]  }
0x1c7: {  	s9 =	rddreg [dreg:$0x14]  }
0x1c8: {  	s8 =	rddreg [dreg:$0x16]  }
0x1c9: {  	[hbm:s9], [sflag:s7] =	dma.local [spmem:s8], $0x2780  }
0x1ca: {  	_ =	swait.ge [sflag:s10], $0x2780  }
0x1cb: {  	s6 =	rddreg [dreg:$0x17]  }
0x1cc: {  	s9 =	sadd.s32 $0x1, s6;
	s6 =	rddreg [dreg:$0x15]  }
0x1cd: {  	p0 =	sne.s32 s9, s6  }
.Ltmp1:
0x1ce: {  	_ = 	snop;
	(pc) =	sbr.rel @p0 .LBB2_1-.Ltmp1, $3  }
0x1cf: {  	_ =	sdelay $0x1  }
0x1d0: {  	[sflag:s10] =	ssyncset.done $0x0  }
0x1d1: {  	[sflag:s10] =	ssyncadd.s32 $0xFFFFD880  }
0x1d2: {  	_ =	sfence.sel $0x180000  }
0x1d3: {  	[bflag:$0x0] =	sbarrier.arrive $0xFFFF  }
0x1d4: {  	_ =	strace $0x9000004A  }
0x1d5: {  	s0 =	stileid.u32;
	[bflag:$0x2] =	sbarrier.arrive $0xFFFF  }
0x1d6: {  	p0 =	sne.s32 s0, $0x0;
	s0 =	rddreg [dreg:$0x3]  }
0x1d7: {  	s0 =	sadd.s32 @!p0 $0x100000, s0  }
0x1d8: {  	[sflag:s0] =	ssyncadd.tile.s32 @!p0 $0x1;
	_ =	shalt  }
.Lfunc_end2:
_tile_overlayer_lowered:
.L_overlay_start_2:
0x1d9: {  	(tag) =	ssettag $0x2  }
0x1da: {  	s0 =	rddreg [dreg:$0x0];
	s2 =	stileid.u32  }
0x1db: {  	s1 =	rddreg [dreg:$0x1];
	p0 =	sne.s32 s2, $0x0  }
0x1dc: {  	s3 =	rddreg [dreg:$0x2];
	[bflag:$0x3] =	sbarrier.arrive $0xFFFF;
	s2 =	simm.s32 @!p0 $0x1C03  }
0x1dd: {  	[timem:s3], [sflag:s2] =	dma.local @!p0 [hbm:s0], s1  }
0x1de: {  	s0 =	simm.s32 @!p0 $0x3  }
0x1df: {  	_ =	swait.ge @!p0 [sflag:s0], s1  }
0x1e0: {  	s1 =	ssub.s32 @!p0 $0x0, s1;
	[sflag:s0] =	ssyncset.done @!p0 $0x0  }
0x1e1: {  	[sflag:s0] =	ssyncadd.s32 @!p0 s1  }
0x1e2: {  	[bflag:$0x3] =	sbarrier.arrive $0xFFFF  }
0x1e3: {  	_ =	shalt  }

// kernel: kernel.15.cloned.1.call-start
scs
__scs_entry_jumppad:
0x0: {  	(pc) =	sbr.rel $0x88, $3  }
0x1: {  	(tag) =	ssettag $0x0;
	lr =	simm.s32 $0x1  }
0x2: {  	[smem:$0x3F9B] =	sst lr;
	_ =	strace $0xD0000000  }
0x3: {  	_ = 	snop  }
0x4: {  	_ = 	snop  }
0x5: {  	_ = 	snop  }
0x6: {  	_ = 	snop  }
0x7: {  	_ = 	snop  }
__scs_overlays_trampoline_lowered:
0x8: {  	[smem:$0x3FAA] =	sst s0  }
0x9: {  	[smem:$0x3FAB] =	sst s1  }
0xa: {  	[smem:$0x3FAC] =	sst s2  }
0xb: {  	[smem:$0x3FAD] =	sst s3  }
0xc: {  	[smem:$0x3FAE] =	sst s4  }
0xd: {  	[smem:$0x3FAF] =	sst s5  }
0xe: {  	[smem:$0x3FB0] =	sst s6  }
0xf: {  	[smem:$0x3FB1] =	sst s7  }
0x10: {  	[smem:$0x3FB2] =	sst s8  }
0x11: {  	[smem:$0x3FB3] =	sst s9;
	s0 =	simm.s32 @!p0 $0x0  }
0x12: {  	s1 =	sld [smem:$0x3F99];
	s0 =	simm.s32 @p0 $0x1  }
0x13: {  	[smem:$0x3FB4] =	sst s0;
	s0 =	simm.s32 @!p1 $0x0  }
0x14: {  	s2 =	sld [smem:$0x3F98];
	s0 =	simm.s32 @p1 $0x1  }
0x15: {  	[smem:$0x3FB5] =	sst s0;
	s0 =	simm.s32 @!p2 $0x0  }
0x16: {  	s3 =	sld [smem:$0x3FDB];
	s0 =	simm.s32 @p2 $0x1  }
0x17: {  	s4 =	simm.s32 $0x1BF5;
	[smem:$0x3FB7] =	sst s0  }
0x18: {  	s0 =	sld [smem:$0x3F9A];
	_ =	swait.ge [sflag:s4], $0x0  }
0x19: {  	s7 =	sld [smem:$0x3F9B]  }
0x1a: {  	s8 =	sadd.s32 $0xFFFFE003, lr  }
0x1b: {  	s9 =	sadd.s32 $0xFFFFFEF7, lr;
	s5 =	simm.s32 $0xFFFFFFFF;
	p2 =	slt.u32 s8, $0xFFFFF086  }
0x1c: {  	p1 =	slt.u32 s9, $0xF7A;
	s5 =	simm.s32 @!p2 $0x0  }
0x1d: {  	s5 =	simm.s32 @p1 $0x1;
	p0 =	seq.s32 s7, s2  }
0x1e: {  	s7 =	smul.u32 @!p0 $0xF7A, s2;
	p2 =	seq.s32 @!p0 s5, $0x0  }
0x1f: {  	s9 =	smul.u32 $0xF7A, s1;
	s8 =	simm.s32 @!p0 $0x1BF5;
	p2 =	por !p2, p0  }
0x20: {  	[sflag:s8] =	ssyncset.s32 @!p0 $0xFFFFF086;
	s6 =	sadd.s32 @!p0 s3, s7;
	s7 =	simm.s32 @!p0 $0x108  }
0x21: {  	s3 =	sadd.s32 s3, s9;
	s6 =	sadd.s32 @!p0 $0x88, s6;
	s7 =	simm.s32 @p2 $0x1082  }
0x22: {  	[simem:s7], [sflag:s8] =	dma.local @!p0 [hbm:s6], $0xF7A  }
0x23: {  	s9 =	sor.u32 $0xD0000000, s2;
	s6 =	simm.s32 $0x108;
	_ =	swait.ge @!p0 [sflag:s8], $0x0  }
0x24: {  	s3 =	sadd.s32 $0x88, s3;
	s6 =	simm.s32 @!p1 $0x1082;
	[sflag:s4] =	ssyncset.s32 $0xFFFFF086  }
0x25: {  	[simem:s6], [sflag:s4] =	dma.local [hbm:s3], $0xF7A  }
0x26: {  	[smem:$0x3F9B] =	sst s1;
	(tag) =	ssettag s2;
	_ =	strace s9  }
0x27: {  	s1 =	sld [smem:$0x3FAB]  }
0x28: {  	s2 =	sld [smem:$0x3FAC]  }
0x29: {  	s4 =	sld [smem:$0x3FAE]  }
0x2a: {  	p0 =	seq.s32 s5, $0x0;
	s5 =	sld [smem:$0x3FAF]  }
0x2b: {  	s6 =	sld [smem:$0x3FB0]  }
0x2c: {  	s7 =	sld [smem:$0x3FB1]  }
0x2d: {  	s3 =	simm.s32 $0x108;
	s8 =	sld [smem:$0x3FB2]  }
0x2e: {  	s3 =	simm.s32 @!p0 $0x1082;
	s9 =	sld [smem:$0x3FB3]  }
0x2f: {  	lr =	sadd.s32 s0, s3;
	s0 =	sld [smem:$0x3FAA]  }
0x30: {  	s3 =	sld [smem:$0x3FAD]  }
0x31: {  	[smem:$0x3FB6] =	sst s10  }
0x32: {  	s10 =	sld [smem:$0x3FB4];
	_ =	sdelay $0x3  }
0x33: {  	p0 =	seq.s32 s10, $0x1;
	s10 =	sld [smem:$0x3FB6];
	_ =	sdelay $0x3  }
0x34: {  	[smem:$0x3FB6] =	sst s10  }
0x35: {  	s10 =	sld [smem:$0x3FB5];
	_ =	sdelay $0x3  }
0x36: {  	p1 =	seq.s32 s10, $0x1;
	s10 =	sld [smem:$0x3FB6];
	_ =	sdelay $0x3  }
0x37: {  	[smem:$0x3FB6] =	sst s10  }
0x38: {  	s10 =	sld [smem:$0x3FB7]  }
0x39: {  	_ = 	snop;
	(pc) =	sbr.ind lr, $3  }
0x3a: {  	_ = 	snop  }
0x3b: {  	_ = 	snop  }
0x3c: {  	p2 =	seq.s32 s10, $0x1;
	s10 =	sld [smem:$0x3FB6]  }
0x3d: {  	_ =	shalt  }
0x3e: {  	_ =	shalt  }
0x3f: {  	_ =	shalt  }
0x40: {  	_ =	shalt  }
0x41: {  	_ =	shalt  }
0x42: {  	_ =	shalt  }
0x43: {  	_ =	shalt  }
0x44: {  	_ =	shalt  }
0x45: {  	_ =	shalt  }
0x46: {  	_ =	shalt  }
0x47: {  	_ =	shalt  }
0x48: {  	_ =	shalt  }
0x49: {  	_ =	shalt  }
0x4a: {  	_ =	shalt  }
0x4b: {  	_ =	shalt  }
0x4c: {  	_ =	shalt  }
0x4d: {  	_ =	shalt  }
0x4e: {  	_ =	shalt  }
0x4f: {  	_ =	shalt  }
0x50: {  	_ =	shalt  }
0x51: {  	_ =	shalt  }
0x52: {  	_ =	shalt  }
0x53: {  	_ =	shalt  }
0x54: {  	_ =	shalt  }
0x55: {  	_ =	shalt  }
0x56: {  	_ =	shalt  }
0x57: {  	_ =	shalt  }
0x58: {  	_ =	shalt  }
0x59: {  	_ =	shalt  }
0x5a: {  	_ =	shalt  }
0x5b: {  	_ =	shalt  }
0x5c: {  	_ =	shalt  }
0x5d: {  	_ =	shalt  }
0x5e: {  	_ =	shalt  }
0x5f: {  	_ =	shalt  }
0x60: {  	_ =	shalt  }
0x61: {  	_ =	shalt  }
0x62: {  	_ =	shalt  }
0x63: {  	_ =	shalt  }
0x64: {  	_ =	shalt  }
0x65: {  	_ =	shalt  }
0x66: {  	_ =	shalt  }
0x67: {  	_ =	shalt  }
0x68: {  	_ =	shalt  }
0x69: {  	_ =	shalt  }
0x6a: {  	_ =	shalt  }
0x6b: {  	_ =	shalt  }
0x6c: {  	_ =	shalt  }
0x6d: {  	_ =	shalt  }
0x6e: {  	_ =	shalt  }
0x6f: {  	_ =	shalt  }
0x70: {  	_ =	shalt  }
0x71: {  	_ =	shalt  }
0x72: {  	_ =	shalt  }
0x73: {  	_ =	shalt  }
0x74: {  	_ =	shalt  }
0x75: {  	_ =	shalt  }
0x76: {  	_ =	shalt  }
0x77: {  	_ =	shalt  }
0x78: {  	_ =	shalt  }
0x79: {  	_ =	shalt  }
0x7a: {  	_ =	shalt  }
0x7b: {  	_ =	shalt  }
0x7c: {  	_ =	shalt  }
0x7d: {  	_ =	shalt  }
0x7e: {  	_ =	shalt  }
0x7f: {  	_ =	shalt  }
0x80: {  	_ =	shalt  }
0x81: {  	_ =	shalt  }
0x82: {  	_ =	shalt  }
0x83: {  	_ =	shalt  }
0x84: {  	_ =	shalt  }
0x85: {  	_ =	shalt  }
0x86: {  	_ =	shalt  }
0x87: {  	_ =	shalt  }
.Lfunc_end0:
.L_simem_size_0:
called_computation.2_lowered:
.L_overlay_start_0:
0x88: {  	s2 =	sld [smem:$0x3FD9]  }
0x89: {  	s3 =	sld [smem:$0x3FFE];
	_ =	sdelay $0x1  }
0x8a: {  	s1 =	srdreg.scid  }
0x8b: {  	s0 =	sand.u32 $0x1, s1  }
0x8c: {  	s17 =	sshll.u32 s0, $0xA;
	s2 =	sadd.s32 s3, s2  }
0x8d: {  	s2 =	sadd.s32 s2, s17  }
0x8e: {  	[smem:$0x3FC2] =	sst s2  }
0x8f: {  	_ = 	snop  }
0x90: {  	s2 =	sld [smem:$0x3FD0];
	(tm) =	ssettm $0x1  }
0x91: {  	s18 =	sld [smem:$0x3FFB];
	_ =	sdelay $0x3  }
0x92: {  	_ =	strace s18  }
0x93: {  	s3 =	sld [smem:$0x3FFC];
	_ =	sdelay $0x3  }
0x94: {  	_ =	strace s3  }
0x95: {  	s3 =	sld [smem:$0x3FFD];
	_ =	sdelay $0x3  }
0x96: {  	_ =	strace s3  }
0x97: {  	_ =	strace $0x8FFFFFFF  }
0x98: {  	s19 =	sld [smem:$0x3FDB];
	_ =	sdelay $0x1  }
0x99: {  	s4 =	simm.s32 $_scs_section_size  }
0x9a: {  	s5 =	simm.s32 $_size__tile_overlayer_lowered;
	s6 =	simm.s32 $_tile_overlayer_lowered  }
0x9b: {  	s22 =	simm.s32 $0x1BFF;
	s21 =	sshll.u32 s6, $0x1;
	s3 =	sadd.s32 s4, s19  }
0x9c: {  	s7 =	simm.s32 $0x0;
	s20 =	sshll.u32 s5, $0x1;
	s5 =	sadd.s32 s21, s3  }
0x9d: {  	[timem:s7], [sflag:s22] =	dma.local [hbm:s5], s20  }
0x9e: {  	_ =	swait.ge [sflag:s22], s20  }
0x9f: {  	s4 =	ssub.s32 $0x0, s20;
	[sflag:s22] =	ssyncset.done $0x0  }
0xa0: {  	[sflag:s22] =	ssyncadd.s32 s4;
	_ =	sdelay $0x1  }
0xa1: {  	s23 =	simm.s32 $0x1B8B  }
0xa2: {  	_ =	swait.ge [sflag:s23], $0x1  }
0xa3: {  	[sflag:s23] =	ssyncset.done $0x0  }
0xa4: {  	s25 =	simm.s32 $0x1B8E;
	s24 =	sld [smem:$0x3FFE];
	[sflag:s23] =	ssyncadd.s32 $0xFFFFFFFF  }
0xa5: {  	s26 =	simm.s32 $execute0_lowered;
	[smem:$0x3FD2] =	sst s25  }
0xa6: {  	s5 =	sshll.u32 s26, $0x1;
	_ =	strace $0x8000004C;
	[dreg:$0x1] =	wrdreg $0xFFFFFFFF  }
0xa7: {  	s28 =	simm.s32 $_size_execute0_lowered;
	s3 =	sadd.s32 s3, s5;
	[dreg:$0x0] =	wrdreg $0x0  }
0xa8: {  	s5 =	sshll.u32 s28, $0x1;
	[dreg:$0x2] =	wrdreg s3  }
0xa9: {  	[dreg:$0x3] =	wrdreg s5  }
0xaa: {  	[dreg:$0x4] =	wrdreg $0xC0  }
0xab: {  	_ =	task [dreg:s7], $0x5FFFF  }
0xac: {  	[dreg:$0x1] =	wrdreg $0xFFFFFFFF  }
0xad: {  	[dreg:$0x0] =	wrdreg $0x60  }
0xae: {  	[dreg:$0x2] =	wrdreg s2  }
0xaf: {  	[dreg:$0x3] =	wrdreg s24  }
0xb0: {  	[dreg:$0x4] =	wrdreg $0x90000  }
0xb1: {  	[dreg:$0x5] =	wrdreg $0x9  }
0xb2: {  	_ =	task.clear_ibuf [dreg:s7], $0x6FFFF;
	_ =	strace $0x9000004C  }
0xb3: {  	s29 =	simm.s32 $0x9;
	_ =	strace $0x8000004E  }
0xb4: {  	_ =	swait.ge [sflag:s29], $0x1  }
0xb5: {  	[sflag:s29] =	ssyncadd.s32 $0xFFFFFFFF  }
0xb6: {  	_ =	strace $0x9000004E  }
0xb7: {  	_ =	sfence  }
0xb8: {  	s30 =	sld [smem:$0x0];
	_ =	sdelay $0x2  }
0xb9: {  	s31 =	sshll.u32 s1, $0xD;
	s1 =	sshrl.u32 s1, $0x2  }
0xba: {  	s3 =	sand.u32 $0x4000, s31;
	s1 =	sadd.s32 s1, s30  }
0xbb: {  	s0 =	sor.u32 s3, s0;
	s1 =	sshll.u32 s1, $0x11  }
0xbc: {  	s0 =	sor.u32 s1, s0  }
0xbd: {  	s0 =	sadd.s32 $0x8F2B, s0  }
0xbe: {  	[sflag:s0] =	ssyncadd.remote.s32 $0x1  }
0xbf: {  	_ =	sfence.sel $0xFFFF  }
0xc0: {  	[dreg:$0x0] =	wrdreg $0xFFFFFFFF;
	(pc) =	sbr.abs _section_cstart, $3  }
0xc1: {  	[dreg:$0x1] =	wrdreg $0xFFFFFFFF  }
0xc2: {  	_ =	task.clear_ibuf [dreg:s7], $0x2FFFF;
	_ =	strace $0x9FFFFFFF  }
0xc3: {  	(tm) =	ssettm $0x7FFFFFFF  }
tec
execute0_lowered:
.L_overlay_start_1:
0x0: {  	(tag) =	ssettag $0x1  }
0x1: {  	s1 =	rddreg [dreg:$0x0]  }
0x2: {  	s0 =	rddreg [dreg:$0x1];
	s10 =	stileid.u32  }
0x3: {  	s2 =	srdreg.scid;
	s3 =	rddreg [dreg:$0x2]  }
0x4: {  	s4 =	simm.s32 $0x0;
	s13 =	simm.s32 $0x100;
	s15 =	simm.s32 $0x880  }
0x5: {  	s17 =	simm.s32 $0x180;
	s18 =	simm.s32 $0x900;
	s19 =	simm.s32 $0x200  }
0x6: {  	s20 =	simm.s32 $0x980;
	s21 =	simm.s32 $0x280;
	[smem:$0x7FF] =	sst s4  }
0x7: {  	s22 =	simm.s32 $0xA00;
	_ =	strace $0x8000004D;
	[dreg:$0x6] =	wrdreg s13  }
0x8: {  	s23 =	simm.s32 $0x300;
	s24 =	simm.s32 $0xA80;
	[dreg:$0x7] =	wrdreg s15  }
0x9: {  	s28 =	simm.s32 $0x680;
	s29 =	simm.s32 $0xE00;
	[dreg:$0x8] =	wrdreg s17  }
0xa: {  	s30 =	simm.s32 $0x700;
	s5 =	smul.u32 $0x2800, s10;
	[dreg:$0x9] =	wrdreg s18  }
0xb: {  	s31 =	simm.s32 $0xE80;
	s25 =	smul.u32 $0x13C00, s10;
	[dreg:$0xa] =	wrdreg s19  }
0xc: {  	s2 =	sand.u32 $0x1, s2;
	s9 =	smul.u32 $0x4F000, s10;
	[dreg:$0xb] =	wrdreg s20  }
0xd: {  	s16 =	sshll.u32 s10, $0x6;
	s10 =	simm.s32 $0x3;
	[dreg:$0xc] =	wrdreg s21  }
0xe: {  	p0 =	seq.s32 s2, $0x0;
	s7 =	smul.u32 $0x13C000, s2;
	[dreg:$0xd] =	wrdreg s22  }
0xf: {  	s2 =	ssub.s32 $0x2, s2;
	[dreg:$0xe] =	wrdreg s23;
	s13 =	simm.s32 $0x1000  }
0x10: {  	[dreg:$0xf] =	wrdreg s24;
	s15 =	simm.s32 $0x1;
	s17 =	simm.s32 $0x400  }
0x11: {  	s18 =	simm.s32 $0xB80;
	s19 =	simm.s32 $0x480;
	s20 =	simm.s32 $0xC00  }
0x12: {  	s21 =	simm.s32 $0x500;
	s22 =	simm.s32 $0xC80;
	s23 =	simm.s32 $0x580  }
0x13: {  	s24 =	simm.s32 $0xD00;
	s6 =	sadd.s32 $0x28000, s5;
	s8 =	sshrl.u32 s25, $0x3  }
0x14: {  	s26 =	sshrl.u32 s2, $0x1;
	s9 =	sshrl.u32 s9, $0x2;
	s6 =	smov.u32 @p0 s5  }
0x15: {  	s8 =	sadd.s32 s8, s0;
	s5 =	sadd.s32 s25, s7;
	s2 =	ssub.s32 s2, s26  }
0x16: {  	s12 =	sadd.s32 s9, s3;
	s25 =	simm.s32 $0x380;
	s26 =	simm.s32 $0xB00  }
0x17: {  	s9 =	simm.s32 $0x0;
	s6 =	sshrl.u32 s6, $0x3;
	s5 =	sshrl.u32 s5, $0x3  }
0x18: {  	s14 =	sadd.s32 $0x16800, s8;
	s2 =	smax.u32 s2, $0x1;
	[dreg:$0x10] =	wrdreg s25  }
0x19: {  	s8 =	sshrl.u32 s12, $0x3;
	s12 =	simm.s32 $0x80;
	[dreg:$0x11] =	wrdreg s26  }
0x1a: {  	s25 =	simm.s32 $0x600;
	s26 =	simm.s32 $0xD80;
	[dreg:$0x12] =	wrdreg s14  }
0x1b: {  	s6 =	sadd.s32 s6, s0;
	s0 =	sadd.s32 s5, s0;
	[dreg:$0x15] =	wrdreg s2  }
0x1c: {  	s14 =	simm.s32 $0x5000;
	[dreg:$0x16] =	wrdreg s8;
	s7 =	sadd.s32 $0x2800, s6  }
0x1d: {  	s2 =	simm.s32 $0x780;
	s11 =	sadd.s32 $0xC800, s6;
	[dreg:$0x4] =	wrdreg s7  }
0x1e: {  	s5 =	simm.s32 $0xF80;
	s0 =	sadd.s32 $0x3E000, s0;
	[dreg:$0x5] =	wrdreg s11  }
0x1f: {  	s7 =	sor.u32 $0x1C03, s16;
	[dreg:$0x14] =	wrdreg s0;
	s11 =	simm.s32 $0x800  }
0x20: {  	s16 =	simm.s32 $0x2;
	s0 =	simm.s32 $0xF00;
	[dreg:$0x13] =	wrdreg s7  }
.LBB2_1:
0x21: {  	[dreg:$0x17] =	wrdreg s9  }
0x22: {  	s6 =	rddreg [dreg:$0x12]  }
0x23: {  	[spmem:s8], [sflag:s7] =	dma.local [hbm:s6], $0x2780  }
0x24: {  	_ =	swait.ge [sflag:s10], $0x2780  }
0x25: {  	[sflag:s10] =	ssyncset.done $0x0  }
0x26: {  	[sflag:s10] =	ssyncadd.s32 $0xFFFFD880  }
0x27: {  	[bflag:$0x0] =	sbarrier.arrive $0xFFFF  }
0x28: {  	s8 =	rddreg [dreg:$0x5]  }
0x29: {  	s6 =	sadd.s32 $0x0, s8  }
0x2a: {  	[tilespmem:s4], [sflag:$0x3] =	stream.linear.gather [hbm4b:s6+s4], $0x800, $0x38;
	[tilespmem:$0x1CC00] =	vst v63  }
0x2b: {  	_ =	swait.ge [sflag:s10], $0x800  }
0x2c: {  	s9 =	rddreg [dreg:$0x4];
	[sflag:s10] =	ssyncset.done $0x0  }
0x2d: {  	[sflag:s10] =	ssyncadd.s32 $0xFFFFF800;
	s6 =	sadd.s32 $0x0, s9  }
0x2e: {  	[tilespmem:s11], [sflag:$0x3] =	stream.linear.gather [hbm4b:s6+s4], $0x800, $0x38;
	[tilespmem:$0x1CC00] =	vst v63  }
0x2f: {  	_ =	swait.ge [sflag:s10], $0x800  }
0x30: {  	[sflag:s10] =	ssyncset.done $0x0  }
0x31: {  	[sflag:s10] =	ssyncadd.s32 $0xFFFFF800  }
0x32: {  	[tilespmem:s13], [sflag:$0x1] =	stream.indirect.gather [hbm4b:s1+s12], $0x80, s4, s12, $0xb8;
	[tilespmem:$0x1CC00] =	vst v63  }
0x33: {  	_ = 	snop  }
0x34: {  	[tilespmem:s14], [sflag:$0x2] =	stream.indirect.gather [hbm4b:s1+s12], $0x80, s12, s12, $0xb8;
	[tilespmem:$0x1CC00] =	vst v63  }
0x35: {  	_ =	swait.ge [sflag:s15], $0x4000  }
0x36: {  	[sflag:s15] =	ssyncset.done $0x0  }
0x37: {  	[sflag:s15] =	ssyncadd.s32 $0xFFFFC000  }
0x38: {  	[spmem:s3] =	stream.indirect.scatter.add.f32 [tilespmem:s13], [sflag:$0x3], $0x80, s11, s12, $0xb8;
	[tilespmem:$0x1CC00] =	vst v63  }
0x39: {  	_ =	swait.ge [sflag:s10], $0x4000  }
0x3a: {  	[sflag:s10] =	ssyncset.done $0x0  }
0x3b: {  	s7 =	rddreg [dreg:$0x6];
	[sflag:s10] =	ssyncadd.s32 $0xFFFFC000  }
0x3c: {  	[tilespmem:s13], [sflag:$0x1] =	stream.indirect.gather [hbm4b:s1+s12], $0x80, s7, s12, $0xb8;
	[tilespmem:$0x1CC00] =	vst v63  }
0x3d: {  	_ =	swait.ge [sflag:s16], $0x4000  }
0x3e: {  	[sflag:s16] =	ssyncset.done $0x0  }
0x3f: {  	s8 =	rddreg [dreg:$0x7];
	[sflag:s16] =	ssyncadd.s32 $0xFFFFC000  }
0x40: {  	[spmem:s3] =	stream.indirect.scatter.add.f32 [tilespmem:s14], [sflag:$0x3], $0x80, s8, s12, $0xb8;
	[tilespmem:$0x1CC00] =	vst v63  }
0x41: {  	_ =	swait.ge [sflag:s10], $0x4000  }
0x42: {  	[sflag:s10] =	ssyncset.done $0x0  }
0x43: {  	s9 =	rddreg [dreg:$0x8];
	[sflag:s10] =	ssyncadd.s32 $0xFFFFC000  }
0x44: {  	[tilespmem:s14], [sflag:$0x2] =	stream.indirect.gather [hbm4b:s1+s12], $0x80, s9, s12, $0xb8;
	[tilespmem:$0x1CC00] =	vst v63  }
0x45: {  	_ =	swait.ge [sflag:s15], $0x4000  }
0x46: {  	[sflag:s15] =	ssyncset.done $0x0  }
0x47: {  	s7 =	rddreg [dreg:$0x9];
	[sflag:s15] =	ssyncadd.s32 $0xFFFFC000  }
0x48: {  	[spmem:s3] =	stream.indirect.scatter.add.f32 [tilespmem:s13], [sflag:$0x3], $0x80, s7, s12, $0xb8;
	[tilespmem:$0x1CC00] =	vst v63  }
0x49: {  	_ =	swait.ge [sflag:s10], $0x4000  }
0x4a: {  	[sflag:s10] =	ssyncset.done $0x0  }
0x4b: {  	s8 =	rddreg [dreg:$0xa];
	[sflag:s10] =	ssyncadd.s32 $0xFFFFC000  }
0x4c: {  	[tilespmem:s13], [sflag:$0x1] =	stream.indirect.gather [hbm4b:s1+s12], $0x80, s8, s12, $0xb8;
	[tilespmem:$0x1CC00] =	vst v63  }
0x4d: {  	_ =	swait.ge [sflag:s16], $0x4000  }
0x4e: {  	[sflag:s16] =	ssyncset.done $0x0  }
0x4f: {  	s9 =	rddreg [dreg:$0xb];
	[sflag:s16] =	ssyncadd.s32 $0xFFFFC000  }
0x50: {  	[spmem:s3] =	stream.indirect.scatter.add.f32 [tilespmem:s14], [sflag:$0x3], $0x80, s9, s12, $0xb8;
	[tilespmem:$0x1CC00] =	vst v63  }
0x51: {  	_ =	swait.ge [sflag:s10], $0x4000  }
0x52: {  	[sflag:s10] =	ssyncset.done $0x0  }
0x53: {  	s7 =	rddreg [dreg:$0xc];
	[sflag:s10] =	ssyncadd.s32 $0xFFFFC000  }
0x54: {  	[tilespmem:s14], [sflag:$0x2] =	stream.indirect.gather [hbm4b:s1+s12], $0x80, s7, s12, $0xb8;
	[tilespmem:$0x1CC00] =	vst v63  }
0x55: {  	_ =	swait.ge [sflag:s15], $0x4000  }
0x56: {  	[sflag:s15] =	ssyncset.done $0x0  }
0x57: {  	s8 =	rddreg [dreg:$0xd];
	[sflag:s15] =	ssyncadd.s32 $0xFFFFC000  }
0x58: {  	[spmem:s3] =	stream.indirect.scatter.add.f32 [tilespmem:s13], [sflag:$0x3], $0x80, s8, s12, $0xb8;
	[tilespmem:$0x1CC00] =	vst v63  }
0x59: {  	_ =	swait.ge [sflag:s10], $0x4000  }
0x5a: {  	[sflag:s10] =	ssyncset.done $0x0  }
0x5b: {  	s9 =	rddreg [dreg:$0xe];
	[sflag:s10] =	ssyncadd.s32 $0xFFFFC000  }
0x5c: {  	[tilespmem:s13], [sflag:$0x1] =	stream.indirect.gather [hbm4b:s1+s12], $0x80, s9, s12, $0xb8;
	[tilespmem:$0x1CC00] =	vst v63  }
0x5d: {  	_ =	swait.ge [sflag:s16], $0x4000  }
0x5e: {  	[sflag:s16] =	ssyncset.done $0x0  }
0x5f: {  	s7 =	rddreg [dreg:$0xf];
	[sflag:s16] =	ssyncadd.s32 $0xFFFFC000  }
0x60: {  	[spmem:s3] =	stream.indirect.scatter.add.f32 [tilespmem:s14], [sflag:$0x3], $0x80, s7, s12, $0xb8;
	[tilespmem:$0x1CC00] =	vst v63  }
0x61: {  	_ =	swait.ge [sflag:s10], $0x4000  }
0x62: {  	[sflag:s10] =	ssyncset.done $0x0  }
0x63: {  	s8 =	rddreg [dreg:$0x10];
	[sflag:s10] =	ssyncadd.s32 $0xFFFFC000  }
0x64: {  	[tilespmem:s14], [sflag:$0x2] =	stream.indirect.gather [hbm4b:s1+s12], $0x80, s8, s12, $0xb8;
	[tilespmem:$0x1CC00] =	vst v63  }
0x65: {  	_ =	swait.ge [sflag:s15], $0x4000  }
0x66: {  	[sflag:s15] =	ssyncset.done $0x0  }
0x67: {  	s9 =	rddreg [dreg:$0x11];
	[sflag:s15] =	ssyncadd.s32 $0xFFFFC000  }
0x68: {  	[spmem:s3] =	stream.indirect.scatter.add.f32 [tilespmem:s13], [sflag:$0x3], $0x80, s9, s12, $0xb8;
	[tilespmem:$0x1CC00] =	vst v63  }
0x69: {  	_ =	swait.ge [sflag:s10], $0x4000  }
0x6a: {  	[sflag:s10] =	ssyncset.done $0x0  }
0x6b: {  	[sflag:s10] =	ssyncadd.s32 $0xFFFFC000  }
0x6c: {  	[tilespmem:s13], [sflag:$0x1] =	stream.indirect.gather [hbm4b:s1+s12], $0x80, s17, s12, $0xb8;
	[tilespmem:$0x1CC00] =	vst v63  }
0x6d: {  	_ =	swait.ge [sflag:s16], $0x4000  }
0x6e: {  	[sflag:s16] =	ssyncset.done $0x0  }
0x6f: {  	[sflag:s16] =	ssyncadd.s32 $0xFFFFC000  }
0x70: {  	[spmem:s3] =	stream.indirect.scatter.add.f32 [tilespmem:s14], [sflag:$0x3], $0x80, s18, s12, $0xb8;
	[tilespmem:$0x1CC00] =	vst v63  }
0x71: {  	_ =	swait.ge [sflag:s10], $0x4000  }
0x72: {  	[sflag:s10] =	ssyncset.done $0x0  }
0x73: {  	[sflag:s10] =	ssyncadd.s32 $0xFFFFC000  }
0x74: {  	[tilespmem:s14], [sflag:$0x2] =	stream.indirect.gather [hbm4b:s1+s12], $0x80, s19, s12, $0xb8;
	[tilespmem:$0x1CC00] =	vst v63  }
0x75: {  	_ =	swait.ge [sflag:s15], $0x4000  }
0x76: {  	[sflag:s15] =	ssyncset.done $0x0  }
0x77: {  	[sflag:s15] =	ssyncadd.s32 $0xFFFFC000  }
0x78: {  	[spmem:s3] =	stream.indirect.scatter.add.f32 [tilespmem:s13], [sflag:$0x3], $0x80, s20, s12, $0xb8;
	[tilespmem:$0x1CC00] =	vst v63  }
0x79: {  	_ =	swait.ge [sflag:s10], $0x4000  }
0x7a: {  	[sflag:s10] =	ssyncset.done $0x0  }
0x7b: {  	[sflag:s10] =	ssyncadd.s32 $0xFFFFC000  }
0x7c: {  	[tilespmem:s13], [sflag:$0x1] =	stream.indirect.gather [hbm4b:s1+s12], $0x80, s21, s12, $0xb8;
	[tilespmem:$0x1CC00] =	vst v63  }
0x7d: {  	_ =	swait.ge [sflag:s16], $0x4000  }
0x7e: {  	[sflag:s16] =	ssyncset.done $0x0  }
0x7f: {  	[sflag:s16] =	ssyncadd.s32 $0xFFFFC000  }
0x80: {  	[spmem:s3] =	stream.indirect.scatter.add.f32 [tilespmem:s14], [sflag:$0x3], $0x80, s22, s12, $0xb8;
	[tilespmem:$0x1CC00] =	vst v63  }
0x81: {  	_ =	swait.ge [sflag:s10], $0x4000  }
0x82: {  	[sflag:s10] =	ssyncset.done $0x0  }
0x83: {  	[sflag:s10] =	ssyncadd.s32 $0xFFFFC000  }
0x84: {  	[tilespmem:s14], [sflag:$0x2] =	stream.indirect.gather [hbm4b:s1+s12], $0x80, s23, s12, $0xb8;
	[tilespmem:$0x1CC00] =	vst v63  }
0x85: {  	_ =	swait.ge [sflag:s15], $0x4000  }
0x86: {  	[sflag:s15] =	ssyncset.done $0x0  }
0x87: {  	[sflag:s15] =	ssyncadd.s32 $0xFFFFC000  }
0x88: {  	[spmem:s3] =	stream.indirect.scatter.add.f32 [tilespmem:s13], [sflag:$0x3], $0x80, s24, s12, $0xb8;
	[tilespmem:$0x1CC00] =	vst v63  }
0x89: {  	_ =	swait.ge [sflag:s10], $0x4000  }
0x8a: {  	[sflag:s10] =	ssyncset.done $0x0  }
0x8b: {  	[sflag:s10] =	ssyncadd.s32 $0xFFFFC000  }
0x8c: {  	[tilespmem:s13], [sflag:$0x1] =	stream.indirect.gather [hbm4b:s1+s12], $0x80, s25, s12, $0xb8;
	[tilespmem:$0x1CC00] =	vst v63  }
0x8d: {  	_ =	swait.ge [sflag:s16], $0x4000  }
0x8e: {  	[sflag:s16] =	ssyncset.done $0x0  }
0x8f: {  	[sflag:s16] =	ssyncadd.s32 $0xFFFFC000  }
0x90: {  	[spmem:s3] =	stream.indirect.scatter.add.f32 [tilespmem:s14], [sflag:$0x3], $0x80, s26, s12, $0xb8;
	[tilespmem:$0x1CC00] =	vst v63  }
0x91: {  	_ =	swait.ge [sflag:s10], $0x4000  }
0x92: {  	[sflag:s10] =	ssyncset.done $0x0  }
0x93: {  	[sflag:s10] =	ssyncadd.s32 $0xFFFFC000  }
0x94: {  	[tilespmem:s14], [sflag:$0x2] =	stream.indirect.gather [hbm4b:s1+s12], $0x80, s28, s12, $0xb8;
	[tilespmem:$0x1CC00] =	vst v63  }
0x95: {  	_ =	swait.ge [sflag:s15], $0x4000  }
0x96: {  	[sflag:s15] =	ssyncset.done $0x0  }
0x97: {  	[sflag:s15] =	ssyncadd.s32 $0xFFFFC000  }
0x98: {  	[spmem:s3] =	stream.indirect.scatter.add.f32 [tilespmem:s13], [sflag:$0x3], $0x80, s29, s12, $0xb8;
	[tilespmem:$0x1CC00] =	vst v63  }
0x99: {  	_ =	swait.ge [sflag:s10], $0x4000  }
0x9a: {  	[sflag:s10] =	ssyncset.done $0x0  }
0x9b: {  	[sflag:s10] =	ssyncadd.s32 $0xFFFFC000  }
0x9c: {  	[tilespmem:s13], [sflag:$0x1] =	stream.indirect.gather [hbm4b:s1+s12], $0x80, s30, s12, $0xb8;
	[tilespmem:$0x1CC00] =	vst v63  }
0x9d: {  	_ =	swait.ge [sflag:s16], $0x4000  }
0x9e: {  	[sflag:s16] =	ssyncset.done $0x0  }
0x9f: {  	[sflag:s16] =	ssyncadd.s32 $0xFFFFC000  }
0xa0: {  	[spmem:s3] =	stream.indirect.scatter.add.f32 [tilespmem:s14], [sflag:$0x3], $0x80, s31, s12, $0xb8;
	[tilespmem:$0x1CC00] =	vst v63  }
0xa1: {  	_ =	swait.ge [sflag:s10], $0x4000  }
0xa2: {  	[sflag:s10] =	ssyncset.done $0x0  }
0xa3: {  	[sflag:s10] =	ssyncadd.s32 $0xFFFFC000  }
0xa4: {  	[tilespmem:s14], [sflag:$0x2] =	stream.indirect.gather [hbm4b:s1+s12], $0x80, s2, s12, $0xb8;
	[tilespmem:$0x1CC00] =	vst v63  }
0xa5: {  	_ =	swait.ge [sflag:s15], $0x4000  }
0xa6: {  	[sflag:s15] =	ssyncset.done $0x0  }
0xa7: {  	[sflag:s15] =	ssyncadd.s32 $0xFFFFC000  }
0xa8: {  	[spmem:s3] =	stream.indirect.scatter.add.f32 [tilespmem:s13], [sflag:$0x3], $0x80, s0, s12, $0xb8;
	[tilespmem:$0x1CC00] =	vst v63  }
0xa9: {  	_ =	swait.ge [sflag:s10], $0x4000  }
0xaa: {  	[sflag:s10] =	ssyncset.done $0x0  }
0xab: {  	[sflag:s10] =	ssyncadd.s32 $0xFFFFC000  }
0xac: {  	_ =	swait.ge [sflag:s16], $0x4000  }
0xad: {  	[sflag:s16] =	ssyncset.done $0x0  }
0xae: {  	[sflag:s16] =	ssyncadd.s32 $0xFFFFC000  }
0xaf: {  	[spmem:s3] =	stream.indirect.scatter.add.f32 [tilespmem:s14], [sflag:$0x3], $0x80, s5, s12, $0xb8;
	[tilespmem:$0x1CC00] =	vst v63  }
0xb0: {  	s6 =	simm.s32 $0x200;
	_ =	swait.ge [sflag:s10], $0x4000  }
0xb1: {  	s8 =	simm.s32 $0x100;
	s9 =	rddreg [dreg:$0x5];
	[sflag:s10] =	ssyncset.done $0x0  }
.LBB2_2:
0xb2: {  	[sflag:s10] =	ssyncadd.s32 $0xFFFFC000;
	s9 =	sadd.s32 s8, s9  }
0xb3: {  	[tilespmem:s4], [sflag:$0x3] =	stream.linear.gather [hbm4b:s9+s4], $0x800, $0x38;
	[tilespmem:$0x1CC00] =	vst v63  }
0xb4: {  	_ =	swait.ge [sflag:s10], $0x800  }
0xb5: {  	s9 =	rddreg [dreg:$0x4];
	[sflag:s10] =	ssyncset.done $0x0  }
0xb6: {  	[sflag:s10] =	ssyncadd.s32 $0xFFFFF800;
	s9 =	sadd.s32 s8, s9  }
0xb7: {  	[tilespmem:s11], [sflag:$0x3] =	stream.linear.gather [hbm4b:s9+s4], $0x800, $0x38;
	[tilespmem:$0x1CC00] =	vst v63  }
0xb8: {  	_ =	swait.ge [sflag:s10], $0x800  }
0xb9: {  	[sflag:s10] =	ssyncset.done $0x0  }
0xba: {  	[sflag:s10] =	ssyncadd.s32 $0xFFFFF800  }
0xbb: {  	[tilespmem:s13], [sflag:$0x1] =	stream.indirect.gather [hbm4b:s1+s12], $0x80, s4, s12, $0xb8;
	[tilespmem:$0x1CC00] =	vst v63  }
0xbc: {  	_ = 	snop  }
0xbd: {  	[tilespmem:s14], [sflag:$0x2] =	stream.indirect.gather [hbm4b:s1+s12], $0x80, s12, s12, $0xb8;
	[tilespmem:$0x1CC00] =	vst v63  }
0xbe: {  	_ =	swait.ge [sflag:s15], $0x4000  }
0xbf: {  	[sflag:s15] =	ssyncset.done $0x0  }
0xc0: {  	[sflag:s15] =	ssyncadd.s32 $0xFFFFC000  }
0xc1: {  	[spmem:s3] =	stream.indirect.scatter.add.f32 [tilespmem:s13], [sflag:$0x3], $0x80, s11, s12, $0xb8;
	[tilespmem:$0x1CC00] =	vst v63  }
0xc2: {  	_ =	swait.ge [sflag:s10], $0x4000  }
0xc3: {  	[sflag:s10] =	ssyncset.done $0x0  }
0xc4: {  	s9 =	rddreg [dreg:$0x6];
	[sflag:s10] =	ssyncadd.s32 $0xFFFFC000  }
0xc5: {  	[tilespmem:s13], [sflag:$0x1] =	stream.indirect.gather [hbm4b:s1+s12], $0x80, s9, s12, $0xb8;
	[tilespmem:$0x1CC00] =	vst v63  }
0xc6: {  	_ =	swait.ge [sflag:s16], $0x4000  }
0xc7: {  	[sflag:s16] =	ssyncset.done $0x0  }
0xc8: {  	s9 =	rddreg [dreg:$0x7];
	[sflag:s16] =	ssyncadd.s32 $0xFFFFC000  }
0xc9: {  	[spmem:s3] =	stream.indirect.scatter.add.f32 [tilespmem:s14], [sflag:$0x3], $0x80, s9, s12, $0xb8;
	[tilespmem:$0x1CC00] =	vst v63  }
0xca: {  	_ =	swait.ge [sflag:s10], $0x4000  }
0xcb: {  	[sflag:s10] =	ssyncset.done $0x0  }
0xcc: {  	s9 =	rddreg [dreg:$0x8];
	[sflag:s10] =	ssyncadd.s32 $0xFFFFC000  }
0xcd: {  	[tilespmem:s14], [sflag:$0x2] =	stream.indirect.gather [hbm4b:s1+s12], $0x80, s9, s12, $0xb8;
	[tilespmem:$0x1CC00] =	vst v63  }
0xce: {  	_ =	swait.ge [sflag:s15], $0x4000  }
0xcf: {  	[sflag:s15] =	ssyncset.done $0x0  }
0xd0: {  	s9 =	rddreg [dreg:$0x9];
	[sflag:s15] =	ssyncadd.s32 $0xFFFFC000  }
0xd1: {  	[spmem:s3] =	stream.indirect.scatter.add.f32 [tilespmem:s13], [sflag:$0x3], $0x80, s9, s12, $0xb8;
	[tilespmem:$0x1CC00] =	vst v63  }
0xd2: {  	_ =	swait.ge [sflag:s10], $0x4000  }
0xd3: {  	[sflag:s10] =	ssyncset.done $0x0  }
0xd4: {  	s9 =	rddreg [dreg:$0xa];
	[sflag:s10] =	ssyncadd.s32 $0xFFFFC000  }
0xd5: {  	[tilespmem:s13], [sflag:$0x1] =	stream.indirect.gather [hbm4b:s1+s12], $0x80, s9, s12, $0xb8;
	[tilespmem:$0x1CC00] =	vst v63  }
0xd6: {  	_ =	swait.ge [sflag:s16], $0x4000  }
0xd7: {  	[sflag:s16] =	ssyncset.done $0x0  }
0xd8: {  	s9 =	rddreg [dreg:$0xb];
	[sflag:s16] =	ssyncadd.s32 $0xFFFFC000  }
0xd9: {  	[spmem:s3] =	stream.indirect.scatter.add.f32 [tilespmem:s14], [sflag:$0x3], $0x80, s9, s12, $0xb8;
	[tilespmem:$0x1CC00] =	vst v63  }
0xda: {  	_ =	swait.ge [sflag:s10], $0x4000  }
0xdb: {  	[sflag:s10] =	ssyncset.done $0x0  }
0xdc: {  	s9 =	rddreg [dreg:$0xc];
	[sflag:s10] =	ssyncadd.s32 $0xFFFFC000  }
0xdd: {  	[tilespmem:s14], [sflag:$0x2] =	stream.indirect.gather [hbm4b:s1+s12], $0x80, s9, s12, $0xb8;
	[tilespmem:$0x1CC00] =	vst v63  }
0xde: {  	_ =	swait.ge [sflag:s15], $0x4000  }
0xdf: {  	[sflag:s15] =	ssyncset.done $0x0  }
0xe0: {  	s9 =	rddreg [dreg:$0xd];
	[sflag:s15] =	ssyncadd.s32 $0xFFFFC000  }
0xe1: {  	[spmem:s3] =	stream.indirect.scatter.add.f32 [tilespmem:s13], [sflag:$0x3], $0x80, s9, s12, $0xb8;
	[tilespmem:$0x1CC00] =	vst v63  }
0xe2: {  	_ =	swait.ge [sflag:s10], $0x4000  }
0xe3: {  	[sflag:s10] =	ssyncset.done $0x0  }
0xe4: {  	s9 =	rddreg [dreg:$0xe];
	[sflag:s10] =	ssyncadd.s32 $0xFFFFC000  }
0xe5: {  	[tilespmem:s13], [sflag:$0x1] =	stream.indirect.gather [hbm4b:s1+s12], $0x80, s9, s12, $0xb8;
	[tilespmem:$0x1CC00] =	vst v63  }
0xe6: {  	_ =	swait.ge [sflag:s16], $0x4000  }
0xe7: {  	[sflag:s16] =	ssyncset.done $0x0  }
0xe8: {  	s9 =	rddreg [dreg:$0xf];
	[sflag:s16] =	ssyncadd.s32 $0xFFFFC000  }
0xe9: {  	[spmem:s3] =	stream.indirect.scatter.add.f32 [tilespmem:s14], [sflag:$0x3], $0x80, s9, s12, $0xb8;
	[tilespmem:$0x1CC00] =	vst v63  }
0xea: {  	_ =	swait.ge [sflag:s10], $0x4000  }
0xeb: {  	[sflag:s10] =	ssyncset.done $0x0  }
0xec: {  	s9 =	rddreg [dreg:$0x10];
	[sflag:s10] =	ssyncadd.s32 $0xFFFFC000  }
0xed: {  	[tilespmem:s14], [sflag:$0x2] =	stream.indirect.gather [hbm4b:s1+s12], $0x80, s9, s12, $0xb8;
	[tilespmem:$0x1CC00] =	vst v63  }
0xee: {  	_ =	swait.ge [sflag:s15], $0x4000  }
0xef: {  	[sflag:s15] =	ssyncset.done $0x0  }
0xf0: {  	s9 =	rddreg [dreg:$0x11];
	[sflag:s15] =	ssyncadd.s32 $0xFFFFC000  }
0xf1: {  	[spmem:s3] =	stream.indirect.scatter.add.f32 [tilespmem:s13], [sflag:$0x3], $0x80, s9, s12, $0xb8;
	[tilespmem:$0x1CC00] =	vst v63  }
0xf2: {  	_ =	swait.ge [sflag:s10], $0x4000  }
0xf3: {  	[sflag:s10] =	ssyncset.done $0x0  }
0xf4: {  	[sflag:s10] =	ssyncadd.s32 $0xFFFFC000  }
0xf5: {  	[tilespmem:s13], [sflag:$0x1] =	stream.indirect.gather [hbm4b:s1+s12], $0x80, s17, s12, $0xb8;
	[tilespmem:$0x1CC00] =	vst v63  }
0xf6: {  	_ =	swait.ge [sflag:s16], $0x4000  }
0xf7: {  	[sflag:s16] =	ssyncset.done $0x0  }
0xf8: {  	[sflag:s16] =	ssyncadd.s32 $0xFFFFC000  }
0xf9: {  	[spmem:s3] =	stream.indirect.scatter.add.f32 [tilespmem:s14], [sflag:$0x3], $0x80, s18, s12, $0xb8;
	[tilespmem:$0x1CC00] =	vst v63  }
0xfa: {  	_ =	swait.ge [sflag:s10], $0x4000  }
0xfb: {  	[sflag:s10] =	ssyncset.done $0x0  }
0xfc: {  	[sflag:s10] =	ssyncadd.s32 $0xFFFFC000  }
0xfd: {  	[tilespmem:s14], [sflag:$0x2] =	stream.indirect.gather [hbm4b:s1+s12], $0x80, s19, s12, $0xb8;
	[tilespmem:$0x1CC00] =	vst v63  }
0xfe: {  	_ =	swait.ge [sflag:s15], $0x4000  }
0xff: {  	[sflag:s15] =	ssyncset.done $0x0  }
0x100: {  	[sflag:s15] =	ssyncadd.s32 $0xFFFFC000  }
0x101: {  	[spmem:s3] =	stream.indirect.scatter.add.f32 [tilespmem:s13], [sflag:$0x3], $0x80, s20, s12, $0xb8;
	[tilespmem:$0x1CC00] =	vst v63  }
0x102: {  	_ =	swait.ge [sflag:s10], $0x4000  }
0x103: {  	[sflag:s10] =	ssyncset.done $0x0  }
0x104: {  	[sflag:s10] =	ssyncadd.s32 $0xFFFFC000  }
0x105: {  	[tilespmem:s13], [sflag:$0x1] =	stream.indirect.gather [hbm4b:s1+s12], $0x80, s21, s12, $0xb8;
	[tilespmem:$0x1CC00] =	vst v63  }
0x106: {  	_ =	swait.ge [sflag:s16], $0x4000  }
0x107: {  	[sflag:s16] =	ssyncset.done $0x0  }
0x108: {  	[sflag:s16] =	ssyncadd.s32 $0xFFFFC000  }
0x109: {  	[spmem:s3] =	stream.indirect.scatter.add.f32 [tilespmem:s14], [sflag:$0x3], $0x80, s22, s12, $0xb8;
	[tilespmem:$0x1CC00] =	vst v63  }
0x10a: {  	_ =	swait.ge [sflag:s10], $0x4000  }
0x10b: {  	[sflag:s10] =	ssyncset.done $0x0  }
0x10c: {  	[sflag:s10] =	ssyncadd.s32 $0xFFFFC000  }
0x10d: {  	[tilespmem:s14], [sflag:$0x2] =	stream.indirect.gather [hbm4b:s1+s12], $0x80, s23, s12, $0xb8;
	[tilespmem:$0x1CC00] =	vst v63  }
0x10e: {  	_ =	swait.ge [sflag:s15], $0x4000  }
0x10f: {  	[sflag:s15] =	ssyncset.done $0x0  }
0x110: {  	[sflag:s15] =	ssyncadd.s32 $0xFFFFC000  }
0x111: {  	[spmem:s3] =	stream.indirect.scatter.add.f32 [tilespmem:s13], [sflag:$0x3], $0x80, s24, s12, $0xb8;
	[tilespmem:$0x1CC00] =	vst v63  }
0x112: {  	_ =	swait.ge [sflag:s10], $0x4000  }
0x113: {  	[sflag:s10] =	ssyncset.done $0x0  }
0x114: {  	[sflag:s10] =	ssyncadd.s32 $0xFFFFC000  }
0x115: {  	[tilespmem:s13], [sflag:$0x1] =	stream.indirect.gather [hbm4b:s1+s12], $0x80, s25, s12, $0xb8;
	[tilespmem:$0x1CC00] =	vst v63  }
0x116: {  	_ =	swait.ge [sflag:s16], $0x4000  }
0x117: {  	[sflag:s16] =	ssyncset.done $0x0  }
0x118: {  	[sflag:s16] =	ssyncadd.s32 $0xFFFFC000  }
0x119: {  	[spmem:s3] =	stream.indirect.scatter.add.f32 [tilespmem:s14], [sflag:$0x3], $0x80, s26, s12, $0xb8;
	[tilespmem:$0x1CC00] =	vst v63  }
0x11a: {  	_ =	swait.ge [sflag:s10], $0x4000  }
0x11b: {  	[sflag:s10] =	ssyncset.done $0x0  }
0x11c: {  	[sflag:s10] =	ssyncadd.s32 $0xFFFFC000  }
0x11d: {  	[tilespmem:s14], [sflag:$0x2] =	stream.indirect.gather [hbm4b:s1+s12], $0x80, s28, s12, $0xb8;
	[tilespmem:$0x1CC00] =	vst v63  }
0x11e: {  	_ =	swait.ge [sflag:s15], $0x4000  }
0x11f: {  	[sflag:s15] =	ssyncset.done $0x0  }
0x120: {  	[sflag:s15] =	ssyncadd.s32 $0xFFFFC000  }
0x121: {  	[spmem:s3] =	stream.indirect.scatter.add.f32 [tilespmem:s13], [sflag:$0x3], $0x80, s29, s12, $0xb8;
	[tilespmem:$0x1CC00] =	vst v63  }
0x122: {  	_ =	swait.ge [sflag:s10], $0x4000  }
0x123: {  	[sflag:s10] =	ssyncset.done $0x0  }
0x124: {  	[sflag:s10] =	ssyncadd.s32 $0xFFFFC000  }
0x125: {  	[tilespmem:s13], [sflag:$0x1] =	stream.indirect.gather [hbm4b:s1+s12], $0x80, s30, s12, $0xb8;
	[tilespmem:$0x1CC00] =	vst v63  }
0x126: {  	_ =	swait.ge [sflag:s16], $0x4000  }
0x127: {  	[sflag:s16] =	ssyncset.done $0x0  }
0x128: {  	[sflag:s16] =	ssyncadd.s32 $0xFFFFC000  }
0x129: {  	[spmem:s3] =	stream.indirect.scatter.add.f32 [tilespmem:s14], [sflag:$0x3], $0x80, s31, s12, $0xb8;
	[tilespmem:$0x1CC00] =	vst v63  }
0x12a: {  	_ =	swait.ge [sflag:s10], $0x4000  }
0x12b: {  	[sflag:s10] =	ssyncset.done $0x0  }
0x12c: {  	[sflag:s10] =	ssyncadd.s32 $0xFFFFC000  }
0x12d: {  	[tilespmem:s14], [sflag:$0x2] =	stream.indirect.gather [hbm4b:s1+s12], $0x80, s2, s12, $0xb8;
	[tilespmem:$0x1CC00] =	vst v63  }
0x12e: {  	_ =	swait.ge [sflag:s15], $0x4000  }
0x12f: {  	[sflag:s15] =	ssyncset.done $0x0  }
0x130: {  	[sflag:s15] =	ssyncadd.s32 $0xFFFFC000  }
0x131: {  	[spmem:s3] =	stream.indirect.scatter.add.f32 [tilespmem:s13], [sflag:$0x3], $0x80, s0, s12, $0xb8;
	[tilespmem:$0x1CC00] =	vst v63  }
0x132: {  	_ =	swait.ge [sflag:s10], $0x4000  }
0x133: {  	[sflag:s10] =	ssyncset.done $0x0  }
0x134: {  	[sflag:s10] =	ssyncadd.s32 $0xFFFFC000  }
0x135: {  	p0 =	sne.s32 s6, $0x400;
	_ =	swait.ge [sflag:s16], $0x4000  }
.Ltmp0:
0x136: {  	[sflag:s16] =	ssyncset.done $0x0;
	(pc) =	sbr.rel @p0 .LBB2_2-.Ltmp0, $4  }
0x137: {  	[sflag:s16] =	ssyncadd.s32 $0xFFFFC000  }
0x138: {  	[spmem:s3] =	stream.indirect.scatter.add.f32 [tilespmem:s14], [sflag:$0x3], $0x80, s5, s12, $0xb8;
	[tilespmem:$0x1CC00] =	vst v63  }
0x139: {  	s7 =	smov.u32 s6;
	s6 =	sadd.s32 $0x100, s6;
	_ =	swait.ge [sflag:s10], $0x4000  }
0x13a: {  	s8 =	smov.u32 s7;
	s9 =	rddreg [dreg:$0x5];
	[sflag:s10] =	ssyncset.done $0x0  }
0x13b: {  	[sflag:s10] =	ssyncadd.s32 $0xFFFFC000;
	s6 =	sadd.s32 s8, s9  }
0x13c: {  	[tilespmem:s4], [sflag:$0x3] =	stream.linear.gather [hbm4b:s6+s4], $0x800, $0x38;
	[tilespmem:$0x1CC00] =	vst v63  }
0x13d: {  	_ =	swait.ge [sflag:s10], $0x800  }
0x13e: {  	s7 =	rddreg [dreg:$0x4];
	[sflag:s10] =	ssyncset.done $0x0  }
0x13f: {  	s6 =	sadd.s32 s8, s7;
	[sflag:s10] =	ssyncadd.s32 $0xFFFFF800  }
0x140: {  	[tilespmem:s11], [sflag:$0x3] =	stream.linear.gather [hbm4b:s6+s4], $0x800, $0x38;
	[tilespmem:$0x1CC00] =	vst v63  }
0x141: {  	_ =	swait.ge [sflag:s10], $0x800  }
0x142: {  	[sflag:s10] =	ssyncset.done $0x0  }
0x143: {  	[sflag:s10] =	ssyncadd.s32 $0xFFFFF800  }
0x144: {  	[tilespmem:s13], [sflag:$0x1] =	stream.indirect.gather [hbm4b:s1+s12], $0x80, s4, s12, $0xb8;
	[tilespmem:$0x1CC00] =	vst v63  }
0x145: {  	_ = 	snop  }
0x146: {  	[tilespmem:s14], [sflag:$0x2] =	stream.indirect.gather [hbm4b:s1+s12], $0x80, s12, s12, $0xb8;
	[tilespmem:$0x1CC00] =	vst v63  }
0x147: {  	_ =	swait.ge [sflag:s15], $0x4000  }
0x148: {  	[sflag:s15] =	ssyncset.done $0x0  }
0x149: {  	[sflag:s15] =	ssyncadd.s32 $0xFFFFC000  }
0x14a: {  	[spmem:s3] =	stream.indirect.scatter.add.f32 [tilespmem:s13], [sflag:$0x3], $0x80, s11, s12, $0xb8;
	[tilespmem:$0x1CC00] =	vst v63  }
0x14b: {  	_ =	swait.ge [sflag:s10], $0x4000  }
0x14c: {  	[sflag:s10] =	ssyncset.done $0x0  }
0x14d: {  	s9 =	rddreg [dreg:$0x6];
	[sflag:s10] =	ssyncadd.s32 $0xFFFFC000  }
0x14e: {  	[tilespmem:s13], [sflag:$0x1] =	stream.indirect.gather [hbm4b:s1+s12], $0x80, s9, s12, $0xb8;
	[tilespmem:$0x1CC00] =	vst v63  }
0x14f: {  	_ =	swait.ge [sflag:s16], $0x4000  }
0x150: {  	[sflag:s16] =	ssyncset.done $0x0  }
0x151: {  	s7 =	rddreg [dreg:$0x7];
	[sflag:s16] =	ssyncadd.s32 $0xFFFFC000  }
0x152: {  	[spmem:s3] =	stream.indirect.scatter.add.f32 [tilespmem:s14], [sflag:$0x3], $0x80, s7, s12, $0xb8;
	[tilespmem:$0x1CC00] =	vst v63  }
0x153: {  	_ =	swait.ge [sflag:s10], $0x4000  }
0x154: {  	[sflag:s10] =	ssyncset.done $0x0  }
0x155: {  	s8 =	rddreg [dreg:$0x8];
	[sflag:s10] =	ssyncadd.s32 $0xFFFFC000  }
0x156: {  	[tilespmem:s14], [sflag:$0x2] =	stream.indirect.gather [hbm4b:s1+s12], $0x80, s8, s12, $0xb8;
	[tilespmem:$0x1CC00] =	vst v63  }
0x157: {  	_ =	swait.ge [sflag:s15], $0x4000  }
0x158: {  	[sflag:s15] =	ssyncset.done $0x0  }
0x159: {  	s9 =	rddreg [dreg:$0x9];
	[sflag:s15] =	ssyncadd.s32 $0xFFFFC000  }
0x15a: {  	[spmem:s3] =	stream.indirect.scatter.add.f32 [tilespmem:s13], [sflag:$0x3], $0x80, s9, s12, $0xb8;
	[tilespmem:$0x1CC00] =	vst v63  }
0x15b: {  	_ =	swait.ge [sflag:s10], $0x4000  }
0x15c: {  	[sflag:s10] =	ssyncset.done $0x0  }
0x15d: {  	s7 =	rddreg [dreg:$0xa];
	[sflag:s10] =	ssyncadd.s32 $0xFFFFC000  }
0x15e: {  	[tilespmem:s13], [sflag:$0x1] =	stream.indirect.gather [hbm4b:s1+s12], $0x80, s7, s12, $0xb8;
	[tilespmem:$0x1CC00] =	vst v63  }
0x15f: {  	_ =	swait.ge [sflag:s16], $0x4000  }
0x160: {  	[sflag:s16] =	ssyncset.done $0x0  }
0x161: {  	s8 =	rddreg [dreg:$0xb];
	[sflag:s16] =	ssyncadd.s32 $0xFFFFC000  }
0x162: {  	[spmem:s3] =	stream.indirect.scatter.add.f32 [tilespmem:s14], [sflag:$0x3], $0x80, s8, s12, $0xb8;
	[tilespmem:$0x1CC00] =	vst v63  }
0x163: {  	_ =	swait.ge [sflag:s10], $0x4000  }
0x164: {  	[sflag:s10] =	ssyncset.done $0x0  }
0x165: {  	s9 =	rddreg [dreg:$0xc];
	[sflag:s10] =	ssyncadd.s32 $0xFFFFC000  }
0x166: {  	[tilespmem:s14], [sflag:$0x2] =	stream.indirect.gather [hbm4b:s1+s12], $0x80, s9, s12, $0xb8;
	[tilespmem:$0x1CC00] =	vst v63  }
0x167: {  	_ =	swait.ge [sflag:s15], $0x4000  }
0x168: {  	[sflag:s15] =	ssyncset.done $0x0  }
0x169: {  	s7 =	rddreg [dreg:$0xd];
	[sflag:s15] =	ssyncadd.s32 $0xFFFFC000  }
0x16a: {  	[spmem:s3] =	stream.indirect.scatter.add.f32 [tilespmem:s13], [sflag:$0x3], $0x80, s7, s12, $0xb8;
	[tilespmem:$0x1CC00] =	vst v63  }
0x16b: {  	_ =	swait.ge [sflag:s10], $0x4000  }
0x16c: {  	[sflag:s10] =	ssyncset.done $0x0  }
0x16d: {  	s8 =	rddreg [dreg:$0xe];
	[sflag:s10] =	ssyncadd.s32 $0xFFFFC000  }
0x16e: {  	[tilespmem:s13], [sflag:$0x1] =	stream.indirect.gather [hbm4b:s1+s12], $0x80, s8, s12, $0xb8;
	[tilespmem:$0x1CC00] =	vst v63  }
0x16f: {  	_ =	swait.ge [sflag:s16], $0x4000  }
0x170: {  	[sflag:s16] =	ssyncset.done $0x0  }
0x171: {  	s9 =	rddreg [dreg:$0xf];
	[sflag:s16] =	ssyncadd.s32 $0xFFFFC000  }
0x172: {  	[spmem:s3] =	stream.indirect.scatter.add.f32 [tilespmem:s14], [sflag:$0x3], $0x80, s9, s12, $0xb8;
	[tilespmem:$0x1CC00] =	vst v63  }
0x173: {  	_ =	swait.ge [sflag:s10], $0x4000  }
0x174: {  	[sflag:s10] =	ssyncset.done $0x0  }
0x175: {  	s7 =	rddreg [dreg:$0x10];
	[sflag:s10] =	ssyncadd.s32 $0xFFFFC000  }
0x176: {  	[tilespmem:s14], [sflag:$0x2] =	stream.indirect.gather [hbm4b:s1+s12], $0x80, s7, s12, $0xb8;
	[tilespmem:$0x1CC00] =	vst v63  }
0x177: {  	_ =	swait.ge [sflag:s15], $0x4000  }
0x178: {  	[sflag:s15] =	ssyncset.done $0x0  }
0x179: {  	s8 =	rddreg [dreg:$0x11];
	[sflag:s15] =	ssyncadd.s32 $0xFFFFC000  }
0x17a: {  	[spmem:s3] =	stream.indirect.scatter.add.f32 [tilespmem:s13], [sflag:$0x3], $0x80, s8, s12, $0xb8;
	[tilespmem:$0x1CC00] =	vst v63  }
0x17b: {  	_ =	swait.ge [sflag:s10], $0x4000  }
0x17c: {  	[sflag:s10] =	ssyncset.done $0x0  }
0x17d: {  	[sflag:s10] =	ssyncadd.s32 $0xFFFFC000  }
0x17e: {  	[tilespmem:s13], [sflag:$0x1] =	stream.indirect.gather [hbm4b:s1+s12], $0x80, s17, s12, $0xb8;
	[tilespmem:$0x1CC00] =	vst v63  }
0x17f: {  	_ =	swait.ge [sflag:s16], $0x4000  }
0x180: {  	[sflag:s16] =	ssyncset.done $0x0  }
0x181: {  	[sflag:s16] =	ssyncadd.s32 $0xFFFFC000  }
0x182: {  	[spmem:s3] =	stream.indirect.scatter.add.f32 [tilespmem:s14], [sflag:$0x3], $0x80, s18, s12, $0xb8;
	[tilespmem:$0x1CC00] =	vst v63  }
0x183: {  	_ =	swait.ge [sflag:s10], $0x4000  }
0x184: {  	[sflag:s10] =	ssyncset.done $0x0  }
0x185: {  	[sflag:s10] =	ssyncadd.s32 $0xFFFFC000  }
0x186: {  	[tilespmem:s14], [sflag:$0x2] =	stream.indirect.gather [hbm4b:s1+s12], $0x80, s19, s12, $0xb8;
	[tilespmem:$0x1CC00] =	vst v63  }
0x187: {  	_ =	swait.ge [sflag:s15], $0x4000  }
0x188: {  	[sflag:s15] =	ssyncset.done $0x0  }
0x189: {  	[sflag:s15] =	ssyncadd.s32 $0xFFFFC000  }
0x18a: {  	[spmem:s3] =	stream.indirect.scatter.add.f32 [tilespmem:s13], [sflag:$0x3], $0x80, s20, s12, $0xb8;
	[tilespmem:$0x1CC00] =	vst v63  }
0x18b: {  	_ =	swait.ge [sflag:s10], $0x4000  }
0x18c: {  	[sflag:s10] =	ssyncset.done $0x0  }
0x18d: {  	[sflag:s10] =	ssyncadd.s32 $0xFFFFC000  }
0x18e: {  	[tilespmem:s13], [sflag:$0x1] =	stream.indirect.gather [hbm4b:s1+s12], $0x80, s21, s12, $0xb8;
	[tilespmem:$0x1CC00] =	vst v63  }
0x18f: {  	_ =	swait.ge [sflag:s16], $0x4000  }
0x190: {  	[sflag:s16] =	ssyncset.done $0x0  }
0x191: {  	[sflag:s16] =	ssyncadd.s32 $0xFFFFC000  }
0x192: {  	[spmem:s3] =	stream.indirect.scatter.add.f32 [tilespmem:s14], [sflag:$0x3], $0x80, s22, s12, $0xb8;
	[tilespmem:$0x1CC00] =	vst v63  }
0x193: {  	_ =	swait.ge [sflag:s10], $0x4000  }
0x194: {  	[sflag:s10] =	ssyncset.done $0x0  }
0x195: {  	[sflag:s10] =	ssyncadd.s32 $0xFFFFC000  }
0x196: {  	[tilespmem:s14], [sflag:$0x2] =	stream.indirect.gather [hbm4b:s1+s12], $0x80, s23, s12, $0xb8;
	[tilespmem:$0x1CC00] =	vst v63  }
0x197: {  	_ =	swait.ge [sflag:s15], $0x4000  }
0x198: {  	[sflag:s15] =	ssyncset.done $0x0  }
0x199: {  	[sflag:s15] =	ssyncadd.s32 $0xFFFFC000  }
0x19a: {  	[spmem:s3] =	stream.indirect.scatter.add.f32 [tilespmem:s13], [sflag:$0x3], $0x80, s24, s12, $0xb8;
	[tilespmem:$0x1CC00] =	vst v63  }
0x19b: {  	_ =	swait.ge [sflag:s10], $0x4000  }
0x19c: {  	[sflag:s10] =	ssyncset.done $0x0  }
0x19d: {  	[sflag:s10] =	ssyncadd.s32 $0xFFFFC000  }
0x19e: {  	[tilespmem:s13], [sflag:$0x1] =	stream.indirect.gather [hbm4b:s1+s12], $0x80, s25, s12, $0xb8;
	[tilespmem:$0x1CC00] =	vst v63  }
0x19f: {  	_ =	swait.ge [sflag:s16], $0x4000  }
0x1a0: {  	[sflag:s16] =	ssyncset.done $0x0  }
0x1a1: {  	[sflag:s16] =	ssyncadd.s32 $0xFFFFC000  }
0x1a2: {  	[spmem:s3] =	stream.indirect.scatter.add.f32 [tilespmem:s14], [sflag:$0x3], $0x80, s26, s12, $0xb8;
	[tilespmem:$0x1CC00] =	vst v63  }
0x1a3: {  	_ =	swait.ge [sflag:s10], $0x4000  }
0x1a4: {  	[sflag:s10] =	ssyncset.done $0x0  }
0x1a5: {  	[sflag:s10] =	ssyncadd.s32 $0xFFFFC000  }
0x1a6: {  	[tilespmem:s14], [sflag:$0x2] =	stream.indirect.gather [hbm4b:s1+s12], $0x80, s28, s12, $0xb8;
	[tilespmem:$0x1CC00] =	vst v63  }
0x1a7: {  	_ =	swait.ge [sflag:s15], $0x4000  }
0x1a8: {  	[sflag:s15] =	ssyncset.done $0x0  }
0x1a9: {  	[sflag:s15] =	ssyncadd.s32 $0xFFFFC000  }
0x1aa: {  	[spmem:s3] =	stream.indirect.scatter.add.f32 [tilespmem:s13], [sflag:$0x3], $0x80, s29, s12, $0xb8;
	[tilespmem:$0x1CC00] =	vst v63  }
0x1ab: {  	_ =	swait.ge [sflag:s10], $0x4000  }
0x1ac: {  	[sflag:s10] =	ssyncset.done $0x0  }
0x1ad: {  	[sflag:s10] =	ssyncadd.s32 $0xFFFFC000  }
0x1ae: {  	[tilespmem:s13], [sflag:$0x1] =	stream.indirect.gather [hbm4b:s1+s12], $0x80, s30, s12, $0xb8;
	[tilespmem:$0x1CC00] =	vst v63  }
0x1af: {  	_ =	swait.ge [sflag:s16], $0x4000  }
0x1b0: {  	[sflag:s16] =	ssyncset.done $0x0  }
0x1b1: {  	[sflag:s16] =	ssyncadd.s32 $0xFFFFC000  }
0x1b2: {  	[spmem:s3] =	stream.indirect.scatter.add.f32 [tilespmem:s14], [sflag:$0x3], $0x80, s31, s12, $0xb8;
	[tilespmem:$0x1CC00] =	vst v63  }
0x1b3: {  	_ =	swait.ge [sflag:s10], $0x4000  }
0x1b4: {  	[sflag:s10] =	ssyncset.done $0x0  }
0x1b5: {  	[sflag:s10] =	ssyncadd.s32 $0xFFFFC000  }
0x1b6: {  	[tilespmem:s14], [sflag:$0x2] =	stream.indirect.gather [hbm4b:s1+s12], $0x80, s2, s12, $0xb8;
	[tilespmem:$0x1CC00] =	vst v63  }
0x1b7: {  	_ =	swait.ge [sflag:s15], $0x4000  }
0x1b8: {  	[sflag:s15] =	ssyncset.done $0x0  }
0x1b9: {  	[sflag:s15] =	ssyncadd.s32 $0xFFFFC000  }
0x1ba: {  	[spmem:s3] =	stream.indirect.scatter.add.f32 [tilespmem:s13], [sflag:$0x3], $0x80, s0, s12, $0xb8;
	[tilespmem:$0x1CC00] =	vst v63  }
0x1bb: {  	_ =	swait.ge [sflag:s10], $0x4000  }
0x1bc: {  	[sflag:s10] =	ssyncset.done $0x0  }
0x1bd: {  	[sflag:s10] =	ssyncadd.s32 $0xFFFFC000  }
0x1be: {  	_ =	swait.ge [sflag:s16], $0x4000  }
0x1bf: {  	[sflag:s16] =	ssyncset.done $0x0  }
0x1c0: {  	[sflag:s16] =	ssyncadd.s32 $0xFFFFC000  }
0x1c1: {  	[spmem:s3] =	stream.indirect.scatter.add.f32 [tilespmem:s14], [sflag:$0x3], $0x80, s5, s12, $0xb8;
	[tilespmem:$0x1CC00] =	vst v63  }
0x1c2: {  	_ =	swait.ge [sflag:s10], $0x4000  }
0x1c3: {  	[sflag:s10] =	ssyncset.done $0x0  }
0x1c4: {  	[sflag:s10] =	ssyncadd.s32 $0xFFFFC000  }
0x1c5: {  	[bflag:$0x0] =	sbarrier.arrive $0xFFFF  }
0x1c6: {  	s7 =	rddreg [dreg:$0x13]  }
0x1c7: {  	s9 =	rddreg [dreg:$0x14]  }
0x1c8: {  	s8 =	rddreg [dreg:$0x16]  }
0x1c9: {  	[hbm:s9], [sflag:s7] =	dma.local [spmem:s8], $0x2780  }
0x1ca: {  	_ =	swait.ge [sflag:s10], $0x2780  }
0x1cb: {  	s6 =	rddreg [dreg:$0x17]  }
0x1cc: {  	s9 =	sadd.s32 $0x1, s6;
	s6 =	rddreg [dreg:$0x15]  }
0x1cd: {  	p0 =	sne.s32 s9, s6  }
.Ltmp1:
0x1ce: {  	_ = 	snop;
	(pc) =	sbr.rel @p0 .LBB2_1-.Ltmp1, $3  }
0x1cf: {  	_ =	sdelay $0x1  }
0x1d0: {  	[sflag:s10] =	ssyncset.done $0x0  }
0x1d1: {  	[sflag:s10] =	ssyncadd.s32 $0xFFFFD880  }
0x1d2: {  	_ =	sfence.sel $0x180000  }
0x1d3: {  	[bflag:$0x0] =	sbarrier.arrive $0xFFFF  }
0x1d4: {  	_ =	strace $0x9000004D  }
0x1d5: {  	s0 =	stileid.u32;
	[bflag:$0x2] =	sbarrier.arrive $0xFFFF  }
0x1d6: {  	p0 =	sne.s32 s0, $0x0;
	s0 =	rddreg [dreg:$0x3]  }
0x1d7: {  	s0 =	sadd.s32 @!p0 $0x100000, s0  }
0x1d8: {  	[sflag:s0] =	ssyncadd.tile.s32 @!p0 $0x1;
	_ =	shalt  }
.Lfunc_end2:
_tile_overlayer_lowered:
.L_overlay_start_2:
0x1d9: {  	(tag) =	ssettag $0x2  }
0x1da: {  	s0 =	rddreg [dreg:$0x0];
	s2 =	stileid.u32  }
0x1db: {  	s1 =	rddreg [dreg:$0x1];
	p0 =	sne.s32 s2, $0x0  }
0x1dc: {  	s3 =	rddreg [dreg:$0x2];
	[bflag:$0x3] =	sbarrier.arrive $0xFFFF;
	s2 =	simm.s32 @!p0 $0x1C03  }
0x1dd: {  	[timem:s3], [sflag:s2] =	dma.local @!p0 [hbm:s0], s1  }
0x1de: {  	s0 =	simm.s32 @!p0 $0x3  }
0x1df: {  	_ =	swait.ge @!p0 [sflag:s0], s1  }
0x1e0: {  	s1 =	ssub.s32 @!p0 $0x0, s1;
	[sflag:s0] =	ssyncset.done @!p0 $0x0  }
0x1e1: {  	[sflag:s0] =	ssyncadd.s32 @!p0 s1  }
0x1e2: {  	[bflag:$0x3] =	sbarrier.arrive $0xFFFF  }
0x1e3: {  	_ =	shalt  }

// kernel: kernel.9.cloned.1.call-start
scs
__scs_entry_jumppad:
0x0: {  	(pc) =	sbr.rel $0x88, $3  }
0x1: {  	(tag) =	ssettag $0x0;
	lr =	simm.s32 $0x1  }
0x2: {  	[smem:$0x3F9B] =	sst lr;
	_ =	strace $0xD0000000  }
0x3: {  	_ = 	snop  }
0x4: {  	_ = 	snop  }
0x5: {  	_ = 	snop  }
0x6: {  	_ = 	snop  }
0x7: {  	_ = 	snop  }
__scs_overlays_trampoline_lowered:
0x8: {  	[smem:$0x3FAA] =	sst s0  }
0x9: {  	[smem:$0x3FAB] =	sst s1  }
0xa: {  	[smem:$0x3FAC] =	sst s2  }
0xb: {  	[smem:$0x3FAD] =	sst s3  }
0xc: {  	[smem:$0x3FAE] =	sst s4  }
0xd: {  	[smem:$0x3FAF] =	sst s5  }
0xe: {  	[smem:$0x3FB0] =	sst s6  }
0xf: {  	[smem:$0x3FB1] =	sst s7  }
0x10: {  	[smem:$0x3FB2] =	sst s8  }
0x11: {  	[smem:$0x3FB3] =	sst s9;
	s0 =	simm.s32 @!p0 $0x0  }
0x12: {  	s1 =	sld [smem:$0x3F99];
	s0 =	simm.s32 @p0 $0x1  }
0x13: {  	[smem:$0x3FB4] =	sst s0;
	s0 =	simm.s32 @!p1 $0x0  }
0x14: {  	s2 =	sld [smem:$0x3F98];
	s0 =	simm.s32 @p1 $0x1  }
0x15: {  	[smem:$0x3FB5] =	sst s0;
	s0 =	simm.s32 @!p2 $0x0  }
0x16: {  	s3 =	sld [smem:$0x3FDB];
	s0 =	simm.s32 @p2 $0x1  }
0x17: {  	s4 =	simm.s32 $0x1BF5;
	[smem:$0x3FB7] =	sst s0  }
0x18: {  	s0 =	sld [smem:$0x3F9A];
	_ =	swait.ge [sflag:s4], $0x0  }
0x19: {  	s7 =	sld [smem:$0x3F9B]  }
0x1a: {  	s8 =	sadd.s32 $0xFFFFE003, lr  }
0x1b: {  	s9 =	sadd.s32 $0xFFFFFEF7, lr;
	s5 =	simm.s32 $0xFFFFFFFF;
	p2 =	slt.u32 s8, $0xFFFFF086  }
0x1c: {  	p1 =	slt.u32 s9, $0xF7A;
	s5 =	simm.s32 @!p2 $0x0  }
0x1d: {  	s5 =	simm.s32 @p1 $0x1;
	p0 =	seq.s32 s7, s2  }
0x1e: {  	s7 =	smul.u32 @!p0 $0xF7A, s2;
	p2 =	seq.s32 @!p0 s5, $0x0  }
0x1f: {  	s9 =	smul.u32 $0xF7A, s1;
	s8 =	simm.s32 @!p0 $0x1BF5;
	p2 =	por !p2, p0  }
0x20: {  	[sflag:s8] =	ssyncset.s32 @!p0 $0xFFFFF086;
	s6 =	sadd.s32 @!p0 s3, s7;
	s7 =	simm.s32 @!p0 $0x108  }
0x21: {  	s3 =	sadd.s32 s3, s9;
	s6 =	sadd.s32 @!p0 $0x88, s6;
	s7 =	simm.s32 @p2 $0x1082  }
0x22: {  	[simem:s7], [sflag:s8] =	dma.local @!p0 [hbm:s6], $0xF7A  }
0x23: {  	s9 =	sor.u32 $0xD0000000, s2;
	s6 =	simm.s32 $0x108;
	_ =	swait.ge @!p0 [sflag:s8], $0x0  }
0x24: {  	s3 =	sadd.s32 $0x88, s3;
	s6 =	simm.s32 @!p1 $0x1082;
	[sflag:s4] =	ssyncset.s32 $0xFFFFF086  }
0x25: {  	[simem:s6], [sflag:s4] =	dma.local [hbm:s3], $0xF7A  }
0x26: {  	[smem:$0x3F9B] =	sst s1;
	(tag) =	ssettag s2;
	_ =	strace s9  }
0x27: {  	s1 =	sld [smem:$0x3FAB]  }
0x28: {  	s2 =	sld [smem:$0x3FAC]  }
0x29: {  	s4 =	sld [smem:$0x3FAE]  }
0x2a: {  	p0 =	seq.s32 s5, $0x0;
	s5 =	sld [smem:$0x3FAF]  }
0x2b: {  	s6 =	sld [smem:$0x3FB0]  }
0x2c: {  	s7 =	sld [smem:$0x3FB1]  }
0x2d: {  	s3 =	simm.s32 $0x108;
	s8 =	sld [smem:$0x3FB2]  }
0x2e: {  	s3 =	simm.s32 @!p0 $0x1082;
	s9 =	sld [smem:$0x3FB3]  }
0x2f: {  	lr =	sadd.s32 s0, s3;
	s0 =	sld [smem:$0x3FAA]  }
0x30: {  	s3 =	sld [smem:$0x3FAD]  }
0x31: {  	[smem:$0x3FB6] =	sst s10  }
0x32: {  	s10 =	sld [smem:$0x3FB4];
	_ =	sdelay $0x3  }
0x33: {  	p0 =	seq.s32 s10, $0x1;
	s10 =	sld [smem:$0x3FB6];
	_ =	sdelay $0x3  }
0x34: {  	[smem:$0x3FB6] =	sst s10  }
0x35: {  	s10 =	sld [smem:$0x3FB5];
	_ =	sdelay $0x3  }
0x36: {  	p1 =	seq.s32 s10, $0x1;
	s10 =	sld [smem:$0x3FB6];
	_ =	sdelay $0x3  }
0x37: {  	[smem:$0x3FB6] =	sst s10  }
0x38: {  	s10 =	sld [smem:$0x3FB7]  }
0x39: {  	_ = 	snop;
	(pc) =	sbr.ind lr, $3  }
0x3a: {  	_ = 	snop  }
0x3b: {  	_ = 	snop  }
0x3c: {  	p2 =	seq.s32 s10, $0x1;
	s10 =	sld [smem:$0x3FB6]  }
0x3d: {  	_ =	shalt  }
0x3e: {  	_ =	shalt  }
0x3f: {  	_ =	shalt  }
0x40: {  	_ =	shalt  }
0x41: {  	_ =	shalt  }
0x42: {  	_ =	shalt  }
0x43: {  	_ =	shalt  }
0x44: {  	_ =	shalt  }
0x45: {  	_ =	shalt  }
0x46: {  	_ =	shalt  }
0x47: {  	_ =	shalt  }
0x48: {  	_ =	shalt  }
0x49: {  	_ =	shalt  }
0x4a: {  	_ =	shalt  }
0x4b: {  	_ =	shalt  }
0x4c: {  	_ =	shalt  }
0x4d: {  	_ =	shalt  }
0x4e: {  	_ =	shalt  }
0x4f: {  	_ =	shalt  }
0x50: {  	_ =	shalt  }
0x51: {  	_ =	shalt  }
0x52: {  	_ =	shalt  }
0x53: {  	_ =	shalt  }
0x54: {  	_ =	shalt  }
0x55: {  	_ =	shalt  }
0x56: {  	_ =	shalt  }
0x57: {  	_ =	shalt  }
0x58: {  	_ =	shalt  }
0x59: {  	_ =	shalt  }
0x5a: {  	_ =	shalt  }
0x5b: {  	_ =	shalt  }
0x5c: {  	_ =	shalt  }
0x5d: {  	_ =	shalt  }
0x5e: {  	_ =	shalt  }
0x5f: {  	_ =	shalt  }
0x60: {  	_ =	shalt  }
0x61: {  	_ =	shalt  }
0x62: {  	_ =	shalt  }
0x63: {  	_ =	shalt  }
0x64: {  	_ =	shalt  }
0x65: {  	_ =	shalt  }
0x66: {  	_ =	shalt  }
0x67: {  	_ =	shalt  }
0x68: {  	_ =	shalt  }
0x69: {  	_ =	shalt  }
0x6a: {  	_ =	shalt  }
0x6b: {  	_ =	shalt  }
0x6c: {  	_ =	shalt  }
0x6d: {  	_ =	shalt  }
0x6e: {  	_ =	shalt  }
0x6f: {  	_ =	shalt  }
0x70: {  	_ =	shalt  }
0x71: {  	_ =	shalt  }
0x72: {  	_ =	shalt  }
0x73: {  	_ =	shalt  }
0x74: {  	_ =	shalt  }
0x75: {  	_ =	shalt  }
0x76: {  	_ =	shalt  }
0x77: {  	_ =	shalt  }
0x78: {  	_ =	shalt  }
0x79: {  	_ =	shalt  }
0x7a: {  	_ =	shalt  }
0x7b: {  	_ =	shalt  }
0x7c: {  	_ =	shalt  }
0x7d: {  	_ =	shalt  }
0x7e: {  	_ =	shalt  }
0x7f: {  	_ =	shalt  }
0x80: {  	_ =	shalt  }
0x81: {  	_ =	shalt  }
0x82: {  	_ =	shalt  }
0x83: {  	_ =	shalt  }
0x84: {  	_ =	shalt  }
0x85: {  	_ =	shalt  }
0x86: {  	_ =	shalt  }
0x87: {  	_ =	shalt  }
.Lfunc_end0:
.L_simem_size_0:
called_computation_lowered:
.L_overlay_start_0:
0x88: {  	s2 =	sld [smem:$0x3FD9]  }
0x89: {  	s3 =	sld [smem:$0x3FFE];
	_ =	sdelay $0x1  }
0x8a: {  	s1 =	srdreg.scid  }
0x8b: {  	s0 =	sand.u32 $0x1, s1  }
0x8c: {  	s17 =	sshll.u32 s0, $0xA;
	s2 =	sadd.s32 s3, s2  }
0x8d: {  	s2 =	sadd.s32 s2, s17  }
0x8e: {  	[smem:$0x3FC2] =	sst s2  }
0x8f: {  	_ = 	snop  }
0x90: {  	s2 =	sld [smem:$0x3FD0];
	(tm) =	ssettm $0x1  }
0x91: {  	s18 =	sld [smem:$0x3FFB];
	_ =	sdelay $0x3  }
0x92: {  	_ =	strace s18  }
0x93: {  	s3 =	sld [smem:$0x3FFC];
	_ =	sdelay $0x3  }
0x94: {  	_ =	strace s3  }
0x95: {  	s3 =	sld [smem:$0x3FFD];
	_ =	sdelay $0x3  }
0x96: {  	_ =	strace s3  }
0x97: {  	_ =	strace $0x8FFFFFFF  }
0x98: {  	s19 =	sld [smem:$0x3FDB];
	_ =	sdelay $0x1  }
0x99: {  	s4 =	simm.s32 $_scs_section_size  }
0x9a: {  	s5 =	simm.s32 $_size__tile_overlayer_lowered;
	s6 =	simm.s32 $_tile_overlayer_lowered  }
0x9b: {  	s22 =	simm.s32 $0x1BFF;
	s21 =	sshll.u32 s6, $0x1;
	s3 =	sadd.s32 s4, s19  }
0x9c: {  	s7 =	simm.s32 $0x0;
	s20 =	sshll.u32 s5, $0x1;
	s5 =	sadd.s32 s21, s3  }
0x9d: {  	[timem:s7], [sflag:s22] =	dma.local [hbm:s5], s20  }
0x9e: {  	_ =	swait.ge [sflag:s22], s20  }
0x9f: {  	s4 =	ssub.s32 $0x0, s20;
	[sflag:s22] =	ssyncset.done $0x0  }
0xa0: {  	[sflag:s22] =	ssyncadd.s32 s4;
	_ =	sdelay $0x1  }
0xa1: {  	s23 =	simm.s32 $0x1B8B  }
0xa2: {  	_ =	swait.ge [sflag:s23], $0x1  }
0xa3: {  	[sflag:s23] =	ssyncset.done $0x0  }
0xa4: {  	s25 =	simm.s32 $0x1B8E;
	s24 =	sld [smem:$0x3FFE];
	[sflag:s23] =	ssyncadd.s32 $0xFFFFFFFF  }
0xa5: {  	s26 =	simm.s32 $execute0_lowered;
	[smem:$0x3FD2] =	sst s25  }
0xa6: {  	s5 =	sshll.u32 s26, $0x1;
	_ =	strace $0x80000046;
	[dreg:$0x1] =	wrdreg $0xFFFFFFFF  }
0xa7: {  	s28 =	simm.s32 $_size_execute0_lowered;
	s3 =	sadd.s32 s3, s5;
	[dreg:$0x0] =	wrdreg $0x0  }
0xa8: {  	s5 =	sshll.u32 s28, $0x1;
	[dreg:$0x2] =	wrdreg s3  }
0xa9: {  	[dreg:$0x3] =	wrdreg s5  }
0xaa: {  	[dreg:$0x4] =	wrdreg $0xC0  }
0xab: {  	_ =	task [dreg:s7], $0x5FFFF  }
0xac: {  	[dreg:$0x1] =	wrdreg $0xFFFFFFFF  }
0xad: {  	[dreg:$0x0] =	wrdreg $0x60  }
0xae: {  	[dreg:$0x2] =	wrdreg s24  }
0xaf: {  	[dreg:$0x3] =	wrdreg s2  }
0xb0: {  	[dreg:$0x4] =	wrdreg $0x48000  }
0xb1: {  	[dreg:$0x5] =	wrdreg $0x9  }
0xb2: {  	_ =	task.clear_ibuf [dreg:s7], $0x6FFFF;
	_ =	strace $0x90000046  }
0xb3: {  	s29 =	simm.s32 $0x9;
	_ =	strace $0x80000048  }
0xb4: {  	_ =	swait.ge [sflag:s29], $0x1  }
0xb5: {  	[sflag:s29] =	ssyncadd.s32 $0xFFFFFFFF  }
0xb6: {  	_ =	strace $0x90000048  }
0xb7: {  	_ =	sfence  }
0xb8: {  	s30 =	sld [smem:$0x0];
	_ =	sdelay $0x2  }
0xb9: {  	s31 =	sshll.u32 s1, $0xD;
	s1 =	sshrl.u32 s1, $0x2  }
0xba: {  	s3 =	sand.u32 $0x4000, s31;
	s1 =	sadd.s32 s1, s30  }
0xbb: {  	s0 =	sor.u32 s3, s0;
	s1 =	sshll.u32 s1, $0x11  }
0xbc: {  	s0 =	sor.u32 s1, s0  }
0xbd: {  	s0 =	sadd.s32 $0x8F2B, s0  }
0xbe: {  	[sflag:s0] =	ssyncadd.remote.s32 $0x1  }
0xbf: {  	_ =	sfence.sel $0xFFFF  }
0xc0: {  	[dreg:$0x0] =	wrdreg $0xFFFFFFFF;
	(pc) =	sbr.abs _section_cstart, $3  }
0xc1: {  	[dreg:$0x1] =	wrdreg $0xFFFFFFFF  }
0xc2: {  	_ =	task.clear_ibuf [dreg:s7], $0x2FFFF;
	_ =	strace $0x9FFFFFFF  }
0xc3: {  	(tm) =	ssettm $0x7FFFFFFF  }
tec
execute0_lowered:
.L_overlay_start_1:
0x0: {  	(tag) =	ssettag $0x1  }
0x1: {  	s0 =	rddreg [dreg:$0x0];
	s1 =	srdreg.scid  }
0x2: {  	s2 =	stileid.u32;
	s3 =	rddreg [dreg:$0x2]  }
0x3: {  	s4 =	simm.s32 $0x0;
	s11 =	simm.s32 $0x2;
	s12 =	simm.s32 $0x800  }
0x4: {  	s13 =	simm.s32 $0x80;
	s14 =	simm.s32 $0x100;
	s15 =	simm.s32 $0x180  }
0x5: {  	s16 =	simm.s32 $0x200;
	s17 =	simm.s32 $0x280;
	s18 =	simm.s32 $0x300  }
0x6: {  	s19 =	simm.s32 $0x380;
	s20 =	simm.s32 $0x400;
	s6 =	smul.u32 $0x2800, s2  }
0x7: {  	s21 =	simm.s32 $0x480;
	s22 =	simm.s32 $0x500;
	s23 =	smul.u32 $0x13C00, s2  }
0x8: {  	s28 =	simm.s32 $0x780;
	s1 =	sand.u32 $0x1, s1;
	s25 =	smul.u32 $0x4F000, s2  }
0x9: {  	s29 =	simm.s32 $0x1;
	s30 =	simm.s32 $0x0;
	s5 =	smul.u32 $0x28000, s1  }
0xa: {  	[smem:$0x7FF] =	sst s4;
	s31 =	sshll.u32 s2, $0x6;
	s7 =	smul.u32 $0x13C000, s1  }
0xb: {  	_ =	strace $0x80000047;
	s1 =	ssub.s32 $0x2, s1;
	s24 =	sshrl.u32 s23, $0x3  }
0xc: {  	s8 =	sshrl.u32 s1, $0x1;
	s26 =	sshrl.u32 s25, $0x2;
	s25 =	simm.s32 $0x680  }
0xd: {  	s5 =	sadd.s32 s6, s5;
	s6 =	sadd.s32 s23, s7;
	s1 =	ssub.s32 s1, s8  }
0xe: {  	s10 =	sadd.s32 s26, s3;
	s23 =	simm.s32 $0x580;
	s26 =	simm.s32 $0x700  }
0xf: {  	s5 =	sshrl.u32 s5, $0x3;
	s6 =	sshrl.u32 s6, $0x3;
	s8 =	smax.u32 s1, $0x1  }
0x10: {  	s10 =	sshrl.u32 s10, $0x3;
	s9 =	sadd.s32 s5, s0;
	s5 =	sadd.s32 s24, s0  }
0x11: {  	s0 =	sadd.s32 s6, s0;
	s6 =	sor.u32 $0x1C02, s31;
	s24 =	simm.s32 $0x600  }
0x12: {  	s5 =	sadd.s32 $0x16800, s5;
	s7 =	sadd.s32 $0x3E000, s0;
	s9 =	sadd.s32 $0x2800, s9  }
.LBB2_1:
0x13: {  	[spmem:s10], [sflag:s6] =	dma.local [hbm:s5], $0x2780  }
0x14: {  	_ =	swait.ge [sflag:s11], $0x2780  }
0x15: {  	[sflag:s11] =	ssyncset.done $0x0  }
0x16: {  	[sflag:s11] =	ssyncadd.s32 $0xFFFFD880  }
0x17: {  	s0 =	rddreg [dreg:$0x1]  }
0x18: {  	[tilespmem:s12], [sflag:$0x2] =	stream.linear.gather [hbm4b:s0+s4], $0x4000, $0x38;
	[tilespmem:$0x18400] =	vst v63  }
0x19: {  	_ =	swait.ge [sflag:s11], $0x4000  }
0x1a: {  	[sflag:s11] =	ssyncset.done $0x0  }
0x1b: {  	[sflag:s11] =	ssyncadd.s32 $0xFFFFC000  }
0x1c: {  	s2 =	sadd.s32 $0x0, s9;
	[bflag:$0x0] =	sbarrier.arrive $0xFFFF  }
0x1d: {  	[tilespmem:s4], [sflag:$0x2] =	stream.linear.gather [hbm4b:s2+s4], $0x800, $0x38;
	[tilespmem:$0x18400] =	vst v63  }
0x1e: {  	_ =	swait.ge [sflag:s11], $0x800  }
0x1f: {  	[sflag:s11] =	ssyncset.done $0x0  }
0x20: {  	[sflag:s11] =	ssyncadd.s32 $0xFFFFF800  }
0x21: {  	[spmem:s3] =	stream.indirect.scatter.add.f32 [tilespmem:s12], [sflag:$0x1], $0x80, s4, s13, $0xb8;
	[tilespmem:$0x18400] =	vst v63  }
0x22: {  	_ = 	snop  }
0x23: {  	[spmem:s3] =	stream.indirect.scatter.add.f32 [tilespmem:s12], [sflag:$0x1], $0x80, s13, s13, $0xb8;
	[tilespmem:$0x18400] =	vst v63  }
0x24: {  	_ = 	snop  }
0x25: {  	[spmem:s3] =	stream.indirect.scatter.add.f32 [tilespmem:s12], [sflag:$0x1], $0x80, s14, s13, $0xb8;
	[tilespmem:$0x18400] =	vst v63  }
0x26: {  	_ = 	snop  }
0x27: {  	[spmem:s3] =	stream.indirect.scatter.add.f32 [tilespmem:s12], [sflag:$0x1], $0x80, s15, s13, $0xb8;
	[tilespmem:$0x18400] =	vst v63  }
0x28: {  	_ = 	snop  }
0x29: {  	[spmem:s3] =	stream.indirect.scatter.add.f32 [tilespmem:s12], [sflag:$0x1], $0x80, s16, s13, $0xb8;
	[tilespmem:$0x18400] =	vst v63  }
0x2a: {  	_ = 	snop  }
0x2b: {  	[spmem:s3] =	stream.indirect.scatter.add.f32 [tilespmem:s12], [sflag:$0x1], $0x80, s17, s13, $0xb8;
	[tilespmem:$0x18400] =	vst v63  }
0x2c: {  	_ = 	snop  }
0x2d: {  	[spmem:s3] =	stream.indirect.scatter.add.f32 [tilespmem:s12], [sflag:$0x1], $0x80, s18, s13, $0xb8;
	[tilespmem:$0x18400] =	vst v63  }
0x2e: {  	_ = 	snop  }
0x2f: {  	[spmem:s3] =	stream.indirect.scatter.add.f32 [tilespmem:s12], [sflag:$0x1], $0x80, s19, s13, $0xb8;
	[tilespmem:$0x18400] =	vst v63  }
0x30: {  	_ = 	snop  }
0x31: {  	[spmem:s3] =	stream.indirect.scatter.add.f32 [tilespmem:s12], [sflag:$0x1], $0x80, s20, s13, $0xb8;
	[tilespmem:$0x18400] =	vst v63  }
0x32: {  	_ = 	snop  }
0x33: {  	[spmem:s3] =	stream.indirect.scatter.add.f32 [tilespmem:s12], [sflag:$0x1], $0x80, s21, s13, $0xb8;
	[tilespmem:$0x18400] =	vst v63  }
0x34: {  	_ = 	snop  }
0x35: {  	[spmem:s3] =	stream.indirect.scatter.add.f32 [tilespmem:s12], [sflag:$0x1], $0x80, s22, s13, $0xb8;
	[tilespmem:$0x18400] =	vst v63  }
0x36: {  	_ = 	snop  }
0x37: {  	[spmem:s3] =	stream.indirect.scatter.add.f32 [tilespmem:s12], [sflag:$0x1], $0x80, s23, s13, $0xb8;
	[tilespmem:$0x18400] =	vst v63  }
0x38: {  	_ = 	snop  }
0x39: {  	[spmem:s3] =	stream.indirect.scatter.add.f32 [tilespmem:s12], [sflag:$0x1], $0x80, s24, s13, $0xb8;
	[tilespmem:$0x18400] =	vst v63  }
0x3a: {  	_ = 	snop  }
0x3b: {  	[spmem:s3] =	stream.indirect.scatter.add.f32 [tilespmem:s12], [sflag:$0x1], $0x80, s25, s13, $0xb8;
	[tilespmem:$0x18400] =	vst v63  }
0x3c: {  	_ = 	snop  }
0x3d: {  	[spmem:s3] =	stream.indirect.scatter.add.f32 [tilespmem:s12], [sflag:$0x1], $0x80, s26, s13, $0xb8;
	[tilespmem:$0x18400] =	vst v63  }
0x3e: {  	_ = 	snop  }
0x3f: {  	[spmem:s3] =	stream.indirect.scatter.add.f32 [tilespmem:s12], [sflag:$0x1], $0x80, s28, s13, $0xb8;
	[tilespmem:$0x18400] =	vst v63  }
0x40: {  	_ =	swait.ge [sflag:s29], $0x4000  }
0x41: {  	[sflag:s29] =	ssyncset.done $0x0  }
0x42: {  	[sflag:s29] =	ssyncadd.s32 $0xFFFFC000  }
0x43: {  	_ =	swait.ge [sflag:s29], $0x4000  }
0x44: {  	[sflag:s29] =	ssyncset.done $0x0  }
0x45: {  	[sflag:s29] =	ssyncadd.s32 $0xFFFFC000  }
0x46: {  	_ =	swait.ge [sflag:s29], $0x4000  }
0x47: {  	[sflag:s29] =	ssyncset.done $0x0  }
0x48: {  	[sflag:s29] =	ssyncadd.s32 $0xFFFFC000  }
0x49: {  	_ =	swait.ge [sflag:s29], $0x4000  }
0x4a: {  	[sflag:s29] =	ssyncset.done $0x0  }
0x4b: {  	[sflag:s29] =	ssyncadd.s32 $0xFFFFC000  }
0x4c: {  	_ =	swait.ge [sflag:s29], $0x4000  }
0x4d: {  	[sflag:s29] =	ssyncset.done $0x0  }
0x4e: {  	[sflag:s29] =	ssyncadd.s32 $0xFFFFC000  }
0x4f: {  	_ =	swait.ge [sflag:s29], $0x4000  }
0x50: {  	[sflag:s29] =	ssyncset.done $0x0  }
0x51: {  	[sflag:s29] =	ssyncadd.s32 $0xFFFFC000  }
0x52: {  	_ =	swait.ge [sflag:s29], $0x4000  }
0x53: {  	[sflag:s29] =	ssyncset.done $0x0  }
0x54: {  	[sflag:s29] =	ssyncadd.s32 $0xFFFFC000  }
0x55: {  	_ =	swait.ge [sflag:s29], $0x4000  }
0x56: {  	[sflag:s29] =	ssyncset.done $0x0  }
0x57: {  	[sflag:s29] =	ssyncadd.s32 $0xFFFFC000  }
0x58: {  	_ =	swait.ge [sflag:s29], $0x4000  }
0x59: {  	[sflag:s29] =	ssyncset.done $0x0  }
0x5a: {  	[sflag:s29] =	ssyncadd.s32 $0xFFFFC000  }
0x5b: {  	_ =	swait.ge [sflag:s29], $0x4000  }
0x5c: {  	[sflag:s29] =	ssyncset.done $0x0  }
0x5d: {  	[sflag:s29] =	ssyncadd.s32 $0xFFFFC000  }
0x5e: {  	_ =	swait.ge [sflag:s29], $0x4000  }
0x5f: {  	[sflag:s29] =	ssyncset.done $0x0  }
0x60: {  	[sflag:s29] =	ssyncadd.s32 $0xFFFFC000  }
0x61: {  	_ =	swait.ge [sflag:s29], $0x4000  }
0x62: {  	[sflag:s29] =	ssyncset.done $0x0  }
0x63: {  	[sflag:s29] =	ssyncadd.s32 $0xFFFFC000  }
0x64: {  	_ =	swait.ge [sflag:s29], $0x4000  }
0x65: {  	[sflag:s29] =	ssyncset.done $0x0  }
0x66: {  	[sflag:s29] =	ssyncadd.s32 $0xFFFFC000  }
0x67: {  	_ =	swait.ge [sflag:s29], $0x4000  }
0x68: {  	[sflag:s29] =	ssyncset.done $0x0  }
0x69: {  	[sflag:s29] =	ssyncadd.s32 $0xFFFFC000  }
0x6a: {  	_ =	swait.ge [sflag:s29], $0x4000  }
0x6b: {  	[sflag:s29] =	ssyncset.done $0x0  }
0x6c: {  	[sflag:s29] =	ssyncadd.s32 $0xFFFFC000  }
0x6d: {  	_ =	swait.ge [sflag:s29], $0x4000  }
0x6e: {  	s31 =	simm.s32 $0x100;
	s1 =	simm.s32 $0x200;
	[sflag:s29] =	ssyncset.done $0x0  }
.LBB2_2:
0x6f: {  	s2 =	sadd.s32 s31, s9  }
0x70: {  	[sflag:s29] =	ssyncadd.s32 $0xFFFFC000;
	s31 =	smov.u32 s1;
	s0 =	sadd.s32 $0x100, s1  }
0x71: {  	[tilespmem:s4], [sflag:$0x2] =	stream.linear.gather [hbm4b:s2+s4], $0x800, $0x38;
	[tilespmem:$0x18400] =	vst v63  }
0x72: {  	p0 =	sne.s32 s1, $0x400;
	_ =	swait.ge [sflag:s11], $0x800  }
0x73: {  	[sflag:s11] =	ssyncset.done $0x0  }
0x74: {  	[sflag:s11] =	ssyncadd.s32 $0xFFFFF800  }
0x75: {  	[spmem:s3] =	stream.indirect.scatter.add.f32 [tilespmem:s12], [sflag:$0x1], $0x80, s4, s13, $0xb8;
	[tilespmem:$0x18400] =	vst v63  }
0x76: {  	_ = 	snop  }
0x77: {  	[spmem:s3] =	stream.indirect.scatter.add.f32 [tilespmem:s12], [sflag:$0x1], $0x80, s13, s13, $0xb8;
	[tilespmem:$0x18400] =	vst v63  }
0x78: {  	_ = 	snop  }
0x79: {  	[spmem:s3] =	stream.indirect.scatter.add.f32 [tilespmem:s12], [sflag:$0x1], $0x80, s14, s13, $0xb8;
	[tilespmem:$0x18400] =	vst v63  }
0x7a: {  	_ = 	snop  }
0x7b: {  	[spmem:s3] =	stream.indirect.scatter.add.f32 [tilespmem:s12], [sflag:$0x1], $0x80, s15, s13, $0xb8;
	[tilespmem:$0x18400] =	vst v63  }
0x7c: {  	_ = 	snop  }
0x7d: {  	[spmem:s3] =	stream.indirect.scatter.add.f32 [tilespmem:s12], [sflag:$0x1], $0x80, s16, s13, $0xb8;
	[tilespmem:$0x18400] =	vst v63  }
0x7e: {  	_ = 	snop  }
0x7f: {  	[spmem:s3] =	stream.indirect.scatter.add.f32 [tilespmem:s12], [sflag:$0x1], $0x80, s17, s13, $0xb8;
	[tilespmem:$0x18400] =	vst v63  }
0x80: {  	_ = 	snop  }
0x81: {  	[spmem:s3] =	stream.indirect.scatter.add.f32 [tilespmem:s12], [sflag:$0x1], $0x80, s18, s13, $0xb8;
	[tilespmem:$0x18400] =	vst v63  }
0x82: {  	_ = 	snop  }
0x83: {  	[spmem:s3] =	stream.indirect.scatter.add.f32 [tilespmem:s12], [sflag:$0x1], $0x80, s19, s13, $0xb8;
	[tilespmem:$0x18400] =	vst v63  }
0x84: {  	_ = 	snop  }
0x85: {  	[spmem:s3] =	stream.indirect.scatter.add.f32 [tilespmem:s12], [sflag:$0x1], $0x80, s20, s13, $0xb8;
	[tilespmem:$0x18400] =	vst v63  }
0x86: {  	_ = 	snop  }
0x87: {  	[spmem:s3] =	stream.indirect.scatter.add.f32 [tilespmem:s12], [sflag:$0x1], $0x80, s21, s13, $0xb8;
	[tilespmem:$0x18400] =	vst v63  }
0x88: {  	_ = 	snop  }
0x89: {  	[spmem:s3] =	stream.indirect.scatter.add.f32 [tilespmem:s12], [sflag:$0x1], $0x80, s22, s13, $0xb8;
	[tilespmem:$0x18400] =	vst v63  }
0x8a: {  	_ = 	snop  }
0x8b: {  	[spmem:s3] =	stream.indirect.scatter.add.f32 [tilespmem:s12], [sflag:$0x1], $0x80, s23, s13, $0xb8;
	[tilespmem:$0x18400] =	vst v63  }
0x8c: {  	_ = 	snop  }
0x8d: {  	[spmem:s3] =	stream.indirect.scatter.add.f32 [tilespmem:s12], [sflag:$0x1], $0x80, s24, s13, $0xb8;
	[tilespmem:$0x18400] =	vst v63  }
0x8e: {  	_ = 	snop  }
0x8f: {  	[spmem:s3] =	stream.indirect.scatter.add.f32 [tilespmem:s12], [sflag:$0x1], $0x80, s25, s13, $0xb8;
	[tilespmem:$0x18400] =	vst v63  }
0x90: {  	_ = 	snop  }
0x91: {  	[spmem:s3] =	stream.indirect.scatter.add.f32 [tilespmem:s12], [sflag:$0x1], $0x80, s26, s13, $0xb8;
	[tilespmem:$0x18400] =	vst v63  }
0x92: {  	_ = 	snop  }
0x93: {  	[spmem:s3] =	stream.indirect.scatter.add.f32 [tilespmem:s12], [sflag:$0x1], $0x80, s28, s13, $0xb8;
	[tilespmem:$0x18400] =	vst v63  }
0x94: {  	_ =	swait.ge [sflag:s29], $0x4000  }
0x95: {  	[sflag:s29] =	ssyncset.done $0x0  }
0x96: {  	[sflag:s29] =	ssyncadd.s32 $0xFFFFC000  }
0x97: {  	_ =	swait.ge [sflag:s29], $0x4000  }
0x98: {  	[sflag:s29] =	ssyncset.done $0x0  }
0x99: {  	[sflag:s29] =	ssyncadd.s32 $0xFFFFC000  }
0x9a: {  	_ =	swait.ge [sflag:s29], $0x4000  }
0x9b: {  	[sflag:s29] =	ssyncset.done $0x0  }
0x9c: {  	[sflag:s29] =	ssyncadd.s32 $0xFFFFC000  }
0x9d: {  	_ =	swait.ge [sflag:s29], $0x4000  }
0x9e: {  	[sflag:s29] =	ssyncset.done $0x0  }
0x9f: {  	[sflag:s29] =	ssyncadd.s32 $0xFFFFC000  }
0xa0: {  	_ =	swait.ge [sflag:s29], $0x4000  }
0xa1: {  	[sflag:s29] =	ssyncset.done $0x0  }
0xa2: {  	[sflag:s29] =	ssyncadd.s32 $0xFFFFC000  }
0xa3: {  	_ =	swait.ge [sflag:s29], $0x4000  }
0xa4: {  	[sflag:s29] =	ssyncset.done $0x0  }
0xa5: {  	[sflag:s29] =	ssyncadd.s32 $0xFFFFC000  }
0xa6: {  	_ =	swait.ge [sflag:s29], $0x4000  }
0xa7: {  	[sflag:s29] =	ssyncset.done $0x0  }
0xa8: {  	[sflag:s29] =	ssyncadd.s32 $0xFFFFC000  }
0xa9: {  	_ =	swait.ge [sflag:s29], $0x4000  }
0xaa: {  	[sflag:s29] =	ssyncset.done $0x0  }
0xab: {  	[sflag:s29] =	ssyncadd.s32 $0xFFFFC000  }
0xac: {  	_ =	swait.ge [sflag:s29], $0x4000  }
0xad: {  	[sflag:s29] =	ssyncset.done $0x0  }
0xae: {  	[sflag:s29] =	ssyncadd.s32 $0xFFFFC000  }
0xaf: {  	_ =	swait.ge [sflag:s29], $0x4000  }
0xb0: {  	[sflag:s29] =	ssyncset.done $0x0  }
0xb1: {  	[sflag:s29] =	ssyncadd.s32 $0xFFFFC000  }
0xb2: {  	_ =	swait.ge [sflag:s29], $0x4000  }
0xb3: {  	[sflag:s29] =	ssyncset.done $0x0  }
0xb4: {  	[sflag:s29] =	ssyncadd.s32 $0xFFFFC000  }
0xb5: {  	_ =	swait.ge [sflag:s29], $0x4000  }
0xb6: {  	[sflag:s29] =	ssyncset.done $0x0  }
0xb7: {  	[sflag:s29] =	ssyncadd.s32 $0xFFFFC000  }
0xb8: {  	_ =	swait.ge [sflag:s29], $0x4000  }
0xb9: {  	[sflag:s29] =	ssyncset.done $0x0  }
0xba: {  	[sflag:s29] =	ssyncadd.s32 $0xFFFFC000  }
0xbb: {  	_ =	swait.ge [sflag:s29], $0x4000  }
0xbc: {  	[sflag:s29] =	ssyncset.done $0x0  }
0xbd: {  	[sflag:s29] =	ssyncadd.s32 $0xFFFFC000  }
.Ltmp0:
0xbe: {  	_ =	swait.ge [sflag:s29], $0x4000;
	(pc) =	sbr.rel @p0 .LBB2_2-.Ltmp0, $4  }
0xbf: {  	[sflag:s29] =	ssyncset.done $0x0  }
0xc0: {  	[sflag:s29] =	ssyncadd.s32 $0xFFFFC000  }
0xc1: {  	_ =	swait.ge [sflag:s29], $0x4000  }
0xc2: {  	s1 =	smov.u32 s0;
	[sflag:s29] =	ssyncset.done $0x0  }
0xc3: {  	s0 =	sadd.s32 s31, s9;
	[sflag:s29] =	ssyncadd.s32 $0xFFFFC000  }
0xc4: {  	[tilespmem:s4], [sflag:$0x2] =	stream.linear.gather [hbm4b:s0+s4], $0x800, $0x38;
	[tilespmem:$0x18400] =	vst v63  }
0xc5: {  	_ =	swait.ge [sflag:s11], $0x800  }
0xc6: {  	[sflag:s11] =	ssyncset.done $0x0  }
0xc7: {  	[sflag:s11] =	ssyncadd.s32 $0xFFFFF800  }
0xc8: {  	[spmem:s3] =	stream.indirect.scatter.add.f32 [tilespmem:s12], [sflag:$0x1], $0x80, s4, s13, $0xb8;
	[tilespmem:$0x18400] =	vst v63  }
0xc9: {  	_ = 	snop  }
0xca: {  	[spmem:s3] =	stream.indirect.scatter.add.f32 [tilespmem:s12], [sflag:$0x1], $0x80, s13, s13, $0xb8;
	[tilespmem:$0x18400] =	vst v63  }
0xcb: {  	_ = 	snop  }
0xcc: {  	[spmem:s3] =	stream.indirect.scatter.add.f32 [tilespmem:s12], [sflag:$0x1], $0x80, s14, s13, $0xb8;
	[tilespmem:$0x18400] =	vst v63  }
0xcd: {  	_ = 	snop  }
0xce: {  	[spmem:s3] =	stream.indirect.scatter.add.f32 [tilespmem:s12], [sflag:$0x1], $0x80, s15, s13, $0xb8;
	[tilespmem:$0x18400] =	vst v63  }
0xcf: {  	_ = 	snop  }
0xd0: {  	[spmem:s3] =	stream.indirect.scatter.add.f32 [tilespmem:s12], [sflag:$0x1], $0x80, s16, s13, $0xb8;
	[tilespmem:$0x18400] =	vst v63  }
0xd1: {  	_ = 	snop  }
0xd2: {  	[spmem:s3] =	stream.indirect.scatter.add.f32 [tilespmem:s12], [sflag:$0x1], $0x80, s17, s13, $0xb8;
	[tilespmem:$0x18400] =	vst v63  }
0xd3: {  	_ = 	snop  }
0xd4: {  	[spmem:s3] =	stream.indirect.scatter.add.f32 [tilespmem:s12], [sflag:$0x1], $0x80, s18, s13, $0xb8;
	[tilespmem:$0x18400] =	vst v63  }
0xd5: {  	_ = 	snop  }
0xd6: {  	[spmem:s3] =	stream.indirect.scatter.add.f32 [tilespmem:s12], [sflag:$0x1], $0x80, s19, s13, $0xb8;
	[tilespmem:$0x18400] =	vst v63  }
0xd7: {  	_ = 	snop  }
0xd8: {  	[spmem:s3] =	stream.indirect.scatter.add.f32 [tilespmem:s12], [sflag:$0x1], $0x80, s20, s13, $0xb8;
	[tilespmem:$0x18400] =	vst v63  }
0xd9: {  	_ = 	snop  }
0xda: {  	[spmem:s3] =	stream.indirect.scatter.add.f32 [tilespmem:s12], [sflag:$0x1], $0x80, s21, s13, $0xb8;
	[tilespmem:$0x18400] =	vst v63  }
0xdb: {  	_ = 	snop  }
0xdc: {  	[spmem:s3] =	stream.indirect.scatter.add.f32 [tilespmem:s12], [sflag:$0x1], $0x80, s22, s13, $0xb8;
	[tilespmem:$0x18400] =	vst v63  }
0xdd: {  	_ = 	snop  }
0xde: {  	[spmem:s3] =	stream.indirect.scatter.add.f32 [tilespmem:s12], [sflag:$0x1], $0x80, s23, s13, $0xb8;
	[tilespmem:$0x18400] =	vst v63  }
0xdf: {  	_ = 	snop  }
0xe0: {  	[spmem:s3] =	stream.indirect.scatter.add.f32 [tilespmem:s12], [sflag:$0x1], $0x80, s24, s13, $0xb8;
	[tilespmem:$0x18400] =	vst v63  }
0xe1: {  	_ = 	snop  }
0xe2: {  	[spmem:s3] =	stream.indirect.scatter.add.f32 [tilespmem:s12], [sflag:$0x1], $0x80, s25, s13, $0xb8;
	[tilespmem:$0x18400] =	vst v63  }
0xe3: {  	_ = 	snop  }
0xe4: {  	[spmem:s3] =	stream.indirect.scatter.add.f32 [tilespmem:s12], [sflag:$0x1], $0x80, s26, s13, $0xb8;
	[tilespmem:$0x18400] =	vst v63  }
0xe5: {  	_ = 	snop  }
0xe6: {  	[spmem:s3] =	stream.indirect.scatter.add.f32 [tilespmem:s12], [sflag:$0x1], $0x80, s28, s13, $0xb8;
	[tilespmem:$0x18400] =	vst v63  }
0xe7: {  	_ =	swait.ge [sflag:s29], $0x4000  }
0xe8: {  	[sflag:s29] =	ssyncset.done $0x0  }
0xe9: {  	[sflag:s29] =	ssyncadd.s32 $0xFFFFC000  }
0xea: {  	_ =	swait.ge [sflag:s29], $0x4000  }
0xeb: {  	[sflag:s29] =	ssyncset.done $0x0  }
0xec: {  	[sflag:s29] =	ssyncadd.s32 $0xFFFFC000  }
0xed: {  	_ =	swait.ge [sflag:s29], $0x4000  }
0xee: {  	[sflag:s29] =	ssyncset.done $0x0  }
0xef: {  	[sflag:s29] =	ssyncadd.s32 $0xFFFFC000  }
0xf0: {  	_ =	swait.ge [sflag:s29], $0x4000  }
0xf1: {  	[sflag:s29] =	ssyncset.done $0x0  }
0xf2: {  	[sflag:s29] =	ssyncadd.s32 $0xFFFFC000  }
0xf3: {  	_ =	swait.ge [sflag:s29], $0x4000  }
0xf4: {  	[sflag:s29] =	ssyncset.done $0x0  }
0xf5: {  	[sflag:s29] =	ssyncadd.s32 $0xFFFFC000  }
0xf6: {  	_ =	swait.ge [sflag:s29], $0x4000  }
0xf7: {  	[sflag:s29] =	ssyncset.done $0x0  }
0xf8: {  	[sflag:s29] =	ssyncadd.s32 $0xFFFFC000  }
0xf9: {  	_ =	swait.ge [sflag:s29], $0x4000  }
0xfa: {  	[sflag:s29] =	ssyncset.done $0x0  }
0xfb: {  	[sflag:s29] =	ssyncadd.s32 $0xFFFFC000  }
0xfc: {  	_ =	swait.ge [sflag:s29], $0x4000  }
0xfd: {  	[sflag:s29] =	ssyncset.done $0x0  }
0xfe: {  	[sflag:s29] =	ssyncadd.s32 $0xFFFFC000  }
0xff: {  	_ =	swait.ge [sflag:s29], $0x4000  }
0x100: {  	[sflag:s29] =	ssyncset.done $0x0  }
0x101: {  	[sflag:s29] =	ssyncadd.s32 $0xFFFFC000  }
0x102: {  	_ =	swait.ge [sflag:s29], $0x4000  }
0x103: {  	[sflag:s29] =	ssyncset.done $0x0  }
0x104: {  	[sflag:s29] =	ssyncadd.s32 $0xFFFFC000  }
0x105: {  	_ =	swait.ge [sflag:s29], $0x4000  }
0x106: {  	[sflag:s29] =	ssyncset.done $0x0  }
0x107: {  	[sflag:s29] =	ssyncadd.s32 $0xFFFFC000  }
0x108: {  	_ =	swait.ge [sflag:s29], $0x4000  }
0x109: {  	[sflag:s29] =	ssyncset.done $0x0  }
0x10a: {  	[sflag:s29] =	ssyncadd.s32 $0xFFFFC000  }
0x10b: {  	_ =	swait.ge [sflag:s29], $0x4000  }
0x10c: {  	[sflag:s29] =	ssyncset.done $0x0  }
0x10d: {  	[sflag:s29] =	ssyncadd.s32 $0xFFFFC000  }
0x10e: {  	_ =	swait.ge [sflag:s29], $0x4000  }
0x10f: {  	[sflag:s29] =	ssyncset.done $0x0  }
0x110: {  	[sflag:s29] =	ssyncadd.s32 $0xFFFFC000  }
0x111: {  	_ =	swait.ge [sflag:s29], $0x4000  }
0x112: {  	[sflag:s29] =	ssyncset.done $0x0  }
0x113: {  	[sflag:s29] =	ssyncadd.s32 $0xFFFFC000  }
0x114: {  	_ =	swait.ge [sflag:s29], $0x4000  }
0x115: {  	s30 =	sadd.s32 $0x1, s30;
	[sflag:s29] =	ssyncset.done $0x0  }
0x116: {  	p0 =	sne.s32 s30, s8;
	[sflag:s29] =	ssyncadd.s32 $0xFFFFC000  }
.Ltmp1:
0x117: {  	[bflag:$0x0] =	sbarrier.arrive $0xFFFF;
	(pc) =	sbr.rel @p0 .LBB2_1-.Ltmp1, $4  }
0x118: {  	[hbm:s7], [sflag:s6] =	dma.local [spmem:s10], $0x2780  }
0x119: {  	_ =	swait.ge [sflag:s11], $0x2780  }
0x11a: {  	[sflag:s11] =	ssyncset.done $0x0  }
0x11b: {  	[sflag:s11] =	ssyncadd.s32 $0xFFFFD880  }
0x11c: {  	_ =	sfence.sel $0x180000  }
0x11d: {  	[bflag:$0x0] =	sbarrier.arrive $0xFFFF  }
0x11e: {  	_ =	strace $0x90000047  }
0x11f: {  	s0 =	stileid.u32;
	[bflag:$0x2] =	sbarrier.arrive $0xFFFF  }
0x120: {  	p0 =	sne.s32 s0, $0x0;
	s0 =	rddreg [dreg:$0x3]  }
0x121: {  	s0 =	sadd.s32 @!p0 $0x100000, s0  }
0x122: {  	[sflag:s0] =	ssyncadd.tile.s32 @!p0 $0x1;
	_ =	shalt  }
.Lfunc_end2:
_tile_overlayer_lowered:
.L_overlay_start_2:
0x123: {  	(tag) =	ssettag $0x2  }
0x124: {  	s0 =	rddreg [dreg:$0x0];
	s2 =	stileid.u32  }
0x125: {  	s1 =	rddreg [dreg:$0x1];
	p0 =	sne.s32 s2, $0x0  }
0x126: {  	s3 =	rddreg [dreg:$0x2];
	[bflag:$0x3] =	sbarrier.arrive $0xFFFF;
	s2 =	simm.s32 @!p0 $0x1C02  }
0x127: {  	[timem:s3], [sflag:s2] =	dma.local @!p0 [hbm:s0], s1  }
0x128: {  	s0 =	simm.s32 @!p0 $0x2  }
0x129: {  	_ =	swait.ge @!p0 [sflag:s0], s1  }
0x12a: {  	s1 =	ssub.s32 @!p0 $0x0, s1;
	[sflag:s0] =	ssyncset.done @!p0 $0x0  }
0x12b: {  	[sflag:s0] =	ssyncadd.s32 @!p0 s1  }
0x12c: {  	[bflag:$0x3] =	sbarrier.arrive $0xFFFF  }
0x12d: {  	_ =	shalt  }

</sc_bundles>
